<compile_context>
chip_gen: v7x
topology: tpu7x:2x2x1
jax: 0.10.2.dev20260603
libtpu: 0.0.44.dev20260713+nightly
codegen_flags: <defaults>
</compile_context>

<pallas_src>
import functools

import jax
import jax.numpy as jnp
from jax import lax
from jax.experimental import pallas as pl
from jax.experimental.pallas import tpu as pltpu
from jax.experimental.pallas import tpu_sc as plsc

N = 100000
E = 3200000
NC = 2
NS = 16
CH = 800
NACC = 100096
ASTRIPE = NACC // NS
CHD = 4000
NDEG = 100352
DSTRIPE = NDEG // NS
R = 4000


def _achunks(ch):
    return [ch] * (ASTRIPE // ch) + ([ASTRIPE % ch] if ASTRIPE % ch else [])
GRID = N // R

_MESH = plsc.VectorSubcoreMesh(
    core_axis_name="c", subcore_axis_name="s", num_cores=NC, num_subcores=NS
)




def _degree_kernel(didx, ones_hbm, zeros_hbm, cnt_out,
                   ones_v, dv0, dv1, zv, deg_sp, sem_d0, sem_d1):
    c = lax.axis_index("c")
    t = lax.axis_index("s")
    pltpu.sync_copy(zeros_hbm, zv)
    pltpu.sync_copy(zv, deg_sp.at[pl.ds(t * DSTRIPE, DSTRIPE)])
    pltpu.sync_copy(ones_hbm, ones_v)
    plsc.subcore_barrier()
    base = c * (E // NC) + t * (E // NC // NS)
    nch = E // NC // NS // CHD
    npairs = nch // 2

    def ld(a, dv):
        pltpu.sync_copy(didx.at[pl.ds(base + a * CHD, CHD)], dv)

    def scat(dv, sem):
        pltpu.async_copy(ones_v, deg_sp.at[dv], sem, add=True)

    def drain(dv, sem):
        pltpu.make_async_copy(ones_v, deg_sp.at[dv], sem).wait()

    ld(0, dv0)
    scat(dv0, sem_d0)
    ld(1, dv1)
    scat(dv1, sem_d1)

    def pair(i2, carry):
        a = 2 * i2
        drain(dv0, sem_d0)
        ld(a, dv0)
        scat(dv0, sem_d0)
        drain(dv1, sem_d1)
        ld(a + 1, dv1)
        scat(dv1, sem_d1)
        return carry

    lax.fori_loop(1, npairs, pair, 0)
    drain(dv0, sem_d0)
    drain(dv1, sem_d1)
    if nch % 2:
        ld(nch - 1, dv0)
        pltpu.sync_copy(ones_v, deg_sp.at[dv0], add=True)
    plsc.subcore_barrier()
    pltpu.sync_copy(deg_sp.at[pl.ds(t * DSTRIPE, DSTRIPE)], zv)
    pltpu.sync_copy(zv, cnt_out.at[pl.ds(c * NDEG + t * DSTRIPE, DSTRIPE)])


def _spmm_kernel(table, sidx, didx, zeros_hbm, acc_out,
                 sv0, dv0, sv1, dv1, rows0, rows1, acc_sp,
                 sem_g0, sem_g1, sem_a0, sem_a1, sem_d0, sem_d1,
                 *, ept, src_core_stride, dst_core_stride, split_table, ch):
    c = lax.axis_index("c")
    t = lax.axis_index("s")
    pltpu.sync_copy(zeros_hbm, rows0)
    r0 = t * ASTRIPE
    off = 0
    for sz in _achunks(ch):
        pltpu.sync_copy(rows0.at[pl.ds(0, sz)], acc_sp.at[pl.ds(r0 + off, sz)])
        off += sz
    plsc.subcore_barrier()
    sbase = c * src_core_stride + t * ept
    dbase = c * dst_core_stride + t * ept
    nch = ept // ch
    npairs = nch // 2

    def idx_s(a, sv):
        pltpu.sync_copy(sidx.at[pl.ds(sbase + a * ch, ch)], sv)

    def idx_d(a, dv, sem):
        pltpu.async_copy(didx.at[pl.ds(dbase + a * ch, ch)], dv, sem)

    def wait_idx_d(a, dv, sem):
        pltpu.make_async_copy(didx.at[pl.ds(dbase + a * ch, ch)], dv, sem).wait()

    tref = table.at[c] if split_table else table

    def gather(sv, rows, sem):
        pltpu.async_copy(tref.at[sv], rows, sem)

    def wait_gather(sv, rows, sem):
        pltpu.make_async_copy(tref.at[sv], rows, sem).wait()

    def scat(rows, dv, sem):
        pltpu.async_copy(rows, acc_sp.at[dv], sem, add=True)

    def wait_scat(rows, dv, sem):
        pltpu.make_async_copy(rows, acc_sp.at[dv], sem).wait()

    idx_s(0, sv0)
    idx_d(0, dv0, sem_d0)
    gather(sv0, rows0, sem_g0)
    idx_s(1, sv1)
    gather(sv1, rows1, sem_g1)
    idx_d(1, dv1, sem_d1)
    wait_gather(sv0, rows0, sem_g0)
    wait_idx_d(0, dv0, sem_d0)
    scat(rows0, dv0, sem_a0)
    wait_gather(sv1, rows1, sem_g1)
    wait_idx_d(1, dv1, sem_d1)
    scat(rows1, dv1, sem_a1)
    wait_scat(rows0, dv0, sem_a0)

    def pair(i2, carry):
        a = 2 * i2
        idx_s(a, sv0)
        idx_d(a, dv0, sem_d0)
        gather(sv0, rows0, sem_g0)
        idx_s(a + 1, sv1)
        wait_scat(rows1, dv1, sem_a1)
        gather(sv1, rows1, sem_g1)
        idx_d(a + 1, dv1, sem_d1)
        wait_gather(sv0, rows0, sem_g0)
        wait_idx_d(a, dv0, sem_d0)
        scat(rows0, dv0, sem_a0)
        wait_gather(sv1, rows1, sem_g1)
        wait_idx_d(a + 1, dv1, sem_d1)
        scat(rows1, dv1, sem_a1)
        wait_scat(rows0, dv0, sem_a0)
        return carry

    lax.fori_loop(1, npairs, pair, 0)
    wait_scat(rows1, dv1, sem_a1)
    if nch % 2:
        a = nch - 1
        idx_s(a, sv0)
        idx_d(a, dv0, sem_d0)
        wait_idx_d(a, dv0, sem_d0)
        pltpu.sync_copy(tref.at[sv0], rows0)
        pltpu.sync_copy(rows0, acc_sp.at[dv0], add=True)
    plsc.subcore_barrier()
    off = 0
    for sz in _achunks(ch):
        pltpu.sync_copy(acc_sp.at[pl.ds(r0 + off, sz)], rows0.at[pl.ds(0, sz)])
        pltpu.sync_copy(rows0.at[pl.ds(0, sz)],
                        acc_out.at[pl.ds(c * NACC + r0 + off, sz)])
        off += sz


def _sc_degree(d32):
    k = pl.kernel(
        _degree_kernel,
        out_type=jax.ShapeDtypeStruct((NC * NDEG,), jnp.float32),
        mesh=_MESH,
        compiler_params=pltpu.CompilerParams(use_tc_tiling_on_sc=False),
        scratch_types=[
            pltpu.VMEM((CHD,), jnp.float32),
            pltpu.VMEM((CHD,), jnp.int32),
            pltpu.VMEM((CHD,), jnp.int32),
            pltpu.VMEM((DSTRIPE,), jnp.float32),
            pltpu.VMEM_SHARED((NDEG,), jnp.float32),
            pltpu.SemaphoreType.DMA,
            pltpu.SemaphoreType.DMA,
        ],
    )
    return k(d32, jnp.ones((CHD,), jnp.float32), jnp.zeros((DSTRIPE,), jnp.float32))


def _sc_spmm(table, sidx, didx, *, ept, src_core_stride, dst_core_stride,
             split_table=False, width=16, ch=CH):
    body = functools.partial(
        _spmm_kernel, ept=ept,
        src_core_stride=src_core_stride, dst_core_stride=dst_core_stride,
        split_table=split_table, ch=ch,
    )
    k = pl.kernel(
        body,
        out_type=jax.ShapeDtypeStruct((NC * NACC, width), jnp.float32),
        mesh=_MESH,
        compiler_params=pltpu.CompilerParams(use_tc_tiling_on_sc=False),
        scratch_types=[
            pltpu.VMEM((ch,), jnp.int32),
            pltpu.VMEM((ch,), jnp.int32),
            pltpu.VMEM((ch,), jnp.int32),
            pltpu.VMEM((ch,), jnp.int32),
            pltpu.VMEM((ch, width), jnp.float32),
            pltpu.VMEM((ch, width), jnp.float32),
            pltpu.VMEM_SHARED((NACC, width), jnp.float32),
            pltpu.SemaphoreType.DMA,
            pltpu.SemaphoreType.DMA,
            pltpu.SemaphoreType.DMA,
            pltpu.SemaphoreType.DMA,
            pltpu.SemaphoreType.DMA,
            pltpu.SemaphoreType.DMA,
        ],
    )
    return k(table, sidx, didx, jnp.zeros((ch, width), jnp.float32))




def _xs_body(x_ref, cnt_ref, xs_ref):
    cb = cnt_ref[...]
    dis = lax.rsqrt(cb[0, :, 0] + cb[1, :, 0] + 1.0)
    xs = x_ref[...] * dis[:, None]
    xs_ref[...] = jnp.concatenate(
        [xs, jnp.zeros((xs.shape[0], 6), jnp.float32)], axis=1)


def _mid_body(acc_ref, xs_ref, cnt_ref, w1_ref, b1_ref, w2_ref, hs2_ref):
    cb = cnt_ref[...]
    dis = lax.rsqrt(cb[0, :, 0] + cb[1, :, 0] + 1.0)
    ax = (acc_ref[0] + acc_ref[1] + xs_ref[...]) * dis[:, None]
    out1 = jnp.maximum(
        jnp.dot(ax, w1_ref[...], preferred_element_type=jnp.float32)
        + b1_ref[0], 0.0)
    hs2 = jnp.dot(out1, w2_ref[...], preferred_element_type=jnp.float32)
    hs2_ref[...] = hs2 * dis[:, None]


def _out_body(acc_ref, hs2_ref, cnt_ref, b2_ref, o_ref):
    cb = cnt_ref[...]
    dis = lax.rsqrt(cb[0, :, 0] + cb[1, :, 0] + 1.0)
    o_ref[...] = (acc_ref[0] + acc_ref[1] + hs2_ref[...]) * dis[:, None] + b2_ref[0]


def _rowspec(shape3):
    return pl.BlockSpec(shape3, lambda i: (0, i, 0))


_CNT_SPEC = pl.BlockSpec((2, R, 1), lambda i: (0, i, 0))
_FULL2 = lambda a, b: pl.BlockSpec((a, b), lambda i: (0, 0))


def _tc_xs(x, cnt3):
    return pl.pallas_call(
        _xs_body,
        grid=(GRID,),
        in_specs=[
            pl.BlockSpec((R, 10), lambda i: (i, 0)),
            _CNT_SPEC,
        ],
        out_specs=pl.BlockSpec((R, 16), lambda i: (i, 0)),
        out_shape=jax.ShapeDtypeStruct((N, 16), jnp.float32),
    )(x, cnt3)


def _tc_mid(acc3, xs, cnt3, W1, b1, W2):
    return pl.pallas_call(
        _mid_body,
        grid=(GRID,),
        in_specs=[
            _rowspec((2, R, 16)),
            pl.BlockSpec((R, 16), lambda i: (i, 0)),
            _CNT_SPEC,
            _FULL2(16, 32),
            _FULL2(1, 32),
            _FULL2(32, 16),
        ],
        out_specs=pl.BlockSpec((R, 16), lambda i: (i, 0)),
        out_shape=jax.ShapeDtypeStruct((N, 16), jnp.float32),
    )(acc3, xs, cnt3, W1, b1, W2)


def _tc_out(acc3, hs2, cnt3, b2):
    return pl.pallas_call(
        _out_body,
        grid=(GRID,),
        in_specs=[
            _rowspec((2, R, 16)),
            pl.BlockSpec((R, 16), lambda i: (i, 0)),
            _CNT_SPEC,
            _FULL2(1, 16),
        ],
        out_specs=pl.BlockSpec((R, 16), lambda i: (i, 0)),
        out_shape=jax.ShapeDtypeStruct((N, 16), jnp.float32),
    )(acc3, hs2, cnt3, b2)




def kernel(x, edge_index, W1, b1, W2, b2):
    s = edge_index[0].astype(jnp.int32)
    d = edge_index[1].astype(jnp.int32)

    cnt = _sc_degree(d)
    cnt3 = cnt.reshape(NC, NDEG, 1)

    xs = _tc_xs(x, cnt3)
    acc1 = _sc_spmm(
        xs, s, d,
        ept=E // NC // NS, src_core_stride=E // NC, dst_core_stride=E // NC,
        width=16, ch=CH,
    ).reshape(NC, NACC, 16)

    W1p = jnp.concatenate([W1, jnp.zeros((6, 32), W1.dtype)], axis=0)
    hs2 = _tc_mid(acc1, xs, cnt3, W1p, b1.reshape(1, 32), W2)
    acc2 = _sc_spmm(
        hs2, s, d,
        ept=E // NC // NS, src_core_stride=E // NC, dst_core_stride=E // NC,
    ).reshape(NC, NACC, 16)

    return _tc_out(acc2, hs2, cnt3, b2.reshape(1, 16))

# --- scband reference (transcript-rebuilt; emitter-appended) ---
"""Pipeline reference for scband-gnn-9749575762658 (READ-ONLY COPY).

The authoritative reference and input builder live on the scoring server;
editing this copy changes nothing except your own understanding.
"""

import jax, jax.numpy as jnp
import numpy as np

N_NODES = 100000
N_EDGES = 3200000


def _gcn_conv(x, edge_index, W, b):
    N = x.shape[0]
    src = edge_index[0]
    dst = edge_index[1]
    # add self-loops (PyG GCNConv default add_self_loops=True)
    loop = jnp.arange(N, dtype=src.dtype)
    s = jnp.concatenate([src, loop])
    d = jnp.concatenate([dst, loop])
    # linear transform first (smaller feature dim gathered when out < in is not the case here, but matches PyG: lin then propagate)
    h = x @ W
    # symmetric normalization D^{-1/2} A_hat D^{-1/2}
    deg = jax.ops.segment_sum(jnp.ones(d.shape[0], dtype=h.dtype), d, num_segments=N)
    deg_inv_sqrt = jnp.where(deg > 0, jax.lax.rsqrt(jnp.maximum(deg, 1e-12)), 0.0)
    norm = deg_inv_sqrt[s] * deg_inv_sqrt[d]
    msg = h[s] * norm[:, None]
    out = jax.ops.segment_sum(msg, d, num_segments=N)
    return out + b


def setup_inputs(seed: int = 0) -> dict:
    key = jax.random.key(seed)
    k1, k2, k3, k4, k5, k6 = jax.random.split(key, 6)
    x = jax.random.normal(k1, (N_NODES, 10), dtype=jnp.float32)
    edge_index = jax.random.randint(k2, (2, N_EDGES), 0, N_NODES).astype(jnp.int64)
    # learned parameters: GCNConv(10 -> 32) and GCNConv(32 -> 16)
    W1 = jax.random.normal(k3, (10, 32), dtype=jnp.float32) * (1.0 / np.sqrt(10.0))
    b1 = jnp.zeros((32,), dtype=jnp.float32)
    W2 = jax.random.normal(k4, (32, 16), dtype=jnp.float32) * (1.0 / np.sqrt(32.0))
    b2 = jnp.zeros((16,), dtype=jnp.float32)
    return {"x": x, "edge_index": edge_index, "W1": W1, "b1": b1, "W2": W2, "b2": b2}


def reference(x, edge_index, W1, b1, W2, b2):
    h = _gcn_conv(x, edge_index, W1, b1)
    h = jax.nn.relu(h)
    out = _gcn_conv(h, edge_index, W2, b2)
    return out

if __name__ == "__main__":
    import jax
    _d = setup_inputs()
    print(jax.jit(kernel)(*tuple(_d.values())))

</pallas_src>

<mosaic_0001>
#map = affine_map<(d0, d1) -> (0, 0)>
#map1 = affine_map<(d0, d1) -> (0)>
module attributes {stable_mosaic.version = 14 : i64} {
  func.func @_spmm_kernel(%arg0: i32, %arg1: i32, %arg2: memref<100000x16xf32, #tpu.memory_space<hbm>>, %arg3: memref<3200000xi32, #tpu.memory_space<hbm>>, %arg4: memref<3200000xi32, #tpu.memory_space<hbm>>, %arg5: memref<800x16xf32, #tpu.memory_space<hbm>>, %arg6: memref<200192x16xf32, #tpu.memory_space<hbm>>, %arg7: memref<800xi32, #tpu.memory_space<vmem>>, %arg8: memref<800xi32, #tpu.memory_space<vmem>>, %arg9: memref<800xi32, #tpu.memory_space<vmem>>, %arg10: memref<800xi32, #tpu.memory_space<vmem>>, %arg11: memref<800x16xf32, #tpu.memory_space<vmem>>, %arg12: memref<800x16xf32, #tpu.memory_space<vmem>>, %arg13: memref<100096x16xf32, #tpu.memory_space<vmem_shared>>, %arg14: memref<!tpu.dma_semaphore, #tpu.memory_space<semaphore_mem>>, %arg15: memref<!tpu.dma_semaphore, #tpu.memory_space<semaphore_mem>>, %arg16: memref<!tpu.dma_semaphore, #tpu.memory_space<semaphore_mem>>, %arg17: memref<!tpu.dma_semaphore, #tpu.memory_space<semaphore_mem>>, %arg18: memref<!tpu.dma_semaphore, #tpu.memory_space<semaphore_mem>>, %arg19: memref<!tpu.dma_semaphore, #tpu.memory_space<semaphore_mem>>) attributes {dimension_semantics = [#tpu.dimension_semantics<core_parallel>, #tpu.dimension_semantics<subcore_parallel>], iteration_bounds = array<i64: 2, 16>, scalar_prefetch = 0 : i64, scratch_operands = 13 : i64, tpu.core_type = #tpu.core_type<sc_vector_subcore>, window_params = [{transform_indices = #map}, {transform_indices = #map1}, {transform_indices = #map1}, {transform_indices = #map}, {transform_indices = #map}]} {
    "tpu.region"() ({
      %run_scoped3A = tpu.sem_alloc : memref<!tpu.dma_semaphore, #tpu.memory_space<semaphore_mem>>
      tpu.enqueue_dma source(%arg5 : memref<800x16xf32, #tpu.memory_space<hbm>>) target(%arg11 : memref<800x16xf32, #tpu.memory_space<vmem>>) target_semaphore(%run_scoped3A : memref<!tpu.dma_semaphore, #tpu.memory_space<semaphore_mem>>)
      tpu.wait_dma2 semaphore(%run_scoped3A : memref<!tpu.dma_semaphore, #tpu.memory_space<semaphore_mem>>) src(%arg5 : memref<800x16xf32, #tpu.memory_space<hbm>>) dst(%arg11 : memref<800x16xf32, #tpu.memory_space<vmem>>)
      tpu.yield
    }) : () -> ()
    %mul3A = arith.constant 6256 : i32
    %mul3A_0 = arith.muli %arg1, %mul3A : i32
    %add3A = arith.constant 0 : i32
    %add3A_1 = arith.addi %mul3A_0, %add3A : i32
    "tpu.region"() ({
      %run_scoped3A = tpu.sem_alloc : memref<!tpu.dma_semaphore, #tpu.memory_space<semaphore_mem>>
      %dma_start3A_140 = arith.constant 0 : i32
      %dma_start3A_141 = arith.constant 0 : i32
      %dma_start3A_142 = tpu.memref_slice %arg11[%dma_start3A_140, %dma_start3A_141] : memref<800x16xf32, #tpu.memory_space<vmem>> -> memref<800x16xf32, #tpu.memory_space<vmem>>
      %dma_start3A_143 = arith.constant 0 : i32
      %dma_start3A_144 = tpu.memref_slice %arg13[%add3A_1, %dma_start3A_143] : memref<100096x16xf32, #tpu.memory_space<vmem_shared>> -> memref<800x16xf32, #tpu.memory_space<vmem_shared>>
      %dma_start3A_145 = arith.constant 0 : i32
      %dma_start3A_146 = tpu.memref_slice %arg13[%add3A_1, %dma_start3A_145] : memref<100096x16xf32, #tpu.memory_space<vmem_shared>> -> memref<800x16xf32, #tpu.memory_space<vmem_shared>>
      %dma_start3A_147 = arith.constant 0 : i32
      %dma_start3A_148 = arith.constant 0 : i32
      %dma_start3A_149 = tpu.memref_slice %arg11[%dma_start3A_147, %dma_start3A_148] : memref<800x16xf32, #tpu.memory_space<vmem>> -> memref<800x16xf32, #tpu.memory_space<vmem>>
      tpu.enqueue_dma source(%dma_start3A_149 : memref<800x16xf32, #tpu.memory_space<vmem>>) target(%dma_start3A_146 : memref<800x16xf32, #tpu.memory_space<vmem_shared>>) target_semaphore(%run_scoped3A : memref<!tpu.dma_semaphore, #tpu.memory_space<semaphore_mem>>)
      %dma_wait3A_150 = arith.constant 0 : i32
      %dma_wait3A_151 = arith.constant 0 : i32
      %dma_wait3A_152 = tpu.memref_slice %arg11[%dma_wait3A_150, %dma_wait3A_151] : memref<800x16xf32, #tpu.memory_space<vmem>> -> memref<800x16xf32, #tpu.memory_space<vmem>>
      %dma_wait3A_153 = arith.constant 0 : i32
      %dma_wait3A_154 = tpu.memref_slice %arg13[%add3A_1, %dma_wait3A_153] : memref<100096x16xf32, #tpu.memory_space<vmem_shared>> -> memref<800x16xf32, #tpu.memory_space<vmem_shared>>
      %dma_wait3A_155 = arith.constant 0 : i32
      %dma_wait3A_156 = tpu.memref_slice %arg13[%add3A_1, %dma_wait3A_155] : memref<100096x16xf32, #tpu.memory_space<vmem_shared>> -> memref<800x16xf32, #tpu.memory_space<vmem_shared>>
      %dma_wait3A_157 = arith.constant 0 : i32
      %dma_wait3A_158 = arith.constant 0 : i32
      %dma_wait3A_159 = tpu.memref_slice %arg11[%dma_wait3A_157, %dma_wait3A_158] : memref<800x16xf32, #tpu.memory_space<vmem>> -> memref<800x16xf32, #tpu.memory_space<vmem>>
      tpu.wait_dma2 semaphore(%run_scoped3A : memref<!tpu.dma_semaphore, #tpu.memory_space<semaphore_mem>>) src(%dma_wait3A_159 : memref<800x16xf32, #tpu.memory_space<vmem>>) dst(%dma_wait3A_156 : memref<800x16xf32, #tpu.memory_space<vmem_shared>>)
      tpu.yield
    }) : () -> ()
    %add3A_2 = arith.constant 800 : i32
    %add3A_3 = arith.addi %mul3A_0, %add3A_2 : i32
    "tpu.region"() ({
      %run_scoped3A = tpu.sem_alloc : memref<!tpu.dma_semaphore, #tpu.memory_space<semaphore_mem>>
      %dma_start3A_140 = arith.constant 0 : i32
      %dma_start3A_141 = arith.constant 0 : i32
      %dma_start3A_142 = tpu.memref_slice %arg11[%dma_start3A_140, %dma_start3A_141] : memref<800x16xf32, #tpu.memory_space<vmem>> -> memref<800x16xf32, #tpu.memory_space<vmem>>
      %dma_start3A_143 = arith.constant 0 : i32
      %dma_start3A_144 = tpu.memref_slice %arg13[%add3A_3, %dma_start3A_143] : memref<100096x16xf32, #tpu.memory_space<vmem_shared>> -> memref<800x16xf32, #tpu.memory_space<vmem_shared>>
      %dma_start3A_145 = arith.constant 0 : i32
      %dma_start3A_146 = tpu.memref_slice %arg13[%add3A_3, %dma_start3A_145] : memref<100096x16xf32, #tpu.memory_space<vmem_shared>> -> memref<800x16xf32, #tpu.memory_space<vmem_shared>>
      %dma_start3A_147 = arith.constant 0 : i32
      %dma_start3A_148 = arith.constant 0 : i32
      %dma_start3A_149 = tpu.memref_slice %arg11[%dma_start3A_147, %dma_start3A_148] : memref<800x16xf32, #tpu.memory_space<vmem>> -> memref<800x16xf32, #tpu.memory_space<vmem>>
      tpu.enqueue_dma source(%dma_start3A_149 : memref<800x16xf32, #tpu.memory_space<vmem>>) target(%dma_start3A_146 : memref<800x16xf32, #tpu.memory_space<vmem_shared>>) target_semaphore(%run_scoped3A : memref<!tpu.dma_semaphore, #tpu.memory_space<semaphore_mem>>)
      %dma_wait3A_150 = arith.constant 0 : i32
      %dma_wait3A_151 = arith.constant 0 : i32
      %dma_wait3A_152 = tpu.memref_slice %arg11[%dma_wait3A_150, %dma_wait3A_151] : memref<800x16xf32, #tpu.memory_space<vmem>> -> memref<800x16xf32, #tpu.memory_space<vmem>>
      %dma_wait3A_153 = arith.constant 0 : i32
      %dma_wait3A_154 = tpu.memref_slice %arg13[%add3A_3, %dma_wait3A_153] : memref<100096x16xf32, #tpu.memory_space<vmem_shared>> -> memref<800x16xf32, #tpu.memory_space<vmem_shared>>
      %dma_wait3A_155 = arith.constant 0 : i32
      %dma_wait3A_156 = tpu.memref_slice %arg13[%add3A_3, %dma_wait3A_155] : memref<100096x16xf32, #tpu.memory_space<vmem_shared>> -> memref<800x16xf32, #tpu.memory_space<vmem_shared>>
      %dma_wait3A_157 = arith.constant 0 : i32
      %dma_wait3A_158 = arith.constant 0 : i32
      %dma_wait3A_159 = tpu.memref_slice %arg11[%dma_wait3A_157, %dma_wait3A_158] : memref<800x16xf32, #tpu.memory_space<vmem>> -> memref<800x16xf32, #tpu.memory_space<vmem>>
      tpu.wait_dma2 semaphore(%run_scoped3A : memref<!tpu.dma_semaphore, #tpu.memory_space<semaphore_mem>>) src(%dma_wait3A_159 : memref<800x16xf32, #tpu.memory_space<vmem>>) dst(%dma_wait3A_156 : memref<800x16xf32, #tpu.memory_space<vmem_shared>>)
      tpu.yield
    }) : () -> ()
    %add3A_4 = arith.constant 1600 : i32
    %add3A_5 = arith.addi %mul3A_0, %add3A_4 : i32
    "tpu.region"() ({
      %run_scoped3A = tpu.sem_alloc : memref<!tpu.dma_semaphore, #tpu.memory_space<semaphore_mem>>
      %dma_start3A_140 = arith.constant 0 : i32
      %dma_start3A_141 = arith.constant 0 : i32
      %dma_start3A_142 = tpu.memref_slice %arg11[%dma_start3A_140, %dma_start3A_141] : memref<800x16xf32, #tpu.memory_space<vmem>> -> memref<800x16xf32, #tpu.memory_space<vmem>>
      %dma_start3A_143 = arith.constant 0 : i32
      %dma_start3A_144 = tpu.memref_slice %arg13[%add3A_5, %dma_start3A_143] : memref<100096x16xf32, #tpu.memory_space<vmem_shared>> -> memref<800x16xf32, #tpu.memory_space<vmem_shared>>
      %dma_start3A_145 = arith.constant 0 : i32
      %dma_start3A_146 = tpu.memref_slice %arg13[%add3A_5, %dma_start3A_145] : memref<100096x16xf32, #tpu.memory_space<vmem_shared>> -> memref<800x16xf32, #tpu.memory_space<vmem_shared>>
      %dma_start3A_147 = arith.constant 0 : i32
      %dma_start3A_148 = arith.constant 0 : i32
      %dma_start3A_149 = tpu.memref_slice %arg11[%dma_start3A_147, %dma_start3A_148] : memref<800x16xf32, #tpu.memory_space<vmem>> -> memref<800x16xf32, #tpu.memory_space<vmem>>
      tpu.enqueue_dma source(%dma_start3A_149 : memref<800x16xf32, #tpu.memory_space<vmem>>) target(%dma_start3A_146 : memref<800x16xf32, #tpu.memory_space<vmem_shared>>) target_semaphore(%run_scoped3A : memref<!tpu.dma_semaphore, #tpu.memory_space<semaphore_mem>>)
      %dma_wait3A_150 = arith.constant 0 : i32
      %dma_wait3A_151 = arith.constant 0 : i32
      %dma_wait3A_152 = tpu.memref_slice %arg11[%dma_wait3A_150, %dma_wait3A_151] : memref<800x16xf32, #tpu.memory_space<vmem>> -> memref<800x16xf32, #tpu.memory_space<vmem>>
      %dma_wait3A_153 = arith.constant 0 : i32
      %dma_wait3A_154 = tpu.memref_slice %arg13[%add3A_5, %dma_wait3A_153] : memref<100096x16xf32, #tpu.memory_space<vmem_shared>> -> memref<800x16xf32, #tpu.memory_space<vmem_shared>>
      %dma_wait3A_155 = arith.constant 0 : i32
      %dma_wait3A_156 = tpu.memref_slice %arg13[%add3A_5, %dma_wait3A_155] : memref<100096x16xf32, #tpu.memory_space<vmem_shared>> -> memref<800x16xf32, #tpu.memory_space<vmem_shared>>
      %dma_wait3A_157 = arith.constant 0 : i32
      %dma_wait3A_158 = arith.constant 0 : i32
      %dma_wait3A_159 = tpu.memref_slice %arg11[%dma_wait3A_157, %dma_wait3A_158] : memref<800x16xf32, #tpu.memory_space<vmem>> -> memref<800x16xf32, #tpu.memory_space<vmem>>
      tpu.wait_dma2 semaphore(%run_scoped3A : memref<!tpu.dma_semaphore, #tpu.memory_space<semaphore_mem>>) src(%dma_wait3A_159 : memref<800x16xf32, #tpu.memory_space<vmem>>) dst(%dma_wait3A_156 : memref<800x16xf32, #tpu.memory_space<vmem_shared>>)
      tpu.yield
    }) : () -> ()
    %add3A_6 = arith.constant 2400 : i32
    %add3A_7 = arith.addi %mul3A_0, %add3A_6 : i32
    "tpu.region"() ({
      %run_scoped3A = tpu.sem_alloc : memref<!tpu.dma_semaphore, #tpu.memory_space<semaphore_mem>>
      %dma_start3A_140 = arith.constant 0 : i32
      %dma_start3A_141 = arith.constant 0 : i32
      %dma_start3A_142 = tpu.memref_slice %arg11[%dma_start3A_140, %dma_start3A_141] : memref<800x16xf32, #tpu.memory_space<vmem>> -> memref<800x16xf32, #tpu.memory_space<vmem>>
      %dma_start3A_143 = arith.constant 0 : i32
      %dma_start3A_144 = tpu.memref_slice %arg13[%add3A_7, %dma_start3A_143] : memref<100096x16xf32, #tpu.memory_space<vmem_shared>> -> memref<800x16xf32, #tpu.memory_space<vmem_shared>>
      %dma_start3A_145 = arith.constant 0 : i32
      %dma_start3A_146 = tpu.memref_slice %arg13[%add3A_7, %dma_start3A_145] : memref<100096x16xf32, #tpu.memory_space<vmem_shared>> -> memref<800x16xf32, #tpu.memory_space<vmem_shared>>
      %dma_start3A_147 = arith.constant 0 : i32
      %dma_start3A_148 = arith.constant 0 : i32
      %dma_start3A_149 = tpu.memref_slice %arg11[%dma_start3A_147, %dma_start3A_148] : memref<800x16xf32, #tpu.memory_space<vmem>> -> memref<800x16xf32, #tpu.memory_space<vmem>>
      tpu.enqueue_dma source(%dma_start3A_149 : memref<800x16xf32, #tpu.memory_space<vmem>>) target(%dma_start3A_146 : memref<800x16xf32, #tpu.memory_space<vmem_shared>>) target_semaphore(%run_scoped3A : memref<!tpu.dma_semaphore, #tpu.memory_space<semaphore_mem>>)
      %dma_wait3A_150 = arith.constant 0 : i32
      %dma_wait3A_151 = arith.constant 0 : i32
      %dma_wait3A_152 = tpu.memref_slice %arg11[%dma_wait3A_150, %dma_wait3A_151] : memref<800x16xf32, #tpu.memory_space<vmem>> -> memref<800x16xf32, #tpu.memory_space<vmem>>
      %dma_wait3A_153 = arith.constant 0 : i32
      %dma_wait3A_154 = tpu.memref_slice %arg13[%add3A_7, %dma_wait3A_153] : memref<100096x16xf32, #tpu.memory_space<vmem_shared>> -> memref<800x16xf32, #tpu.memory_space<vmem_shared>>
      %dma_wait3A_155 = arith.constant 0 : i32
      %dma_wait3A_156 = tpu.memref_slice %arg13[%add3A_7, %dma_wait3A_155] : memref<100096x16xf32, #tpu.memory_space<vmem_shared>> -> memref<800x16xf32, #tpu.memory_space<vmem_shared>>
      %dma_wait3A_157 = arith.constant 0 : i32
      %dma_wait3A_158 = arith.constant 0 : i32
      %dma_wait3A_159 = tpu.memref_slice %arg11[%dma_wait3A_157, %dma_wait3A_158] : memref<800x16xf32, #tpu.memory_space<vmem>> -> memref<800x16xf32, #tpu.memory_space<vmem>>
      tpu.wait_dma2 semaphore(%run_scoped3A : memref<!tpu.dma_semaphore, #tpu.memory_space<semaphore_mem>>) src(%dma_wait3A_159 : memref<800x16xf32, #tpu.memory_space<vmem>>) dst(%dma_wait3A_156 : memref<800x16xf32, #tpu.memory_space<vmem_shared>>)
      tpu.yield
    }) : () -> ()
    %add3A_8 = arith.constant 3200 : i32
    %add3A_9 = arith.addi %mul3A_0, %add3A_8 : i32
    "tpu.region"() ({
      %run_scoped3A = tpu.sem_alloc : memref<!tpu.dma_semaphore, #tpu.memory_space<semaphore_mem>>
      %dma_start3A_140 = arith.constant 0 : i32
      %dma_start3A_141 = arith.constant 0 : i32
      %dma_start3A_142 = tpu.memref_slice %arg11[%dma_start3A_140, %dma_start3A_141] : memref<800x16xf32, #tpu.memory_space<vmem>> -> memref<800x16xf32, #tpu.memory_space<vmem>>
      %dma_start3A_143 = arith.constant 0 : i32
      %dma_start3A_144 = tpu.memref_slice %arg13[%add3A_9, %dma_start3A_143] : memref<100096x16xf32, #tpu.memory_space<vmem_shared>> -> memref<800x16xf32, #tpu.memory_space<vmem_shared>>
      %dma_start3A_145 = arith.constant 0 : i32
      %dma_start3A_146 = tpu.memref_slice %arg13[%add3A_9, %dma_start3A_145] : memref<100096x16xf32, #tpu.memory_space<vmem_shared>> -> memref<800x16xf32, #tpu.memory_space<vmem_shared>>
      %dma_start3A_147 = arith.constant 0 : i32
      %dma_start3A_148 = arith.constant 0 : i32
      %dma_start3A_149 = tpu.memref_slice %arg11[%dma_start3A_147, %dma_start3A_148] : memref<800x16xf32, #tpu.memory_space<vmem>> -> memref<800x16xf32, #tpu.memory_space<vmem>>
      tpu.enqueue_dma source(%dma_start3A_149 : memref<800x16xf32, #tpu.memory_space<vmem>>) target(%dma_start3A_146 : memref<800x16xf32, #tpu.memory_space<vmem_shared>>) target_semaphore(%run_scoped3A : memref<!tpu.dma_semaphore, #tpu.memory_space<semaphore_mem>>)
      %dma_wait3A_150 = arith.constant 0 : i32
      %dma_wait3A_151 = arith.constant 0 : i32
      %dma_wait3A_152 = tpu.memref_slice %arg11[%dma_wait3A_150, %dma_wait3A_151] : memref<800x16xf32, #tpu.memory_space<vmem>> -> memref<800x16xf32, #tpu.memory_space<vmem>>
      %dma_wait3A_153 = arith.constant 0 : i32
      %dma_wait3A_154 = tpu.memref_slice %arg13[%add3A_9, %dma_wait3A_153] : memref<100096x16xf32, #tpu.memory_space<vmem_shared>> -> memref<800x16xf32, #tpu.memory_space<vmem_shared>>
      %dma_wait3A_155 = arith.constant 0 : i32
      %dma_wait3A_156 = tpu.memref_slice %arg13[%add3A_9, %dma_wait3A_155] : memref<100096x16xf32, #tpu.memory_space<vmem_shared>> -> memref<800x16xf32, #tpu.memory_space<vmem_shared>>
      %dma_wait3A_157 = arith.constant 0 : i32
      %dma_wait3A_158 = arith.constant 0 : i32
      %dma_wait3A_159 = tpu.memref_slice %arg11[%dma_wait3A_157, %dma_wait3A_158] : memref<800x16xf32, #tpu.memory_space<vmem>> -> memref<800x16xf32, #tpu.memory_space<vmem>>
      tpu.wait_dma2 semaphore(%run_scoped3A : memref<!tpu.dma_semaphore, #tpu.memory_space<semaphore_mem>>) src(%dma_wait3A_159 : memref<800x16xf32, #tpu.memory_space<vmem>>) dst(%dma_wait3A_156 : memref<800x16xf32, #tpu.memory_space<vmem_shared>>)
      tpu.yield
    }) : () -> ()
    %add3A_10 = arith.constant 4000 : i32
    %add3A_11 = arith.addi %mul3A_0, %add3A_10 : i32
    "tpu.region"() ({
      %run_scoped3A = tpu.sem_alloc : memref<!tpu.dma_semaphore, #tpu.memory_space<semaphore_mem>>
      %dma_start3A_140 = arith.constant 0 : i32
      %dma_start3A_141 = arith.constant 0 : i32
      %dma_start3A_142 = tpu.memref_slice %arg11[%dma_start3A_140, %dma_start3A_141] : memref<800x16xf32, #tpu.memory_space<vmem>> -> memref<800x16xf32, #tpu.memory_space<vmem>>
      %dma_start3A_143 = arith.constant 0 : i32
      %dma_start3A_144 = tpu.memref_slice %arg13[%add3A_11, %dma_start3A_143] : memref<100096x16xf32, #tpu.memory_space<vmem_shared>> -> memref<800x16xf32, #tpu.memory_space<vmem_shared>>
      %dma_start3A_145 = arith.constant 0 : i32
      %dma_start3A_146 = tpu.memref_slice %arg13[%add3A_11, %dma_start3A_145] : memref<100096x16xf32, #tpu.memory_space<vmem_shared>> -> memref<800x16xf32, #tpu.memory_space<vmem_shared>>
      %dma_start3A_147 = arith.constant 0 : i32
      %dma_start3A_148 = arith.constant 0 : i32
      %dma_start3A_149 = tpu.memref_slice %arg11[%dma_start3A_147, %dma_start3A_148] : memref<800x16xf32, #tpu.memory_space<vmem>> -> memref<800x16xf32, #tpu.memory_space<vmem>>
      tpu.enqueue_dma source(%dma_start3A_149 : memref<800x16xf32, #tpu.memory_space<vmem>>) target(%dma_start3A_146 : memref<800x16xf32, #tpu.memory_space<vmem_shared>>) target_semaphore(%run_scoped3A : memref<!tpu.dma_semaphore, #tpu.memory_space<semaphore_mem>>)
      %dma_wait3A_150 = arith.constant 0 : i32
      %dma_wait3A_151 = arith.constant 0 : i32
      %dma_wait3A_152 = tpu.memref_slice %arg11[%dma_wait3A_150, %dma_wait3A_151] : memref<800x16xf32, #tpu.memory_space<vmem>> -> memref<800x16xf32, #tpu.memory_space<vmem>>
      %dma_wait3A_153 = arith.constant 0 : i32
      %dma_wait3A_154 = tpu.memref_slice %arg13[%add3A_11, %dma_wait3A_153] : memref<100096x16xf32, #tpu.memory_space<vmem_shared>> -> memref<800x16xf32, #tpu.memory_space<vmem_shared>>
      %dma_wait3A_155 = arith.constant 0 : i32
      %dma_wait3A_156 = tpu.memref_slice %arg13[%add3A_11, %dma_wait3A_155] : memref<100096x16xf32, #tpu.memory_space<vmem_shared>> -> memref<800x16xf32, #tpu.memory_space<vmem_shared>>
      %dma_wait3A_157 = arith.constant 0 : i32
      %dma_wait3A_158 = arith.constant 0 : i32
      %dma_wait3A_159 = tpu.memref_slice %arg11[%dma_wait3A_157, %dma_wait3A_158] : memref<800x16xf32, #tpu.memory_space<vmem>> -> memref<800x16xf32, #tpu.memory_space<vmem>>
      tpu.wait_dma2 semaphore(%run_scoped3A : memref<!tpu.dma_semaphore, #tpu.memory_space<semaphore_mem>>) src(%dma_wait3A_159 : memref<800x16xf32, #tpu.memory_space<vmem>>) dst(%dma_wait3A_156 : memref<800x16xf32, #tpu.memory_space<vmem_shared>>)
      tpu.yield
    }) : () -> ()
    %add3A_12 = arith.constant 4800 : i32
    %add3A_13 = arith.addi %mul3A_0, %add3A_12 : i32
    "tpu.region"() ({
      %run_scoped3A = tpu.sem_alloc : memref<!tpu.dma_semaphore, #tpu.memory_space<semaphore_mem>>
      %dma_start3A_140 = arith.constant 0 : i32
      %dma_start3A_141 = arith.constant 0 : i32
      %dma_start3A_142 = tpu.memref_slice %arg11[%dma_start3A_140, %dma_start3A_141] : memref<800x16xf32, #tpu.memory_space<vmem>> -> memref<800x16xf32, #tpu.memory_space<vmem>>
      %dma_start3A_143 = arith.constant 0 : i32
      %dma_start3A_144 = tpu.memref_slice %arg13[%add3A_13, %dma_start3A_143] : memref<100096x16xf32, #tpu.memory_space<vmem_shared>> -> memref<800x16xf32, #tpu.memory_space<vmem_shared>>
      %dma_start3A_145 = arith.constant 0 : i32
      %dma_start3A_146 = tpu.memref_slice %arg13[%add3A_13, %dma_start3A_145] : memref<100096x16xf32, #tpu.memory_space<vmem_shared>> -> memref<800x16xf32, #tpu.memory_space<vmem_shared>>
      %dma_start3A_147 = arith.constant 0 : i32
      %dma_start3A_148 = arith.constant 0 : i32
      %dma_start3A_149 = tpu.memref_slice %arg11[%dma_start3A_147, %dma_start3A_148] : memref<800x16xf32, #tpu.memory_space<vmem>> -> memref<800x16xf32, #tpu.memory_space<vmem>>
      tpu.enqueue_dma source(%dma_start3A_149 : memref<800x16xf32, #tpu.memory_space<vmem>>) target(%dma_start3A_146 : memref<800x16xf32, #tpu.memory_space<vmem_shared>>) target_semaphore(%run_scoped3A : memref<!tpu.dma_semaphore, #tpu.memory_space<semaphore_mem>>)
      %dma_wait3A_150 = arith.constant 0 : i32
      %dma_wait3A_151 = arith.constant 0 : i32
      %dma_wait3A_152 = tpu.memref_slice %arg11[%dma_wait3A_150, %dma_wait3A_151] : memref<800x16xf32, #tpu.memory_space<vmem>> -> memref<800x16xf32, #tpu.memory_space<vmem>>
      %dma_wait3A_153 = arith.constant 0 : i32
      %dma_wait3A_154 = tpu.memref_slice %arg13[%add3A_13, %dma_wait3A_153] : memref<100096x16xf32, #tpu.memory_space<vmem_shared>> -> memref<800x16xf32, #tpu.memory_space<vmem_shared>>
      %dma_wait3A_155 = arith.constant 0 : i32
      %dma_wait3A_156 = tpu.memref_slice %arg13[%add3A_13, %dma_wait3A_155] : memref<100096x16xf32, #tpu.memory_space<vmem_shared>> -> memref<800x16xf32, #tpu.memory_space<vmem_shared>>
      %dma_wait3A_157 = arith.constant 0 : i32
      %dma_wait3A_158 = arith.constant 0 : i32
      %dma_wait3A_159 = tpu.memref_slice %arg11[%dma_wait3A_157, %dma_wait3A_158] : memref<800x16xf32, #tpu.memory_space<vmem>> -> memref<800x16xf32, #tpu.memory_space<vmem>>
      tpu.wait_dma2 semaphore(%run_scoped3A : memref<!tpu.dma_semaphore, #tpu.memory_space<semaphore_mem>>) src(%dma_wait3A_159 : memref<800x16xf32, #tpu.memory_space<vmem>>) dst(%dma_wait3A_156 : memref<800x16xf32, #tpu.memory_space<vmem_shared>>)
      tpu.yield
    }) : () -> ()
    %add3A_14 = arith.constant 5600 : i32
    %add3A_15 = arith.addi %mul3A_0, %add3A_14 : i32
    "tpu.region"() ({
      %run_scoped3A = tpu.sem_alloc : memref<!tpu.dma_semaphore, #tpu.memory_space<semaphore_mem>>
      %dma_start3A_140 = arith.constant 0 : i32
      %dma_start3A_141 = arith.constant 0 : i32
      %dma_start3A_142 = tpu.memref_slice %arg11[%dma_start3A_140, %dma_start3A_141] : memref<800x16xf32, #tpu.memory_space<vmem>> -> memref<656x16xf32, #tpu.memory_space<vmem>>
      %dma_start3A_143 = arith.constant 0 : i32
      %dma_start3A_144 = tpu.memref_slice %arg13[%add3A_15, %dma_start3A_143] : memref<100096x16xf32, #tpu.memory_space<vmem_shared>> -> memref<656x16xf32, #tpu.memory_space<vmem_shared>>
      %dma_start3A_145 = arith.constant 0 : i32
      %dma_start3A_146 = tpu.memref_slice %arg13[%add3A_15, %dma_start3A_145] : memref<100096x16xf32, #tpu.memory_space<vmem_shared>> -> memref<656x16xf32, #tpu.memory_space<vmem_shared>>
      %dma_start3A_147 = arith.constant 0 : i32
      %dma_start3A_148 = arith.constant 0 : i32
      %dma_start3A_149 = tpu.memref_slice %arg11[%dma_start3A_147, %dma_start3A_148] : memref<800x16xf32, #tpu.memory_space<vmem>> -> memref<656x16xf32, #tpu.memory_space<vmem>>
      tpu.enqueue_dma source(%dma_start3A_149 : memref<656x16xf32, #tpu.memory_space<vmem>>) target(%dma_start3A_146 : memref<656x16xf32, #tpu.memory_space<vmem_shared>>) target_semaphore(%run_scoped3A : memref<!tpu.dma_semaphore, #tpu.memory_space<semaphore_mem>>)
      %dma_wait3A_150 = arith.constant 0 : i32
      %dma_wait3A_151 = arith.constant 0 : i32
      %dma_wait3A_152 = tpu.memref_slice %arg11[%dma_wait3A_150, %dma_wait3A_151] : memref<800x16xf32, #tpu.memory_space<vmem>> -> memref<656x16xf32, #tpu.memory_space<vmem>>
      %dma_wait3A_153 = arith.constant 0 : i32
      %dma_wait3A_154 = tpu.memref_slice %arg13[%add3A_15, %dma_wait3A_153] : memref<100096x16xf32, #tpu.memory_space<vmem_shared>> -> memref<656x16xf32, #tpu.memory_space<vmem_shared>>
      %dma_wait3A_155 = arith.constant 0 : i32
      %dma_wait3A_156 = tpu.memref_slice %arg13[%add3A_15, %dma_wait3A_155] : memref<100096x16xf32, #tpu.memory_space<vmem_shared>> -> memref<656x16xf32, #tpu.memory_space<vmem_shared>>
      %dma_wait3A_157 = arith.constant 0 : i32
      %dma_wait3A_158 = arith.constant 0 : i32
      %dma_wait3A_159 = tpu.memref_slice %arg11[%dma_wait3A_157, %dma_wait3A_158] : memref<800x16xf32, #tpu.memory_space<vmem>> -> memref<656x16xf32, #tpu.memory_space<vmem>>
      tpu.wait_dma2 semaphore(%run_scoped3A : memref<!tpu.dma_semaphore, #tpu.memory_space<semaphore_mem>>) src(%dma_wait3A_159 : memref<656x16xf32, #tpu.memory_space<vmem>>) dst(%dma_wait3A_156 : memref<656x16xf32, #tpu.memory_space<vmem_shared>>)
      tpu.yield
    }) : () -> ()
    %barrier3A = arith.constant 0 : index
    tpu.barrier barrier_id(%barrier3A)
    %mul3A_16 = arith.constant 1600000 : i32
    %mul3A_17 = arith.muli %arg0, %mul3A_16 : i32
    %mul3A_18 = arith.constant 100000 : i32
    %mul3A_19 = arith.muli %arg1, %mul3A_18 : i32
    %add3A_20 = arith.addi %mul3A_17, %mul3A_19 : i32
    %mul3A_21 = arith.constant 1600000 : i32
    %mul3A_22 = arith.muli %arg0, %mul3A_21 : i32
    %mul3A_23 = arith.constant 100000 : i32
    %mul3A_24 = arith.muli %arg1, %mul3A_23 : i32
    %add3A_25 = arith.addi %mul3A_22, %mul3A_24 : i32
    %add3A_26 = arith.constant 0 : i32
    %add3A_27 = arith.addi %add3A_20, %add3A_26 : i32
    "tpu.region"() ({
      %run_scoped3A = tpu.sem_alloc : memref<!tpu.dma_semaphore, #tpu.memory_space<semaphore_mem>>
      %dma_start3A_140 = tpu.memref_slice %arg3[%add3A_27] : memref<3200000xi32, #tpu.memory_space<hbm>> -> memref<800xi32, #tpu.memory_space<hbm>>
      %dma_start3A_141 = tpu.memref_slice %arg3[%add3A_27] : memref<3200000xi32, #tpu.memory_space<hbm>> -> memref<800xi32, #tpu.memory_space<hbm>>
      tpu.enqueue_dma source(%dma_start3A_141 : memref<800xi32, #tpu.memory_space<hbm>>) target(%arg7 : memref<800xi32, #tpu.memory_space<vmem>>) target_semaphore(%run_scoped3A : memref<!tpu.dma_semaphore, #tpu.memory_space<semaphore_mem>>)
      %dma_wait3A_142 = tpu.memref_slice %arg3[%add3A_27] : memref<3200000xi32, #tpu.memory_space<hbm>> -> memref<800xi32, #tpu.memory_space<hbm>>
      %dma_wait3A_143 = tpu.memref_slice %arg3[%add3A_27] : memref<3200000xi32, #tpu.memory_space<hbm>> -> memref<800xi32, #tpu.memory_space<hbm>>
      tpu.wait_dma2 semaphore(%run_scoped3A : memref<!tpu.dma_semaphore, #tpu.memory_space<semaphore_mem>>) src(%dma_wait3A_143 : memref<800xi32, #tpu.memory_space<hbm>>) dst(%arg7 : memref<800xi32, #tpu.memory_space<vmem>>)
      tpu.yield
    }) : () -> ()
    %add3A_28 = arith.constant 0 : i32
    %add3A_29 = arith.addi %add3A_25, %add3A_28 : i32
    %dma_start3A = tpu.memref_slice %arg4[%add3A_29] : memref<3200000xi32, #tpu.memory_space<hbm>> -> memref<800xi32, #tpu.memory_space<hbm>>
    %dma_start3A_30 = tpu.memref_slice %arg4[%add3A_29] : memref<3200000xi32, #tpu.memory_space<hbm>> -> memref<800xi32, #tpu.memory_space<hbm>>
    tpu.enqueue_dma source(%dma_start3A_30 : memref<800xi32, #tpu.memory_space<hbm>>) target(%arg8 : memref<800xi32, #tpu.memory_space<vmem>>) target_semaphore(%arg18 : memref<!tpu.dma_semaphore, #tpu.memory_space<semaphore_mem>>)
    %dma_start3A_31 = arith.constant 0 : i32
    %dma_start3A_32 = arith.constant 0 : i32
    %dma_start3A_33 = tpu.memref_slice %arg2[%dma_start3A_31, %dma_start3A_32] : memref<100000x16xf32, #tpu.memory_space<hbm>> -> memref<100000x16xf32, #tpu.memory_space<hbm>>
    tpu.enqueue_indirect_dma source(%dma_start3A_33 : memref<100000x16xf32, #tpu.memory_space<hbm>>) target(%arg11 : memref<800x16xf32, #tpu.memory_space<vmem>>) offsets(%arg7 : memref<800xi32, #tpu.memory_space<vmem>>) semaphore(%arg14 : memref<!tpu.dma_semaphore, #tpu.memory_space<semaphore_mem>>)
    %add3A_34 = arith.constant 800 : i32
    %add3A_35 = arith.addi %add3A_20, %add3A_34 : i32
    "tpu.region"() ({
      %run_scoped3A = tpu.sem_alloc : memref<!tpu.dma_semaphore, #tpu.memory_space<semaphore_mem>>
      %dma_start3A_140 = tpu.memref_slice %arg3[%add3A_35] : memref<3200000xi32, #tpu.memory_space<hbm>> -> memref<800xi32, #tpu.memory_space<hbm>>
      %dma_start3A_141 = tpu.memref_slice %arg3[%add3A_35] : memref<3200000xi32, #tpu.memory_space<hbm>> -> memref<800xi32, #tpu.memory_space<hbm>>
      tpu.enqueue_dma source(%dma_start3A_141 : memref<800xi32, #tpu.memory_space<hbm>>) target(%arg9 : memref<800xi32, #tpu.memory_space<vmem>>) target_semaphore(%run_scoped3A : memref<!tpu.dma_semaphore, #tpu.memory_space<semaphore_mem>>)
      %dma_wait3A_142 = tpu.memref_slice %arg3[%add3A_35] : memref<3200000xi32, #tpu.memory_space<hbm>> -> memref<800xi32, #tpu.memory_space<hbm>>
      %dma_wait3A_143 = tpu.memref_slice %arg3[%add3A_35] : memref<3200000xi32, #tpu.memory_space<hbm>> -> memref<800xi32, #tpu.memory_space<hbm>>
      tpu.wait_dma2 semaphore(%run_scoped3A : memref<!tpu.dma_semaphore, #tpu.memory_space<semaphore_mem>>) src(%dma_wait3A_143 : memref<800xi32, #tpu.memory_space<hbm>>) dst(%arg9 : memref<800xi32, #tpu.memory_space<vmem>>)
      tpu.yield
    }) : () -> ()
    %dma_start3A_36 = arith.constant 0 : i32
    %dma_start3A_37 = arith.constant 0 : i32
    %dma_start3A_38 = tpu.memref_slice %arg2[%dma_start3A_36, %dma_start3A_37] : memref<100000x16xf32, #tpu.memory_space<hbm>> -> memref<100000x16xf32, #tpu.memory_space<hbm>>
    tpu.enqueue_indirect_dma source(%dma_start3A_38 : memref<100000x16xf32, #tpu.memory_space<hbm>>) target(%arg12 : memref<800x16xf32, #tpu.memory_space<vmem>>) offsets(%arg9 : memref<800xi32, #tpu.memory_space<vmem>>) semaphore(%arg15 : memref<!tpu.dma_semaphore, #tpu.memory_space<semaphore_mem>>)
    %add3A_39 = arith.constant 800 : i32
    %add3A_40 = arith.addi %add3A_25, %add3A_39 : i32
    %dma_start3A_41 = tpu.memref_slice %arg4[%add3A_40] : memref<3200000xi32, #tpu.memory_space<hbm>> -> memref<800xi32, #tpu.memory_space<hbm>>
    %dma_start3A_42 = tpu.memref_slice %arg4[%add3A_40] : memref<3200000xi32, #tpu.memory_space<hbm>> -> memref<800xi32, #tpu.memory_space<hbm>>
    tpu.enqueue_dma source(%dma_start3A_42 : memref<800xi32, #tpu.memory_space<hbm>>) target(%arg10 : memref<800xi32, #tpu.memory_space<vmem>>) target_semaphore(%arg19 : memref<!tpu.dma_semaphore, #tpu.memory_space<semaphore_mem>>)
    %dma_wait3A = arith.constant 0 : i32
    %dma_wait3A_43 = arith.constant 0 : i32
    %dma_wait3A_44 = tpu.memref_slice %arg2[%dma_wait3A, %dma_wait3A_43] : memref<100000x16xf32, #tpu.memory_space<hbm>> -> memref<100000x16xf32, #tpu.memory_space<hbm>>
    tpu.wait_indirect_dma semaphore(%arg14 : memref<!tpu.dma_semaphore, #tpu.memory_space<semaphore_mem>>) src(%dma_wait3A_44 : memref<100000x16xf32, #tpu.memory_space<hbm>>) dst(%arg11 : memref<800x16xf32, #tpu.memory_space<vmem>>)
    %add3A_45 = arith.constant 0 : i32
    %add3A_46 = arith.addi %add3A_25, %add3A_45 : i32
    %dma_wait3A_47 = tpu.memref_slice %arg4[%add3A_46] : memref<3200000xi32, #tpu.memory_space<hbm>> -> memref<800xi32, #tpu.memory_space<hbm>>
    %dma_wait3A_48 = tpu.memref_slice %arg4[%add3A_46] : memref<3200000xi32, #tpu.memory_space<hbm>> -> memref<800xi32, #tpu.memory_space<hbm>>
    tpu.wait_dma2 semaphore(%arg18 : memref<!tpu.dma_semaphore, #tpu.memory_space<semaphore_mem>>) src(%dma_wait3A_48 : memref<800xi32, #tpu.memory_space<hbm>>) dst(%arg8 : memref<800xi32, #tpu.memory_space<vmem>>)
    %dma_start3A_49 = arith.constant 0 : i32
    %dma_start3A_50 = arith.constant 0 : i32
    %dma_start3A_51 = tpu.memref_slice %arg13[%dma_start3A_49, %dma_start3A_50] : memref<100096x16xf32, #tpu.memory_space<vmem_shared>> -> memref<100096x16xf32, #tpu.memory_space<vmem_shared>>
    tpu.enqueue_indirect_dma source(%arg11 : memref<800x16xf32, #tpu.memory_space<vmem>>) target(%dma_start3A_51 : memref<100096x16xf32, #tpu.memory_space<vmem_shared>>) offsets(%arg8 : memref<800xi32, #tpu.memory_space<vmem>>) semaphore(%arg16 : memref<!tpu.dma_semaphore, #tpu.memory_space<semaphore_mem>>) {add = true}
    %dma_wait3A_52 = arith.constant 0 : i32
    %dma_wait3A_53 = arith.constant 0 : i32
    %dma_wait3A_54 = tpu.memref_slice %arg2[%dma_wait3A_52, %dma_wait3A_53] : memref<100000x16xf32, #tpu.memory_space<hbm>> -> memref<100000x16xf32, #tpu.memory_space<hbm>>
    tpu.wait_indirect_dma semaphore(%arg15 : memref<!tpu.dma_semaphore, #tpu.memory_space<semaphore_mem>>) src(%dma_wait3A_54 : memref<100000x16xf32, #tpu.memory_space<hbm>>) dst(%arg12 : memref<800x16xf32, #tpu.memory_space<vmem>>)
    %add3A_55 = arith.constant 800 : i32
    %add3A_56 = arith.addi %add3A_25, %add3A_55 : i32
    %dma_wait3A_57 = tpu.memref_slice %arg4[%add3A_56] : memref<3200000xi32, #tpu.memory_space<hbm>> -> memref<800xi32, #tpu.memory_space<hbm>>
    %dma_wait3A_58 = tpu.memref_slice %arg4[%add3A_56] : memref<3200000xi32, #tpu.memory_space<hbm>> -> memref<800xi32, #tpu.memory_space<hbm>>
    tpu.wait_dma2 semaphore(%arg19 : memref<!tpu.dma_semaphore, #tpu.memory_space<semaphore_mem>>) src(%dma_wait3A_58 : memref<800xi32, #tpu.memory_space<hbm>>) dst(%arg10 : memref<800xi32, #tpu.memory_space<vmem>>)
    %dma_start3A_59 = arith.constant 0 : i32
    %dma_start3A_60 = arith.constant 0 : i32
    %dma_start3A_61 = tpu.memref_slice %arg13[%dma_start3A_59, %dma_start3A_60] : memref<100096x16xf32, #tpu.memory_space<vmem_shared>> -> memref<100096x16xf32, #tpu.memory_space<vmem_shared>>
    tpu.enqueue_indirect_dma source(%arg12 : memref<800x16xf32, #tpu.memory_space<vmem>>) target(%dma_start3A_61 : memref<100096x16xf32, #tpu.memory_space<vmem_shared>>) offsets(%arg10 : memref<800xi32, #tpu.memory_space<vmem>>) semaphore(%arg17 : memref<!tpu.dma_semaphore, #tpu.memory_space<semaphore_mem>>) {add = true}
    %dma_wait3A_62 = arith.constant 0 : i32
    %dma_wait3A_63 = arith.constant 0 : i32
    %dma_wait3A_64 = tpu.memref_slice %arg13[%dma_wait3A_62, %dma_wait3A_63] : memref<100096x16xf32, #tpu.memory_space<vmem_shared>> -> memref<100096x16xf32, #tpu.memory_space<vmem_shared>>
    tpu.wait_indirect_dma semaphore(%arg16 : memref<!tpu.dma_semaphore, #tpu.memory_space<semaphore_mem>>) src(%arg11 : memref<800x16xf32, #tpu.memory_space<vmem>>) dst(%dma_wait3A_64 : memref<100096x16xf32, #tpu.memory_space<vmem_shared>>)
    %scan3A = arith.constant 0 : i32
    %scan3A_65 = arith.constant 1 : i32
    %scan3A_66 = arith.constant 61 : i32
    %scan3A_67 = arith.addi %scan3A_65, %scan3A_66 : i32
    %scan3A_68 = arith.constant 1 : i32
    scf.for %scan3A_140 = %scan3A_65 to %scan3A_67 step %scan3A_68  : i32 {
      %mul3A_141 = arith.constant 2 : i32
      %mul3A_142 = arith.muli %mul3A_141, %scan3A_140 : i32
      %mul3A_143 = arith.constant 800 : i32
      %mul3A_144 = arith.muli %mul3A_142, %mul3A_143 : i32
      %add3A_145 = arith.addi %add3A_20, %mul3A_144 : i32
      "tpu.region"() ({
        %run_scoped3A = tpu.sem_alloc : memref<!tpu.dma_semaphore, #tpu.memory_space<semaphore_mem>>
        %dma_start3A_199 = tpu.memref_slice %arg3[%add3A_145] : memref<3200000xi32, #tpu.memory_space<hbm>> -> memref<800xi32, #tpu.memory_space<hbm>>
        %dma_start3A_200 = tpu.memref_slice %arg3[%add3A_145] : memref<3200000xi32, #tpu.memory_space<hbm>> -> memref<800xi32, #tpu.memory_space<hbm>>
        tpu.enqueue_dma source(%dma_start3A_200 : memref<800xi32, #tpu.memory_space<hbm>>) target(%arg7 : memref<800xi32, #tpu.memory_space<vmem>>) target_semaphore(%run_scoped3A : memref<!tpu.dma_semaphore, #tpu.memory_space<semaphore_mem>>)
        %dma_wait3A_201 = tpu.memref_slice %arg3[%add3A_145] : memref<3200000xi32, #tpu.memory_space<hbm>> -> memref<800xi32, #tpu.memory_space<hbm>>
        %dma_wait3A_202 = tpu.memref_slice %arg3[%add3A_145] : memref<3200000xi32, #tpu.memory_space<hbm>> -> memref<800xi32, #tpu.memory_space<hbm>>
        tpu.wait_dma2 semaphore(%run_scoped3A : memref<!tpu.dma_semaphore, #tpu.memory_space<semaphore_mem>>) src(%dma_wait3A_202 : memref<800xi32, #tpu.memory_space<hbm>>) dst(%arg7 : memref<800xi32, #tpu.memory_space<vmem>>)
        tpu.yield
      }) : () -> ()
      %mul3A_146 = arith.constant 800 : i32
      %mul3A_147 = arith.muli %mul3A_142, %mul3A_146 : i32
      %add3A_148 = arith.addi %add3A_25, %mul3A_147 : i32
      %dma_start3A_149 = tpu.memref_slice %arg4[%add3A_148] : memref<3200000xi32, #tpu.memory_space<hbm>> -> memref<800xi32, #tpu.memory_space<hbm>>
      %dma_start3A_150 = tpu.memref_slice %arg4[%add3A_148] : memref<3200000xi32, #tpu.memory_space<hbm>> -> memref<800xi32, #tpu.memory_space<hbm>>
      tpu.enqueue_dma source(%dma_start3A_150 : memref<800xi32, #tpu.memory_space<hbm>>) target(%arg8 : memref<800xi32, #tpu.memory_space<vmem>>) target_semaphore(%arg18 : memref<!tpu.dma_semaphore, #tpu.memory_space<semaphore_mem>>)
      %dma_start3A_151 = arith.constant 0 : i32
      %dma_start3A_152 = arith.constant 0 : i32
      %dma_start3A_153 = tpu.memref_slice %arg2[%dma_start3A_151, %dma_start3A_152] : memref<100000x16xf32, #tpu.memory_space<hbm>> -> memref<100000x16xf32, #tpu.memory_space<hbm>>
      tpu.enqueue_indirect_dma source(%dma_start3A_153 : memref<100000x16xf32, #tpu.memory_space<hbm>>) target(%arg11 : memref<800x16xf32, #tpu.memory_space<vmem>>) offsets(%arg7 : memref<800xi32, #tpu.memory_space<vmem>>) semaphore(%arg14 : memref<!tpu.dma_semaphore, #tpu.memory_space<semaphore_mem>>)
      %add3A_154 = arith.constant 1 : i32
      %add3A_155 = arith.addi %mul3A_142, %add3A_154 : i32
      %mul3A_156 = arith.constant 800 : i32
      %mul3A_157 = arith.muli %add3A_155, %mul3A_156 : i32
      %add3A_158 = arith.addi %add3A_20, %mul3A_157 : i32
      "tpu.region"() ({
        %run_scoped3A = tpu.sem_alloc : memref<!tpu.dma_semaphore, #tpu.memory_space<semaphore_mem>>
        %dma_start3A_199 = tpu.memref_slice %arg3[%add3A_158] : memref<3200000xi32, #tpu.memory_space<hbm>> -> memref<800xi32, #tpu.memory_space<hbm>>
        %dma_start3A_200 = tpu.memref_slice %arg3[%add3A_158] : memref<3200000xi32, #tpu.memory_space<hbm>> -> memref<800xi32, #tpu.memory_space<hbm>>
        tpu.enqueue_dma source(%dma_start3A_200 : memref<800xi32, #tpu.memory_space<hbm>>) target(%arg9 : memref<800xi32, #tpu.memory_space<vmem>>) target_semaphore(%run_scoped3A : memref<!tpu.dma_semaphore, #tpu.memory_space<semaphore_mem>>)
        %dma_wait3A_201 = tpu.memref_slice %arg3[%add3A_158] : memref<3200000xi32, #tpu.memory_space<hbm>> -> memref<800xi32, #tpu.memory_space<hbm>>
        %dma_wait3A_202 = tpu.memref_slice %arg3[%add3A_158] : memref<3200000xi32, #tpu.memory_space<hbm>> -> memref<800xi32, #tpu.memory_space<hbm>>
        tpu.wait_dma2 semaphore(%run_scoped3A : memref<!tpu.dma_semaphore, #tpu.memory_space<semaphore_mem>>) src(%dma_wait3A_202 : memref<800xi32, #tpu.memory_space<hbm>>) dst(%arg9 : memref<800xi32, #tpu.memory_space<vmem>>)
        tpu.yield
      }) : () -> ()
      %dma_wait3A_159 = arith.constant 0 : i32
      %dma_wait3A_160 = arith.constant 0 : i32
      %dma_wait3A_161 = tpu.memref_slice %arg13[%dma_wait3A_159, %dma_wait3A_160] : memref<100096x16xf32, #tpu.memory_space<vmem_shared>> -> memref<100096x16xf32, #tpu.memory_space<vmem_shared>>
      tpu.wait_indirect_dma semaphore(%arg17 : memref<!tpu.dma_semaphore, #tpu.memory_space<semaphore_mem>>) src(%arg12 : memref<800x16xf32, #tpu.memory_space<vmem>>) dst(%dma_wait3A_161 : memref<100096x16xf32, #tpu.memory_space<vmem_shared>>)
      %dma_start3A_162 = arith.constant 0 : i32
      %dma_start3A_163 = arith.constant 0 : i32
      %dma_start3A_164 = tpu.memref_slice %arg2[%dma_start3A_162, %dma_start3A_163] : memref<100000x16xf32, #tpu.memory_space<hbm>> -> memref<100000x16xf32, #tpu.memory_space<hbm>>
      tpu.enqueue_indirect_dma source(%dma_start3A_164 : memref<100000x16xf32, #tpu.memory_space<hbm>>) target(%arg12 : memref<800x16xf32, #tpu.memory_space<vmem>>) offsets(%arg9 : memref<800xi32, #tpu.memory_space<vmem>>) semaphore(%arg15 : memref<!tpu.dma_semaphore, #tpu.memory_space<semaphore_mem>>)
      %add3A_165 = arith.constant 1 : i32
      %add3A_166 = arith.addi %mul3A_142, %add3A_165 : i32
      %mul3A_167 = arith.constant 800 : i32
      %mul3A_168 = arith.muli %add3A_166, %mul3A_167 : i32
      %add3A_169 = arith.addi %add3A_25, %mul3A_168 : i32
      %dma_start3A_170 = tpu.memref_slice %arg4[%add3A_169] : memref<3200000xi32, #tpu.memory_space<hbm>> -> memref<800xi32, #tpu.memory_space<hbm>>
      %dma_start3A_171 = tpu.memref_slice %arg4[%add3A_169] : memref<3200000xi32, #tpu.memory_space<hbm>> -> memref<800xi32, #tpu.memory_space<hbm>>
      tpu.enqueue_dma source(%dma_start3A_171 : memref<800xi32, #tpu.memory_space<hbm>>) target(%arg10 : memref<800xi32, #tpu.memory_space<vmem>>) target_semaphore(%arg19 : memref<!tpu.dma_semaphore, #tpu.memory_space<semaphore_mem>>)
      %dma_wait3A_172 = arith.constant 0 : i32
      %dma_wait3A_173 = arith.constant 0 : i32
      %dma_wait3A_174 = tpu.memref_slice %arg2[%dma_wait3A_172, %dma_wait3A_173] : memref<100000x16xf32, #tpu.memory_space<hbm>> -> memref<100000x16xf32, #tpu.memory_space<hbm>>
      tpu.wait_indirect_dma semaphore(%arg14 : memref<!tpu.dma_semaphore, #tpu.memory_space<semaphore_mem>>) src(%dma_wait3A_174 : memref<100000x16xf32, #tpu.memory_space<hbm>>) dst(%arg11 : memref<800x16xf32, #tpu.memory_space<vmem>>)
      %mul3A_175 = arith.constant 800 : i32
      %mul3A_176 = arith.muli %mul3A_142, %mul3A_175 : i32
      %add3A_177 = arith.addi %add3A_25, %mul3A_176 : i32
      %dma_wait3A_178 = tpu.memref_slice %arg4[%add3A_177] : memref<3200000xi32, #tpu.memory_space<hbm>> -> memref<800xi32, #tpu.memory_space<hbm>>
      %dma_wait3A_179 = tpu.memref_slice %arg4[%add3A_177] : memref<3200000xi32, #tpu.memory_space<hbm>> -> memref<800xi32, #tpu.memory_space<hbm>>
      tpu.wait_dma2 semaphore(%arg18 : memref<!tpu.dma_semaphore, #tpu.memory_space<semaphore_mem>>) src(%dma_wait3A_179 : memref<800xi32, #tpu.memory_space<hbm>>) dst(%arg8 : memref<800xi32, #tpu.memory_space<vmem>>)
      %dma_start3A_180 = arith.constant 0 : i32
      %dma_start3A_181 = arith.constant 0 : i32
      %dma_start3A_182 = tpu.memref_slice %arg13[%dma_start3A_180, %dma_start3A_181] : memref<100096x16xf32, #tpu.memory_space<vmem_shared>> -> memref<100096x16xf32, #tpu.memory_space<vmem_shared>>
      tpu.enqueue_indirect_dma source(%arg11 : memref<800x16xf32, #tpu.memory_space<vmem>>) target(%dma_start3A_182 : memref<100096x16xf32, #tpu.memory_space<vmem_shared>>) offsets(%arg8 : memref<800xi32, #tpu.memory_space<vmem>>) semaphore(%arg16 : memref<!tpu.dma_semaphore, #tpu.memory_space<semaphore_mem>>) {add = true}
      %dma_wait3A_183 = arith.constant 0 : i32
      %dma_wait3A_184 = arith.constant 0 : i32
      %dma_wait3A_185 = tpu.memref_slice %arg2[%dma_wait3A_183, %dma_wait3A_184] : memref<100000x16xf32, #tpu.memory_space<hbm>> -> memref<100000x16xf32, #tpu.memory_space<hbm>>
      tpu.wait_indirect_dma semaphore(%arg15 : memref<!tpu.dma_semaphore, #tpu.memory_space<semaphore_mem>>) src(%dma_wait3A_185 : memref<100000x16xf32, #tpu.memory_space<hbm>>) dst(%arg12 : memref<800x16xf32, #tpu.memory_space<vmem>>)
      %add3A_186 = arith.constant 1 : i32
      %add3A_187 = arith.addi %mul3A_142, %add3A_186 : i32
      %mul3A_188 = arith.constant 800 : i32
      %mul3A_189 = arith.muli %add3A_187, %mul3A_188 : i32
      %add3A_190 = arith.addi %add3A_25, %mul3A_189 : i32
      %dma_wait3A_191 = tpu.memref_slice %arg4[%add3A_190] : memref<3200000xi32, #tpu.memory_space<hbm>> -> memref<800xi32, #tpu.memory_space<hbm>>
      %dma_wait3A_192 = tpu.memref_slice %arg4[%add3A_190] : memref<3200000xi32, #tpu.memory_space<hbm>> -> memref<800xi32, #tpu.memory_space<hbm>>
      tpu.wait_dma2 semaphore(%arg19 : memref<!tpu.dma_semaphore, #tpu.memory_space<semaphore_mem>>) src(%dma_wait3A_192 : memref<800xi32, #tpu.memory_space<hbm>>) dst(%arg10 : memref<800xi32, #tpu.memory_space<vmem>>)
      %dma_start3A_193 = arith.constant 0 : i32
      %dma_start3A_194 = arith.constant 0 : i32
      %dma_start3A_195 = tpu.memref_slice %arg13[%dma_start3A_193, %dma_start3A_194] : memref<100096x16xf32, #tpu.memory_space<vmem_shared>> -> memref<100096x16xf32, #tpu.memory_space<vmem_shared>>
      tpu.enqueue_indirect_dma source(%arg12 : memref<800x16xf32, #tpu.memory_space<vmem>>) target(%dma_start3A_195 : memref<100096x16xf32, #tpu.memory_space<vmem_shared>>) offsets(%arg10 : memref<800xi32, #tpu.memory_space<vmem>>) semaphore(%arg17 : memref<!tpu.dma_semaphore, #tpu.memory_space<semaphore_mem>>) {add = true}
      %dma_wait3A_196 = arith.constant 0 : i32
      %dma_wait3A_197 = arith.constant 0 : i32
      %dma_wait3A_198 = tpu.memref_slice %arg13[%dma_wait3A_196, %dma_wait3A_197] : memref<100096x16xf32, #tpu.memory_space<vmem_shared>> -> memref<100096x16xf32, #tpu.memory_space<vmem_shared>>
      tpu.wait_indirect_dma semaphore(%arg16 : memref<!tpu.dma_semaphore, #tpu.memory_space<semaphore_mem>>) src(%arg11 : memref<800x16xf32, #tpu.memory_space<vmem>>) dst(%dma_wait3A_198 : memref<100096x16xf32, #tpu.memory_space<vmem_shared>>)
    }
    %scan3A_69 = arith.constant 61 : i32
    %dma_wait3A_70 = arith.constant 0 : i32
    %dma_wait3A_71 = arith.constant 0 : i32
    %dma_wait3A_72 = tpu.memref_slice %arg13[%dma_wait3A_70, %dma_wait3A_71] : memref<100096x16xf32, #tpu.memory_space<vmem_shared>> -> memref<100096x16xf32, #tpu.memory_space<vmem_shared>>
    tpu.wait_indirect_dma semaphore(%arg17 : memref<!tpu.dma_semaphore, #tpu.memory_space<semaphore_mem>>) src(%arg12 : memref<800x16xf32, #tpu.memory_space<vmem>>) dst(%dma_wait3A_72 : memref<100096x16xf32, #tpu.memory_space<vmem_shared>>)
    %add3A_73 = arith.constant 99200 : i32
    %add3A_74 = arith.addi %add3A_20, %add3A_73 : i32
    "tpu.region"() ({
      %run_scoped3A = tpu.sem_alloc : memref<!tpu.dma_semaphore, #tpu.memory_space<semaphore_mem>>
      %dma_start3A_140 = tpu.memref_slice %arg3[%add3A_74] : memref<3200000xi32, #tpu.memory_space<hbm>> -> memref<800xi32, #tpu.memory_space<hbm>>
      %dma_start3A_141 = tpu.memref_slice %arg3[%add3A_74] : memref<3200000xi32, #tpu.memory_space<hbm>> -> memref<800xi32, #tpu.memory_space<hbm>>
      tpu.enqueue_dma source(%dma_start3A_141 : memref<800xi32, #tpu.memory_space<hbm>>) target(%arg7 : memref<800xi32, #tpu.memory_space<vmem>>) target_semaphore(%run_scoped3A : memref<!tpu.dma_semaphore, #tpu.memory_space<semaphore_mem>>)
      %dma_wait3A_142 = tpu.memref_slice %arg3[%add3A_74] : memref<3200000xi32, #tpu.memory_space<hbm>> -> memref<800xi32, #tpu.memory_space<hbm>>
      %dma_wait3A_143 = tpu.memref_slice %arg3[%add3A_74] : memref<3200000xi32, #tpu.memory_space<hbm>> -> memref<800xi32, #tpu.memory_space<hbm>>
      tpu.wait_dma2 semaphore(%run_scoped3A : memref<!tpu.dma_semaphore, #tpu.memory_space<semaphore_mem>>) src(%dma_wait3A_143 : memref<800xi32, #tpu.memory_space<hbm>>) dst(%arg7 : memref<800xi32, #tpu.memory_space<vmem>>)
      tpu.yield
    }) : () -> ()
    %add3A_75 = arith.constant 99200 : i32
    %add3A_76 = arith.addi %add3A_25, %add3A_75 : i32
    %dma_start3A_77 = tpu.memref_slice %arg4[%add3A_76] : memref<3200000xi32, #tpu.memory_space<hbm>> -> memref<800xi32, #tpu.memory_space<hbm>>
    %dma_start3A_78 = tpu.memref_slice %arg4[%add3A_76] : memref<3200000xi32, #tpu.memory_space<hbm>> -> memref<800xi32, #tpu.memory_space<hbm>>
    tpu.enqueue_dma source(%dma_start3A_78 : memref<800xi32, #tpu.memory_space<hbm>>) target(%arg8 : memref<800xi32, #tpu.memory_space<vmem>>) target_semaphore(%arg18 : memref<!tpu.dma_semaphore, #tpu.memory_space<semaphore_mem>>)
    %add3A_79 = arith.constant 99200 : i32
    %add3A_80 = arith.addi %add3A_25, %add3A_79 : i32
    %dma_wait3A_81 = tpu.memref_slice %arg4[%add3A_80] : memref<3200000xi32, #tpu.memory_space<hbm>> -> memref<800xi32, #tpu.memory_space<hbm>>
    %dma_wait3A_82 = tpu.memref_slice %arg4[%add3A_80] : memref<3200000xi32, #tpu.memory_space<hbm>> -> memref<800xi32, #tpu.memory_space<hbm>>
    tpu.wait_dma2 semaphore(%arg18 : memref<!tpu.dma_semaphore, #tpu.memory_space<semaphore_mem>>) src(%dma_wait3A_82 : memref<800xi32, #tpu.memory_space<hbm>>) dst(%arg8 : memref<800xi32, #tpu.memory_space<vmem>>)
    "tpu.region"() ({
      %run_scoped3A = tpu.sem_alloc : memref<!tpu.dma_semaphore, #tpu.memory_space<semaphore_mem>>
      %dma_start3A_140 = arith.constant 0 : i32
      %dma_start3A_141 = arith.constant 0 : i32
      %dma_start3A_142 = tpu.memref_slice %arg2[%dma_start3A_140, %dma_start3A_141] : memref<100000x16xf32, #tpu.memory_space<hbm>> -> memref<100000x16xf32, #tpu.memory_space<hbm>>
      tpu.enqueue_indirect_dma source(%dma_start3A_142 : memref<100000x16xf32, #tpu.memory_space<hbm>>) target(%arg11 : memref<800x16xf32, #tpu.memory_space<vmem>>) offsets(%arg7 : memref<800xi32, #tpu.memory_space<vmem>>) semaphore(%run_scoped3A : memref<!tpu.dma_semaphore, #tpu.memory_space<semaphore_mem>>)
      %dma_wait3A_143 = arith.constant 0 : i32
      %dma_wait3A_144 = arith.constant 0 : i32
      %dma_wait3A_145 = tpu.memref_slice %arg2[%dma_wait3A_143, %dma_wait3A_144] : memref<100000x16xf32, #tpu.memory_space<hbm>> -> memref<100000x16xf32, #tpu.memory_space<hbm>>
      tpu.wait_indirect_dma semaphore(%run_scoped3A : memref<!tpu.dma_semaphore, #tpu.memory_space<semaphore_mem>>) src(%dma_wait3A_145 : memref<100000x16xf32, #tpu.memory_space<hbm>>) dst(%arg11 : memref<800x16xf32, #tpu.memory_space<vmem>>)
      tpu.yield
    }) : () -> ()
    "tpu.region"() ({
      %run_scoped3A = tpu.sem_alloc : memref<!tpu.dma_semaphore, #tpu.memory_space<semaphore_mem>>
      %dma_start3A_140 = arith.constant 0 : i32
      %dma_start3A_141 = arith.constant 0 : i32
      %dma_start3A_142 = tpu.memref_slice %arg13[%dma_start3A_140, %dma_start3A_141] : memref<100096x16xf32, #tpu.memory_space<vmem_shared>> -> memref<100096x16xf32, #tpu.memory_space<vmem_shared>>
      tpu.enqueue_indirect_dma source(%arg11 : memref<800x16xf32, #tpu.memory_space<vmem>>) target(%dma_start3A_142 : memref<100096x16xf32, #tpu.memory_space<vmem_shared>>) offsets(%arg8 : memref<800xi32, #tpu.memory_space<vmem>>) semaphore(%run_scoped3A : memref<!tpu.dma_semaphore, #tpu.memory_space<semaphore_mem>>) {add = true}
      %dma_wait3A_143 = arith.constant 0 : i32
      %dma_wait3A_144 = arith.constant 0 : i32
      %dma_wait3A_145 = tpu.memref_slice %arg13[%dma_wait3A_143, %dma_wait3A_144] : memref<100096x16xf32, #tpu.memory_space<vmem_shared>> -> memref<100096x16xf32, #tpu.memory_space<vmem_shared>>
      tpu.wait_indirect_dma semaphore(%run_scoped3A : memref<!tpu.dma_semaphore, #tpu.memory_space<semaphore_mem>>) src(%arg11 : memref<800x16xf32, #tpu.memory_space<vmem>>) dst(%dma_wait3A_145 : memref<100096x16xf32, #tpu.memory_space<vmem_shared>>)
      tpu.yield
    }) : () -> ()
    %barrier3A_83 = arith.constant 0 : index
    tpu.barrier barrier_id(%barrier3A_83)
    %add3A_84 = arith.constant 0 : i32
    %add3A_85 = arith.addi %mul3A_0, %add3A_84 : i32
    "tpu.region"() ({
      %run_scoped3A = tpu.sem_alloc : memref<!tpu.dma_semaphore, #tpu.memory_space<semaphore_mem>>
      %dma_start3A_140 = arith.constant 0 : i32
      %dma_start3A_141 = arith.constant 0 : i32
      %dma_start3A_142 = tpu.memref_slice %arg11[%dma_start3A_140, %dma_start3A_141] : memref<800x16xf32, #tpu.memory_space<vmem>> -> memref<800x16xf32, #tpu.memory_space<vmem>>
      %dma_start3A_143 = arith.constant 0 : i32
      %dma_start3A_144 = tpu.memref_slice %arg13[%add3A_85, %dma_start3A_143] : memref<100096x16xf32, #tpu.memory_space<vmem_shared>> -> memref<800x16xf32, #tpu.memory_space<vmem_shared>>
      %dma_start3A_145 = arith.constant 0 : i32
      %dma_start3A_146 = arith.constant 0 : i32
      %dma_start3A_147 = tpu.memref_slice %arg11[%dma_start3A_145, %dma_start3A_146] : memref<800x16xf32, #tpu.memory_space<vmem>> -> memref<800x16xf32, #tpu.memory_space<vmem>>
      %dma_start3A_148 = arith.constant 0 : i32
      %dma_start3A_149 = tpu.memref_slice %arg13[%add3A_85, %dma_start3A_148] : memref<100096x16xf32, #tpu.memory_space<vmem_shared>> -> memref<800x16xf32, #tpu.memory_space<vmem_shared>>
      tpu.enqueue_dma source(%dma_start3A_149 : memref<800x16xf32, #tpu.memory_space<vmem_shared>>) target(%dma_start3A_147 : memref<800x16xf32, #tpu.memory_space<vmem>>) target_semaphore(%run_scoped3A : memref<!tpu.dma_semaphore, #tpu.memory_space<semaphore_mem>>)
      %dma_wait3A_150 = arith.constant 0 : i32
      %dma_wait3A_151 = arith.constant 0 : i32
      %dma_wait3A_152 = tpu.memref_slice %arg11[%dma_wait3A_150, %dma_wait3A_151] : memref<800x16xf32, #tpu.memory_space<vmem>> -> memref<800x16xf32, #tpu.memory_space<vmem>>
      %dma_wait3A_153 = arith.constant 0 : i32
      %dma_wait3A_154 = tpu.memref_slice %arg13[%add3A_85, %dma_wait3A_153] : memref<100096x16xf32, #tpu.memory_space<vmem_shared>> -> memref<800x16xf32, #tpu.memory_space<vmem_shared>>
      %dma_wait3A_155 = arith.constant 0 : i32
      %dma_wait3A_156 = arith.constant 0 : i32
      %dma_wait3A_157 = tpu.memref_slice %arg11[%dma_wait3A_155, %dma_wait3A_156] : memref<800x16xf32, #tpu.memory_space<vmem>> -> memref<800x16xf32, #tpu.memory_space<vmem>>
      %dma_wait3A_158 = arith.constant 0 : i32
      %dma_wait3A_159 = tpu.memref_slice %arg13[%add3A_85, %dma_wait3A_158] : memref<100096x16xf32, #tpu.memory_space<vmem_shared>> -> memref<800x16xf32, #tpu.memory_space<vmem_shared>>
      tpu.wait_dma2 semaphore(%run_scoped3A : memref<!tpu.dma_semaphore, #tpu.memory_space<semaphore_mem>>) src(%dma_wait3A_159 : memref<800x16xf32, #tpu.memory_space<vmem_shared>>) dst(%dma_wait3A_157 : memref<800x16xf32, #tpu.memory_space<vmem>>)
      tpu.yield
    }) : () -> ()
    %mul3A_86 = arith.constant 100096 : i32
    %mul3A_87 = arith.muli %arg0, %mul3A_86 : i32
    %add3A_88 = arith.addi %mul3A_87, %mul3A_0 : i32
    %add3A_89 = arith.constant 0 : i32
    %add3A_90 = arith.addi %add3A_88, %add3A_89 : i32
    "tpu.region"() ({
      %run_scoped3A = tpu.sem_alloc : memref<!tpu.dma_semaphore, #tpu.memory_space<semaphore_mem>>
      %dma_start3A_140 = arith.constant 0 : i32
      %dma_start3A_141 = arith.constant 0 : i32
      %dma_start3A_142 = tpu.memref_slice %arg11[%dma_start3A_140, %dma_start3A_141] : memref<800x16xf32, #tpu.memory_space<vmem>> -> memref<800x16xf32, #tpu.memory_space<vmem>>
      %dma_start3A_143 = arith.constant 0 : i32
      %dma_start3A_144 = tpu.memref_slice %arg6[%add3A_90, %dma_start3A_143] : memref<200192x16xf32, #tpu.memory_space<hbm>> -> memref<800x16xf32, #tpu.memory_space<hbm>>
      %dma_start3A_145 = arith.constant 0 : i32
      %dma_start3A_146 = tpu.memref_slice %arg6[%add3A_90, %dma_start3A_145] : memref<200192x16xf32, #tpu.memory_space<hbm>> -> memref<800x16xf32, #tpu.memory_space<hbm>>
      %dma_start3A_147 = arith.constant 0 : i32
      %dma_start3A_148 = arith.constant 0 : i32
      %dma_start3A_149 = tpu.memref_slice %arg11[%dma_start3A_147, %dma_start3A_148] : memref<800x16xf32, #tpu.memory_space<vmem>> -> memref<800x16xf32, #tpu.memory_space<vmem>>
      tpu.enqueue_dma source(%dma_start3A_149 : memref<800x16xf32, #tpu.memory_space<vmem>>) target(%dma_start3A_146 : memref<800x16xf32, #tpu.memory_space<hbm>>) target_semaphore(%run_scoped3A : memref<!tpu.dma_semaphore, #tpu.memory_space<semaphore_mem>>)
      %dma_wait3A_150 = arith.constant 0 : i32
      %dma_wait3A_151 = arith.constant 0 : i32
      %dma_wait3A_152 = tpu.memref_slice %arg11[%dma_wait3A_150, %dma_wait3A_151] : memref<800x16xf32, #tpu.memory_space<vmem>> -> memref<800x16xf32, #tpu.memory_space<vmem>>
      %dma_wait3A_153 = arith.constant 0 : i32
      %dma_wait3A_154 = tpu.memref_slice %arg6[%add3A_90, %dma_wait3A_153] : memref<200192x16xf32, #tpu.memory_space<hbm>> -> memref<800x16xf32, #tpu.memory_space<hbm>>
      %dma_wait3A_155 = arith.constant 0 : i32
      %dma_wait3A_156 = tpu.memref_slice %arg6[%add3A_90, %dma_wait3A_155] : memref<200192x16xf32, #tpu.memory_space<hbm>> -> memref<800x16xf32, #tpu.memory_space<hbm>>
      %dma_wait3A_157 = arith.constant 0 : i32
      %dma_wait3A_158 = arith.constant 0 : i32
      %dma_wait3A_159 = tpu.memref_slice %arg11[%dma_wait3A_157, %dma_wait3A_158] : memref<800x16xf32, #tpu.memory_space<vmem>> -> memref<800x16xf32, #tpu.memory_space<vmem>>
      tpu.wait_dma2 semaphore(%run_scoped3A : memref<!tpu.dma_semaphore, #tpu.memory_space<semaphore_mem>>) src(%dma_wait3A_159 : memref<800x16xf32, #tpu.memory_space<vmem>>) dst(%dma_wait3A_156 : memref<800x16xf32, #tpu.memory_space<hbm>>)
      tpu.yield
    }) : () -> ()
    %add3A_91 = arith.constant 800 : i32
    %add3A_92 = arith.addi %mul3A_0, %add3A_91 : i32
    "tpu.region"() ({
      %run_scoped3A = tpu.sem_alloc : memref<!tpu.dma_semaphore, #tpu.memory_space<semaphore_mem>>
      %dma_start3A_140 = arith.constant 0 : i32
      %dma_start3A_141 = arith.constant 0 : i32
      %dma_start3A_142 = tpu.memref_slice %arg11[%dma_start3A_140, %dma_start3A_141] : memref<800x16xf32, #tpu.memory_space<vmem>> -> memref<800x16xf32, #tpu.memory_space<vmem>>
      %dma_start3A_143 = arith.constant 0 : i32
      %dma_start3A_144 = tpu.memref_slice %arg13[%add3A_92, %dma_start3A_143] : memref<100096x16xf32, #tpu.memory_space<vmem_shared>> -> memref<800x16xf32, #tpu.memory_space<vmem_shared>>
      %dma_start3A_145 = arith.constant 0 : i32
      %dma_start3A_146 = arith.constant 0 : i32
      %dma_start3A_147 = tpu.memref_slice %arg11[%dma_start3A_145, %dma_start3A_146] : memref<800x16xf32, #tpu.memory_space<vmem>> -> memref<800x16xf32, #tpu.memory_space<vmem>>
      %dma_start3A_148 = arith.constant 0 : i32
      %dma_start3A_149 = tpu.memref_slice %arg13[%add3A_92, %dma_start3A_148] : memref<100096x16xf32, #tpu.memory_space<vmem_shared>> -> memref<800x16xf32, #tpu.memory_space<vmem_shared>>
      tpu.enqueue_dma source(%dma_start3A_149 : memref<800x16xf32, #tpu.memory_space<vmem_shared>>) target(%dma_start3A_147 : memref<800x16xf32, #tpu.memory_space<vmem>>) target_semaphore(%run_scoped3A : memref<!tpu.dma_semaphore, #tpu.memory_space<semaphore_mem>>)
      %dma_wait3A_150 = arith.constant 0 : i32
      %dma_wait3A_151 = arith.constant 0 : i32
      %dma_wait3A_152 = tpu.memref_slice %arg11[%dma_wait3A_150, %dma_wait3A_151] : memref<800x16xf32, #tpu.memory_space<vmem>> -> memref<800x16xf32, #tpu.memory_space<vmem>>
      %dma_wait3A_153 = arith.constant 0 : i32
      %dma_wait3A_154 = tpu.memref_slice %arg13[%add3A_92, %dma_wait3A_153] : memref<100096x16xf32, #tpu.memory_space<vmem_shared>> -> memref<800x16xf32, #tpu.memory_space<vmem_shared>>
      %dma_wait3A_155 = arith.constant 0 : i32
      %dma_wait3A_156 = arith.constant 0 : i32
      %dma_wait3A_157 = tpu.memref_slice %arg11[%dma_wait3A_155, %dma_wait3A_156] : memref<800x16xf32, #tpu.memory_space<vmem>> -> memref<800x16xf32, #tpu.memory_space<vmem>>
      %dma_wait3A_158 = arith.constant 0 : i32
      %dma_wait3A_159 = tpu.memref_slice %arg13[%add3A_92, %dma_wait3A_158] : memref<100096x16xf32, #tpu.memory_space<vmem_shared>> -> memref<800x16xf32, #tpu.memory_space<vmem_shared>>
      tpu.wait_dma2 semaphore(%run_scoped3A : memref<!tpu.dma_semaphore, #tpu.memory_space<semaphore_mem>>) src(%dma_wait3A_159 : memref<800x16xf32, #tpu.memory_space<vmem_shared>>) dst(%dma_wait3A_157 : memref<800x16xf32, #tpu.memory_space<vmem>>)
      tpu.yield
    }) : () -> ()
    %mul3A_93 = arith.constant 100096 : i32
    %mul3A_94 = arith.muli %arg0, %mul3A_93 : i32
    %add3A_95 = arith.addi %mul3A_94, %mul3A_0 : i32
    %add3A_96 = arith.constant 800 : i32
    %add3A_97 = arith.addi %add3A_95, %add3A_96 : i32
    "tpu.region"() ({
      %run_scoped3A = tpu.sem_alloc : memref<!tpu.dma_semaphore, #tpu.memory_space<semaphore_mem>>
      %dma_start3A_140 = arith.constant 0 : i32
      %dma_start3A_141 = arith.constant 0 : i32
      %dma_start3A_142 = tpu.memref_slice %arg11[%dma_start3A_140, %dma_start3A_141] : memref<800x16xf32, #tpu.memory_space<vmem>> -> memref<800x16xf32, #tpu.memory_space<vmem>>
      %dma_start3A_143 = arith.constant 0 : i32
      %dma_start3A_144 = tpu.memref_slice %arg6[%add3A_97, %dma_start3A_143] : memref<200192x16xf32, #tpu.memory_space<hbm>> -> memref<800x16xf32, #tpu.memory_space<hbm>>
      %dma_start3A_145 = arith.constant 0 : i32
      %dma_start3A_146 = tpu.memref_slice %arg6[%add3A_97, %dma_start3A_145] : memref<200192x16xf32, #tpu.memory_space<hbm>> -> memref<800x16xf32, #tpu.memory_space<hbm>>
      %dma_start3A_147 = arith.constant 0 : i32
      %dma_start3A_148 = arith.constant 0 : i32
      %dma_start3A_149 = tpu.memref_slice %arg11[%dma_start3A_147, %dma_start3A_148] : memref<800x16xf32, #tpu.memory_space<vmem>> -> memref<800x16xf32, #tpu.memory_space<vmem>>
      tpu.enqueue_dma source(%dma_start3A_149 : memref<800x16xf32, #tpu.memory_space<vmem>>) target(%dma_start3A_146 : memref<800x16xf32, #tpu.memory_space<hbm>>) target_semaphore(%run_scoped3A : memref<!tpu.dma_semaphore, #tpu.memory_space<semaphore_mem>>)
      %dma_wait3A_150 = arith.constant 0 : i32
      %dma_wait3A_151 = arith.constant 0 : i32
      %dma_wait3A_152 = tpu.memref_slice %arg11[%dma_wait3A_150, %dma_wait3A_151] : memref<800x16xf32, #tpu.memory_space<vmem>> -> memref<800x16xf32, #tpu.memory_space<vmem>>
      %dma_wait3A_153 = arith.constant 0 : i32
      %dma_wait3A_154 = tpu.memref_slice %arg6[%add3A_97, %dma_wait3A_153] : memref<200192x16xf32, #tpu.memory_space<hbm>> -> memref<800x16xf32, #tpu.memory_space<hbm>>
      %dma_wait3A_155 = arith.constant 0 : i32
      %dma_wait3A_156 = tpu.memref_slice %arg6[%add3A_97, %dma_wait3A_155] : memref<200192x16xf32, #tpu.memory_space<hbm>> -> memref<800x16xf32, #tpu.memory_space<hbm>>
      %dma_wait3A_157 = arith.constant 0 : i32
      %dma_wait3A_158 = arith.constant 0 : i32
      %dma_wait3A_159 = tpu.memref_slice %arg11[%dma_wait3A_157, %dma_wait3A_158] : memref<800x16xf32, #tpu.memory_space<vmem>> -> memref<800x16xf32, #tpu.memory_space<vmem>>
      tpu.wait_dma2 semaphore(%run_scoped3A : memref<!tpu.dma_semaphore, #tpu.memory_space<semaphore_mem>>) src(%dma_wait3A_159 : memref<800x16xf32, #tpu.memory_space<vmem>>) dst(%dma_wait3A_156 : memref<800x16xf32, #tpu.memory_space<hbm>>)
      tpu.yield
    }) : () -> ()
    %add3A_98 = arith.constant 1600 : i32
    %add3A_99 = arith.addi %mul3A_0, %add3A_98 : i32
    "tpu.region"() ({
      %run_scoped3A = tpu.sem_alloc : memref<!tpu.dma_semaphore, #tpu.memory_space<semaphore_mem>>
      %dma_start3A_140 = arith.constant 0 : i32
      %dma_start3A_141 = arith.constant 0 : i32
      %dma_start3A_142 = tpu.memref_slice %arg11[%dma_start3A_140, %dma_start3A_141] : memref<800x16xf32, #tpu.memory_space<vmem>> -> memref<800x16xf32, #tpu.memory_space<vmem>>
      %dma_start3A_143 = arith.constant 0 : i32
      %dma_start3A_144 = tpu.memref_slice %arg13[%add3A_99, %dma_start3A_143] : memref<100096x16xf32, #tpu.memory_space<vmem_shared>> -> memref<800x16xf32, #tpu.memory_space<vmem_shared>>
      %dma_start3A_145 = arith.constant 0 : i32
      %dma_start3A_146 = arith.constant 0 : i32
      %dma_start3A_147 = tpu.memref_slice %arg11[%dma_start3A_145, %dma_start3A_146] : memref<800x16xf32, #tpu.memory_space<vmem>> -> memref<800x16xf32, #tpu.memory_space<vmem>>
      %dma_start3A_148 = arith.constant 0 : i32
      %dma_start3A_149 = tpu.memref_slice %arg13[%add3A_99, %dma_start3A_148] : memref<100096x16xf32, #tpu.memory_space<vmem_shared>> -> memref<800x16xf32, #tpu.memory_space<vmem_shared>>
      tpu.enqueue_dma source(%dma_start3A_149 : memref<800x16xf32, #tpu.memory_space<vmem_shared>>) target(%dma_start3A_147 : memref<800x16xf32, #tpu.memory_space<vmem>>) target_semaphore(%run_scoped3A : memref<!tpu.dma_semaphore, #tpu.memory_space<semaphore_mem>>)
      %dma_wait3A_150 = arith.constant 0 : i32
      %dma_wait3A_151 = arith.constant 0 : i32
      %dma_wait3A_152 = tpu.memref_slice %arg11[%dma_wait3A_150, %dma_wait3A_151] : memref<800x16xf32, #tpu.memory_space<vmem>> -> memref<800x16xf32, #tpu.memory_space<vmem>>
      %dma_wait3A_153 = arith.constant 0 : i32
      %dma_wait3A_154 = tpu.memref_slice %arg13[%add3A_99, %dma_wait3A_153] : memref<100096x16xf32, #tpu.memory_space<vmem_shared>> -> memref<800x16xf32, #tpu.memory_space<vmem_shared>>
      %dma_wait3A_155 = arith.constant 0 : i32
      %dma_wait3A_156 = arith.constant 0 : i32
      %dma_wait3A_157 = tpu.memref_slice %arg11[%dma_wait3A_155, %dma_wait3A_156] : memref<800x16xf32, #tpu.memory_space<vmem>> -> memref<800x16xf32, #tpu.memory_space<vmem>>
      %dma_wait3A_158 = arith.constant 0 : i32
      %dma_wait3A_159 = tpu.memref_slice %arg13[%add3A_99, %dma_wait3A_158] : memref<100096x16xf32, #tpu.memory_space<vmem_shared>> -> memref<800x16xf32, #tpu.memory_space<vmem_shared>>
      tpu.wait_dma2 semaphore(%run_scoped3A : memref<!tpu.dma_semaphore, #tpu.memory_space<semaphore_mem>>) src(%dma_wait3A_159 : memref<800x16xf32, #tpu.memory_space<vmem_shared>>) dst(%dma_wait3A_157 : memref<800x16xf32, #tpu.memory_space<vmem>>)
      tpu.yield
    }) : () -> ()
    %mul3A_100 = arith.constant 100096 : i32
    %mul3A_101 = arith.muli %arg0, %mul3A_100 : i32
    %add3A_102 = arith.addi %mul3A_101, %mul3A_0 : i32
    %add3A_103 = arith.constant 1600 : i32
    %add3A_104 = arith.addi %add3A_102, %add3A_103 : i32
    "tpu.region"() ({
      %run_scoped3A = tpu.sem_alloc : memref<!tpu.dma_semaphore, #tpu.memory_space<semaphore_mem>>
      %dma_start3A_140 = arith.constant 0 : i32
      %dma_start3A_141 = arith.constant 0 : i32
      %dma_start3A_142 = tpu.memref_slice %arg11[%dma_start3A_140, %dma_start3A_141] : memref<800x16xf32, #tpu.memory_space<vmem>> -> memref<800x16xf32, #tpu.memory_space<vmem>>
      %dma_start3A_143 = arith.constant 0 : i32
      %dma_start3A_144 = tpu.memref_slice %arg6[%add3A_104, %dma_start3A_143] : memref<200192x16xf32, #tpu.memory_space<hbm>> -> memref<800x16xf32, #tpu.memory_space<hbm>>
      %dma_start3A_145 = arith.constant 0 : i32
      %dma_start3A_146 = tpu.memref_slice %arg6[%add3A_104, %dma_start3A_145] : memref<200192x16xf32, #tpu.memory_space<hbm>> -> memref<800x16xf32, #tpu.memory_space<hbm>>
      %dma_start3A_147 = arith.constant 0 : i32
      %dma_start3A_148 = arith.constant 0 : i32
      %dma_start3A_149 = tpu.memref_slice %arg11[%dma_start3A_147, %dma_start3A_148] : memref<800x16xf32, #tpu.memory_space<vmem>> -> memref<800x16xf32, #tpu.memory_space<vmem>>
      tpu.enqueue_dma source(%dma_start3A_149 : memref<800x16xf32, #tpu.memory_space<vmem>>) target(%dma_start3A_146 : memref<800x16xf32, #tpu.memory_space<hbm>>) target_semaphore(%run_scoped3A : memref<!tpu.dma_semaphore, #tpu.memory_space<semaphore_mem>>)
      %dma_wait3A_150 = arith.constant 0 : i32
      %dma_wait3A_151 = arith.constant 0 : i32
      %dma_wait3A_152 = tpu.memref_slice %arg11[%dma_wait3A_150, %dma_wait3A_151] : memref<800x16xf32, #tpu.memory_space<vmem>> -> memref<800x16xf32, #tpu.memory_space<vmem>>
      %dma_wait3A_153 = arith.constant 0 : i32
      %dma_wait3A_154 = tpu.memref_slice %arg6[%add3A_104, %dma_wait3A_153] : memref<200192x16xf32, #tpu.memory_space<hbm>> -> memref<800x16xf32, #tpu.memory_space<hbm>>
      %dma_wait3A_155 = arith.constant 0 : i32
      %dma_wait3A_156 = tpu.memref_slice %arg6[%add3A_104, %dma_wait3A_155] : memref<200192x16xf32, #tpu.memory_space<hbm>> -> memref<800x16xf32, #tpu.memory_space<hbm>>
      %dma_wait3A_157 = arith.constant 0 : i32
      %dma_wait3A_158 = arith.constant 0 : i32
      %dma_wait3A_159 = tpu.memref_slice %arg11[%dma_wait3A_157, %dma_wait3A_158] : memref<800x16xf32, #tpu.memory_space<vmem>> -> memref<800x16xf32, #tpu.memory_space<vmem>>
      tpu.wait_dma2 semaphore(%run_scoped3A : memref<!tpu.dma_semaphore, #tpu.memory_space<semaphore_mem>>) src(%dma_wait3A_159 : memref<800x16xf32, #tpu.memory_space<vmem>>) dst(%dma_wait3A_156 : memref<800x16xf32, #tpu.memory_space<hbm>>)
      tpu.yield
    }) : () -> ()
    %add3A_105 = arith.constant 2400 : i32
    %add3A_106 = arith.addi %mul3A_0, %add3A_105 : i32
    "tpu.region"() ({
      %run_scoped3A = tpu.sem_alloc : memref<!tpu.dma_semaphore, #tpu.memory_space<semaphore_mem>>
      %dma_start3A_140 = arith.constant 0 : i32
      %dma_start3A_141 = arith.constant 0 : i32
      %dma_start3A_142 = tpu.memref_slice %arg11[%dma_start3A_140, %dma_start3A_141] : memref<800x16xf32, #tpu.memory_space<vmem>> -> memref<800x16xf32, #tpu.memory_space<vmem>>
      %dma_start3A_143 = arith.constant 0 : i32
      %dma_start3A_144 = tpu.memref_slice %arg13[%add3A_106, %dma_start3A_143] : memref<100096x16xf32, #tpu.memory_space<vmem_shared>> -> memref<800x16xf32, #tpu.memory_space<vmem_shared>>
      %dma_start3A_145 = arith.constant 0 : i32
      %dma_start3A_146 = arith.constant 0 : i32
      %dma_start3A_147 = tpu.memref_slice %arg11[%dma_start3A_145, %dma_start3A_146] : memref<800x16xf32, #tpu.memory_space<vmem>> -> memref<800x16xf32, #tpu.memory_space<vmem>>
      %dma_start3A_148 = arith.constant 0 : i32
      %dma_start3A_149 = tpu.memref_slice %arg13[%add3A_106, %dma_start3A_148] : memref<100096x16xf32, #tpu.memory_space<vmem_shared>> -> memref<800x16xf32, #tpu.memory_space<vmem_shared>>
      tpu.enqueue_dma source(%dma_start3A_149 : memref<800x16xf32, #tpu.memory_space<vmem_shared>>) target(%dma_start3A_147 : memref<800x16xf32, #tpu.memory_space<vmem>>) target_semaphore(%run_scoped3A : memref<!tpu.dma_semaphore, #tpu.memory_space<semaphore_mem>>)
      %dma_wait3A_150 = arith.constant 0 : i32
      %dma_wait3A_151 = arith.constant 0 : i32
      %dma_wait3A_152 = tpu.memref_slice %arg11[%dma_wait3A_150, %dma_wait3A_151] : memref<800x16xf32, #tpu.memory_space<vmem>> -> memref<800x16xf32, #tpu.memory_space<vmem>>
      %dma_wait3A_153 = arith.constant 0 : i32
      %dma_wait3A_154 = tpu.memref_slice %arg13[%add3A_106, %dma_wait3A_153] : memref<100096x16xf32, #tpu.memory_space<vmem_shared>> -> memref<800x16xf32, #tpu.memory_space<vmem_shared>>
      %dma_wait3A_155 = arith.constant 0 : i32
      %dma_wait3A_156 = arith.constant 0 : i32
      %dma_wait3A_157 = tpu.memref_slice %arg11[%dma_wait3A_155, %dma_wait3A_156] : memref<800x16xf32, #tpu.memory_space<vmem>> -> memref<800x16xf32, #tpu.memory_space<vmem>>
      %dma_wait3A_158 = arith.constant 0 : i32
      %dma_wait3A_159 = tpu.memref_slice %arg13[%add3A_106, %dma_wait3A_158] : memref<100096x16xf32, #tpu.memory_space<vmem_shared>> -> memref<800x16xf32, #tpu.memory_space<vmem_shared>>
      tpu.wait_dma2 semaphore(%run_scoped3A : memref<!tpu.dma_semaphore, #tpu.memory_space<semaphore_mem>>) src(%dma_wait3A_159 : memref<800x16xf32, #tpu.memory_space<vmem_shared>>) dst(%dma_wait3A_157 : memref<800x16xf32, #tpu.memory_space<vmem>>)
      tpu.yield
    }) : () -> ()
    %mul3A_107 = arith.constant 100096 : i32
    %mul3A_108 = arith.muli %arg0, %mul3A_107 : i32
    %add3A_109 = arith.addi %mul3A_108, %mul3A_0 : i32
    %add3A_110 = arith.constant 2400 : i32
    %add3A_111 = arith.addi %add3A_109, %add3A_110 : i32
    "tpu.region"() ({
      %run_scoped3A = tpu.sem_alloc : memref<!tpu.dma_semaphore, #tpu.memory_space<semaphore_mem>>
      %dma_start3A_140 = arith.constant 0 : i32
      %dma_start3A_141 = arith.constant 0 : i32
      %dma_start3A_142 = tpu.memref_slice %arg11[%dma_start3A_140, %dma_start3A_141] : memref<800x16xf32, #tpu.memory_space<vmem>> -> memref<800x16xf32, #tpu.memory_space<vmem>>
      %dma_start3A_143 = arith.constant 0 : i32
      %dma_start3A_144 = tpu.memref_slice %arg6[%add3A_111, %dma_start3A_143] : memref<200192x16xf32, #tpu.memory_space<hbm>> -> memref<800x16xf32, #tpu.memory_space<hbm>>
      %dma_start3A_145 = arith.constant 0 : i32
      %dma_start3A_146 = tpu.memref_slice %arg6[%add3A_111, %dma_start3A_145] : memref<200192x16xf32, #tpu.memory_space<hbm>> -> memref<800x16xf32, #tpu.memory_space<hbm>>
      %dma_start3A_147 = arith.constant 0 : i32
      %dma_start3A_148 = arith.constant 0 : i32
      %dma_start3A_149 = tpu.memref_slice %arg11[%dma_start3A_147, %dma_start3A_148] : memref<800x16xf32, #tpu.memory_space<vmem>> -> memref<800x16xf32, #tpu.memory_space<vmem>>
      tpu.enqueue_dma source(%dma_start3A_149 : memref<800x16xf32, #tpu.memory_space<vmem>>) target(%dma_start3A_146 : memref<800x16xf32, #tpu.memory_space<hbm>>) target_semaphore(%run_scoped3A : memref<!tpu.dma_semaphore, #tpu.memory_space<semaphore_mem>>)
      %dma_wait3A_150 = arith.constant 0 : i32
      %dma_wait3A_151 = arith.constant 0 : i32
      %dma_wait3A_152 = tpu.memref_slice %arg11[%dma_wait3A_150, %dma_wait3A_151] : memref<800x16xf32, #tpu.memory_space<vmem>> -> memref<800x16xf32, #tpu.memory_space<vmem>>
      %dma_wait3A_153 = arith.constant 0 : i32
      %dma_wait3A_154 = tpu.memref_slice %arg6[%add3A_111, %dma_wait3A_153] : memref<200192x16xf32, #tpu.memory_space<hbm>> -> memref<800x16xf32, #tpu.memory_space<hbm>>
      %dma_wait3A_155 = arith.constant 0 : i32
      %dma_wait3A_156 = tpu.memref_slice %arg6[%add3A_111, %dma_wait3A_155] : memref<200192x16xf32, #tpu.memory_space<hbm>> -> memref<800x16xf32, #tpu.memory_space<hbm>>
      %dma_wait3A_157 = arith.constant 0 : i32
      %dma_wait3A_158 = arith.constant 0 : i32
      %dma_wait3A_159 = tpu.memref_slice %arg11[%dma_wait3A_157, %dma_wait3A_158] : memref<800x16xf32, #tpu.memory_space<vmem>> -> memref<800x16xf32, #tpu.memory_space<vmem>>
      tpu.wait_dma2 semaphore(%run_scoped3A : memref<!tpu.dma_semaphore, #tpu.memory_space<semaphore_mem>>) src(%dma_wait3A_159 : memref<800x16xf32, #tpu.memory_space<vmem>>) dst(%dma_wait3A_156 : memref<800x16xf32, #tpu.memory_space<hbm>>)
      tpu.yield
    }) : () -> ()
    %add3A_112 = arith.constant 3200 : i32
    %add3A_113 = arith.addi %mul3A_0, %add3A_112 : i32
    "tpu.region"() ({
      %run_scoped3A = tpu.sem_alloc : memref<!tpu.dma_semaphore, #tpu.memory_space<semaphore_mem>>
      %dma_start3A_140 = arith.constant 0 : i32
      %dma_start3A_141 = arith.constant 0 : i32
      %dma_start3A_142 = tpu.memref_slice %arg11[%dma_start3A_140, %dma_start3A_141] : memref<800x16xf32, #tpu.memory_space<vmem>> -> memref<800x16xf32, #tpu.memory_space<vmem>>
      %dma_start3A_143 = arith.constant 0 : i32
      %dma_start3A_144 = tpu.memref_slice %arg13[%add3A_113, %dma_start3A_143] : memref<100096x16xf32, #tpu.memory_space<vmem_shared>> -> memref<800x16xf32, #tpu.memory_space<vmem_shared>>
      %dma_start3A_145 = arith.constant 0 : i32
      %dma_start3A_146 = arith.constant 0 : i32
      %dma_start3A_147 = tpu.memref_slice %arg11[%dma_start3A_145, %dma_start3A_146] : memref<800x16xf32, #tpu.memory_space<vmem>> -> memref<800x16xf32, #tpu.memory_space<vmem>>
      %dma_start3A_148 = arith.constant 0 : i32
      %dma_start3A_149 = tpu.memref_slice %arg13[%add3A_113, %dma_start3A_148] : memref<100096x16xf32, #tpu.memory_space<vmem_shared>> -> memref<800x16xf32, #tpu.memory_space<vmem_shared>>
      tpu.enqueue_dma source(%dma_start3A_149 : memref<800x16xf32, #tpu.memory_space<vmem_shared>>) target(%dma_start3A_147 : memref<800x16xf32, #tpu.memory_space<vmem>>) target_semaphore(%run_scoped3A : memref<!tpu.dma_semaphore, #tpu.memory_space<semaphore_mem>>)
      %dma_wait3A_150 = arith.constant 0 : i32
      %dma_wait3A_151 = arith.constant 0 : i32
      %dma_wait3A_152 = tpu.memref_slice %arg11[%dma_wait3A_150, %dma_wait3A_151] : memref<800x16xf32, #tpu.memory_space<vmem>> -> memref<800x16xf32, #tpu.memory_space<vmem>>
      %dma_wait3A_153 = arith.constant 0 : i32
      %dma_wait3A_154 = tpu.memref_slice %arg13[%add3A_113, %dma_wait3A_153] : memref<100096x16xf32, #tpu.memory_space<vmem_shared>> -> memref<800x16xf32, #tpu.memory_space<vmem_shared>>
      %dma_wait3A_155 = arith.constant 0 : i32
      %dma_wait3A_156 = arith.constant 0 : i32
      %dma_wait3A_157 = tpu.memref_slice %arg11[%dma_wait3A_155, %dma_wait3A_156] : memref<800x16xf32, #tpu.memory_space<vmem>> -> memref<800x16xf32, #tpu.memory_space<vmem>>
      %dma_wait3A_158 = arith.constant 0 : i32
      %dma_wait3A_159 = tpu.memref_slice %arg13[%add3A_113, %dma_wait3A_158] : memref<100096x16xf32, #tpu.memory_space<vmem_shared>> -> memref<800x16xf32, #tpu.memory_space<vmem_shared>>
      tpu.wait_dma2 semaphore(%run_scoped3A : memref<!tpu.dma_semaphore, #tpu.memory_space<semaphore_mem>>) src(%dma_wait3A_159 : memref<800x16xf32, #tpu.memory_space<vmem_shared>>) dst(%dma_wait3A_157 : memref<800x16xf32, #tpu.memory_space<vmem>>)
      tpu.yield
    }) : () -> ()
    %mul3A_114 = arith.constant 100096 : i32
    %mul3A_115 = arith.muli %arg0, %mul3A_114 : i32
    %add3A_116 = arith.addi %mul3A_115, %mul3A_0 : i32
    %add3A_117 = arith.constant 3200 : i32
    %add3A_118 = arith.addi %add3A_116, %add3A_117 : i32
    "tpu.region"() ({
      %run_scoped3A = tpu.sem_alloc : memref<!tpu.dma_semaphore, #tpu.memory_space<semaphore_mem>>
      %dma_start3A_140 = arith.constant 0 : i32
      %dma_start3A_141 = arith.constant 0 : i32
      %dma_start3A_142 = tpu.memref_slice %arg11[%dma_start3A_140, %dma_start3A_141] : memref<800x16xf32, #tpu.memory_space<vmem>> -> memref<800x16xf32, #tpu.memory_space<vmem>>
      %dma_start3A_143 = arith.constant 0 : i32
      %dma_start3A_144 = tpu.memref_slice %arg6[%add3A_118, %dma_start3A_143] : memref<200192x16xf32, #tpu.memory_space<hbm>> -> memref<800x16xf32, #tpu.memory_space<hbm>>
      %dma_start3A_145 = arith.constant 0 : i32
      %dma_start3A_146 = tpu.memref_slice %arg6[%add3A_118, %dma_start3A_145] : memref<200192x16xf32, #tpu.memory_space<hbm>> -> memref<800x16xf32, #tpu.memory_space<hbm>>
      %dma_start3A_147 = arith.constant 0 : i32
      %dma_start3A_148 = arith.constant 0 : i32
      %dma_start3A_149 = tpu.memref_slice %arg11[%dma_start3A_147, %dma_start3A_148] : memref<800x16xf32, #tpu.memory_space<vmem>> -> memref<800x16xf32, #tpu.memory_space<vmem>>
      tpu.enqueue_dma source(%dma_start3A_149 : memref<800x16xf32, #tpu.memory_space<vmem>>) target(%dma_start3A_146 : memref<800x16xf32, #tpu.memory_space<hbm>>) target_semaphore(%run_scoped3A : memref<!tpu.dma_semaphore, #tpu.memory_space<semaphore_mem>>)
      %dma_wait3A_150 = arith.constant 0 : i32
      %dma_wait3A_151 = arith.constant 0 : i32
      %dma_wait3A_152 = tpu.memref_slice %arg11[%dma_wait3A_150, %dma_wait3A_151] : memref<800x16xf32, #tpu.memory_space<vmem>> -> memref<800x16xf32, #tpu.memory_space<vmem>>
      %dma_wait3A_153 = arith.constant 0 : i32
      %dma_wait3A_154 = tpu.memref_slice %arg6[%add3A_118, %dma_wait3A_153] : memref<200192x16xf32, #tpu.memory_space<hbm>> -> memref<800x16xf32, #tpu.memory_space<hbm>>
      %dma_wait3A_155 = arith.constant 0 : i32
      %dma_wait3A_156 = tpu.memref_slice %arg6[%add3A_118, %dma_wait3A_155] : memref<200192x16xf32, #tpu.memory_space<hbm>> -> memref<800x16xf32, #tpu.memory_space<hbm>>
      %dma_wait3A_157 = arith.constant 0 : i32
      %dma_wait3A_158 = arith.constant 0 : i32
      %dma_wait3A_159 = tpu.memref_slice %arg11[%dma_wait3A_157, %dma_wait3A_158] : memref<800x16xf32, #tpu.memory_space<vmem>> -> memref<800x16xf32, #tpu.memory_space<vmem>>
      tpu.wait_dma2 semaphore(%run_scoped3A : memref<!tpu.dma_semaphore, #tpu.memory_space<semaphore_mem>>) src(%dma_wait3A_159 : memref<800x16xf32, #tpu.memory_space<vmem>>) dst(%dma_wait3A_156 : memref<800x16xf32, #tpu.memory_space<hbm>>)
      tpu.yield
    }) : () -> ()
    %add3A_119 = arith.constant 4000 : i32
    %add3A_120 = arith.addi %mul3A_0, %add3A_119 : i32
    "tpu.region"() ({
      %run_scoped3A = tpu.sem_alloc : memref<!tpu.dma_semaphore, #tpu.memory_space<semaphore_mem>>
      %dma_start3A_140 = arith.constant 0 : i32
      %dma_start3A_141 = arith.constant 0 : i32
      %dma_start3A_142 = tpu.memref_slice %arg11[%dma_start3A_140, %dma_start3A_141] : memref<800x16xf32, #tpu.memory_space<vmem>> -> memref<800x16xf32, #tpu.memory_space<vmem>>
      %dma_start3A_143 = arith.constant 0 : i32
      %dma_start3A_144 = tpu.memref_slice %arg13[%add3A_120, %dma_start3A_143] : memref<100096x16xf32, #tpu.memory_space<vmem_shared>> -> memref<800x16xf32, #tpu.memory_space<vmem_shared>>
      %dma_start3A_145 = arith.constant 0 : i32
      %dma_start3A_146 = arith.constant 0 : i32
      %dma_start3A_147 = tpu.memref_slice %arg11[%dma_start3A_145, %dma_start3A_146] : memref<800x16xf32, #tpu.memory_space<vmem>> -> memref<800x16xf32, #tpu.memory_space<vmem>>
      %dma_start3A_148 = arith.constant 0 : i32
      %dma_start3A_149 = tpu.memref_slice %arg13[%add3A_120, %dma_start3A_148] : memref<100096x16xf32, #tpu.memory_space<vmem_shared>> -> memref<800x16xf32, #tpu.memory_space<vmem_shared>>
      tpu.enqueue_dma source(%dma_start3A_149 : memref<800x16xf32, #tpu.memory_space<vmem_shared>>) target(%dma_start3A_147 : memref<800x16xf32, #tpu.memory_space<vmem>>) target_semaphore(%run_scoped3A : memref<!tpu.dma_semaphore, #tpu.memory_space<semaphore_mem>>)
      %dma_wait3A_150 = arith.constant 0 : i32
      %dma_wait3A_151 = arith.constant 0 : i32
      %dma_wait3A_152 = tpu.memref_slice %arg11[%dma_wait3A_150, %dma_wait3A_151] : memref<800x16xf32, #tpu.memory_space<vmem>> -> memref<800x16xf32, #tpu.memory_space<vmem>>
      %dma_wait3A_153 = arith.constant 0 : i32
      %dma_wait3A_154 = tpu.memref_slice %arg13[%add3A_120, %dma_wait3A_153] : memref<100096x16xf32, #tpu.memory_space<vmem_shared>> -> memref<800x16xf32, #tpu.memory_space<vmem_shared>>
      %dma_wait3A_155 = arith.constant 0 : i32
      %dma_wait3A_156 = arith.constant 0 : i32
      %dma_wait3A_157 = tpu.memref_slice %arg11[%dma_wait3A_155, %dma_wait3A_156] : memref<800x16xf32, #tpu.memory_space<vmem>> -> memref<800x16xf32, #tpu.memory_space<vmem>>
      %dma_wait3A_158 = arith.constant 0 : i32
      %dma_wait3A_159 = tpu.memref_slice %arg13[%add3A_120, %dma_wait3A_158] : memref<100096x16xf32, #tpu.memory_space<vmem_shared>> -> memref<800x16xf32, #tpu.memory_space<vmem_shared>>
      tpu.wait_dma2 semaphore(%run_scoped3A : memref<!tpu.dma_semaphore, #tpu.memory_space<semaphore_mem>>) src(%dma_wait3A_159 : memref<800x16xf32, #tpu.memory_space<vmem_shared>>) dst(%dma_wait3A_157 : memref<800x16xf32, #tpu.memory_space<vmem>>)
      tpu.yield
    }) : () -> ()
    %mul3A_121 = arith.constant 100096 : i32
    %mul3A_122 = arith.muli %arg0, %mul3A_121 : i32
    %add3A_123 = arith.addi %mul3A_122, %mul3A_0 : i32
    %add3A_124 = arith.constant 4000 : i32
    %add3A_125 = arith.addi %add3A_123, %add3A_124 : i32
    "tpu.region"() ({
      %run_scoped3A = tpu.sem_alloc : memref<!tpu.dma_semaphore, #tpu.memory_space<semaphore_mem>>
      %dma_start3A_140 = arith.constant 0 : i32
      %dma_start3A_141 = arith.constant 0 : i32
      %dma_start3A_142 = tpu.memref_slice %arg11[%dma_start3A_140, %dma_start3A_141] : memref<800x16xf32, #tpu.memory_space<vmem>> -> memref<800x16xf32, #tpu.memory_space<vmem>>
      %dma_start3A_143 = arith.constant 0 : i32
      %dma_start3A_144 = tpu.memref_slice %arg6[%add3A_125, %dma_start3A_143] : memref<200192x16xf32, #tpu.memory_space<hbm>> -> memref<800x16xf32, #tpu.memory_space<hbm>>
      %dma_start3A_145 = arith.constant 0 : i32
      %dma_start3A_146 = tpu.memref_slice %arg6[%add3A_125, %dma_start3A_145] : memref<200192x16xf32, #tpu.memory_space<hbm>> -> memref<800x16xf32, #tpu.memory_space<hbm>>
      %dma_start3A_147 = arith.constant 0 : i32
      %dma_start3A_148 = arith.constant 0 : i32
      %dma_start3A_149 = tpu.memref_slice %arg11[%dma_start3A_147, %dma_start3A_148] : memref<800x16xf32, #tpu.memory_space<vmem>> -> memref<800x16xf32, #tpu.memory_space<vmem>>
      tpu.enqueue_dma source(%dma_start3A_149 : memref<800x16xf32, #tpu.memory_space<vmem>>) target(%dma_start3A_146 : memref<800x16xf32, #tpu.memory_space<hbm>>) target_semaphore(%run_scoped3A : memref<!tpu.dma_semaphore, #tpu.memory_space<semaphore_mem>>)
      %dma_wait3A_150 = arith.constant 0 : i32
      %dma_wait3A_151 = arith.constant 0 : i32
      %dma_wait3A_152 = tpu.memref_slice %arg11[%dma_wait3A_150, %dma_wait3A_151] : memref<800x16xf32, #tpu.memory_space<vmem>> -> memref<800x16xf32, #tpu.memory_space<vmem>>
      %dma_wait3A_153 = arith.constant 0 : i32
      %dma_wait3A_154 = tpu.memref_slice %arg6[%add3A_125, %dma_wait3A_153] : memref<200192x16xf32, #tpu.memory_space<hbm>> -> memref<800x16xf32, #tpu.memory_space<hbm>>
      %dma_wait3A_155 = arith.constant 0 : i32
      %dma_wait3A_156 = tpu.memref_slice %arg6[%add3A_125, %dma_wait3A_155] : memref<200192x16xf32, #tpu.memory_space<hbm>> -> memref<800x16xf32, #tpu.memory_space<hbm>>
      %dma_wait3A_157 = arith.constant 0 : i32
      %dma_wait3A_158 = arith.constant 0 : i32
      %dma_wait3A_159 = tpu.memref_slice %arg11[%dma_wait3A_157, %dma_wait3A_158] : memref<800x16xf32, #tpu.memory_space<vmem>> -> memref<800x16xf32, #tpu.memory_space<vmem>>
      tpu.wait_dma2 semaphore(%run_scoped3A : memref<!tpu.dma_semaphore, #tpu.memory_space<semaphore_mem>>) src(%dma_wait3A_159 : memref<800x16xf32, #tpu.memory_space<vmem>>) dst(%dma_wait3A_156 : memref<800x16xf32, #tpu.memory_space<hbm>>)
      tpu.yield
    }) : () -> ()
    %add3A_126 = arith.constant 4800 : i32
    %add3A_127 = arith.addi %mul3A_0, %add3A_126 : i32
    "tpu.region"() ({
      %run_scoped3A = tpu.sem_alloc : memref<!tpu.dma_semaphore, #tpu.memory_space<semaphore_mem>>
      %dma_start3A_140 = arith.constant 0 : i32
      %dma_start3A_141 = arith.constant 0 : i32
      %dma_start3A_142 = tpu.memref_slice %arg11[%dma_start3A_140, %dma_start3A_141] : memref<800x16xf32, #tpu.memory_space<vmem>> -> memref<800x16xf32, #tpu.memory_space<vmem>>
      %dma_start3A_143 = arith.constant 0 : i32
      %dma_start3A_144 = tpu.memref_slice %arg13[%add3A_127, %dma_start3A_143] : memref<100096x16xf32, #tpu.memory_space<vmem_shared>> -> memref<800x16xf32, #tpu.memory_space<vmem_shared>>
      %dma_start3A_145 = arith.constant 0 : i32
      %dma_start3A_146 = arith.constant 0 : i32
      %dma_start3A_147 = tpu.memref_slice %arg11[%dma_start3A_145, %dma_start3A_146] : memref<800x16xf32, #tpu.memory_space<vmem>> -> memref<800x16xf32, #tpu.memory_space<vmem>>
      %dma_start3A_148 = arith.constant 0 : i32
      %dma_start3A_149 = tpu.memref_slice %arg13[%add3A_127, %dma_start3A_148] : memref<100096x16xf32, #tpu.memory_space<vmem_shared>> -> memref<800x16xf32, #tpu.memory_space<vmem_shared>>
      tpu.enqueue_dma source(%dma_start3A_149 : memref<800x16xf32, #tpu.memory_space<vmem_shared>>) target(%dma_start3A_147 : memref<800x16xf32, #tpu.memory_space<vmem>>) target_semaphore(%run_scoped3A : memref<!tpu.dma_semaphore, #tpu.memory_space<semaphore_mem>>)
      %dma_wait3A_150 = arith.constant 0 : i32
      %dma_wait3A_151 = arith.constant 0 : i32
      %dma_wait3A_152 = tpu.memref_slice %arg11[%dma_wait3A_150, %dma_wait3A_151] : memref<800x16xf32, #tpu.memory_space<vmem>> -> memref<800x16xf32, #tpu.memory_space<vmem>>
      %dma_wait3A_153 = arith.constant 0 : i32
      %dma_wait3A_154 = tpu.memref_slice %arg13[%add3A_127, %dma_wait3A_153] : memref<100096x16xf32, #tpu.memory_space<vmem_shared>> -> memref<800x16xf32, #tpu.memory_space<vmem_shared>>
      %dma_wait3A_155 = arith.constant 0 : i32
      %dma_wait3A_156 = arith.constant 0 : i32
      %dma_wait3A_157 = tpu.memref_slice %arg11[%dma_wait3A_155, %dma_wait3A_156] : memref<800x16xf32, #tpu.memory_space<vmem>> -> memref<800x16xf32, #tpu.memory_space<vmem>>
      %dma_wait3A_158 = arith.constant 0 : i32
      %dma_wait3A_159 = tpu.memref_slice %arg13[%add3A_127, %dma_wait3A_158] : memref<100096x16xf32, #tpu.memory_space<vmem_shared>> -> memref<800x16xf32, #tpu.memory_space<vmem_shared>>
      tpu.wait_dma2 semaphore(%run_scoped3A : memref<!tpu.dma_semaphore, #tpu.memory_space<semaphore_mem>>) src(%dma_wait3A_159 : memref<800x16xf32, #tpu.memory_space<vmem_shared>>) dst(%dma_wait3A_157 : memref<800x16xf32, #tpu.memory_space<vmem>>)
      tpu.yield
    }) : () -> ()
    %mul3A_128 = arith.constant 100096 : i32
    %mul3A_129 = arith.muli %arg0, %mul3A_128 : i32
    %add3A_130 = arith.addi %mul3A_129, %mul3A_0 : i32
    %add3A_131 = arith.constant 4800 : i32
    %add3A_132 = arith.addi %add3A_130, %add3A_131 : i32
    "tpu.region"() ({
      %run_scoped3A = tpu.sem_alloc : memref<!tpu.dma_semaphore, #tpu.memory_space<semaphore_mem>>
      %dma_start3A_140 = arith.constant 0 : i32
      %dma_start3A_141 = arith.constant 0 : i32
      %dma_start3A_142 = tpu.memref_slice %arg11[%dma_start3A_140, %dma_start3A_141] : memref<800x16xf32, #tpu.memory_space<vmem>> -> memref<800x16xf32, #tpu.memory_space<vmem>>
      %dma_start3A_143 = arith.constant 0 : i32
      %dma_start3A_144 = tpu.memref_slice %arg6[%add3A_132, %dma_start3A_143] : memref<200192x16xf32, #tpu.memory_space<hbm>> -> memref<800x16xf32, #tpu.memory_space<hbm>>
      %dma_start3A_145 = arith.constant 0 : i32
      %dma_start3A_146 = tpu.memref_slice %arg6[%add3A_132, %dma_start3A_145] : memref<200192x16xf32, #tpu.memory_space<hbm>> -> memref<800x16xf32, #tpu.memory_space<hbm>>
      %dma_start3A_147 = arith.constant 0 : i32
      %dma_start3A_148 = arith.constant 0 : i32
      %dma_start3A_149 = tpu.memref_slice %arg11[%dma_start3A_147, %dma_start3A_148] : memref<800x16xf32, #tpu.memory_space<vmem>> -> memref<800x16xf32, #tpu.memory_space<vmem>>
      tpu.enqueue_dma source(%dma_start3A_149 : memref<800x16xf32, #tpu.memory_space<vmem>>) target(%dma_start3A_146 : memref<800x16xf32, #tpu.memory_space<hbm>>) target_semaphore(%run_scoped3A : memref<!tpu.dma_semaphore, #tpu.memory_space<semaphore_mem>>)
      %dma_wait3A_150 = arith.constant 0 : i32
      %dma_wait3A_151 = arith.constant 0 : i32
      %dma_wait3A_152 = tpu.memref_slice %arg11[%dma_wait3A_150, %dma_wait3A_151] : memref<800x16xf32, #tpu.memory_space<vmem>> -> memref<800x16xf32, #tpu.memory_space<vmem>>
      %dma_wait3A_153 = arith.constant 0 : i32
      %dma_wait3A_154 = tpu.memref_slice %arg6[%add3A_132, %dma_wait3A_153] : memref<200192x16xf32, #tpu.memory_space<hbm>> -> memref<800x16xf32, #tpu.memory_space<hbm>>
      %dma_wait3A_155 = arith.constant 0 : i32
      %dma_wait3A_156 = tpu.memref_slice %arg6[%add3A_132, %dma_wait3A_155] : memref<200192x16xf32, #tpu.memory_space<hbm>> -> memref<800x16xf32, #tpu.memory_space<hbm>>
      %dma_wait3A_157 = arith.constant 0 : i32
      %dma_wait3A_158 = arith.constant 0 : i32
      %dma_wait3A_159 = tpu.memref_slice %arg11[%dma_wait3A_157, %dma_wait3A_158] : memref<800x16xf32, #tpu.memory_space<vmem>> -> memref<800x16xf32, #tpu.memory_space<vmem>>
      tpu.wait_dma2 semaphore(%run_scoped3A : memref<!tpu.dma_semaphore, #tpu.memory_space<semaphore_mem>>) src(%dma_wait3A_159 : memref<800x16xf32, #tpu.memory_space<vmem>>) dst(%dma_wait3A_156 : memref<800x16xf32, #tpu.memory_space<hbm>>)
      tpu.yield
    }) : () -> ()
    %add3A_133 = arith.constant 5600 : i32
    %add3A_134 = arith.addi %mul3A_0, %add3A_133 : i32
    "tpu.region"() ({
      %run_scoped3A = tpu.sem_alloc : memref<!tpu.dma_semaphore, #tpu.memory_space<semaphore_mem>>
      %dma_start3A_140 = arith.constant 0 : i32
      %dma_start3A_141 = arith.constant 0 : i32
      %dma_start3A_142 = tpu.memref_slice %arg11[%dma_start3A_140, %dma_start3A_141] : memref<800x16xf32, #tpu.memory_space<vmem>> -> memref<656x16xf32, #tpu.memory_space<vmem>>
      %dma_start3A_143 = arith.constant 0 : i32
      %dma_start3A_144 = tpu.memref_slice %arg13[%add3A_134, %dma_start3A_143] : memref<100096x16xf32, #tpu.memory_space<vmem_shared>> -> memref<656x16xf32, #tpu.memory_space<vmem_shared>>
      %dma_start3A_145 = arith.constant 0 : i32
      %dma_start3A_146 = arith.constant 0 : i32
      %dma_start3A_147 = tpu.memref_slice %arg11[%dma_start3A_145, %dma_start3A_146] : memref<800x16xf32, #tpu.memory_space<vmem>> -> memref<656x16xf32, #tpu.memory_space<vmem>>
      %dma_start3A_148 = arith.constant 0 : i32
      %dma_start3A_149 = tpu.memref_slice %arg13[%add3A_134, %dma_start3A_148] : memref<100096x16xf32, #tpu.memory_space<vmem_shared>> -> memref<656x16xf32, #tpu.memory_space<vmem_shared>>
      tpu.enqueue_dma source(%dma_start3A_149 : memref<656x16xf32, #tpu.memory_space<vmem_shared>>) target(%dma_start3A_147 : memref<656x16xf32, #tpu.memory_space<vmem>>) target_semaphore(%run_scoped3A : memref<!tpu.dma_semaphore, #tpu.memory_space<semaphore_mem>>)
      %dma_wait3A_150 = arith.constant 0 : i32
      %dma_wait3A_151 = arith.constant 0 : i32
      %dma_wait3A_152 = tpu.memref_slice %arg11[%dma_wait3A_150, %dma_wait3A_151] : memref<800x16xf32, #tpu.memory_space<vmem>> -> memref<656x16xf32, #tpu.memory_space<vmem>>
      %dma_wait3A_153 = arith.constant 0 : i32
      %dma_wait3A_154 = tpu.memref_slice %arg13[%add3A_134, %dma_wait3A_153] : memref<100096x16xf32, #tpu.memory_space<vmem_shared>> -> memref<656x16xf32, #tpu.memory_space<vmem_shared>>
      %dma_wait3A_155 = arith.constant 0 : i32
      %dma_wait3A_156 = arith.constant 0 : i32
      %dma_wait3A_157 = tpu.memref_slice %arg11[%dma_wait3A_155, %dma_wait3A_156] : memref<800x16xf32, #tpu.memory_space<vmem>> -> memref<656x16xf32, #tpu.memory_space<vmem>>
      %dma_wait3A_158 = arith.constant 0 : i32
      %dma_wait3A_159 = tpu.memref_slice %arg13[%add3A_134, %dma_wait3A_158] : memref<100096x16xf32, #tpu.memory_space<vmem_shared>> -> memref<656x16xf32, #tpu.memory_space<vmem_shared>>
      tpu.wait_dma2 semaphore(%run_scoped3A : memref<!tpu.dma_semaphore, #tpu.memory_space<semaphore_mem>>) src(%dma_wait3A_159 : memref<656x16xf32, #tpu.memory_space<vmem_shared>>) dst(%dma_wait3A_157 : memref<656x16xf32, #tpu.memory_space<vmem>>)
      tpu.yield
    }) : () -> ()
    %mul3A_135 = arith.constant 100096 : i32
    %mul3A_136 = arith.muli %arg0, %mul3A_135 : i32
    %add3A_137 = arith.addi %mul3A_136, %mul3A_0 : i32
    %add3A_138 = arith.constant 5600 : i32
    %add3A_139 = arith.addi %add3A_137, %add3A_138 : i32
    "tpu.region"() ({
      %run_scoped3A = tpu.sem_alloc : memref<!tpu.dma_semaphore, #tpu.memory_space<semaphore_mem>>
      %dma_start3A_140 = arith.constant 0 : i32
      %dma_start3A_141 = arith.constant 0 : i32
      %dma_start3A_142 = tpu.memref_slice %arg11[%dma_start3A_140, %dma_start3A_141] : memref<800x16xf32, #tpu.memory_space<vmem>> -> memref<656x16xf32, #tpu.memory_space<vmem>>
      %dma_start3A_143 = arith.constant 0 : i32
      %dma_start3A_144 = tpu.memref_slice %arg6[%add3A_139, %dma_start3A_143] : memref<200192x16xf32, #tpu.memory_space<hbm>> -> memref<656x16xf32, #tpu.memory_space<hbm>>
      %dma_start3A_145 = arith.constant 0 : i32
      %dma_start3A_146 = tpu.memref_slice %arg6[%add3A_139, %dma_start3A_145] : memref<200192x16xf32, #tpu.memory_space<hbm>> -> memref<656x16xf32, #tpu.memory_space<hbm>>
      %dma_start3A_147 = arith.constant 0 : i32
      %dma_start3A_148 = arith.constant 0 : i32
      %dma_start3A_149 = tpu.memref_slice %arg11[%dma_start3A_147, %dma_start3A_148] : memref<800x16xf32, #tpu.memory_space<vmem>> -> memref<656x16xf32, #tpu.memory_space<vmem>>
      tpu.enqueue_dma source(%dma_start3A_149 : memref<656x16xf32, #tpu.memory_space<vmem>>) target(%dma_start3A_146 : memref<656x16xf32, #tpu.memory_space<hbm>>) target_semaphore(%run_scoped3A : memref<!tpu.dma_semaphore, #tpu.memory_space<semaphore_mem>>)
      %dma_wait3A_150 = arith.constant 0 : i32
      %dma_wait3A_151 = arith.constant 0 : i32
      %dma_wait3A_152 = tpu.memref_slice %arg11[%dma_wait3A_150, %dma_wait3A_151] : memref<800x16xf32, #tpu.memory_space<vmem>> -> memref<656x16xf32, #tpu.memory_space<vmem>>
      %dma_wait3A_153 = arith.constant 0 : i32
      %dma_wait3A_154 = tpu.memref_slice %arg6[%add3A_139, %dma_wait3A_153] : memref<200192x16xf32, #tpu.memory_space<hbm>> -> memref<656x16xf32, #tpu.memory_space<hbm>>
      %dma_wait3A_155 = arith.constant 0 : i32
      %dma_wait3A_156 = tpu.memref_slice %arg6[%add3A_139, %dma_wait3A_155] : memref<200192x16xf32, #tpu.memory_space<hbm>> -> memref<656x16xf32, #tpu.memory_space<hbm>>
      %dma_wait3A_157 = arith.constant 0 : i32
      %dma_wait3A_158 = arith.constant 0 : i32
      %dma_wait3A_159 = tpu.memref_slice %arg11[%dma_wait3A_157, %dma_wait3A_158] : memref<800x16xf32, #tpu.memory_space<vmem>> -> memref<656x16xf32, #tpu.memory_space<vmem>>
      tpu.wait_dma2 semaphore(%run_scoped3A : memref<!tpu.dma_semaphore, #tpu.memory_space<semaphore_mem>>) src(%dma_wait3A_159 : memref<656x16xf32, #tpu.memory_space<vmem>>) dst(%dma_wait3A_156 : memref<656x16xf32, #tpu.memory_space<hbm>>)
      tpu.yield
    }) : () -> ()
    return
  }
}

#map = affine_map<(d0, d1) -> (0)>
module attributes {stable_mosaic.version = 14 : i64} {
  func.func @_degree_kernel(%arg0: i32, %arg1: i32, %arg2: memref<3200000xi32, #tpu.memory_space<hbm>>, %arg3: memref<4000xf32, #tpu.memory_space<hbm>>, %arg4: memref<6272xf32, #tpu.memory_space<hbm>>, %arg5: memref<200704xf32, #tpu.memory_space<hbm>>, %arg6: memref<4000xf32, #tpu.memory_space<vmem>>, %arg7: memref<4000xi32, #tpu.memory_space<vmem>>, %arg8: memref<4000xi32, #tpu.memory_space<vmem>>, %arg9: memref<6272xf32, #tpu.memory_space<vmem>>, %arg10: memref<100352xf32, #tpu.memory_space<vmem_shared>>, %arg11: memref<!tpu.dma_semaphore, #tpu.memory_space<semaphore_mem>>, %arg12: memref<!tpu.dma_semaphore, #tpu.memory_space<semaphore_mem>>) attributes {dimension_semantics = [#tpu.dimension_semantics<core_parallel>, #tpu.dimension_semantics<subcore_parallel>], iteration_bounds = array<i64: 2, 16>, scalar_prefetch = 0 : i64, scratch_operands = 7 : i64, tpu.core_type = #tpu.core_type<sc_vector_subcore>, window_params = [{transform_indices = #map}, {transform_indices = #map}, {transform_indices = #map}, {transform_indices = #map}]} {
    "tpu.region"() ({
      %run_scoped3A = tpu.sem_alloc : memref<!tpu.dma_semaphore, #tpu.memory_space<semaphore_mem>>
      tpu.enqueue_dma source(%arg4 : memref<6272xf32, #tpu.memory_space<hbm>>) target(%arg9 : memref<6272xf32, #tpu.memory_space<vmem>>) target_semaphore(%run_scoped3A : memref<!tpu.dma_semaphore, #tpu.memory_space<semaphore_mem>>)
      tpu.wait_dma2 semaphore(%run_scoped3A : memref<!tpu.dma_semaphore, #tpu.memory_space<semaphore_mem>>) src(%arg4 : memref<6272xf32, #tpu.memory_space<hbm>>) dst(%arg9 : memref<6272xf32, #tpu.memory_space<vmem>>)
      tpu.yield
    }) : () -> ()
    %mul3A = arith.constant 6272 : i32
    %mul3A_0 = arith.muli %arg1, %mul3A : i32
    "tpu.region"() ({
      %run_scoped3A = tpu.sem_alloc : memref<!tpu.dma_semaphore, #tpu.memory_space<semaphore_mem>>
      %dma_start3A_30 = tpu.memref_slice %arg10[%mul3A_0] : memref<100352xf32, #tpu.memory_space<vmem_shared>> -> memref<6272xf32, #tpu.memory_space<vmem_shared>>
      %dma_start3A_31 = tpu.memref_slice %arg10[%mul3A_0] : memref<100352xf32, #tpu.memory_space<vmem_shared>> -> memref<6272xf32, #tpu.memory_space<vmem_shared>>
      tpu.enqueue_dma source(%arg9 : memref<6272xf32, #tpu.memory_space<vmem>>) target(%dma_start3A_31 : memref<6272xf32, #tpu.memory_space<vmem_shared>>) target_semaphore(%run_scoped3A : memref<!tpu.dma_semaphore, #tpu.memory_space<semaphore_mem>>)
      %dma_wait3A_32 = tpu.memref_slice %arg10[%mul3A_0] : memref<100352xf32, #tpu.memory_space<vmem_shared>> -> memref<6272xf32, #tpu.memory_space<vmem_shared>>
      %dma_wait3A_33 = tpu.memref_slice %arg10[%mul3A_0] : memref<100352xf32, #tpu.memory_space<vmem_shared>> -> memref<6272xf32, #tpu.memory_space<vmem_shared>>
      tpu.wait_dma2 semaphore(%run_scoped3A : memref<!tpu.dma_semaphore, #tpu.memory_space<semaphore_mem>>) src(%arg9 : memref<6272xf32, #tpu.memory_space<vmem>>) dst(%dma_wait3A_33 : memref<6272xf32, #tpu.memory_space<vmem_shared>>)
      tpu.yield
    }) : () -> ()
    "tpu.region"() ({
      %run_scoped3A = tpu.sem_alloc : memref<!tpu.dma_semaphore, #tpu.memory_space<semaphore_mem>>
      tpu.enqueue_dma source(%arg3 : memref<4000xf32, #tpu.memory_space<hbm>>) target(%arg6 : memref<4000xf32, #tpu.memory_space<vmem>>) target_semaphore(%run_scoped3A : memref<!tpu.dma_semaphore, #tpu.memory_space<semaphore_mem>>)
      tpu.wait_dma2 semaphore(%run_scoped3A : memref<!tpu.dma_semaphore, #tpu.memory_space<semaphore_mem>>) src(%arg3 : memref<4000xf32, #tpu.memory_space<hbm>>) dst(%arg6 : memref<4000xf32, #tpu.memory_space<vmem>>)
      tpu.yield
    }) : () -> ()
    %barrier3A = arith.constant 0 : index
    tpu.barrier barrier_id(%barrier3A)
    %mul3A_1 = arith.constant 1600000 : i32
    %mul3A_2 = arith.muli %arg0, %mul3A_1 : i32
    %mul3A_3 = arith.constant 100000 : i32
    %mul3A_4 = arith.muli %arg1, %mul3A_3 : i32
    %add3A = arith.addi %mul3A_2, %mul3A_4 : i32
    %add3A_5 = arith.constant 0 : i32
    %add3A_6 = arith.addi %add3A, %add3A_5 : i32
    "tpu.region"() ({
      %run_scoped3A = tpu.sem_alloc : memref<!tpu.dma_semaphore, #tpu.memory_space<semaphore_mem>>
      %dma_start3A_30 = tpu.memref_slice %arg2[%add3A_6] : memref<3200000xi32, #tpu.memory_space<hbm>> -> memref<4000xi32, #tpu.memory_space<hbm>>
      %dma_start3A_31 = tpu.memref_slice %arg2[%add3A_6] : memref<3200000xi32, #tpu.memory_space<hbm>> -> memref<4000xi32, #tpu.memory_space<hbm>>
      tpu.enqueue_dma source(%dma_start3A_31 : memref<4000xi32, #tpu.memory_space<hbm>>) target(%arg7 : memref<4000xi32, #tpu.memory_space<vmem>>) target_semaphore(%run_scoped3A : memref<!tpu.dma_semaphore, #tpu.memory_space<semaphore_mem>>)
      %dma_wait3A_32 = tpu.memref_slice %arg2[%add3A_6] : memref<3200000xi32, #tpu.memory_space<hbm>> -> memref<4000xi32, #tpu.memory_space<hbm>>
      %dma_wait3A_33 = tpu.memref_slice %arg2[%add3A_6] : memref<3200000xi32, #tpu.memory_space<hbm>> -> memref<4000xi32, #tpu.memory_space<hbm>>
      tpu.wait_dma2 semaphore(%run_scoped3A : memref<!tpu.dma_semaphore, #tpu.memory_space<semaphore_mem>>) src(%dma_wait3A_33 : memref<4000xi32, #tpu.memory_space<hbm>>) dst(%arg7 : memref<4000xi32, #tpu.memory_space<vmem>>)
      tpu.yield
    }) : () -> ()
    %dma_start3A = arith.constant 0 : i32
    %dma_start3A_7 = tpu.memref_slice %arg10[%dma_start3A] : memref<100352xf32, #tpu.memory_space<vmem_shared>> -> memref<100352xf32, #tpu.memory_space<vmem_shared>>
    tpu.enqueue_indirect_dma source(%arg6 : memref<4000xf32, #tpu.memory_space<vmem>>) target(%dma_start3A_7 : memref<100352xf32, #tpu.memory_space<vmem_shared>>) offsets(%arg7 : memref<4000xi32, #tpu.memory_space<vmem>>) semaphore(%arg11 : memref<!tpu.dma_semaphore, #tpu.memory_space<semaphore_mem>>) {add = true}
    %add3A_8 = arith.constant 4000 : i32
    %add3A_9 = arith.addi %add3A, %add3A_8 : i32
    "tpu.region"() ({
      %run_scoped3A = tpu.sem_alloc : memref<!tpu.dma_semaphore, #tpu.memory_space<semaphore_mem>>
      %dma_start3A_30 = tpu.memref_slice %arg2[%add3A_9] : memref<3200000xi32, #tpu.memory_space<hbm>> -> memref<4000xi32, #tpu.memory_space<hbm>>
      %dma_start3A_31 = tpu.memref_slice %arg2[%add3A_9] : memref<3200000xi32, #tpu.memory_space<hbm>> -> memref<4000xi32, #tpu.memory_space<hbm>>
      tpu.enqueue_dma source(%dma_start3A_31 : memref<4000xi32, #tpu.memory_space<hbm>>) target(%arg8 : memref<4000xi32, #tpu.memory_space<vmem>>) target_semaphore(%run_scoped3A : memref<!tpu.dma_semaphore, #tpu.memory_space<semaphore_mem>>)
      %dma_wait3A_32 = tpu.memref_slice %arg2[%add3A_9] : memref<3200000xi32, #tpu.memory_space<hbm>> -> memref<4000xi32, #tpu.memory_space<hbm>>
      %dma_wait3A_33 = tpu.memref_slice %arg2[%add3A_9] : memref<3200000xi32, #tpu.memory_space<hbm>> -> memref<4000xi32, #tpu.memory_space<hbm>>
      tpu.wait_dma2 semaphore(%run_scoped3A : memref<!tpu.dma_semaphore, #tpu.memory_space<semaphore_mem>>) src(%dma_wait3A_33 : memref<4000xi32, #tpu.memory_space<hbm>>) dst(%arg8 : memref<4000xi32, #tpu.memory_space<vmem>>)
      tpu.yield
    }) : () -> ()
    %dma_start3A_10 = arith.constant 0 : i32
    %dma_start3A_11 = tpu.memref_slice %arg10[%dma_start3A_10] : memref<100352xf32, #tpu.memory_space<vmem_shared>> -> memref<100352xf32, #tpu.memory_space<vmem_shared>>
    tpu.enqueue_indirect_dma source(%arg6 : memref<4000xf32, #tpu.memory_space<vmem>>) target(%dma_start3A_11 : memref<100352xf32, #tpu.memory_space<vmem_shared>>) offsets(%arg8 : memref<4000xi32, #tpu.memory_space<vmem>>) semaphore(%arg12 : memref<!tpu.dma_semaphore, #tpu.memory_space<semaphore_mem>>) {add = true}
    %scan3A = arith.constant 0 : i32
    %scan3A_12 = arith.constant 1 : i32
    %scan3A_13 = arith.constant 11 : i32
    %scan3A_14 = arith.addi %scan3A_12, %scan3A_13 : i32
    %scan3A_15 = arith.constant 1 : i32
    scf.for %scan3A_30 = %scan3A_12 to %scan3A_14 step %scan3A_15  : i32 {
      %mul3A_31 = arith.constant 2 : i32
      %mul3A_32 = arith.muli %mul3A_31, %scan3A_30 : i32
      %dma_wait3A_33 = arith.constant 0 : i32
      %dma_wait3A_34 = tpu.memref_slice %arg10[%dma_wait3A_33] : memref<100352xf32, #tpu.memory_space<vmem_shared>> -> memref<100352xf32, #tpu.memory_space<vmem_shared>>
      tpu.wait_indirect_dma semaphore(%arg11 : memref<!tpu.dma_semaphore, #tpu.memory_space<semaphore_mem>>) src(%arg6 : memref<4000xf32, #tpu.memory_space<vmem>>) dst(%dma_wait3A_34 : memref<100352xf32, #tpu.memory_space<vmem_shared>>)
      %mul3A_35 = arith.constant 4000 : i32
      %mul3A_36 = arith.muli %mul3A_32, %mul3A_35 : i32
      %add3A_37 = arith.addi %add3A, %mul3A_36 : i32
      "tpu.region"() ({
        %run_scoped3A = tpu.sem_alloc : memref<!tpu.dma_semaphore, #tpu.memory_space<semaphore_mem>>
        %dma_start3A_49 = tpu.memref_slice %arg2[%add3A_37] : memref<3200000xi32, #tpu.memory_space<hbm>> -> memref<4000xi32, #tpu.memory_space<hbm>>
        %dma_start3A_50 = tpu.memref_slice %arg2[%add3A_37] : memref<3200000xi32, #tpu.memory_space<hbm>> -> memref<4000xi32, #tpu.memory_space<hbm>>
        tpu.enqueue_dma source(%dma_start3A_50 : memref<4000xi32, #tpu.memory_space<hbm>>) target(%arg7 : memref<4000xi32, #tpu.memory_space<vmem>>) target_semaphore(%run_scoped3A : memref<!tpu.dma_semaphore, #tpu.memory_space<semaphore_mem>>)
        %dma_wait3A_51 = tpu.memref_slice %arg2[%add3A_37] : memref<3200000xi32, #tpu.memory_space<hbm>> -> memref<4000xi32, #tpu.memory_space<hbm>>
        %dma_wait3A_52 = tpu.memref_slice %arg2[%add3A_37] : memref<3200000xi32, #tpu.memory_space<hbm>> -> memref<4000xi32, #tpu.memory_space<hbm>>
        tpu.wait_dma2 semaphore(%run_scoped3A : memref<!tpu.dma_semaphore, #tpu.memory_space<semaphore_mem>>) src(%dma_wait3A_52 : memref<4000xi32, #tpu.memory_space<hbm>>) dst(%arg7 : memref<4000xi32, #tpu.memory_space<vmem>>)
        tpu.yield
      }) : () -> ()
      %dma_start3A_38 = arith.constant 0 : i32
      %dma_start3A_39 = tpu.memref_slice %arg10[%dma_start3A_38] : memref<100352xf32, #tpu.memory_space<vmem_shared>> -> memref<100352xf32, #tpu.memory_space<vmem_shared>>
      tpu.enqueue_indirect_dma source(%arg6 : memref<4000xf32, #tpu.memory_space<vmem>>) target(%dma_start3A_39 : memref<100352xf32, #tpu.memory_space<vmem_shared>>) offsets(%arg7 : memref<4000xi32, #tpu.memory_space<vmem>>) semaphore(%arg11 : memref<!tpu.dma_semaphore, #tpu.memory_space<semaphore_mem>>) {add = true}
      %dma_wait3A_40 = arith.constant 0 : i32
      %dma_wait3A_41 = tpu.memref_slice %arg10[%dma_wait3A_40] : memref<100352xf32, #tpu.memory_space<vmem_shared>> -> memref<100352xf32, #tpu.memory_space<vmem_shared>>
      tpu.wait_indirect_dma semaphore(%arg12 : memref<!tpu.dma_semaphore, #tpu.memory_space<semaphore_mem>>) src(%arg6 : memref<4000xf32, #tpu.memory_space<vmem>>) dst(%dma_wait3A_41 : memref<100352xf32, #tpu.memory_space<vmem_shared>>)
      %add3A_42 = arith.constant 1 : i32
      %add3A_43 = arith.addi %mul3A_32, %add3A_42 : i32
      %mul3A_44 = arith.constant 4000 : i32
      %mul3A_45 = arith.muli %add3A_43, %mul3A_44 : i32
      %add3A_46 = arith.addi %add3A, %mul3A_45 : i32
      "tpu.region"() ({
        %run_scoped3A = tpu.sem_alloc : memref<!tpu.dma_semaphore, #tpu.memory_space<semaphore_mem>>
        %dma_start3A_49 = tpu.memref_slice %arg2[%add3A_46] : memref<3200000xi32, #tpu.memory_space<hbm>> -> memref<4000xi32, #tpu.memory_space<hbm>>
        %dma_start3A_50 = tpu.memref_slice %arg2[%add3A_46] : memref<3200000xi32, #tpu.memory_space<hbm>> -> memref<4000xi32, #tpu.memory_space<hbm>>
        tpu.enqueue_dma source(%dma_start3A_50 : memref<4000xi32, #tpu.memory_space<hbm>>) target(%arg8 : memref<4000xi32, #tpu.memory_space<vmem>>) target_semaphore(%run_scoped3A : memref<!tpu.dma_semaphore, #tpu.memory_space<semaphore_mem>>)
        %dma_wait3A_51 = tpu.memref_slice %arg2[%add3A_46] : memref<3200000xi32, #tpu.memory_space<hbm>> -> memref<4000xi32, #tpu.memory_space<hbm>>
        %dma_wait3A_52 = tpu.memref_slice %arg2[%add3A_46] : memref<3200000xi32, #tpu.memory_space<hbm>> -> memref<4000xi32, #tpu.memory_space<hbm>>
        tpu.wait_dma2 semaphore(%run_scoped3A : memref<!tpu.dma_semaphore, #tpu.memory_space<semaphore_mem>>) src(%dma_wait3A_52 : memref<4000xi32, #tpu.memory_space<hbm>>) dst(%arg8 : memref<4000xi32, #tpu.memory_space<vmem>>)
        tpu.yield
      }) : () -> ()
      %dma_start3A_47 = arith.constant 0 : i32
      %dma_start3A_48 = tpu.memref_slice %arg10[%dma_start3A_47] : memref<100352xf32, #tpu.memory_space<vmem_shared>> -> memref<100352xf32, #tpu.memory_space<vmem_shared>>
      tpu.enqueue_indirect_dma source(%arg6 : memref<4000xf32, #tpu.memory_space<vmem>>) target(%dma_start3A_48 : memref<100352xf32, #tpu.memory_space<vmem_shared>>) offsets(%arg8 : memref<4000xi32, #tpu.memory_space<vmem>>) semaphore(%arg12 : memref<!tpu.dma_semaphore, #tpu.memory_space<semaphore_mem>>) {add = true}
    }
    %scan3A_16 = arith.constant 11 : i32
    %dma_wait3A = arith.constant 0 : i32
    %dma_wait3A_17 = tpu.memref_slice %arg10[%dma_wait3A] : memref<100352xf32, #tpu.memory_space<vmem_shared>> -> memref<100352xf32, #tpu.memory_space<vmem_shared>>
    tpu.wait_indirect_dma semaphore(%arg11 : memref<!tpu.dma_semaphore, #tpu.memory_space<semaphore_mem>>) src(%arg6 : memref<4000xf32, #tpu.memory_space<vmem>>) dst(%dma_wait3A_17 : memref<100352xf32, #tpu.memory_space<vmem_shared>>)
    %dma_wait3A_18 = arith.constant 0 : i32
    %dma_wait3A_19 = tpu.memref_slice %arg10[%dma_wait3A_18] : memref<100352xf32, #tpu.memory_space<vmem_shared>> -> memref<100352xf32, #tpu.memory_space<vmem_shared>>
    tpu.wait_indirect_dma semaphore(%arg12 : memref<!tpu.dma_semaphore, #tpu.memory_space<semaphore_mem>>) src(%arg6 : memref<4000xf32, #tpu.memory_space<vmem>>) dst(%dma_wait3A_19 : memref<100352xf32, #tpu.memory_space<vmem_shared>>)
    %add3A_20 = arith.constant 96000 : i32
    %add3A_21 = arith.addi %add3A, %add3A_20 : i32
    "tpu.region"() ({
      %run_scoped3A = tpu.sem_alloc : memref<!tpu.dma_semaphore, #tpu.memory_space<semaphore_mem>>
      %dma_start3A_30 = tpu.memref_slice %arg2[%add3A_21] : memref<3200000xi32, #tpu.memory_space<hbm>> -> memref<4000xi32, #tpu.memory_space<hbm>>
      %dma_start3A_31 = tpu.memref_slice %arg2[%add3A_21] : memref<3200000xi32, #tpu.memory_space<hbm>> -> memref<4000xi32, #tpu.memory_space<hbm>>
      tpu.enqueue_dma source(%dma_start3A_31 : memref<4000xi32, #tpu.memory_space<hbm>>) target(%arg7 : memref<4000xi32, #tpu.memory_space<vmem>>) target_semaphore(%run_scoped3A : memref<!tpu.dma_semaphore, #tpu.memory_space<semaphore_mem>>)
      %dma_wait3A_32 = tpu.memref_slice %arg2[%add3A_21] : memref<3200000xi32, #tpu.memory_space<hbm>> -> memref<4000xi32, #tpu.memory_space<hbm>>
      %dma_wait3A_33 = tpu.memref_slice %arg2[%add3A_21] : memref<3200000xi32, #tpu.memory_space<hbm>> -> memref<4000xi32, #tpu.memory_space<hbm>>
      tpu.wait_dma2 semaphore(%run_scoped3A : memref<!tpu.dma_semaphore, #tpu.memory_space<semaphore_mem>>) src(%dma_wait3A_33 : memref<4000xi32, #tpu.memory_space<hbm>>) dst(%arg7 : memref<4000xi32, #tpu.memory_space<vmem>>)
      tpu.yield
    }) : () -> ()
    "tpu.region"() ({
      %run_scoped3A = tpu.sem_alloc : memref<!tpu.dma_semaphore, #tpu.memory_space<semaphore_mem>>
      %dma_start3A_30 = arith.constant 0 : i32
      %dma_start3A_31 = tpu.memref_slice %arg10[%dma_start3A_30] : memref<100352xf32, #tpu.memory_space<vmem_shared>> -> memref<100352xf32, #tpu.memory_space<vmem_shared>>
      tpu.enqueue_indirect_dma source(%arg6 : memref<4000xf32, #tpu.memory_space<vmem>>) target(%dma_start3A_31 : memref<100352xf32, #tpu.memory_space<vmem_shared>>) offsets(%arg7 : memref<4000xi32, #tpu.memory_space<vmem>>) semaphore(%run_scoped3A : memref<!tpu.dma_semaphore, #tpu.memory_space<semaphore_mem>>) {add = true}
      %dma_wait3A_32 = arith.constant 0 : i32
      %dma_wait3A_33 = tpu.memref_slice %arg10[%dma_wait3A_32] : memref<100352xf32, #tpu.memory_space<vmem_shared>> -> memref<100352xf32, #tpu.memory_space<vmem_shared>>
      tpu.wait_indirect_dma semaphore(%run_scoped3A : memref<!tpu.dma_semaphore, #tpu.memory_space<semaphore_mem>>) src(%arg6 : memref<4000xf32, #tpu.memory_space<vmem>>) dst(%dma_wait3A_33 : memref<100352xf32, #tpu.memory_space<vmem_shared>>)
      tpu.yield
    }) : () -> ()
    %barrier3A_22 = arith.constant 0 : index
    tpu.barrier barrier_id(%barrier3A_22)
    %mul3A_23 = arith.constant 6272 : i32
    %mul3A_24 = arith.muli %arg1, %mul3A_23 : i32
    "tpu.region"() ({
      %run_scoped3A = tpu.sem_alloc : memref<!tpu.dma_semaphore, #tpu.memory_space<semaphore_mem>>
      %dma_start3A_30 = tpu.memref_slice %arg10[%mul3A_24] : memref<100352xf32, #tpu.memory_space<vmem_shared>> -> memref<6272xf32, #tpu.memory_space<vmem_shared>>
      %dma_start3A_31 = tpu.memref_slice %arg10[%mul3A_24] : memref<100352xf32, #tpu.memory_space<vmem_shared>> -> memref<6272xf32, #tpu.memory_space<vmem_shared>>
      tpu.enqueue_dma source(%dma_start3A_31 : memref<6272xf32, #tpu.memory_space<vmem_shared>>) target(%arg9 : memref<6272xf32, #tpu.memory_space<vmem>>) target_semaphore(%run_scoped3A : memref<!tpu.dma_semaphore, #tpu.memory_space<semaphore_mem>>)
      %dma_wait3A_32 = tpu.memref_slice %arg10[%mul3A_24] : memref<100352xf32, #tpu.memory_space<vmem_shared>> -> memref<6272xf32, #tpu.memory_space<vmem_shared>>
      %dma_wait3A_33 = tpu.memref_slice %arg10[%mul3A_24] : memref<100352xf32, #tpu.memory_space<vmem_shared>> -> memref<6272xf32, #tpu.memory_space<vmem_shared>>
      tpu.wait_dma2 semaphore(%run_scoped3A : memref<!tpu.dma_semaphore, #tpu.memory_space<semaphore_mem>>) src(%dma_wait3A_33 : memref<6272xf32, #tpu.memory_space<vmem_shared>>) dst(%arg9 : memref<6272xf32, #tpu.memory_space<vmem>>)
      tpu.yield
    }) : () -> ()
    %mul3A_25 = arith.constant 100352 : i32
    %mul3A_26 = arith.muli %arg0, %mul3A_25 : i32
    %mul3A_27 = arith.constant 6272 : i32
    %mul3A_28 = arith.muli %arg1, %mul3A_27 : i32
    %add3A_29 = arith.addi %mul3A_26, %mul3A_28 : i32
    "tpu.region"() ({
      %run_scoped3A = tpu.sem_alloc : memref<!tpu.dma_semaphore, #tpu.memory_space<semaphore_mem>>
      %dma_start3A_30 = tpu.memref_slice %arg5[%add3A_29] : memref<200704xf32, #tpu.memory_space<hbm>> -> memref<6272xf32, #tpu.memory_space<hbm>>
      %dma_start3A_31 = tpu.memref_slice %arg5[%add3A_29] : memref<200704xf32, #tpu.memory_space<hbm>> -> memref<6272xf32, #tpu.memory_space<hbm>>
      tpu.enqueue_dma source(%arg9 : memref<6272xf32, #tpu.memory_space<vmem>>) target(%dma_start3A_31 : memref<6272xf32, #tpu.memory_space<hbm>>) target_semaphore(%run_scoped3A : memref<!tpu.dma_semaphore, #tpu.memory_space<semaphore_mem>>)
      %dma_wait3A_32 = tpu.memref_slice %arg5[%add3A_29] : memref<200704xf32, #tpu.memory_space<hbm>> -> memref<6272xf32, #tpu.memory_space<hbm>>
      %dma_wait3A_33 = tpu.memref_slice %arg5[%add3A_29] : memref<200704xf32, #tpu.memory_space<hbm>> -> memref<6272xf32, #tpu.memory_space<hbm>>
      tpu.wait_dma2 semaphore(%run_scoped3A : memref<!tpu.dma_semaphore, #tpu.memory_space<semaphore_mem>>) src(%arg9 : memref<6272xf32, #tpu.memory_space<vmem>>) dst(%dma_wait3A_33 : memref<6272xf32, #tpu.memory_space<hbm>>)
      tpu.yield
    }) : () -> ()
    return
  }
}

#map = affine_map<(d0, d1) -> (0, 0)>
#map1 = affine_map<(d0, d1) -> (0)>
module attributes {stable_mosaic.version = 14 : i64} {
  func.func @_spmm_kernel(%arg0: i32, %arg1: i32, %arg2: memref<100000x16xf32, #tpu.memory_space<hbm>>, %arg3: memref<3200000xi32, #tpu.memory_space<hbm>>, %arg4: memref<3200000xi32, #tpu.memory_space<hbm>>, %arg5: memref<800x16xf32, #tpu.memory_space<hbm>>, %arg6: memref<200192x16xf32, #tpu.memory_space<hbm>>, %arg7: memref<800xi32, #tpu.memory_space<vmem>>, %arg8: memref<800xi32, #tpu.memory_space<vmem>>, %arg9: memref<800xi32, #tpu.memory_space<vmem>>, %arg10: memref<800xi32, #tpu.memory_space<vmem>>, %arg11: memref<800x16xf32, #tpu.memory_space<vmem>>, %arg12: memref<800x16xf32, #tpu.memory_space<vmem>>, %arg13: memref<100096x16xf32, #tpu.memory_space<vmem_shared>>, %arg14: memref<!tpu.dma_semaphore, #tpu.memory_space<semaphore_mem>>, %arg15: memref<!tpu.dma_semaphore, #tpu.memory_space<semaphore_mem>>, %arg16: memref<!tpu.dma_semaphore, #tpu.memory_space<semaphore_mem>>, %arg17: memref<!tpu.dma_semaphore, #tpu.memory_space<semaphore_mem>>, %arg18: memref<!tpu.dma_semaphore, #tpu.memory_space<semaphore_mem>>, %arg19: memref<!tpu.dma_semaphore, #tpu.memory_space<semaphore_mem>>) attributes {dimension_semantics = [#tpu.dimension_semantics<core_parallel>, #tpu.dimension_semantics<subcore_parallel>], iteration_bounds = array<i64: 2, 16>, scalar_prefetch = 0 : i64, scratch_operands = 13 : i64, tpu.core_type = #tpu.core_type<sc_vector_subcore>, window_params = [{transform_indices = #map}, {transform_indices = #map1}, {transform_indices = #map1}, {transform_indices = #map}, {transform_indices = #map}]} {
    "tpu.region"() ({
      %run_scoped3A = tpu.sem_alloc : memref<!tpu.dma_semaphore, #tpu.memory_space<semaphore_mem>>
      tpu.enqueue_dma source(%arg5 : memref<800x16xf32, #tpu.memory_space<hbm>>) target(%arg11 : memref<800x16xf32, #tpu.memory_space<vmem>>) target_semaphore(%run_scoped3A : memref<!tpu.dma_semaphore, #tpu.memory_space<semaphore_mem>>)
      tpu.wait_dma2 semaphore(%run_scoped3A : memref<!tpu.dma_semaphore, #tpu.memory_space<semaphore_mem>>) src(%arg5 : memref<800x16xf32, #tpu.memory_space<hbm>>) dst(%arg11 : memref<800x16xf32, #tpu.memory_space<vmem>>)
      tpu.yield
    }) : () -> ()
    %mul3A = arith.constant 6256 : i32
    %mul3A_0 = arith.muli %arg1, %mul3A : i32
    %add3A = arith.constant 0 : i32
    %add3A_1 = arith.addi %mul3A_0, %add3A : i32
    "tpu.region"() ({
      %run_scoped3A = tpu.sem_alloc : memref<!tpu.dma_semaphore, #tpu.memory_space<semaphore_mem>>
      %dma_start3A_140 = arith.constant 0 : i32
      %dma_start3A_141 = arith.constant 0 : i32
      %dma_start3A_142 = tpu.memref_slice %arg11[%dma_start3A_140, %dma_start3A_141] : memref<800x16xf32, #tpu.memory_space<vmem>> -> memref<800x16xf32, #tpu.memory_space<vmem>>
      %dma_start3A_143 = arith.constant 0 : i32
      %dma_start3A_144 = tpu.memref_slice %arg13[%add3A_1, %dma_start3A_143] : memref<100096x16xf32, #tpu.memory_space<vmem_shared>> -> memref<800x16xf32, #tpu.memory_space<vmem_shared>>
      %dma_start3A_145 = arith.constant 0 : i32
      %dma_start3A_146 = tpu.memref_slice %arg13[%add3A_1, %dma_start3A_145] : memref<100096x16xf32, #tpu.memory_space<vmem_shared>> -> memref<800x16xf32, #tpu.memory_space<vmem_shared>>
      %dma_start3A_147 = arith.constant 0 : i32
      %dma_start3A_148 = arith.constant 0 : i32
      %dma_start3A_149 = tpu.memref_slice %arg11[%dma_start3A_147, %dma_start3A_148] : memref<800x16xf32, #tpu.memory_space<vmem>> -> memref<800x16xf32, #tpu.memory_space<vmem>>
      tpu.enqueue_dma source(%dma_start3A_149 : memref<800x16xf32, #tpu.memory_space<vmem>>) target(%dma_start3A_146 : memref<800x16xf32, #tpu.memory_space<vmem_shared>>) target_semaphore(%run_scoped3A : memref<!tpu.dma_semaphore, #tpu.memory_space<semaphore_mem>>)
      %dma_wait3A_150 = arith.constant 0 : i32
      %dma_wait3A_151 = arith.constant 0 : i32
      %dma_wait3A_152 = tpu.memref_slice %arg11[%dma_wait3A_150, %dma_wait3A_151] : memref<800x16xf32, #tpu.memory_space<vmem>> -> memref<800x16xf32, #tpu.memory_space<vmem>>
      %dma_wait3A_153 = arith.constant 0 : i32
      %dma_wait3A_154 = tpu.memref_slice %arg13[%add3A_1, %dma_wait3A_153] : memref<100096x16xf32, #tpu.memory_space<vmem_shared>> -> memref<800x16xf32, #tpu.memory_space<vmem_shared>>
      %dma_wait3A_155 = arith.constant 0 : i32
      %dma_wait3A_156 = tpu.memref_slice %arg13[%add3A_1, %dma_wait3A_155] : memref<100096x16xf32, #tpu.memory_space<vmem_shared>> -> memref<800x16xf32, #tpu.memory_space<vmem_shared>>
      %dma_wait3A_157 = arith.constant 0 : i32
      %dma_wait3A_158 = arith.constant 0 : i32
      %dma_wait3A_159 = tpu.memref_slice %arg11[%dma_wait3A_157, %dma_wait3A_158] : memref<800x16xf32, #tpu.memory_space<vmem>> -> memref<800x16xf32, #tpu.memory_space<vmem>>
      tpu.wait_dma2 semaphore(%run_scoped3A : memref<!tpu.dma_semaphore, #tpu.memory_space<semaphore_mem>>) src(%dma_wait3A_159 : memref<800x16xf32, #tpu.memory_space<vmem>>) dst(%dma_wait3A_156 : memref<800x16xf32, #tpu.memory_space<vmem_shared>>)
      tpu.yield
    }) : () -> ()
    %add3A_2 = arith.constant 800 : i32
    %add3A_3 = arith.addi %mul3A_0, %add3A_2 : i32
    "tpu.region"() ({
      %run_scoped3A = tpu.sem_alloc : memref<!tpu.dma_semaphore, #tpu.memory_space<semaphore_mem>>
      %dma_start3A_140 = arith.constant 0 : i32
      %dma_start3A_141 = arith.constant 0 : i32
      %dma_start3A_142 = tpu.memref_slice %arg11[%dma_start3A_140, %dma_start3A_141] : memref<800x16xf32, #tpu.memory_space<vmem>> -> memref<800x16xf32, #tpu.memory_space<vmem>>
      %dma_start3A_143 = arith.constant 0 : i32
      %dma_start3A_144 = tpu.memref_slice %arg13[%add3A_3, %dma_start3A_143] : memref<100096x16xf32, #tpu.memory_space<vmem_shared>> -> memref<800x16xf32, #tpu.memory_space<vmem_shared>>
      %dma_start3A_145 = arith.constant 0 : i32
      %dma_start3A_146 = tpu.memref_slice %arg13[%add3A_3, %dma_start3A_145] : memref<100096x16xf32, #tpu.memory_space<vmem_shared>> -> memref<800x16xf32, #tpu.memory_space<vmem_shared>>
      %dma_start3A_147 = arith.constant 0 : i32
      %dma_start3A_148 = arith.constant 0 : i32
      %dma_start3A_149 = tpu.memref_slice %arg11[%dma_start3A_147, %dma_start3A_148] : memref<800x16xf32, #tpu.memory_space<vmem>> -> memref<800x16xf32, #tpu.memory_space<vmem>>
      tpu.enqueue_dma source(%dma_start3A_149 : memref<800x16xf32, #tpu.memory_space<vmem>>) target(%dma_start3A_146 : memref<800x16xf32, #tpu.memory_space<vmem_shared>>) target_semaphore(%run_scoped3A : memref<!tpu.dma_semaphore, #tpu.memory_space<semaphore_mem>>)
      %dma_wait3A_150 = arith.constant 0 : i32
      %dma_wait3A_151 = arith.constant 0 : i32
      %dma_wait3A_152 = tpu.memref_slice %arg11[%dma_wait3A_150, %dma_wait3A_151] : memref<800x16xf32, #tpu.memory_space<vmem>> -> memref<800x16xf32, #tpu.memory_space<vmem>>
      %dma_wait3A_153 = arith.constant 0 : i32
      %dma_wait3A_154 = tpu.memref_slice %arg13[%add3A_3, %dma_wait3A_153] : memref<100096x16xf32, #tpu.memory_space<vmem_shared>> -> memref<800x16xf32, #tpu.memory_space<vmem_shared>>
      %dma_wait3A_155 = arith.constant 0 : i32
      %dma_wait3A_156 = tpu.memref_slice %arg13[%add3A_3, %dma_wait3A_155] : memref<100096x16xf32, #tpu.memory_space<vmem_shared>> -> memref<800x16xf32, #tpu.memory_space<vmem_shared>>
      %dma_wait3A_157 = arith.constant 0 : i32
      %dma_wait3A_158 = arith.constant 0 : i32
      %dma_wait3A_159 = tpu.memref_slice %arg11[%dma_wait3A_157, %dma_wait3A_158] : memref<800x16xf32, #tpu.memory_space<vmem>> -> memref<800x16xf32, #tpu.memory_space<vmem>>
      tpu.wait_dma2 semaphore(%run_scoped3A : memref<!tpu.dma_semaphore, #tpu.memory_space<semaphore_mem>>) src(%dma_wait3A_159 : memref<800x16xf32, #tpu.memory_space<vmem>>) dst(%dma_wait3A_156 : memref<800x16xf32, #tpu.memory_space<vmem_shared>>)
      tpu.yield
    }) : () -> ()
    %add3A_4 = arith.constant 1600 : i32
    %add3A_5 = arith.addi %mul3A_0, %add3A_4 : i32
    "tpu.region"() ({
      %run_scoped3A = tpu.sem_alloc : memref<!tpu.dma_semaphore, #tpu.memory_space<semaphore_mem>>
      %dma_start3A_140 = arith.constant 0 : i32
      %dma_start3A_141 = arith.constant 0 : i32
      %dma_start3A_142 = tpu.memref_slice %arg11[%dma_start3A_140, %dma_start3A_141] : memref<800x16xf32, #tpu.memory_space<vmem>> -> memref<800x16xf32, #tpu.memory_space<vmem>>
      %dma_start3A_143 = arith.constant 0 : i32
      %dma_start3A_144 = tpu.memref_slice %arg13[%add3A_5, %dma_start3A_143] : memref<100096x16xf32, #tpu.memory_space<vmem_shared>> -> memref<800x16xf32, #tpu.memory_space<vmem_shared>>
      %dma_start3A_145 = arith.constant 0 : i32
      %dma_start3A_146 = tpu.memref_slice %arg13[%add3A_5, %dma_start3A_145] : memref<100096x16xf32, #tpu.memory_space<vmem_shared>> -> memref<800x16xf32, #tpu.memory_space<vmem_shared>>
      %dma_start3A_147 = arith.constant 0 : i32
      %dma_start3A_148 = arith.constant 0 : i32
      %dma_start3A_149 = tpu.memref_slice %arg11[%dma_start3A_147, %dma_start3A_148] : memref<800x16xf32, #tpu.memory_space<vmem>> -> memref<800x16xf32, #tpu.memory_space<vmem>>
      tpu.enqueue_dma source(%dma_start3A_149 : memref<800x16xf32, #tpu.memory_space<vmem>>) target(%dma_start3A_146 : memref<800x16xf32, #tpu.memory_space<vmem_shared>>) target_semaphore(%run_scoped3A : memref<!tpu.dma_semaphore, #tpu.memory_space<semaphore_mem>>)
      %dma_wait3A_150 = arith.constant 0 : i32
      %dma_wait3A_151 = arith.constant 0 : i32
      %dma_wait3A_152 = tpu.memref_slice %arg11[%dma_wait3A_150, %dma_wait3A_151] : memref<800x16xf32, #tpu.memory_space<vmem>> -> memref<800x16xf32, #tpu.memory_space<vmem>>
      %dma_wait3A_153 = arith.constant 0 : i32
      %dma_wait3A_154 = tpu.memref_slice %arg13[%add3A_5, %dma_wait3A_153] : memref<100096x16xf32, #tpu.memory_space<vmem_shared>> -> memref<800x16xf32, #tpu.memory_space<vmem_shared>>
      %dma_wait3A_155 = arith.constant 0 : i32
      %dma_wait3A_156 = tpu.memref_slice %arg13[%add3A_5, %dma_wait3A_155] : memref<100096x16xf32, #tpu.memory_space<vmem_shared>> -> memref<800x16xf32, #tpu.memory_space<vmem_shared>>
      %dma_wait3A_157 = arith.constant 0 : i32
      %dma_wait3A_158 = arith.constant 0 : i32
      %dma_wait3A_159 = tpu.memref_slice %arg11[%dma_wait3A_157, %dma_wait3A_158] : memref<800x16xf32, #tpu.memory_space<vmem>> -> memref<800x16xf32, #tpu.memory_space<vmem>>
      tpu.wait_dma2 semaphore(%run_scoped3A : memref<!tpu.dma_semaphore, #tpu.memory_space<semaphore_mem>>) src(%dma_wait3A_159 : memref<800x16xf32, #tpu.memory_space<vmem>>) dst(%dma_wait3A_156 : memref<800x16xf32, #tpu.memory_space<vmem_shared>>)
      tpu.yield
    }) : () -> ()
    %add3A_6 = arith.constant 2400 : i32
    %add3A_7 = arith.addi %mul3A_0, %add3A_6 : i32
    "tpu.region"() ({
      %run_scoped3A = tpu.sem_alloc : memref<!tpu.dma_semaphore, #tpu.memory_space<semaphore_mem>>
      %dma_start3A_140 = arith.constant 0 : i32
      %dma_start3A_141 = arith.constant 0 : i32
      %dma_start3A_142 = tpu.memref_slice %arg11[%dma_start3A_140, %dma_start3A_141] : memref<800x16xf32, #tpu.memory_space<vmem>> -> memref<800x16xf32, #tpu.memory_space<vmem>>
      %dma_start3A_143 = arith.constant 0 : i32
      %dma_start3A_144 = tpu.memref_slice %arg13[%add3A_7, %dma_start3A_143] : memref<100096x16xf32, #tpu.memory_space<vmem_shared>> -> memref<800x16xf32, #tpu.memory_space<vmem_shared>>
      %dma_start3A_145 = arith.constant 0 : i32
      %dma_start3A_146 = tpu.memref_slice %arg13[%add3A_7, %dma_start3A_145] : memref<100096x16xf32, #tpu.memory_space<vmem_shared>> -> memref<800x16xf32, #tpu.memory_space<vmem_shared>>
      %dma_start3A_147 = arith.constant 0 : i32
      %dma_start3A_148 = arith.constant 0 : i32
      %dma_start3A_149 = tpu.memref_slice %arg11[%dma_start3A_147, %dma_start3A_148] : memref<800x16xf32, #tpu.memory_space<vmem>> -> memref<800x16xf32, #tpu.memory_space<vmem>>
      tpu.enqueue_dma source(%dma_start3A_149 : memref<800x16xf32, #tpu.memory_space<vmem>>) target(%dma_start3A_146 : memref<800x16xf32, #tpu.memory_space<vmem_shared>>) target_semaphore(%run_scoped3A : memref<!tpu.dma_semaphore, #tpu.memory_space<semaphore_mem>>)
      %dma_wait3A_150 = arith.constant 0 : i32
      %dma_wait3A_151 = arith.constant 0 : i32
      %dma_wait3A_152 = tpu.memref_slice %arg11[%dma_wait3A_150, %dma_wait3A_151] : memref<800x16xf32, #tpu.memory_space<vmem>> -> memref<800x16xf32, #tpu.memory_space<vmem>>
      %dma_wait3A_153 = arith.constant 0 : i32
      %dma_wait3A_154 = tpu.memref_slice %arg13[%add3A_7, %dma_wait3A_153] : memref<100096x16xf32, #tpu.memory_space<vmem_shared>> -> memref<800x16xf32, #tpu.memory_space<vmem_shared>>
      %dma_wait3A_155 = arith.constant 0 : i32
      %dma_wait3A_156 = tpu.memref_slice %arg13[%add3A_7, %dma_wait3A_155] : memref<100096x16xf32, #tpu.memory_space<vmem_shared>> -> memref<800x16xf32, #tpu.memory_space<vmem_shared>>
      %dma_wait3A_157 = arith.constant 0 : i32
      %dma_wait3A_158 = arith.constant 0 : i32
      %dma_wait3A_159 = tpu.memref_slice %arg11[%dma_wait3A_157, %dma_wait3A_158] : memref<800x16xf32, #tpu.memory_space<vmem>> -> memref<800x16xf32, #tpu.memory_space<vmem>>
      tpu.wait_dma2 semaphore(%run_scoped3A : memref<!tpu.dma_semaphore, #tpu.memory_space<semaphore_mem>>) src(%dma_wait3A_159 : memref<800x16xf32, #tpu.memory_space<vmem>>) dst(%dma_wait3A_156 : memref<800x16xf32, #tpu.memory_space<vmem_shared>>)
      tpu.yield
    }) : () -> ()
    %add3A_8 = arith.constant 3200 : i32
    %add3A_9 = arith.addi %mul3A_0, %add3A_8 : i32
    "tpu.region"() ({
      %run_scoped3A = tpu.sem_alloc : memref<!tpu.dma_semaphore, #tpu.memory_space<semaphore_mem>>
      %dma_start3A_140 = arith.constant 0 : i32
      %dma_start3A_141 = arith.constant 0 : i32
      %dma_start3A_142 = tpu.memref_slice %arg11[%dma_start3A_140, %dma_start3A_141] : memref<800x16xf32, #tpu.memory_space<vmem>> -> memref<800x16xf32, #tpu.memory_space<vmem>>
      %dma_start3A_143 = arith.constant 0 : i32
      %dma_start3A_144 = tpu.memref_slice %arg13[%add3A_9, %dma_start3A_143] : memref<100096x16xf32, #tpu.memory_space<vmem_shared>> -> memref<800x16xf32, #tpu.memory_space<vmem_shared>>
      %dma_start3A_145 = arith.constant 0 : i32
      %dma_start3A_146 = tpu.memref_slice %arg13[%add3A_9, %dma_start3A_145] : memref<100096x16xf32, #tpu.memory_space<vmem_shared>> -> memref<800x16xf32, #tpu.memory_space<vmem_shared>>
      %dma_start3A_147 = arith.constant 0 : i32
      %dma_start3A_148 = arith.constant 0 : i32
      %dma_start3A_149 = tpu.memref_slice %arg11[%dma_start3A_147, %dma_start3A_148] : memref<800x16xf32, #tpu.memory_space<vmem>> -> memref<800x16xf32, #tpu.memory_space<vmem>>
      tpu.enqueue_dma source(%dma_start3A_149 : memref<800x16xf32, #tpu.memory_space<vmem>>) target(%dma_start3A_146 : memref<800x16xf32, #tpu.memory_space<vmem_shared>>) target_semaphore(%run_scoped3A : memref<!tpu.dma_semaphore, #tpu.memory_space<semaphore_mem>>)
      %dma_wait3A_150 = arith.constant 0 : i32
      %dma_wait3A_151 = arith.constant 0 : i32
      %dma_wait3A_152 = tpu.memref_slice %arg11[%dma_wait3A_150, %dma_wait3A_151] : memref<800x16xf32, #tpu.memory_space<vmem>> -> memref<800x16xf32, #tpu.memory_space<vmem>>
      %dma_wait3A_153 = arith.constant 0 : i32
      %dma_wait3A_154 = tpu.memref_slice %arg13[%add3A_9, %dma_wait3A_153] : memref<100096x16xf32, #tpu.memory_space<vmem_shared>> -> memref<800x16xf32, #tpu.memory_space<vmem_shared>>
      %dma_wait3A_155 = arith.constant 0 : i32
      %dma_wait3A_156 = tpu.memref_slice %arg13[%add3A_9, %dma_wait3A_155] : memref<100096x16xf32, #tpu.memory_space<vmem_shared>> -> memref<800x16xf32, #tpu.memory_space<vmem_shared>>
      %dma_wait3A_157 = arith.constant 0 : i32
      %dma_wait3A_158 = arith.constant 0 : i32
      %dma_wait3A_159 = tpu.memref_slice %arg11[%dma_wait3A_157, %dma_wait3A_158] : memref<800x16xf32, #tpu.memory_space<vmem>> -> memref<800x16xf32, #tpu.memory_space<vmem>>
      tpu.wait_dma2 semaphore(%run_scoped3A : memref<!tpu.dma_semaphore, #tpu.memory_space<semaphore_mem>>) src(%dma_wait3A_159 : memref<800x16xf32, #tpu.memory_space<vmem>>) dst(%dma_wait3A_156 : memref<800x16xf32, #tpu.memory_space<vmem_shared>>)
      tpu.yield
    }) : () -> ()
    %add3A_10 = arith.constant 4000 : i32
    %add3A_11 = arith.addi %mul3A_0, %add3A_10 : i32
    "tpu.region"() ({
      %run_scoped3A = tpu.sem_alloc : memref<!tpu.dma_semaphore, #tpu.memory_space<semaphore_mem>>
      %dma_start3A_140 = arith.constant 0 : i32
      %dma_start3A_141 = arith.constant 0 : i32
      %dma_start3A_142 = tpu.memref_slice %arg11[%dma_start3A_140, %dma_start3A_141] : memref<800x16xf32, #tpu.memory_space<vmem>> -> memref<800x16xf32, #tpu.memory_space<vmem>>
      %dma_start3A_143 = arith.constant 0 : i32
      %dma_start3A_144 = tpu.memref_slice %arg13[%add3A_11, %dma_start3A_143] : memref<100096x16xf32, #tpu.memory_space<vmem_shared>> -> memref<800x16xf32, #tpu.memory_space<vmem_shared>>
      %dma_start3A_145 = arith.constant 0 : i32
      %dma_start3A_146 = tpu.memref_slice %arg13[%add3A_11, %dma_start3A_145] : memref<100096x16xf32, #tpu.memory_space<vmem_shared>> -> memref<800x16xf32, #tpu.memory_space<vmem_shared>>
      %dma_start3A_147 = arith.constant 0 : i32
      %dma_start3A_148 = arith.constant 0 : i32
      %dma_start3A_149 = tpu.memref_slice %arg11[%dma_start3A_147, %dma_start3A_148] : memref<800x16xf32, #tpu.memory_space<vmem>> -> memref<800x16xf32, #tpu.memory_space<vmem>>
      tpu.enqueue_dma source(%dma_start3A_149 : memref<800x16xf32, #tpu.memory_space<vmem>>) target(%dma_start3A_146 : memref<800x16xf32, #tpu.memory_space<vmem_shared>>) target_semaphore(%run_scoped3A : memref<!tpu.dma_semaphore, #tpu.memory_space<semaphore_mem>>)
      %dma_wait3A_150 = arith.constant 0 : i32
      %dma_wait3A_151 = arith.constant 0 : i32
      %dma_wait3A_152 = tpu.memref_slice %arg11[%dma_wait3A_150, %dma_wait3A_151] : memref<800x16xf32, #tpu.memory_space<vmem>> -> memref<800x16xf32, #tpu.memory_space<vmem>>
      %dma_wait3A_153 = arith.constant 0 : i32
      %dma_wait3A_154 = tpu.memref_slice %arg13[%add3A_11, %dma_wait3A_153] : memref<100096x16xf32, #tpu.memory_space<vmem_shared>> -> memref<800x16xf32, #tpu.memory_space<vmem_shared>>
      %dma_wait3A_155 = arith.constant 0 : i32
      %dma_wait3A_156 = tpu.memref_slice %arg13[%add3A_11, %dma_wait3A_155] : memref<100096x16xf32, #tpu.memory_space<vmem_shared>> -> memref<800x16xf32, #tpu.memory_space<vmem_shared>>
      %dma_wait3A_157 = arith.constant 0 : i32
      %dma_wait3A_158 = arith.constant 0 : i32
      %dma_wait3A_159 = tpu.memref_slice %arg11[%dma_wait3A_157, %dma_wait3A_158] : memref<800x16xf32, #tpu.memory_space<vmem>> -> memref<800x16xf32, #tpu.memory_space<vmem>>
      tpu.wait_dma2 semaphore(%run_scoped3A : memref<!tpu.dma_semaphore, #tpu.memory_space<semaphore_mem>>) src(%dma_wait3A_159 : memref<800x16xf32, #tpu.memory_space<vmem>>) dst(%dma_wait3A_156 : memref<800x16xf32, #tpu.memory_space<vmem_shared>>)
      tpu.yield
    }) : () -> ()
    %add3A_12 = arith.constant 4800 : i32
    %add3A_13 = arith.addi %mul3A_0, %add3A_12 : i32
    "tpu.region"() ({
      %run_scoped3A = tpu.sem_alloc : memref<!tpu.dma_semaphore, #tpu.memory_space<semaphore_mem>>
      %dma_start3A_140 = arith.constant 0 : i32
      %dma_start3A_141 = arith.constant 0 : i32
      %dma_start3A_142 = tpu.memref_slice %arg11[%dma_start3A_140, %dma_start3A_141] : memref<800x16xf32, #tpu.memory_space<vmem>> -> memref<800x16xf32, #tpu.memory_space<vmem>>
      %dma_start3A_143 = arith.constant 0 : i32
      %dma_start3A_144 = tpu.memref_slice %arg13[%add3A_13, %dma_start3A_143] : memref<100096x16xf32, #tpu.memory_space<vmem_shared>> -> memref<800x16xf32, #tpu.memory_space<vmem_shared>>
      %dma_start3A_145 = arith.constant 0 : i32
      %dma_start3A_146 = tpu.memref_slice %arg13[%add3A_13, %dma_start3A_145] : memref<100096x16xf32, #tpu.memory_space<vmem_shared>> -> memref<800x16xf32, #tpu.memory_space<vmem_shared>>
      %dma_start3A_147 = arith.constant 0 : i32
      %dma_start3A_148 = arith.constant 0 : i32
      %dma_start3A_149 = tpu.memref_slice %arg11[%dma_start3A_147, %dma_start3A_148] : memref<800x16xf32, #tpu.memory_space<vmem>> -> memref<800x16xf32, #tpu.memory_space<vmem>>
      tpu.enqueue_dma source(%dma_start3A_149 : memref<800x16xf32, #tpu.memory_space<vmem>>) target(%dma_start3A_146 : memref<800x16xf32, #tpu.memory_space<vmem_shared>>) target_semaphore(%run_scoped3A : memref<!tpu.dma_semaphore, #tpu.memory_space<semaphore_mem>>)
      %dma_wait3A_150 = arith.constant 0 : i32
      %dma_wait3A_151 = arith.constant 0 : i32
      %dma_wait3A_152 = tpu.memref_slice %arg11[%dma_wait3A_150, %dma_wait3A_151] : memref<800x16xf32, #tpu.memory_space<vmem>> -> memref<800x16xf32, #tpu.memory_space<vmem>>
      %dma_wait3A_153 = arith.constant 0 : i32
      %dma_wait3A_154 = tpu.memref_slice %arg13[%add3A_13, %dma_wait3A_153] : memref<100096x16xf32, #tpu.memory_space<vmem_shared>> -> memref<800x16xf32, #tpu.memory_space<vmem_shared>>
      %dma_wait3A_155 = arith.constant 0 : i32
      %dma_wait3A_156 = tpu.memref_slice %arg13[%add3A_13, %dma_wait3A_155] : memref<100096x16xf32, #tpu.memory_space<vmem_shared>> -> memref<800x16xf32, #tpu.memory_space<vmem_shared>>
      %dma_wait3A_157 = arith.constant 0 : i32
      %dma_wait3A_158 = arith.constant 0 : i32
      %dma_wait3A_159 = tpu.memref_slice %arg11[%dma_wait3A_157, %dma_wait3A_158] : memref<800x16xf32, #tpu.memory_space<vmem>> -> memref<800x16xf32, #tpu.memory_space<vmem>>
      tpu.wait_dma2 semaphore(%run_scoped3A : memref<!tpu.dma_semaphore, #tpu.memory_space<semaphore_mem>>) src(%dma_wait3A_159 : memref<800x16xf32, #tpu.memory_space<vmem>>) dst(%dma_wait3A_156 : memref<800x16xf32, #tpu.memory_space<vmem_shared>>)
      tpu.yield
    }) : () -> ()
    %add3A_14 = arith.constant 5600 : i32
    %add3A_15 = arith.addi %mul3A_0, %add3A_14 : i32
    "tpu.region"() ({
      %run_scoped3A = tpu.sem_alloc : memref<!tpu.dma_semaphore, #tpu.memory_space<semaphore_mem>>
      %dma_start3A_140 = arith.constant 0 : i32
      %dma_start3A_141 = arith.constant 0 : i32
      %dma_start3A_142 = tpu.memref_slice %arg11[%dma_start3A_140, %dma_start3A_141] : memref<800x16xf32, #tpu.memory_space<vmem>> -> memref<656x16xf32, #tpu.memory_space<vmem>>
      %dma_start3A_143 = arith.constant 0 : i32
      %dma_start3A_144 = tpu.memref_slice %arg13[%add3A_15, %dma_start3A_143] : memref<100096x16xf32, #tpu.memory_space<vmem_shared>> -> memref<656x16xf32, #tpu.memory_space<vmem_shared>>
      %dma_start3A_145 = arith.constant 0 : i32
      %dma_start3A_146 = tpu.memref_slice %arg13[%add3A_15, %dma_start3A_145] : memref<100096x16xf32, #tpu.memory_space<vmem_shared>> -> memref<656x16xf32, #tpu.memory_space<vmem_shared>>
      %dma_start3A_147 = arith.constant 0 : i32
      %dma_start3A_148 = arith.constant 0 : i32
      %dma_start3A_149 = tpu.memref_slice %arg11[%dma_start3A_147, %dma_start3A_148] : memref<800x16xf32, #tpu.memory_space<vmem>> -> memref<656x16xf32, #tpu.memory_space<vmem>>
      tpu.enqueue_dma source(%dma_start3A_149 : memref<656x16xf32, #tpu.memory_space<vmem>>) target(%dma_start3A_146 : memref<656x16xf32, #tpu.memory_space<vmem_shared>>) target_semaphore(%run_scoped3A : memref<!tpu.dma_semaphore, #tpu.memory_space<semaphore_mem>>)
      %dma_wait3A_150 = arith.constant 0 : i32
      %dma_wait3A_151 = arith.constant 0 : i32
      %dma_wait3A_152 = tpu.memref_slice %arg11[%dma_wait3A_150, %dma_wait3A_151] : memref<800x16xf32, #tpu.memory_space<vmem>> -> memref<656x16xf32, #tpu.memory_space<vmem>>
      %dma_wait3A_153 = arith.constant 0 : i32
      %dma_wait3A_154 = tpu.memref_slice %arg13[%add3A_15, %dma_wait3A_153] : memref<100096x16xf32, #tpu.memory_space<vmem_shared>> -> memref<656x16xf32, #tpu.memory_space<vmem_shared>>
      %dma_wait3A_155 = arith.constant 0 : i32
      %dma_wait3A_156 = tpu.memref_slice %arg13[%add3A_15, %dma_wait3A_155] : memref<100096x16xf32, #tpu.memory_space<vmem_shared>> -> memref<656x16xf32, #tpu.memory_space<vmem_shared>>
      %dma_wait3A_157 = arith.constant 0 : i32
      %dma_wait3A_158 = arith.constant 0 : i32
      %dma_wait3A_159 = tpu.memref_slice %arg11[%dma_wait3A_157, %dma_wait3A_158] : memref<800x16xf32, #tpu.memory_space<vmem>> -> memref<656x16xf32, #tpu.memory_space<vmem>>
      tpu.wait_dma2 semaphore(%run_scoped3A : memref<!tpu.dma_semaphore, #tpu.memory_space<semaphore_mem>>) src(%dma_wait3A_159 : memref<656x16xf32, #tpu.memory_space<vmem>>) dst(%dma_wait3A_156 : memref<656x16xf32, #tpu.memory_space<vmem_shared>>)
      tpu.yield
    }) : () -> ()
    %barrier3A = arith.constant 0 : index
    tpu.barrier barrier_id(%barrier3A)
    %mul3A_16 = arith.constant 1600000 : i32
    %mul3A_17 = arith.muli %arg0, %mul3A_16 : i32
    %mul3A_18 = arith.constant 100000 : i32
    %mul3A_19 = arith.muli %arg1, %mul3A_18 : i32
    %add3A_20 = arith.addi %mul3A_17, %mul3A_19 : i32
    %mul3A_21 = arith.constant 1600000 : i32
    %mul3A_22 = arith.muli %arg0, %mul3A_21 : i32
    %mul3A_23 = arith.constant 100000 : i32
    %mul3A_24 = arith.muli %arg1, %mul3A_23 : i32
    %add3A_25 = arith.addi %mul3A_22, %mul3A_24 : i32
    %add3A_26 = arith.constant 0 : i32
    %add3A_27 = arith.addi %add3A_20, %add3A_26 : i32
    "tpu.region"() ({
      %run_scoped3A = tpu.sem_alloc : memref<!tpu.dma_semaphore, #tpu.memory_space<semaphore_mem>>
      %dma_start3A_140 = tpu.memref_slice %arg3[%add3A_27] : memref<3200000xi32, #tpu.memory_space<hbm>> -> memref<800xi32, #tpu.memory_space<hbm>>
      %dma_start3A_141 = tpu.memref_slice %arg3[%add3A_27] : memref<3200000xi32, #tpu.memory_space<hbm>> -> memref<800xi32, #tpu.memory_space<hbm>>
      tpu.enqueue_dma source(%dma_start3A_141 : memref<800xi32, #tpu.memory_space<hbm>>) target(%arg7 : memref<800xi32, #tpu.memory_space<vmem>>) target_semaphore(%run_scoped3A : memref<!tpu.dma_semaphore, #tpu.memory_space<semaphore_mem>>)
      %dma_wait3A_142 = tpu.memref_slice %arg3[%add3A_27] : memref<3200000xi32, #tpu.memory_space<hbm>> -> memref<800xi32, #tpu.memory_space<hbm>>
      %dma_wait3A_143 = tpu.memref_slice %arg3[%add3A_27] : memref<3200000xi32, #tpu.memory_space<hbm>> -> memref<800xi32, #tpu.memory_space<hbm>>
      tpu.wait_dma2 semaphore(%run_scoped3A : memref<!tpu.dma_semaphore, #tpu.memory_space<semaphore_mem>>) src(%dma_wait3A_143 : memref<800xi32, #tpu.memory_space<hbm>>) dst(%arg7 : memref<800xi32, #tpu.memory_space<vmem>>)
      tpu.yield
    }) : () -> ()
    %add3A_28 = arith.constant 0 : i32
    %add3A_29 = arith.addi %add3A_25, %add3A_28 : i32
    %dma_start3A = tpu.memref_slice %arg4[%add3A_29] : memref<3200000xi32, #tpu.memory_space<hbm>> -> memref<800xi32, #tpu.memory_space<hbm>>
    %dma_start3A_30 = tpu.memref_slice %arg4[%add3A_29] : memref<3200000xi32, #tpu.memory_space<hbm>> -> memref<800xi32, #tpu.memory_space<hbm>>
    tpu.enqueue_dma source(%dma_start3A_30 : memref<800xi32, #tpu.memory_space<hbm>>) target(%arg8 : memref<800xi32, #tpu.memory_space<vmem>>) target_semaphore(%arg18 : memref<!tpu.dma_semaphore, #tpu.memory_space<semaphore_mem>>)
    %dma_start3A_31 = arith.constant 0 : i32
    %dma_start3A_32 = arith.constant 0 : i32
    %dma_start3A_33 = tpu.memref_slice %arg2[%dma_start3A_31, %dma_start3A_32] : memref<100000x16xf32, #tpu.memory_space<hbm>> -> memref<100000x16xf32, #tpu.memory_space<hbm>>
    tpu.enqueue_indirect_dma source(%dma_start3A_33 : memref<100000x16xf32, #tpu.memory_space<hbm>>) target(%arg11 : memref<800x16xf32, #tpu.memory_space<vmem>>) offsets(%arg7 : memref<800xi32, #tpu.memory_space<vmem>>) semaphore(%arg14 : memref<!tpu.dma_semaphore, #tpu.memory_space<semaphore_mem>>)
    %add3A_34 = arith.constant 800 : i32
    %add3A_35 = arith.addi %add3A_20, %add3A_34 : i32
    "tpu.region"() ({
      %run_scoped3A = tpu.sem_alloc : memref<!tpu.dma_semaphore, #tpu.memory_space<semaphore_mem>>
      %dma_start3A_140 = tpu.memref_slice %arg3[%add3A_35] : memref<3200000xi32, #tpu.memory_space<hbm>> -> memref<800xi32, #tpu.memory_space<hbm>>
      %dma_start3A_141 = tpu.memref_slice %arg3[%add3A_35] : memref<3200000xi32, #tpu.memory_space<hbm>> -> memref<800xi32, #tpu.memory_space<hbm>>
      tpu.enqueue_dma source(%dma_start3A_141 : memref<800xi32, #tpu.memory_space<hbm>>) target(%arg9 : memref<800xi32, #tpu.memory_space<vmem>>) target_semaphore(%run_scoped3A : memref<!tpu.dma_semaphore, #tpu.memory_space<semaphore_mem>>)
      %dma_wait3A_142 = tpu.memref_slice %arg3[%add3A_35] : memref<3200000xi32, #tpu.memory_space<hbm>> -> memref<800xi32, #tpu.memory_space<hbm>>
      %dma_wait3A_143 = tpu.memref_slice %arg3[%add3A_35] : memref<3200000xi32, #tpu.memory_space<hbm>> -> memref<800xi32, #tpu.memory_space<hbm>>
      tpu.wait_dma2 semaphore(%run_scoped3A : memref<!tpu.dma_semaphore, #tpu.memory_space<semaphore_mem>>) src(%dma_wait3A_143 : memref<800xi32, #tpu.memory_space<hbm>>) dst(%arg9 : memref<800xi32, #tpu.memory_space<vmem>>)
      tpu.yield
    }) : () -> ()
    %dma_start3A_36 = arith.constant 0 : i32
    %dma_start3A_37 = arith.constant 0 : i32
    %dma_start3A_38 = tpu.memref_slice %arg2[%dma_start3A_36, %dma_start3A_37] : memref<100000x16xf32, #tpu.memory_space<hbm>> -> memref<100000x16xf32, #tpu.memory_space<hbm>>
    tpu.enqueue_indirect_dma source(%dma_start3A_38 : memref<100000x16xf32, #tpu.memory_space<hbm>>) target(%arg12 : memref<800x16xf32, #tpu.memory_space<vmem>>) offsets(%arg9 : memref<800xi32, #tpu.memory_space<vmem>>) semaphore(%arg15 : memref<!tpu.dma_semaphore, #tpu.memory_space<semaphore_mem>>)
    %add3A_39 = arith.constant 800 : i32
    %add3A_40 = arith.addi %add3A_25, %add3A_39 : i32
    %dma_start3A_41 = tpu.memref_slice %arg4[%add3A_40] : memref<3200000xi32, #tpu.memory_space<hbm>> -> memref<800xi32, #tpu.memory_space<hbm>>
    %dma_start3A_42 = tpu.memref_slice %arg4[%add3A_40] : memref<3200000xi32, #tpu.memory_space<hbm>> -> memref<800xi32, #tpu.memory_space<hbm>>
    tpu.enqueue_dma source(%dma_start3A_42 : memref<800xi32, #tpu.memory_space<hbm>>) target(%arg10 : memref<800xi32, #tpu.memory_space<vmem>>) target_semaphore(%arg19 : memref<!tpu.dma_semaphore, #tpu.memory_space<semaphore_mem>>)
    %dma_wait3A = arith.constant 0 : i32
    %dma_wait3A_43 = arith.constant 0 : i32
    %dma_wait3A_44 = tpu.memref_slice %arg2[%dma_wait3A, %dma_wait3A_43] : memref<100000x16xf32, #tpu.memory_space<hbm>> -> memref<100000x16xf32, #tpu.memory_space<hbm>>
    tpu.wait_indirect_dma semaphore(%arg14 : memref<!tpu.dma_semaphore, #tpu.memory_space<semaphore_mem>>) src(%dma_wait3A_44 : memref<100000x16xf32, #tpu.memory_space<hbm>>) dst(%arg11 : memref<800x16xf32, #tpu.memory_space<vmem>>)
    %add3A_45 = arith.constant 0 : i32
    %add3A_46 = arith.addi %add3A_25, %add3A_45 : i32
    %dma_wait3A_47 = tpu.memref_slice %arg4[%add3A_46] : memref<3200000xi32, #tpu.memory_space<hbm>> -> memref<800xi32, #tpu.memory_space<hbm>>
    %dma_wait3A_48 = tpu.memref_slice %arg4[%add3A_46] : memref<3200000xi32, #tpu.memory_space<hbm>> -> memref<800xi32, #tpu.memory_space<hbm>>
    tpu.wait_dma2 semaphore(%arg18 : memref<!tpu.dma_semaphore, #tpu.memory_space<semaphore_mem>>) src(%dma_wait3A_48 : memref<800xi32, #tpu.memory_space<hbm>>) dst(%arg8 : memref<800xi32, #tpu.memory_space<vmem>>)
    %dma_start3A_49 = arith.constant 0 : i32
    %dma_start3A_50 = arith.constant 0 : i32
    %dma_start3A_51 = tpu.memref_slice %arg13[%dma_start3A_49, %dma_start3A_50] : memref<100096x16xf32, #tpu.memory_space<vmem_shared>> -> memref<100096x16xf32, #tpu.memory_space<vmem_shared>>
    tpu.enqueue_indirect_dma source(%arg11 : memref<800x16xf32, #tpu.memory_space<vmem>>) target(%dma_start3A_51 : memref<100096x16xf32, #tpu.memory_space<vmem_shared>>) offsets(%arg8 : memref<800xi32, #tpu.memory_space<vmem>>) semaphore(%arg16 : memref<!tpu.dma_semaphore, #tpu.memory_space<semaphore_mem>>) {add = true}
    %dma_wait3A_52 = arith.constant 0 : i32
    %dma_wait3A_53 = arith.constant 0 : i32
    %dma_wait3A_54 = tpu.memref_slice %arg2[%dma_wait3A_52, %dma_wait3A_53] : memref<100000x16xf32, #tpu.memory_space<hbm>> -> memref<100000x16xf32, #tpu.memory_space<hbm>>
    tpu.wait_indirect_dma semaphore(%arg15 : memref<!tpu.dma_semaphore, #tpu.memory_space<semaphore_mem>>) src(%dma_wait3A_54 : memref<100000x16xf32, #tpu.memory_space<hbm>>) dst(%arg12 : memref<800x16xf32, #tpu.memory_space<vmem>>)
    %add3A_55 = arith.constant 800 : i32
    %add3A_56 = arith.addi %add3A_25, %add3A_55 : i32
    %dma_wait3A_57 = tpu.memref_slice %arg4[%add3A_56] : memref<3200000xi32, #tpu.memory_space<hbm>> -> memref<800xi32, #tpu.memory_space<hbm>>
    %dma_wait3A_58 = tpu.memref_slice %arg4[%add3A_56] : memref<3200000xi32, #tpu.memory_space<hbm>> -> memref<800xi32, #tpu.memory_space<hbm>>
    tpu.wait_dma2 semaphore(%arg19 : memref<!tpu.dma_semaphore, #tpu.memory_space<semaphore_mem>>) src(%dma_wait3A_58 : memref<800xi32, #tpu.memory_space<hbm>>) dst(%arg10 : memref<800xi32, #tpu.memory_space<vmem>>)
    %dma_start3A_59 = arith.constant 0 : i32
    %dma_start3A_60 = arith.constant 0 : i32
    %dma_start3A_61 = tpu.memref_slice %arg13[%dma_start3A_59, %dma_start3A_60] : memref<100096x16xf32, #tpu.memory_space<vmem_shared>> -> memref<100096x16xf32, #tpu.memory_space<vmem_shared>>
    tpu.enqueue_indirect_dma source(%arg12 : memref<800x16xf32, #tpu.memory_space<vmem>>) target(%dma_start3A_61 : memref<100096x16xf32, #tpu.memory_space<vmem_shared>>) offsets(%arg10 : memref<800xi32, #tpu.memory_space<vmem>>) semaphore(%arg17 : memref<!tpu.dma_semaphore, #tpu.memory_space<semaphore_mem>>) {add = true}
    %dma_wait3A_62 = arith.constant 0 : i32
    %dma_wait3A_63 = arith.constant 0 : i32
    %dma_wait3A_64 = tpu.memref_slice %arg13[%dma_wait3A_62, %dma_wait3A_63] : memref<100096x16xf32, #tpu.memory_space<vmem_shared>> -> memref<100096x16xf32, #tpu.memory_space<vmem_shared>>
    tpu.wait_indirect_dma semaphore(%arg16 : memref<!tpu.dma_semaphore, #tpu.memory_space<semaphore_mem>>) src(%arg11 : memref<800x16xf32, #tpu.memory_space<vmem>>) dst(%dma_wait3A_64 : memref<100096x16xf32, #tpu.memory_space<vmem_shared>>)
    %scan3A = arith.constant 0 : i32
    %scan3A_65 = arith.constant 1 : i32
    %scan3A_66 = arith.constant 61 : i32
    %scan3A_67 = arith.addi %scan3A_65, %scan3A_66 : i32
    %scan3A_68 = arith.constant 1 : i32
    scf.for %scan3A_140 = %scan3A_65 to %scan3A_67 step %scan3A_68  : i32 {
      %mul3A_141 = arith.constant 2 : i32
      %mul3A_142 = arith.muli %mul3A_141, %scan3A_140 : i32
      %mul3A_143 = arith.constant 800 : i32
      %mul3A_144 = arith.muli %mul3A_142, %mul3A_143 : i32
      %add3A_145 = arith.addi %add3A_20, %mul3A_144 : i32
      "tpu.region"() ({
        %run_scoped3A = tpu.sem_alloc : memref<!tpu.dma_semaphore, #tpu.memory_space<semaphore_mem>>
        %dma_start3A_199 = tpu.memref_slice %arg3[%add3A_145] : memref<3200000xi32, #tpu.memory_space<hbm>> -> memref<800xi32, #tpu.memory_space<hbm>>
        %dma_start3A_200 = tpu.memref_slice %arg3[%add3A_145] : memref<3200000xi32, #tpu.memory_space<hbm>> -> memref<800xi32, #tpu.memory_space<hbm>>
        tpu.enqueue_dma source(%dma_start3A_200 : memref<800xi32, #tpu.memory_space<hbm>>) target(%arg7 : memref<800xi32, #tpu.memory_space<vmem>>) target_semaphore(%run_scoped3A : memref<!tpu.dma_semaphore, #tpu.memory_space<semaphore_mem>>)
        %dma_wait3A_201 = tpu.memref_slice %arg3[%add3A_145] : memref<3200000xi32, #tpu.memory_space<hbm>> -> memref<800xi32, #tpu.memory_space<hbm>>
        %dma_wait3A_202 = tpu.memref_slice %arg3[%add3A_145] : memref<3200000xi32, #tpu.memory_space<hbm>> -> memref<800xi32, #tpu.memory_space<hbm>>
        tpu.wait_dma2 semaphore(%run_scoped3A : memref<!tpu.dma_semaphore, #tpu.memory_space<semaphore_mem>>) src(%dma_wait3A_202 : memref<800xi32, #tpu.memory_space<hbm>>) dst(%arg7 : memref<800xi32, #tpu.memory_space<vmem>>)
        tpu.yield
      }) : () -> ()
      %mul3A_146 = arith.constant 800 : i32
      %mul3A_147 = arith.muli %mul3A_142, %mul3A_146 : i32
      %add3A_148 = arith.addi %add3A_25, %mul3A_147 : i32
      %dma_start3A_149 = tpu.memref_slice %arg4[%add3A_148] : memref<3200000xi32, #tpu.memory_space<hbm>> -> memref<800xi32, #tpu.memory_space<hbm>>
      %dma_start3A_150 = tpu.memref_slice %arg4[%add3A_148] : memref<3200000xi32, #tpu.memory_space<hbm>> -> memref<800xi32, #tpu.memory_space<hbm>>
      tpu.enqueue_dma source(%dma_start3A_150 : memref<800xi32, #tpu.memory_space<hbm>>) target(%arg8 : memref<800xi32, #tpu.memory_space<vmem>>) target_semaphore(%arg18 : memref<!tpu.dma_semaphore, #tpu.memory_space<semaphore_mem>>)
      %dma_start3A_151 = arith.constant 0 : i32
      %dma_start3A_152 = arith.constant 0 : i32
      %dma_start3A_153 = tpu.memref_slice %arg2[%dma_start3A_151, %dma_start3A_152] : memref<100000x16xf32, #tpu.memory_space<hbm>> -> memref<100000x16xf32, #tpu.memory_space<hbm>>
      tpu.enqueue_indirect_dma source(%dma_start3A_153 : memref<100000x16xf32, #tpu.memory_space<hbm>>) target(%arg11 : memref<800x16xf32, #tpu.memory_space<vmem>>) offsets(%arg7 : memref<800xi32, #tpu.memory_space<vmem>>) semaphore(%arg14 : memref<!tpu.dma_semaphore, #tpu.memory_space<semaphore_mem>>)
      %add3A_154 = arith.constant 1 : i32
      %add3A_155 = arith.addi %mul3A_142, %add3A_154 : i32
      %mul3A_156 = arith.constant 800 : i32
      %mul3A_157 = arith.muli %add3A_155, %mul3A_156 : i32
      %add3A_158 = arith.addi %add3A_20, %mul3A_157 : i32
      "tpu.region"() ({
        %run_scoped3A = tpu.sem_alloc : memref<!tpu.dma_semaphore, #tpu.memory_space<semaphore_mem>>
        %dma_start3A_199 = tpu.memref_slice %arg3[%add3A_158] : memref<3200000xi32, #tpu.memory_space<hbm>> -> memref<800xi32, #tpu.memory_space<hbm>>
        %dma_start3A_200 = tpu.memref_slice %arg3[%add3A_158] : memref<3200000xi32, #tpu.memory_space<hbm>> -> memref<800xi32, #tpu.memory_space<hbm>>
        tpu.enqueue_dma source(%dma_start3A_200 : memref<800xi32, #tpu.memory_space<hbm>>) target(%arg9 : memref<800xi32, #tpu.memory_space<vmem>>) target_semaphore(%run_scoped3A : memref<!tpu.dma_semaphore, #tpu.memory_space<semaphore_mem>>)
        %dma_wait3A_201 = tpu.memref_slice %arg3[%add3A_158] : memref<3200000xi32, #tpu.memory_space<hbm>> -> memref<800xi32, #tpu.memory_space<hbm>>
        %dma_wait3A_202 = tpu.memref_slice %arg3[%add3A_158] : memref<3200000xi32, #tpu.memory_space<hbm>> -> memref<800xi32, #tpu.memory_space<hbm>>
        tpu.wait_dma2 semaphore(%run_scoped3A : memref<!tpu.dma_semaphore, #tpu.memory_space<semaphore_mem>>) src(%dma_wait3A_202 : memref<800xi32, #tpu.memory_space<hbm>>) dst(%arg9 : memref<800xi32, #tpu.memory_space<vmem>>)
        tpu.yield
      }) : () -> ()
      %dma_wait3A_159 = arith.constant 0 : i32
      %dma_wait3A_160 = arith.constant 0 : i32
      %dma_wait3A_161 = tpu.memref_slice %arg13[%dma_wait3A_159, %dma_wait3A_160] : memref<100096x16xf32, #tpu.memory_space<vmem_shared>> -> memref<100096x16xf32, #tpu.memory_space<vmem_shared>>
      tpu.wait_indirect_dma semaphore(%arg17 : memref<!tpu.dma_semaphore, #tpu.memory_space<semaphore_mem>>) src(%arg12 : memref<800x16xf32, #tpu.memory_space<vmem>>) dst(%dma_wait3A_161 : memref<100096x16xf32, #tpu.memory_space<vmem_shared>>)
      %dma_start3A_162 = arith.constant 0 : i32
      %dma_start3A_163 = arith.constant 0 : i32
      %dma_start3A_164 = tpu.memref_slice %arg2[%dma_start3A_162, %dma_start3A_163] : memref<100000x16xf32, #tpu.memory_space<hbm>> -> memref<100000x16xf32, #tpu.memory_space<hbm>>
      tpu.enqueue_indirect_dma source(%dma_start3A_164 : memref<100000x16xf32, #tpu.memory_space<hbm>>) target(%arg12 : memref<800x16xf32, #tpu.memory_space<vmem>>) offsets(%arg9 : memref<800xi32, #tpu.memory_space<vmem>>) semaphore(%arg15 : memref<!tpu.dma_semaphore, #tpu.memory_space<semaphore_mem>>)
      %add3A_165 = arith.constant 1 : i32
      %add3A_166 = arith.addi %mul3A_142, %add3A_165 : i32
      %mul3A_167 = arith.constant 800 : i32
      %mul3A_168 = arith.muli %add3A_166, %mul3A_167 : i32
      %add3A_169 = arith.addi %add3A_25, %mul3A_168 : i32
      %dma_start3A_170 = tpu.memref_slice %arg4[%add3A_169] : memref<3200000xi32, #tpu.memory_space<hbm>> -> memref<800xi32, #tpu.memory_space<hbm>>
      %dma_start3A_171 = tpu.memref_slice %arg4[%add3A_169] : memref<3200000xi32, #tpu.memory_space<hbm>> -> memref<800xi32, #tpu.memory_space<hbm>>
      tpu.enqueue_dma source(%dma_start3A_171 : memref<800xi32, #tpu.memory_space<hbm>>) target(%arg10 : memref<800xi32, #tpu.memory_space<vmem>>) target_semaphore(%arg19 : memref<!tpu.dma_semaphore, #tpu.memory_space<semaphore_mem>>)
      %dma_wait3A_172 = arith.constant 0 : i32
      %dma_wait3A_173 = arith.constant 0 : i32
      %dma_wait3A_174 = tpu.memref_slice %arg2[%dma_wait3A_172, %dma_wait3A_173] : memref<100000x16xf32, #tpu.memory_space<hbm>> -> memref<100000x16xf32, #tpu.memory_space<hbm>>
      tpu.wait_indirect_dma semaphore(%arg14 : memref<!tpu.dma_semaphore, #tpu.memory_space<semaphore_mem>>) src(%dma_wait3A_174 : memref<100000x16xf32, #tpu.memory_space<hbm>>) dst(%arg11 : memref<800x16xf32, #tpu.memory_space<vmem>>)
      %mul3A_175 = arith.constant 800 : i32
      %mul3A_176 = arith.muli %mul3A_142, %mul3A_175 : i32
      %add3A_177 = arith.addi %add3A_25, %mul3A_176 : i32
      %dma_wait3A_178 = tpu.memref_slice %arg4[%add3A_177] : memref<3200000xi32, #tpu.memory_space<hbm>> -> memref<800xi32, #tpu.memory_space<hbm>>
      %dma_wait3A_179 = tpu.memref_slice %arg4[%add3A_177] : memref<3200000xi32, #tpu.memory_space<hbm>> -> memref<800xi32, #tpu.memory_space<hbm>>
      tpu.wait_dma2 semaphore(%arg18 : memref<!tpu.dma_semaphore, #tpu.memory_space<semaphore_mem>>) src(%dma_wait3A_179 : memref<800xi32, #tpu.memory_space<hbm>>) dst(%arg8 : memref<800xi32, #tpu.memory_space<vmem>>)
      %dma_start3A_180 = arith.constant 0 : i32
      %dma_start3A_181 = arith.constant 0 : i32
      %dma_start3A_182 = tpu.memref_slice %arg13[%dma_start3A_180, %dma_start3A_181] : memref<100096x16xf32, #tpu.memory_space<vmem_shared>> -> memref<100096x16xf32, #tpu.memory_space<vmem_shared>>
      tpu.enqueue_indirect_dma source(%arg11 : memref<800x16xf32, #tpu.memory_space<vmem>>) target(%dma_start3A_182 : memref<100096x16xf32, #tpu.memory_space<vmem_shared>>) offsets(%arg8 : memref<800xi32, #tpu.memory_space<vmem>>) semaphore(%arg16 : memref<!tpu.dma_semaphore, #tpu.memory_space<semaphore_mem>>) {add = true}
      %dma_wait3A_183 = arith.constant 0 : i32
      %dma_wait3A_184 = arith.constant 0 : i32
      %dma_wait3A_185 = tpu.memref_slice %arg2[%dma_wait3A_183, %dma_wait3A_184] : memref<100000x16xf32, #tpu.memory_space<hbm>> -> memref<100000x16xf32, #tpu.memory_space<hbm>>
      tpu.wait_indirect_dma semaphore(%arg15 : memref<!tpu.dma_semaphore, #tpu.memory_space<semaphore_mem>>) src(%dma_wait3A_185 : memref<100000x16xf32, #tpu.memory_space<hbm>>) dst(%arg12 : memref<800x16xf32, #tpu.memory_space<vmem>>)
      %add3A_186 = arith.constant 1 : i32
      %add3A_187 = arith.addi %mul3A_142, %add3A_186 : i32
      %mul3A_188 = arith.constant 800 : i32
      %mul3A_189 = arith.muli %add3A_187, %mul3A_188 : i32
      %add3A_190 = arith.addi %add3A_25, %mul3A_189 : i32
      %dma_wait3A_191 = tpu.memref_slice %arg4[%add3A_190] : memref<3200000xi32, #tpu.memory_space<hbm>> -> memref<800xi32, #tpu.memory_space<hbm>>
      %dma_wait3A_192 = tpu.memref_slice %arg4[%add3A_190] : memref<3200000xi32, #tpu.memory_space<hbm>> -> memref<800xi32, #tpu.memory_space<hbm>>
      tpu.wait_dma2 semaphore(%arg19 : memref<!tpu.dma_semaphore, #tpu.memory_space<semaphore_mem>>) src(%dma_wait3A_192 : memref<800xi32, #tpu.memory_space<hbm>>) dst(%arg10 : memref<800xi32, #tpu.memory_space<vmem>>)
      %dma_start3A_193 = arith.constant 0 : i32
      %dma_start3A_194 = arith.constant 0 : i32
      %dma_start3A_195 = tpu.memref_slice %arg13[%dma_start3A_193, %dma_start3A_194] : memref<100096x16xf32, #tpu.memory_space<vmem_shared>> -> memref<100096x16xf32, #tpu.memory_space<vmem_shared>>
      tpu.enqueue_indirect_dma source(%arg12 : memref<800x16xf32, #tpu.memory_space<vmem>>) target(%dma_start3A_195 : memref<100096x16xf32, #tpu.memory_space<vmem_shared>>) offsets(%arg10 : memref<800xi32, #tpu.memory_space<vmem>>) semaphore(%arg17 : memref<!tpu.dma_semaphore, #tpu.memory_space<semaphore_mem>>) {add = true}
      %dma_wait3A_196 = arith.constant 0 : i32
      %dma_wait3A_197 = arith.constant 0 : i32
      %dma_wait3A_198 = tpu.memref_slice %arg13[%dma_wait3A_196, %dma_wait3A_197] : memref<100096x16xf32, #tpu.memory_space<vmem_shared>> -> memref<100096x16xf32, #tpu.memory_space<vmem_shared>>
      tpu.wait_indirect_dma semaphore(%arg16 : memref<!tpu.dma_semaphore, #tpu.memory_space<semaphore_mem>>) src(%arg11 : memref<800x16xf32, #tpu.memory_space<vmem>>) dst(%dma_wait3A_198 : memref<100096x16xf32, #tpu.memory_space<vmem_shared>>)
    }
    %scan3A_69 = arith.constant 61 : i32
    %dma_wait3A_70 = arith.constant 0 : i32
    %dma_wait3A_71 = arith.constant 0 : i32
    %dma_wait3A_72 = tpu.memref_slice %arg13[%dma_wait3A_70, %dma_wait3A_71] : memref<100096x16xf32, #tpu.memory_space<vmem_shared>> -> memref<100096x16xf32, #tpu.memory_space<vmem_shared>>
    tpu.wait_indirect_dma semaphore(%arg17 : memref<!tpu.dma_semaphore, #tpu.memory_space<semaphore_mem>>) src(%arg12 : memref<800x16xf32, #tpu.memory_space<vmem>>) dst(%dma_wait3A_72 : memref<100096x16xf32, #tpu.memory_space<vmem_shared>>)
    %add3A_73 = arith.constant 99200 : i32
    %add3A_74 = arith.addi %add3A_20, %add3A_73 : i32
    "tpu.region"() ({
      %run_scoped3A = tpu.sem_alloc : memref<!tpu.dma_semaphore, #tpu.memory_space<semaphore_mem>>
      %dma_start3A_140 = tpu.memref_slice %arg3[%add3A_74] : memref<3200000xi32, #tpu.memory_space<hbm>> -> memref<800xi32, #tpu.memory_space<hbm>>
      %dma_start3A_141 = tpu.memref_slice %arg3[%add3A_74] : memref<3200000xi32, #tpu.memory_space<hbm>> -> memref<800xi32, #tpu.memory_space<hbm>>
      tpu.enqueue_dma source(%dma_start3A_141 : memref<800xi32, #tpu.memory_space<hbm>>) target(%arg7 : memref<800xi32, #tpu.memory_space<vmem>>) target_semaphore(%run_scoped3A : memref<!tpu.dma_semaphore, #tpu.memory_space<semaphore_mem>>)
      %dma_wait3A_142 = tpu.memref_slice %arg3[%add3A_74] : memref<3200000xi32, #tpu.memory_space<hbm>> -> memref<800xi32, #tpu.memory_space<hbm>>
      %dma_wait3A_143 = tpu.memref_slice %arg3[%add3A_74] : memref<3200000xi32, #tpu.memory_space<hbm>> -> memref<800xi32, #tpu.memory_space<hbm>>
      tpu.wait_dma2 semaphore(%run_scoped3A : memref<!tpu.dma_semaphore, #tpu.memory_space<semaphore_mem>>) src(%dma_wait3A_143 : memref<800xi32, #tpu.memory_space<hbm>>) dst(%arg7 : memref<800xi32, #tpu.memory_space<vmem>>)
      tpu.yield
    }) : () -> ()
    %add3A_75 = arith.constant 99200 : i32
    %add3A_76 = arith.addi %add3A_25, %add3A_75 : i32
    %dma_start3A_77 = tpu.memref_slice %arg4[%add3A_76] : memref<3200000xi32, #tpu.memory_space<hbm>> -> memref<800xi32, #tpu.memory_space<hbm>>
    %dma_start3A_78 = tpu.memref_slice %arg4[%add3A_76] : memref<3200000xi32, #tpu.memory_space<hbm>> -> memref<800xi32, #tpu.memory_space<hbm>>
    tpu.enqueue_dma source(%dma_start3A_78 : memref<800xi32, #tpu.memory_space<hbm>>) target(%arg8 : memref<800xi32, #tpu.memory_space<vmem>>) target_semaphore(%arg18 : memref<!tpu.dma_semaphore, #tpu.memory_space<semaphore_mem>>)
    %add3A_79 = arith.constant 99200 : i32
    %add3A_80 = arith.addi %add3A_25, %add3A_79 : i32
    %dma_wait3A_81 = tpu.memref_slice %arg4[%add3A_80] : memref<3200000xi32, #tpu.memory_space<hbm>> -> memref<800xi32, #tpu.memory_space<hbm>>
    %dma_wait3A_82 = tpu.memref_slice %arg4[%add3A_80] : memref<3200000xi32, #tpu.memory_space<hbm>> -> memref<800xi32, #tpu.memory_space<hbm>>
    tpu.wait_dma2 semaphore(%arg18 : memref<!tpu.dma_semaphore, #tpu.memory_space<semaphore_mem>>) src(%dma_wait3A_82 : memref<800xi32, #tpu.memory_space<hbm>>) dst(%arg8 : memref<800xi32, #tpu.memory_space<vmem>>)
    "tpu.region"() ({
      %run_scoped3A = tpu.sem_alloc : memref<!tpu.dma_semaphore, #tpu.memory_space<semaphore_mem>>
      %dma_start3A_140 = arith.constant 0 : i32
      %dma_start3A_141 = arith.constant 0 : i32
      %dma_start3A_142 = tpu.memref_slice %arg2[%dma_start3A_140, %dma_start3A_141] : memref<100000x16xf32, #tpu.memory_space<hbm>> -> memref<100000x16xf32, #tpu.memory_space<hbm>>
      tpu.enqueue_indirect_dma source(%dma_start3A_142 : memref<100000x16xf32, #tpu.memory_space<hbm>>) target(%arg11 : memref<800x16xf32, #tpu.memory_space<vmem>>) offsets(%arg7 : memref<800xi32, #tpu.memory_space<vmem>>) semaphore(%run_scoped3A : memref<!tpu.dma_semaphore, #tpu.memory_space<semaphore_mem>>)
      %dma_wait3A_143 = arith.constant 0 : i32
      %dma_wait3A_144 = arith.constant 0 : i32
      %dma_wait3A_145 = tpu.memref_slice %arg2[%dma_wait3A_143, %dma_wait3A_144] : memref<100000x16xf32, #tpu.memory_space<hbm>> -> memref<100000x16xf32, #tpu.memory_space<hbm>>
      tpu.wait_indirect_dma semaphore(%run_scoped3A : memref<!tpu.dma_semaphore, #tpu.memory_space<semaphore_mem>>) src(%dma_wait3A_145 : memref<100000x16xf32, #tpu.memory_space<hbm>>) dst(%arg11 : memref<800x16xf32, #tpu.memory_space<vmem>>)
      tpu.yield
    }) : () -> ()
    "tpu.region"() ({
      %run_scoped3A = tpu.sem_alloc : memref<!tpu.dma_semaphore, #tpu.memory_space<semaphore_mem>>
      %dma_start3A_140 = arith.constant 0 : i32
      %dma_start3A_141 = arith.constant 0 : i32
      %dma_start3A_142 = tpu.memref_slice %arg13[%dma_start3A_140, %dma_start3A_141] : memref<100096x16xf32, #tpu.memory_space<vmem_shared>> -> memref<100096x16xf32, #tpu.memory_space<vmem_shared>>
      tpu.enqueue_indirect_dma source(%arg11 : memref<800x16xf32, #tpu.memory_space<vmem>>) target(%dma_start3A_142 : memref<100096x16xf32, #tpu.memory_space<vmem_shared>>) offsets(%arg8 : memref<800xi32, #tpu.memory_space<vmem>>) semaphore(%run_scoped3A : memref<!tpu.dma_semaphore, #tpu.memory_space<semaphore_mem>>) {add = true}
      %dma_wait3A_143 = arith.constant 0 : i32
      %dma_wait3A_144 = arith.constant 0 : i32
      %dma_wait3A_145 = tpu.memref_slice %arg13[%dma_wait3A_143, %dma_wait3A_144] : memref<100096x16xf32, #tpu.memory_space<vmem_shared>> -> memref<100096x16xf32, #tpu.memory_space<vmem_shared>>
      tpu.wait_indirect_dma semaphore(%run_scoped3A : memref<!tpu.dma_semaphore, #tpu.memory_space<semaphore_mem>>) src(%arg11 : memref<800x16xf32, #tpu.memory_space<vmem>>) dst(%dma_wait3A_145 : memref<100096x16xf32, #tpu.memory_space<vmem_shared>>)
      tpu.yield
    }) : () -> ()
    %barrier3A_83 = arith.constant 0 : index
    tpu.barrier barrier_id(%barrier3A_83)
    %add3A_84 = arith.constant 0 : i32
    %add3A_85 = arith.addi %mul3A_0, %add3A_84 : i32
    "tpu.region"() ({
      %run_scoped3A = tpu.sem_alloc : memref<!tpu.dma_semaphore, #tpu.memory_space<semaphore_mem>>
      %dma_start3A_140 = arith.constant 0 : i32
      %dma_start3A_141 = arith.constant 0 : i32
      %dma_start3A_142 = tpu.memref_slice %arg11[%dma_start3A_140, %dma_start3A_141] : memref<800x16xf32, #tpu.memory_space<vmem>> -> memref<800x16xf32, #tpu.memory_space<vmem>>
      %dma_start3A_143 = arith.constant 0 : i32
      %dma_start3A_144 = tpu.memref_slice %arg13[%add3A_85, %dma_start3A_143] : memref<100096x16xf32, #tpu.memory_space<vmem_shared>> -> memref<800x16xf32, #tpu.memory_space<vmem_shared>>
      %dma_start3A_145 = arith.constant 0 : i32
      %dma_start3A_146 = arith.constant 0 : i32
      %dma_start3A_147 = tpu.memref_slice %arg11[%dma_start3A_145, %dma_start3A_146] : memref<800x16xf32, #tpu.memory_space<vmem>> -> memref<800x16xf32, #tpu.memory_space<vmem>>
      %dma_start3A_148 = arith.constant 0 : i32
      %dma_start3A_149 = tpu.memref_slice %arg13[%add3A_85, %dma_start3A_148] : memref<100096x16xf32, #tpu.memory_space<vmem_shared>> -> memref<800x16xf32, #tpu.memory_space<vmem_shared>>
      tpu.enqueue_dma source(%dma_start3A_149 : memref<800x16xf32, #tpu.memory_space<vmem_shared>>) target(%dma_start3A_147 : memref<800x16xf32, #tpu.memory_space<vmem>>) target_semaphore(%run_scoped3A : memref<!tpu.dma_semaphore, #tpu.memory_space<semaphore_mem>>)
      %dma_wait3A_150 = arith.constant 0 : i32
      %dma_wait3A_151 = arith.constant 0 : i32
      %dma_wait3A_152 = tpu.memref_slice %arg11[%dma_wait3A_150, %dma_wait3A_151] : memref<800x16xf32, #tpu.memory_space<vmem>> -> memref<800x16xf32, #tpu.memory_space<vmem>>
      %dma_wait3A_153 = arith.constant 0 : i32
      %dma_wait3A_154 = tpu.memref_slice %arg13[%add3A_85, %dma_wait3A_153] : memref<100096x16xf32, #tpu.memory_space<vmem_shared>> -> memref<800x16xf32, #tpu.memory_space<vmem_shared>>
      %dma_wait3A_155 = arith.constant 0 : i32
      %dma_wait3A_156 = arith.constant 0 : i32
      %dma_wait3A_157 = tpu.memref_slice %arg11[%dma_wait3A_155, %dma_wait3A_156] : memref<800x16xf32, #tpu.memory_space<vmem>> -> memref<800x16xf32, #tpu.memory_space<vmem>>
      %dma_wait3A_158 = arith.constant 0 : i32
      %dma_wait3A_159 = tpu.memref_slice %arg13[%add3A_85, %dma_wait3A_158] : memref<100096x16xf32, #tpu.memory_space<vmem_shared>> -> memref<800x16xf32, #tpu.memory_space<vmem_shared>>
      tpu.wait_dma2 semaphore(%run_scoped3A : memref<!tpu.dma_semaphore, #tpu.memory_space<semaphore_mem>>) src(%dma_wait3A_159 : memref<800x16xf32, #tpu.memory_space<vmem_shared>>) dst(%dma_wait3A_157 : memref<800x16xf32, #tpu.memory_space<vmem>>)
      tpu.yield
    }) : () -> ()
    %mul3A_86 = arith.constant 100096 : i32
    %mul3A_87 = arith.muli %arg0, %mul3A_86 : i32
    %add3A_88 = arith.addi %mul3A_87, %mul3A_0 : i32
    %add3A_89 = arith.constant 0 : i32
    %add3A_90 = arith.addi %add3A_88, %add3A_89 : i32
    "tpu.region"() ({
      %run_scoped3A = tpu.sem_alloc : memref<!tpu.dma_semaphore, #tpu.memory_space<semaphore_mem>>
      %dma_start3A_140 = arith.constant 0 : i32
      %dma_start3A_141 = arith.constant 0 : i32
      %dma_start3A_142 = tpu.memref_slice %arg11[%dma_start3A_140, %dma_start3A_141] : memref<800x16xf32, #tpu.memory_space<vmem>> -> memref<800x16xf32, #tpu.memory_space<vmem>>
      %dma_start3A_143 = arith.constant 0 : i32
      %dma_start3A_144 = tpu.memref_slice %arg6[%add3A_90, %dma_start3A_143] : memref<200192x16xf32, #tpu.memory_space<hbm>> -> memref<800x16xf32, #tpu.memory_space<hbm>>
      %dma_start3A_145 = arith.constant 0 : i32
      %dma_start3A_146 = tpu.memref_slice %arg6[%add3A_90, %dma_start3A_145] : memref<200192x16xf32, #tpu.memory_space<hbm>> -> memref<800x16xf32, #tpu.memory_space<hbm>>
      %dma_start3A_147 = arith.constant 0 : i32
      %dma_start3A_148 = arith.constant 0 : i32
      %dma_start3A_149 = tpu.memref_slice %arg11[%dma_start3A_147, %dma_start3A_148] : memref<800x16xf32, #tpu.memory_space<vmem>> -> memref<800x16xf32, #tpu.memory_space<vmem>>
      tpu.enqueue_dma source(%dma_start3A_149 : memref<800x16xf32, #tpu.memory_space<vmem>>) target(%dma_start3A_146 : memref<800x16xf32, #tpu.memory_space<hbm>>) target_semaphore(%run_scoped3A : memref<!tpu.dma_semaphore, #tpu.memory_space<semaphore_mem>>)
      %dma_wait3A_150 = arith.constant 0 : i32
      %dma_wait3A_151 = arith.constant 0 : i32
      %dma_wait3A_152 = tpu.memref_slice %arg11[%dma_wait3A_150, %dma_wait3A_151] : memref<800x16xf32, #tpu.memory_space<vmem>> -> memref<800x16xf32, #tpu.memory_space<vmem>>
      %dma_wait3A_153 = arith.constant 0 : i32
      %dma_wait3A_154 = tpu.memref_slice %arg6[%add3A_90, %dma_wait3A_153] : memref<200192x16xf32, #tpu.memory_space<hbm>> -> memref<800x16xf32, #tpu.memory_space<hbm>>
      %dma_wait3A_155 = arith.constant 0 : i32
      %dma_wait3A_156 = tpu.memref_slice %arg6[%add3A_90, %dma_wait3A_155] : memref<200192x16xf32, #tpu.memory_space<hbm>> -> memref<800x16xf32, #tpu.memory_space<hbm>>
      %dma_wait3A_157 = arith.constant 0 : i32
      %dma_wait3A_158 = arith.constant 0 : i32
      %dma_wait3A_159 = tpu.memref_slice %arg11[%dma_wait3A_157, %dma_wait3A_158] : memref<800x16xf32, #tpu.memory_space<vmem>> -> memref<800x16xf32, #tpu.memory_space<vmem>>
      tpu.wait_dma2 semaphore(%run_scoped3A : memref<!tpu.dma_semaphore, #tpu.memory_space<semaphore_mem>>) src(%dma_wait3A_159 : memref<800x16xf32, #tpu.memory_space<vmem>>) dst(%dma_wait3A_156 : memref<800x16xf32, #tpu.memory_space<hbm>>)
      tpu.yield
    }) : () -> ()
    %add3A_91 = arith.constant 800 : i32
    %add3A_92 = arith.addi %mul3A_0, %add3A_91 : i32
    "tpu.region"() ({
      %run_scoped3A = tpu.sem_alloc : memref<!tpu.dma_semaphore, #tpu.memory_space<semaphore_mem>>
      %dma_start3A_140 = arith.constant 0 : i32
      %dma_start3A_141 = arith.constant 0 : i32
      %dma_start3A_142 = tpu.memref_slice %arg11[%dma_start3A_140, %dma_start3A_141] : memref<800x16xf32, #tpu.memory_space<vmem>> -> memref<800x16xf32, #tpu.memory_space<vmem>>
      %dma_start3A_143 = arith.constant 0 : i32
      %dma_start3A_144 = tpu.memref_slice %arg13[%add3A_92, %dma_start3A_143] : memref<100096x16xf32, #tpu.memory_space<vmem_shared>> -> memref<800x16xf32, #tpu.memory_space<vmem_shared>>
      %dma_start3A_145 = arith.constant 0 : i32
      %dma_start3A_146 = arith.constant 0 : i32
      %dma_start3A_147 = tpu.memref_slice %arg11[%dma_start3A_145, %dma_start3A_146] : memref<800x16xf32, #tpu.memory_space<vmem>> -> memref<800x16xf32, #tpu.memory_space<vmem>>
      %dma_start3A_148 = arith.constant 0 : i32
      %dma_start3A_149 = tpu.memref_slice %arg13[%add3A_92, %dma_start3A_148] : memref<100096x16xf32, #tpu.memory_space<vmem_shared>> -> memref<800x16xf32, #tpu.memory_space<vmem_shared>>
      tpu.enqueue_dma source(%dma_start3A_149 : memref<800x16xf32, #tpu.memory_space<vmem_shared>>) target(%dma_start3A_147 : memref<800x16xf32, #tpu.memory_space<vmem>>) target_semaphore(%run_scoped3A : memref<!tpu.dma_semaphore, #tpu.memory_space<semaphore_mem>>)
      %dma_wait3A_150 = arith.constant 0 : i32
      %dma_wait3A_151 = arith.constant 0 : i32
      %dma_wait3A_152 = tpu.memref_slice %arg11[%dma_wait3A_150, %dma_wait3A_151] : memref<800x16xf32, #tpu.memory_space<vmem>> -> memref<800x16xf32, #tpu.memory_space<vmem>>
      %dma_wait3A_153 = arith.constant 0 : i32
      %dma_wait3A_154 = tpu.memref_slice %arg13[%add3A_92, %dma_wait3A_153] : memref<100096x16xf32, #tpu.memory_space<vmem_shared>> -> memref<800x16xf32, #tpu.memory_space<vmem_shared>>
      %dma_wait3A_155 = arith.constant 0 : i32
      %dma_wait3A_156 = arith.constant 0 : i32
      %dma_wait3A_157 = tpu.memref_slice %arg11[%dma_wait3A_155, %dma_wait3A_156] : memref<800x16xf32, #tpu.memory_space<vmem>> -> memref<800x16xf32, #tpu.memory_space<vmem>>
      %dma_wait3A_158 = arith.constant 0 : i32
      %dma_wait3A_159 = tpu.memref_slice %arg13[%add3A_92, %dma_wait3A_158] : memref<100096x16xf32, #tpu.memory_space<vmem_shared>> -> memref<800x16xf32, #tpu.memory_space<vmem_shared>>
      tpu.wait_dma2 semaphore(%run_scoped3A : memref<!tpu.dma_semaphore, #tpu.memory_space<semaphore_mem>>) src(%dma_wait3A_159 : memref<800x16xf32, #tpu.memory_space<vmem_shared>>) dst(%dma_wait3A_157 : memref<800x16xf32, #tpu.memory_space<vmem>>)
      tpu.yield
    }) : () -> ()
    %mul3A_93 = arith.constant 100096 : i32
    %mul3A_94 = arith.muli %arg0, %mul3A_93 : i32
    %add3A_95 = arith.addi %mul3A_94, %mul3A_0 : i32
    %add3A_96 = arith.constant 800 : i32
    %add3A_97 = arith.addi %add3A_95, %add3A_96 : i32
    "tpu.region"() ({
      %run_scoped3A = tpu.sem_alloc : memref<!tpu.dma_semaphore, #tpu.memory_space<semaphore_mem>>
      %dma_start3A_140 = arith.constant 0 : i32
      %dma_start3A_141 = arith.constant 0 : i32
      %dma_start3A_142 = tpu.memref_slice %arg11[%dma_start3A_140, %dma_start3A_141] : memref<800x16xf32, #tpu.memory_space<vmem>> -> memref<800x16xf32, #tpu.memory_space<vmem>>
      %dma_start3A_143 = arith.constant 0 : i32
      %dma_start3A_144 = tpu.memref_slice %arg6[%add3A_97, %dma_start3A_143] : memref<200192x16xf32, #tpu.memory_space<hbm>> -> memref<800x16xf32, #tpu.memory_space<hbm>>
      %dma_start3A_145 = arith.constant 0 : i32
      %dma_start3A_146 = tpu.memref_slice %arg6[%add3A_97, %dma_start3A_145] : memref<200192x16xf32, #tpu.memory_space<hbm>> -> memref<800x16xf32, #tpu.memory_space<hbm>>
      %dma_start3A_147 = arith.constant 0 : i32
      %dma_start3A_148 = arith.constant 0 : i32
      %dma_start3A_149 = tpu.memref_slice %arg11[%dma_start3A_147, %dma_start3A_148] : memref<800x16xf32, #tpu.memory_space<vmem>> -> memref<800x16xf32, #tpu.memory_space<vmem>>
      tpu.enqueue_dma source(%dma_start3A_149 : memref<800x16xf32, #tpu.memory_space<vmem>>) target(%dma_start3A_146 : memref<800x16xf32, #tpu.memory_space<hbm>>) target_semaphore(%run_scoped3A : memref<!tpu.dma_semaphore, #tpu.memory_space<semaphore_mem>>)
      %dma_wait3A_150 = arith.constant 0 : i32
      %dma_wait3A_151 = arith.constant 0 : i32
      %dma_wait3A_152 = tpu.memref_slice %arg11[%dma_wait3A_150, %dma_wait3A_151] : memref<800x16xf32, #tpu.memory_space<vmem>> -> memref<800x16xf32, #tpu.memory_space<vmem>>
      %dma_wait3A_153 = arith.constant 0 : i32
      %dma_wait3A_154 = tpu.memref_slice %arg6[%add3A_97, %dma_wait3A_153] : memref<200192x16xf32, #tpu.memory_space<hbm>> -> memref<800x16xf32, #tpu.memory_space<hbm>>
      %dma_wait3A_155 = arith.constant 0 : i32
      %dma_wait3A_156 = tpu.memref_slice %arg6[%add3A_97, %dma_wait3A_155] : memref<200192x16xf32, #tpu.memory_space<hbm>> -> memref<800x16xf32, #tpu.memory_space<hbm>>
      %dma_wait3A_157 = arith.constant 0 : i32
      %dma_wait3A_158 = arith.constant 0 : i32
      %dma_wait3A_159 = tpu.memref_slice %arg11[%dma_wait3A_157, %dma_wait3A_158] : memref<800x16xf32, #tpu.memory_space<vmem>> -> memref<800x16xf32, #tpu.memory_space<vmem>>
      tpu.wait_dma2 semaphore(%run_scoped3A : memref<!tpu.dma_semaphore, #tpu.memory_space<semaphore_mem>>) src(%dma_wait3A_159 : memref<800x16xf32, #tpu.memory_space<vmem>>) dst(%dma_wait3A_156 : memref<800x16xf32, #tpu.memory_space<hbm>>)
      tpu.yield
    }) : () -> ()
    %add3A_98 = arith.constant 1600 : i32
    %add3A_99 = arith.addi %mul3A_0, %add3A_98 : i32
    "tpu.region"() ({
      %run_scoped3A = tpu.sem_alloc : memref<!tpu.dma_semaphore, #tpu.memory_space<semaphore_mem>>
      %dma_start3A_140 = arith.constant 0 : i32
      %dma_start3A_141 = arith.constant 0 : i32
      %dma_start3A_142 = tpu.memref_slice %arg11[%dma_start3A_140, %dma_start3A_141] : memref<800x16xf32, #tpu.memory_space<vmem>> -> memref<800x16xf32, #tpu.memory_space<vmem>>
      %dma_start3A_143 = arith.constant 0 : i32
      %dma_start3A_144 = tpu.memref_slice %arg13[%add3A_99, %dma_start3A_143] : memref<100096x16xf32, #tpu.memory_space<vmem_shared>> -> memref<800x16xf32, #tpu.memory_space<vmem_shared>>
      %dma_start3A_145 = arith.constant 0 : i32
      %dma_start3A_146 = arith.constant 0 : i32
      %dma_start3A_147 = tpu.memref_slice %arg11[%dma_start3A_145, %dma_start3A_146] : memref<800x16xf32, #tpu.memory_space<vmem>> -> memref<800x16xf32, #tpu.memory_space<vmem>>
      %dma_start3A_148 = arith.constant 0 : i32
      %dma_start3A_149 = tpu.memref_slice %arg13[%add3A_99, %dma_start3A_148] : memref<100096x16xf32, #tpu.memory_space<vmem_shared>> -> memref<800x16xf32, #tpu.memory_space<vmem_shared>>
      tpu.enqueue_dma source(%dma_start3A_149 : memref<800x16xf32, #tpu.memory_space<vmem_shared>>) target(%dma_start3A_147 : memref<800x16xf32, #tpu.memory_space<vmem>>) target_semaphore(%run_scoped3A : memref<!tpu.dma_semaphore, #tpu.memory_space<semaphore_mem>>)
      %dma_wait3A_150 = arith.constant 0 : i32
      %dma_wait3A_151 = arith.constant 0 : i32
      %dma_wait3A_152 = tpu.memref_slice %arg11[%dma_wait3A_150, %dma_wait3A_151] : memref<800x16xf32, #tpu.memory_space<vmem>> -> memref<800x16xf32, #tpu.memory_space<vmem>>
      %dma_wait3A_153 = arith.constant 0 : i32
      %dma_wait3A_154 = tpu.memref_slice %arg13[%add3A_99, %dma_wait3A_153] : memref<100096x16xf32, #tpu.memory_space<vmem_shared>> -> memref<800x16xf32, #tpu.memory_space<vmem_shared>>
      %dma_wait3A_155 = arith.constant 0 : i32
      %dma_wait3A_156 = arith.constant 0 : i32
      %dma_wait3A_157 = tpu.memref_slice %arg11[%dma_wait3A_155, %dma_wait3A_156] : memref<800x16xf32, #tpu.memory_space<vmem>> -> memref<800x16xf32, #tpu.memory_space<vmem>>
      %dma_wait3A_158 = arith.constant 0 : i32
      %dma_wait3A_159 = tpu.memref_slice %arg13[%add3A_99, %dma_wait3A_158] : memref<100096x16xf32, #tpu.memory_space<vmem_shared>> -> memref<800x16xf32, #tpu.memory_space<vmem_shared>>
      tpu.wait_dma2 semaphore(%run_scoped3A : memref<!tpu.dma_semaphore, #tpu.memory_space<semaphore_mem>>) src(%dma_wait3A_159 : memref<800x16xf32, #tpu.memory_space<vmem_shared>>) dst(%dma_wait3A_157 : memref<800x16xf32, #tpu.memory_space<vmem>>)
      tpu.yield
    }) : () -> ()
    %mul3A_100 = arith.constant 100096 : i32
    %mul3A_101 = arith.muli %arg0, %mul3A_100 : i32
    %add3A_102 = arith.addi %mul3A_101, %mul3A_0 : i32
    %add3A_103 = arith.constant 1600 : i32
    %add3A_104 = arith.addi %add3A_102, %add3A_103 : i32
    "tpu.region"() ({
      %run_scoped3A = tpu.sem_alloc : memref<!tpu.dma_semaphore, #tpu.memory_space<semaphore_mem>>
      %dma_start3A_140 = arith.constant 0 : i32
      %dma_start3A_141 = arith.constant 0 : i32
      %dma_start3A_142 = tpu.memref_slice %arg11[%dma_start3A_140, %dma_start3A_141] : memref<800x16xf32, #tpu.memory_space<vmem>> -> memref<800x16xf32, #tpu.memory_space<vmem>>
      %dma_start3A_143 = arith.constant 0 : i32
      %dma_start3A_144 = tpu.memref_slice %arg6[%add3A_104, %dma_start3A_143] : memref<200192x16xf32, #tpu.memory_space<hbm>> -> memref<800x16xf32, #tpu.memory_space<hbm>>
      %dma_start3A_145 = arith.constant 0 : i32
      %dma_start3A_146 = tpu.memref_slice %arg6[%add3A_104, %dma_start3A_145] : memref<200192x16xf32, #tpu.memory_space<hbm>> -> memref<800x16xf32, #tpu.memory_space<hbm>>
      %dma_start3A_147 = arith.constant 0 : i32
      %dma_start3A_148 = arith.constant 0 : i32
      %dma_start3A_149 = tpu.memref_slice %arg11[%dma_start3A_147, %dma_start3A_148] : memref<800x16xf32, #tpu.memory_space<vmem>> -> memref<800x16xf32, #tpu.memory_space<vmem>>
      tpu.enqueue_dma source(%dma_start3A_149 : memref<800x16xf32, #tpu.memory_space<vmem>>) target(%dma_start3A_146 : memref<800x16xf32, #tpu.memory_space<hbm>>) target_semaphore(%run_scoped3A : memref<!tpu.dma_semaphore, #tpu.memory_space<semaphore_mem>>)
      %dma_wait3A_150 = arith.constant 0 : i32
      %dma_wait3A_151 = arith.constant 0 : i32
      %dma_wait3A_152 = tpu.memref_slice %arg11[%dma_wait3A_150, %dma_wait3A_151] : memref<800x16xf32, #tpu.memory_space<vmem>> -> memref<800x16xf32, #tpu.memory_space<vmem>>
      %dma_wait3A_153 = arith.constant 0 : i32
      %dma_wait3A_154 = tpu.memref_slice %arg6[%add3A_104, %dma_wait3A_153] : memref<200192x16xf32, #tpu.memory_space<hbm>> -> memref<800x16xf32, #tpu.memory_space<hbm>>
      %dma_wait3A_155 = arith.constant 0 : i32
      %dma_wait3A_156 = tpu.memref_slice %arg6[%add3A_104, %dma_wait3A_155] : memref<200192x16xf32, #tpu.memory_space<hbm>> -> memref<800x16xf32, #tpu.memory_space<hbm>>
      %dma_wait3A_157 = arith.constant 0 : i32
      %dma_wait3A_158 = arith.constant 0 : i32
      %dma_wait3A_159 = tpu.memref_slice %arg11[%dma_wait3A_157, %dma_wait3A_158] : memref<800x16xf32, #tpu.memory_space<vmem>> -> memref<800x16xf32, #tpu.memory_space<vmem>>
      tpu.wait_dma2 semaphore(%run_scoped3A : memref<!tpu.dma_semaphore, #tpu.memory_space<semaphore_mem>>) src(%dma_wait3A_159 : memref<800x16xf32, #tpu.memory_space<vmem>>) dst(%dma_wait3A_156 : memref<800x16xf32, #tpu.memory_space<hbm>>)
      tpu.yield
    }) : () -> ()
    %add3A_105 = arith.constant 2400 : i32
    %add3A_106 = arith.addi %mul3A_0, %add3A_105 : i32
    "tpu.region"() ({
      %run_scoped3A = tpu.sem_alloc : memref<!tpu.dma_semaphore, #tpu.memory_space<semaphore_mem>>
      %dma_start3A_140 = arith.constant 0 : i32
      %dma_start3A_141 = arith.constant 0 : i32
      %dma_start3A_142 = tpu.memref_slice %arg11[%dma_start3A_140, %dma_start3A_141] : memref<800x16xf32, #tpu.memory_space<vmem>> -> memref<800x16xf32, #tpu.memory_space<vmem>>
      %dma_start3A_143 = arith.constant 0 : i32
      %dma_start3A_144 = tpu.memref_slice %arg13[%add3A_106, %dma_start3A_143] : memref<100096x16xf32, #tpu.memory_space<vmem_shared>> -> memref<800x16xf32, #tpu.memory_space<vmem_shared>>
      %dma_start3A_145 = arith.constant 0 : i32
      %dma_start3A_146 = arith.constant 0 : i32
      %dma_start3A_147 = tpu.memref_slice %arg11[%dma_start3A_145, %dma_start3A_146] : memref<800x16xf32, #tpu.memory_space<vmem>> -> memref<800x16xf32, #tpu.memory_space<vmem>>
      %dma_start3A_148 = arith.constant 0 : i32
      %dma_start3A_149 = tpu.memref_slice %arg13[%add3A_106, %dma_start3A_148] : memref<100096x16xf32, #tpu.memory_space<vmem_shared>> -> memref<800x16xf32, #tpu.memory_space<vmem_shared>>
      tpu.enqueue_dma source(%dma_start3A_149 : memref<800x16xf32, #tpu.memory_space<vmem_shared>>) target(%dma_start3A_147 : memref<800x16xf32, #tpu.memory_space<vmem>>) target_semaphore(%run_scoped3A : memref<!tpu.dma_semaphore, #tpu.memory_space<semaphore_mem>>)
      %dma_wait3A_150 = arith.constant 0 : i32
      %dma_wait3A_151 = arith.constant 0 : i32
      %dma_wait3A_152 = tpu.memref_slice %arg11[%dma_wait3A_150, %dma_wait3A_151] : memref<800x16xf32, #tpu.memory_space<vmem>> -> memref<800x16xf32, #tpu.memory_space<vmem>>
      %dma_wait3A_153 = arith.constant 0 : i32
      %dma_wait3A_154 = tpu.memref_slice %arg13[%add3A_106, %dma_wait3A_153] : memref<100096x16xf32, #tpu.memory_space<vmem_shared>> -> memref<800x16xf32, #tpu.memory_space<vmem_shared>>
      %dma_wait3A_155 = arith.constant 0 : i32
      %dma_wait3A_156 = arith.constant 0 : i32
      %dma_wait3A_157 = tpu.memref_slice %arg11[%dma_wait3A_155, %dma_wait3A_156] : memref<800x16xf32, #tpu.memory_space<vmem>> -> memref<800x16xf32, #tpu.memory_space<vmem>>
      %dma_wait3A_158 = arith.constant 0 : i32
      %dma_wait3A_159 = tpu.memref_slice %arg13[%add3A_106, %dma_wait3A_158] : memref<100096x16xf32, #tpu.memory_space<vmem_shared>> -> memref<800x16xf32, #tpu.memory_space<vmem_shared>>
      tpu.wait_dma2 semaphore(%run_scoped3A : memref<!tpu.dma_semaphore, #tpu.memory_space<semaphore_mem>>) src(%dma_wait3A_159 : memref<800x16xf32, #tpu.memory_space<vmem_shared>>) dst(%dma_wait3A_157 : memref<800x16xf32, #tpu.memory_space<vmem>>)
      tpu.yield
    }) : () -> ()
    %mul3A_107 = arith.constant 100096 : i32
    %mul3A_108 = arith.muli %arg0, %mul3A_107 : i32
    %add3A_109 = arith.addi %mul3A_108, %mul3A_0 : i32
    %add3A_110 = arith.constant 2400 : i32
    %add3A_111 = arith.addi %add3A_109, %add3A_110 : i32
    "tpu.region"() ({
      %run_scoped3A = tpu.sem_alloc : memref<!tpu.dma_semaphore, #tpu.memory_space<semaphore_mem>>
      %dma_start3A_140 = arith.constant 0 : i32
      %dma_start3A_141 = arith.constant 0 : i32
      %dma_start3A_142 = tpu.memref_slice %arg11[%dma_start3A_140, %dma_start3A_141] : memref<800x16xf32, #tpu.memory_space<vmem>> -> memref<800x16xf32, #tpu.memory_space<vmem>>
      %dma_start3A_143 = arith.constant 0 : i32
      %dma_start3A_144 = tpu.memref_slice %arg6[%add3A_111, %dma_start3A_143] : memref<200192x16xf32, #tpu.memory_space<hbm>> -> memref<800x16xf32, #tpu.memory_space<hbm>>
      %dma_start3A_145 = arith.constant 0 : i32
      %dma_start3A_146 = tpu.memref_slice %arg6[%add3A_111, %dma_start3A_145] : memref<200192x16xf32, #tpu.memory_space<hbm>> -> memref<800x16xf32, #tpu.memory_space<hbm>>
      %dma_start3A_147 = arith.constant 0 : i32
      %dma_start3A_148 = arith.constant 0 : i32
      %dma_start3A_149 = tpu.memref_slice %arg11[%dma_start3A_147, %dma_start3A_148] : memref<800x16xf32, #tpu.memory_space<vmem>> -> memref<800x16xf32, #tpu.memory_space<vmem>>
      tpu.enqueue_dma source(%dma_start3A_149 : memref<800x16xf32, #tpu.memory_space<vmem>>) target(%dma_start3A_146 : memref<800x16xf32, #tpu.memory_space<hbm>>) target_semaphore(%run_scoped3A : memref<!tpu.dma_semaphore, #tpu.memory_space<semaphore_mem>>)
      %dma_wait3A_150 = arith.constant 0 : i32
      %dma_wait3A_151 = arith.constant 0 : i32
      %dma_wait3A_152 = tpu.memref_slice %arg11[%dma_wait3A_150, %dma_wait3A_151] : memref<800x16xf32, #tpu.memory_space<vmem>> -> memref<800x16xf32, #tpu.memory_space<vmem>>
      %dma_wait3A_153 = arith.constant 0 : i32
      %dma_wait3A_154 = tpu.memref_slice %arg6[%add3A_111, %dma_wait3A_153] : memref<200192x16xf32, #tpu.memory_space<hbm>> -> memref<800x16xf32, #tpu.memory_space<hbm>>
      %dma_wait3A_155 = arith.constant 0 : i32
      %dma_wait3A_156 = tpu.memref_slice %arg6[%add3A_111, %dma_wait3A_155] : memref<200192x16xf32, #tpu.memory_space<hbm>> -> memref<800x16xf32, #tpu.memory_space<hbm>>
      %dma_wait3A_157 = arith.constant 0 : i32
      %dma_wait3A_158 = arith.constant 0 : i32
      %dma_wait3A_159 = tpu.memref_slice %arg11[%dma_wait3A_157, %dma_wait3A_158] : memref<800x16xf32, #tpu.memory_space<vmem>> -> memref<800x16xf32, #tpu.memory_space<vmem>>
      tpu.wait_dma2 semaphore(%run_scoped3A : memref<!tpu.dma_semaphore, #tpu.memory_space<semaphore_mem>>) src(%dma_wait3A_159 : memref<800x16xf32, #tpu.memory_space<vmem>>) dst(%dma_wait3A_156 : memref<800x16xf32, #tpu.memory_space<hbm>>)
      tpu.yield
    }) : () -> ()
    %add3A_112 = arith.constant 3200 : i32
    %add3A_113 = arith.addi %mul3A_0, %add3A_112 : i32
    "tpu.region"() ({
      %run_scoped3A = tpu.sem_alloc : memref<!tpu.dma_semaphore, #tpu.memory_space<semaphore_mem>>
      %dma_start3A_140 = arith.constant 0 : i32
      %dma_start3A_141 = arith.constant 0 : i32
      %dma_start3A_142 = tpu.memref_slice %arg11[%dma_start3A_140, %dma_start3A_141] : memref<800x16xf32, #tpu.memory_space<vmem>> -> memref<800x16xf32, #tpu.memory_space<vmem>>
      %dma_start3A_143 = arith.constant 0 : i32
      %dma_start3A_144 = tpu.memref_slice %arg13[%add3A_113, %dma_start3A_143] : memref<100096x16xf32, #tpu.memory_space<vmem_shared>> -> memref<800x16xf32, #tpu.memory_space<vmem_shared>>
      %dma_start3A_145 = arith.constant 0 : i32
      %dma_start3A_146 = arith.constant 0 : i32
      %dma_start3A_147 = tpu.memref_slice %arg11[%dma_start3A_145, %dma_start3A_146] : memref<800x16xf32, #tpu.memory_space<vmem>> -> memref<800x16xf32, #tpu.memory_space<vmem>>
      %dma_start3A_148 = arith.constant 0 : i32
      %dma_start3A_149 = tpu.memref_slice %arg13[%add3A_113, %dma_start3A_148] : memref<100096x16xf32, #tpu.memory_space<vmem_shared>> -> memref<800x16xf32, #tpu.memory_space<vmem_shared>>
      tpu.enqueue_dma source(%dma_start3A_149 : memref<800x16xf32, #tpu.memory_space<vmem_shared>>) target(%dma_start3A_147 : memref<800x16xf32, #tpu.memory_space<vmem>>) target_semaphore(%run_scoped3A : memref<!tpu.dma_semaphore, #tpu.memory_space<semaphore_mem>>)
      %dma_wait3A_150 = arith.constant 0 : i32
      %dma_wait3A_151 = arith.constant 0 : i32
      %dma_wait3A_152 = tpu.memref_slice %arg11[%dma_wait3A_150, %dma_wait3A_151] : memref<800x16xf32, #tpu.memory_space<vmem>> -> memref<800x16xf32, #tpu.memory_space<vmem>>
      %dma_wait3A_153 = arith.constant 0 : i32
      %dma_wait3A_154 = tpu.memref_slice %arg13[%add3A_113, %dma_wait3A_153] : memref<100096x16xf32, #tpu.memory_space<vmem_shared>> -> memref<800x16xf32, #tpu.memory_space<vmem_shared>>
      %dma_wait3A_155 = arith.constant 0 : i32
      %dma_wait3A_156 = arith.constant 0 : i32
      %dma_wait3A_157 = tpu.memref_slice %arg11[%dma_wait3A_155, %dma_wait3A_156] : memref<800x16xf32, #tpu.memory_space<vmem>> -> memref<800x16xf32, #tpu.memory_space<vmem>>
      %dma_wait3A_158 = arith.constant 0 : i32
      %dma_wait3A_159 = tpu.memref_slice %arg13[%add3A_113, %dma_wait3A_158] : memref<100096x16xf32, #tpu.memory_space<vmem_shared>> -> memref<800x16xf32, #tpu.memory_space<vmem_shared>>
      tpu.wait_dma2 semaphore(%run_scoped3A : memref<!tpu.dma_semaphore, #tpu.memory_space<semaphore_mem>>) src(%dma_wait3A_159 : memref<800x16xf32, #tpu.memory_space<vmem_shared>>) dst(%dma_wait3A_157 : memref<800x16xf32, #tpu.memory_space<vmem>>)
      tpu.yield
    }) : () -> ()
    %mul3A_114 = arith.constant 100096 : i32
    %mul3A_115 = arith.muli %arg0, %mul3A_114 : i32
    %add3A_116 = arith.addi %mul3A_115, %mul3A_0 : i32
    %add3A_117 = arith.constant 3200 : i32
    %add3A_118 = arith.addi %add3A_116, %add3A_117 : i32
    "tpu.region"() ({
      %run_scoped3A = tpu.sem_alloc : memref<!tpu.dma_semaphore, #tpu.memory_space<semaphore_mem>>
      %dma_start3A_140 = arith.constant 0 : i32
      %dma_start3A_141 = arith.constant 0 : i32
      %dma_start3A_142 = tpu.memref_slice %arg11[%dma_start3A_140, %dma_start3A_141] : memref<800x16xf32, #tpu.memory_space<vmem>> -> memref<800x16xf32, #tpu.memory_space<vmem>>
      %dma_start3A_143 = arith.constant 0 : i32
      %dma_start3A_144 = tpu.memref_slice %arg6[%add3A_118, %dma_start3A_143] : memref<200192x16xf32, #tpu.memory_space<hbm>> -> memref<800x16xf32, #tpu.memory_space<hbm>>
      %dma_start3A_145 = arith.constant 0 : i32
      %dma_start3A_146 = tpu.memref_slice %arg6[%add3A_118, %dma_start3A_145] : memref<200192x16xf32, #tpu.memory_space<hbm>> -> memref<800x16xf32, #tpu.memory_space<hbm>>
      %dma_start3A_147 = arith.constant 0 : i32
      %dma_start3A_148 = arith.constant 0 : i32
      %dma_start3A_149 = tpu.memref_slice %arg11[%dma_start3A_147, %dma_start3A_148] : memref<800x16xf32, #tpu.memory_space<vmem>> -> memref<800x16xf32, #tpu.memory_space<vmem>>
      tpu.enqueue_dma source(%dma_start3A_149 : memref<800x16xf32, #tpu.memory_space<vmem>>) target(%dma_start3A_146 : memref<800x16xf32, #tpu.memory_space<hbm>>) target_semaphore(%run_scoped3A : memref<!tpu.dma_semaphore, #tpu.memory_space<semaphore_mem>>)
      %dma_wait3A_150 = arith.constant 0 : i32
      %dma_wait3A_151 = arith.constant 0 : i32
      %dma_wait3A_152 = tpu.memref_slice %arg11[%dma_wait3A_150, %dma_wait3A_151] : memref<800x16xf32, #tpu.memory_space<vmem>> -> memref<800x16xf32, #tpu.memory_space<vmem>>
      %dma_wait3A_153 = arith.constant 0 : i32
      %dma_wait3A_154 = tpu.memref_slice %arg6[%add3A_118, %dma_wait3A_153] : memref<200192x16xf32, #tpu.memory_space<hbm>> -> memref<800x16xf32, #tpu.memory_space<hbm>>
      %dma_wait3A_155 = arith.constant 0 : i32
      %dma_wait3A_156 = tpu.memref_slice %arg6[%add3A_118, %dma_wait3A_155] : memref<200192x16xf32, #tpu.memory_space<hbm>> -> memref<800x16xf32, #tpu.memory_space<hbm>>
      %dma_wait3A_157 = arith.constant 0 : i32
      %dma_wait3A_158 = arith.constant 0 : i32
      %dma_wait3A_159 = tpu.memref_slice %arg11[%dma_wait3A_157, %dma_wait3A_158] : memref<800x16xf32, #tpu.memory_space<vmem>> -> memref<800x16xf32, #tpu.memory_space<vmem>>
      tpu.wait_dma2 semaphore(%run_scoped3A : memref<!tpu.dma_semaphore, #tpu.memory_space<semaphore_mem>>) src(%dma_wait3A_159 : memref<800x16xf32, #tpu.memory_space<vmem>>) dst(%dma_wait3A_156 : memref<800x16xf32, #tpu.memory_space<hbm>>)
      tpu.yield
    }) : () -> ()
    %add3A_119 = arith.constant 4000 : i32
    %add3A_120 = arith.addi %mul3A_0, %add3A_119 : i32
    "tpu.region"() ({
      %run_scoped3A = tpu.sem_alloc : memref<!tpu.dma_semaphore, #tpu.memory_space<semaphore_mem>>
      %dma_start3A_140 = arith.constant 0 : i32
      %dma_start3A_141 = arith.constant 0 : i32
      %dma_start3A_142 = tpu.memref_slice %arg11[%dma_start3A_140, %dma_start3A_141] : memref<800x16xf32, #tpu.memory_space<vmem>> -> memref<800x16xf32, #tpu.memory_space<vmem>>
      %dma_start3A_143 = arith.constant 0 : i32
      %dma_start3A_144 = tpu.memref_slice %arg13[%add3A_120, %dma_start3A_143] : memref<100096x16xf32, #tpu.memory_space<vmem_shared>> -> memref<800x16xf32, #tpu.memory_space<vmem_shared>>
      %dma_start3A_145 = arith.constant 0 : i32
      %dma_start3A_146 = arith.constant 0 : i32
      %dma_start3A_147 = tpu.memref_slice %arg11[%dma_start3A_145, %dma_start3A_146] : memref<800x16xf32, #tpu.memory_space<vmem>> -> memref<800x16xf32, #tpu.memory_space<vmem>>
      %dma_start3A_148 = arith.constant 0 : i32
      %dma_start3A_149 = tpu.memref_slice %arg13[%add3A_120, %dma_start3A_148] : memref<100096x16xf32, #tpu.memory_space<vmem_shared>> -> memref<800x16xf32, #tpu.memory_space<vmem_shared>>
      tpu.enqueue_dma source(%dma_start3A_149 : memref<800x16xf32, #tpu.memory_space<vmem_shared>>) target(%dma_start3A_147 : memref<800x16xf32, #tpu.memory_space<vmem>>) target_semaphore(%run_scoped3A : memref<!tpu.dma_semaphore, #tpu.memory_space<semaphore_mem>>)
      %dma_wait3A_150 = arith.constant 0 : i32
      %dma_wait3A_151 = arith.constant 0 : i32
      %dma_wait3A_152 = tpu.memref_slice %arg11[%dma_wait3A_150, %dma_wait3A_151] : memref<800x16xf32, #tpu.memory_space<vmem>> -> memref<800x16xf32, #tpu.memory_space<vmem>>
      %dma_wait3A_153 = arith.constant 0 : i32
      %dma_wait3A_154 = tpu.memref_slice %arg13[%add3A_120, %dma_wait3A_153] : memref<100096x16xf32, #tpu.memory_space<vmem_shared>> -> memref<800x16xf32, #tpu.memory_space<vmem_shared>>
      %dma_wait3A_155 = arith.constant 0 : i32
      %dma_wait3A_156 = arith.constant 0 : i32
      %dma_wait3A_157 = tpu.memref_slice %arg11[%dma_wait3A_155, %dma_wait3A_156] : memref<800x16xf32, #tpu.memory_space<vmem>> -> memref<800x16xf32, #tpu.memory_space<vmem>>
      %dma_wait3A_158 = arith.constant 0 : i32
      %dma_wait3A_159 = tpu.memref_slice %arg13[%add3A_120, %dma_wait3A_158] : memref<100096x16xf32, #tpu.memory_space<vmem_shared>> -> memref<800x16xf32, #tpu.memory_space<vmem_shared>>
      tpu.wait_dma2 semaphore(%run_scoped3A : memref<!tpu.dma_semaphore, #tpu.memory_space<semaphore_mem>>) src(%dma_wait3A_159 : memref<800x16xf32, #tpu.memory_space<vmem_shared>>) dst(%dma_wait3A_157 : memref<800x16xf32, #tpu.memory_space<vmem>>)
      tpu.yield
    }) : () -> ()
    %mul3A_121 = arith.constant 100096 : i32
    %mul3A_122 = arith.muli %arg0, %mul3A_121 : i32
    %add3A_123 = arith.addi %mul3A_122, %mul3A_0 : i32
    %add3A_124 = arith.constant 4000 : i32
    %add3A_125 = arith.addi %add3A_123, %add3A_124 : i32
    "tpu.region"() ({
      %run_scoped3A = tpu.sem_alloc : memref<!tpu.dma_semaphore, #tpu.memory_space<semaphore_mem>>
      %dma_start3A_140 = arith.constant 0 : i32
      %dma_start3A_141 = arith.constant 0 : i32
      %dma_start3A_142 = tpu.memref_slice %arg11[%dma_start3A_140, %dma_start3A_141] : memref<800x16xf32, #tpu.memory_space<vmem>> -> memref<800x16xf32, #tpu.memory_space<vmem>>
      %dma_start3A_143 = arith.constant 0 : i32
      %dma_start3A_144 = tpu.memref_slice %arg6[%add3A_125, %dma_start3A_143] : memref<200192x16xf32, #tpu.memory_space<hbm>> -> memref<800x16xf32, #tpu.memory_space<hbm>>
      %dma_start3A_145 = arith.constant 0 : i32
      %dma_start3A_146 = tpu.memref_slice %arg6[%add3A_125, %dma_start3A_145] : memref<200192x16xf32, #tpu.memory_space<hbm>> -> memref<800x16xf32, #tpu.memory_space<hbm>>
      %dma_start3A_147 = arith.constant 0 : i32
      %dma_start3A_148 = arith.constant 0 : i32
      %dma_start3A_149 = tpu.memref_slice %arg11[%dma_start3A_147, %dma_start3A_148] : memref<800x16xf32, #tpu.memory_space<vmem>> -> memref<800x16xf32, #tpu.memory_space<vmem>>
      tpu.enqueue_dma source(%dma_start3A_149 : memref<800x16xf32, #tpu.memory_space<vmem>>) target(%dma_start3A_146 : memref<800x16xf32, #tpu.memory_space<hbm>>) target_semaphore(%run_scoped3A : memref<!tpu.dma_semaphore, #tpu.memory_space<semaphore_mem>>)
      %dma_wait3A_150 = arith.constant 0 : i32
      %dma_wait3A_151 = arith.constant 0 : i32
      %dma_wait3A_152 = tpu.memref_slice %arg11[%dma_wait3A_150, %dma_wait3A_151] : memref<800x16xf32, #tpu.memory_space<vmem>> -> memref<800x16xf32, #tpu.memory_space<vmem>>
      %dma_wait3A_153 = arith.constant 0 : i32
      %dma_wait3A_154 = tpu.memref_slice %arg6[%add3A_125, %dma_wait3A_153] : memref<200192x16xf32, #tpu.memory_space<hbm>> -> memref<800x16xf32, #tpu.memory_space<hbm>>
      %dma_wait3A_155 = arith.constant 0 : i32
      %dma_wait3A_156 = tpu.memref_slice %arg6[%add3A_125, %dma_wait3A_155] : memref<200192x16xf32, #tpu.memory_space<hbm>> -> memref<800x16xf32, #tpu.memory_space<hbm>>
      %dma_wait3A_157 = arith.constant 0 : i32
      %dma_wait3A_158 = arith.constant 0 : i32
      %dma_wait3A_159 = tpu.memref_slice %arg11[%dma_wait3A_157, %dma_wait3A_158] : memref<800x16xf32, #tpu.memory_space<vmem>> -> memref<800x16xf32, #tpu.memory_space<vmem>>
      tpu.wait_dma2 semaphore(%run_scoped3A : memref<!tpu.dma_semaphore, #tpu.memory_space<semaphore_mem>>) src(%dma_wait3A_159 : memref<800x16xf32, #tpu.memory_space<vmem>>) dst(%dma_wait3A_156 : memref<800x16xf32, #tpu.memory_space<hbm>>)
      tpu.yield
    }) : () -> ()
    %add3A_126 = arith.constant 4800 : i32
    %add3A_127 = arith.addi %mul3A_0, %add3A_126 : i32
    "tpu.region"() ({
      %run_scoped3A = tpu.sem_alloc : memref<!tpu.dma_semaphore, #tpu.memory_space<semaphore_mem>>
      %dma_start3A_140 = arith.constant 0 : i32
      %dma_start3A_141 = arith.constant 0 : i32
      %dma_start3A_142 = tpu.memref_slice %arg11[%dma_start3A_140, %dma_start3A_141] : memref<800x16xf32, #tpu.memory_space<vmem>> -> memref<800x16xf32, #tpu.memory_space<vmem>>
      %dma_start3A_143 = arith.constant 0 : i32
      %dma_start3A_144 = tpu.memref_slice %arg13[%add3A_127, %dma_start3A_143] : memref<100096x16xf32, #tpu.memory_space<vmem_shared>> -> memref<800x16xf32, #tpu.memory_space<vmem_shared>>
      %dma_start3A_145 = arith.constant 0 : i32
      %dma_start3A_146 = arith.constant 0 : i32
      %dma_start3A_147 = tpu.memref_slice %arg11[%dma_start3A_145, %dma_start3A_146] : memref<800x16xf32, #tpu.memory_space<vmem>> -> memref<800x16xf32, #tpu.memory_space<vmem>>
      %dma_start3A_148 = arith.constant 0 : i32
      %dma_start3A_149 = tpu.memref_slice %arg13[%add3A_127, %dma_start3A_148] : memref<100096x16xf32, #tpu.memory_space<vmem_shared>> -> memref<800x16xf32, #tpu.memory_space<vmem_shared>>
      tpu.enqueue_dma source(%dma_start3A_149 : memref<800x16xf32, #tpu.memory_space<vmem_shared>>) target(%dma_start3A_147 : memref<800x16xf32, #tpu.memory_space<vmem>>) target_semaphore(%run_scoped3A : memref<!tpu.dma_semaphore, #tpu.memory_space<semaphore_mem>>)
      %dma_wait3A_150 = arith.constant 0 : i32
      %dma_wait3A_151 = arith.constant 0 : i32
      %dma_wait3A_152 = tpu.memref_slice %arg11[%dma_wait3A_150, %dma_wait3A_151] : memref<800x16xf32, #tpu.memory_space<vmem>> -> memref<800x16xf32, #tpu.memory_space<vmem>>
      %dma_wait3A_153 = arith.constant 0 : i32
      %dma_wait3A_154 = tpu.memref_slice %arg13[%add3A_127, %dma_wait3A_153] : memref<100096x16xf32, #tpu.memory_space<vmem_shared>> -> memref<800x16xf32, #tpu.memory_space<vmem_shared>>
      %dma_wait3A_155 = arith.constant 0 : i32
      %dma_wait3A_156 = arith.constant 0 : i32
      %dma_wait3A_157 = tpu.memref_slice %arg11[%dma_wait3A_155, %dma_wait3A_156] : memref<800x16xf32, #tpu.memory_space<vmem>> -> memref<800x16xf32, #tpu.memory_space<vmem>>
      %dma_wait3A_158 = arith.constant 0 : i32
      %dma_wait3A_159 = tpu.memref_slice %arg13[%add3A_127, %dma_wait3A_158] : memref<100096x16xf32, #tpu.memory_space<vmem_shared>> -> memref<800x16xf32, #tpu.memory_space<vmem_shared>>
      tpu.wait_dma2 semaphore(%run_scoped3A : memref<!tpu.dma_semaphore, #tpu.memory_space<semaphore_mem>>) src(%dma_wait3A_159 : memref<800x16xf32, #tpu.memory_space<vmem_shared>>) dst(%dma_wait3A_157 : memref<800x16xf32, #tpu.memory_space<vmem>>)
      tpu.yield
    }) : () -> ()
    %mul3A_128 = arith.constant 100096 : i32
    %mul3A_129 = arith.muli %arg0, %mul3A_128 : i32
    %add3A_130 = arith.addi %mul3A_129, %mul3A_0 : i32
    %add3A_131 = arith.constant 4800 : i32
    %add3A_132 = arith.addi %add3A_130, %add3A_131 : i32
    "tpu.region"() ({
      %run_scoped3A = tpu.sem_alloc : memref<!tpu.dma_semaphore, #tpu.memory_space<semaphore_mem>>
      %dma_start3A_140 = arith.constant 0 : i32
      %dma_start3A_141 = arith.constant 0 : i32
      %dma_start3A_142 = tpu.memref_slice %arg11[%dma_start3A_140, %dma_start3A_141] : memref<800x16xf32, #tpu.memory_space<vmem>> -> memref<800x16xf32, #tpu.memory_space<vmem>>
      %dma_start3A_143 = arith.constant 0 : i32
      %dma_start3A_144 = tpu.memref_slice %arg6[%add3A_132, %dma_start3A_143] : memref<200192x16xf32, #tpu.memory_space<hbm>> -> memref<800x16xf32, #tpu.memory_space<hbm>>
      %dma_start3A_145 = arith.constant 0 : i32
      %dma_start3A_146 = tpu.memref_slice %arg6[%add3A_132, %dma_start3A_145] : memref<200192x16xf32, #tpu.memory_space<hbm>> -> memref<800x16xf32, #tpu.memory_space<hbm>>
      %dma_start3A_147 = arith.constant 0 : i32
      %dma_start3A_148 = arith.constant 0 : i32
      %dma_start3A_149 = tpu.memref_slice %arg11[%dma_start3A_147, %dma_start3A_148] : memref<800x16xf32, #tpu.memory_space<vmem>> -> memref<800x16xf32, #tpu.memory_space<vmem>>
      tpu.enqueue_dma source(%dma_start3A_149 : memref<800x16xf32, #tpu.memory_space<vmem>>) target(%dma_start3A_146 : memref<800x16xf32, #tpu.memory_space<hbm>>) target_semaphore(%run_scoped3A : memref<!tpu.dma_semaphore, #tpu.memory_space<semaphore_mem>>)
      %dma_wait3A_150 = arith.constant 0 : i32
      %dma_wait3A_151 = arith.constant 0 : i32
      %dma_wait3A_152 = tpu.memref_slice %arg11[%dma_wait3A_150, %dma_wait3A_151] : memref<800x16xf32, #tpu.memory_space<vmem>> -> memref<800x16xf32, #tpu.memory_space<vmem>>
      %dma_wait3A_153 = arith.constant 0 : i32
      %dma_wait3A_154 = tpu.memref_slice %arg6[%add3A_132, %dma_wait3A_153] : memref<200192x16xf32, #tpu.memory_space<hbm>> -> memref<800x16xf32, #tpu.memory_space<hbm>>
      %dma_wait3A_155 = arith.constant 0 : i32
      %dma_wait3A_156 = tpu.memref_slice %arg6[%add3A_132, %dma_wait3A_155] : memref<200192x16xf32, #tpu.memory_space<hbm>> -> memref<800x16xf32, #tpu.memory_space<hbm>>
      %dma_wait3A_157 = arith.constant 0 : i32
      %dma_wait3A_158 = arith.constant 0 : i32
      %dma_wait3A_159 = tpu.memref_slice %arg11[%dma_wait3A_157, %dma_wait3A_158] : memref<800x16xf32, #tpu.memory_space<vmem>> -> memref<800x16xf32, #tpu.memory_space<vmem>>
      tpu.wait_dma2 semaphore(%run_scoped3A : memref<!tpu.dma_semaphore, #tpu.memory_space<semaphore_mem>>) src(%dma_wait3A_159 : memref<800x16xf32, #tpu.memory_space<vmem>>) dst(%dma_wait3A_156 : memref<800x16xf32, #tpu.memory_space<hbm>>)
      tpu.yield
    }) : () -> ()
    %add3A_133 = arith.constant 5600 : i32
    %add3A_134 = arith.addi %mul3A_0, %add3A_133 : i32
    "tpu.region"() ({
      %run_scoped3A = tpu.sem_alloc : memref<!tpu.dma_semaphore, #tpu.memory_space<semaphore_mem>>
      %dma_start3A_140 = arith.constant 0 : i32
      %dma_start3A_141 = arith.constant 0 : i32
      %dma_start3A_142 = tpu.memref_slice %arg11[%dma_start3A_140, %dma_start3A_141] : memref<800x16xf32, #tpu.memory_space<vmem>> -> memref<656x16xf32, #tpu.memory_space<vmem>>
      %dma_start3A_143 = arith.constant 0 : i32
      %dma_start3A_144 = tpu.memref_slice %arg13[%add3A_134, %dma_start3A_143] : memref<100096x16xf32, #tpu.memory_space<vmem_shared>> -> memref<656x16xf32, #tpu.memory_space<vmem_shared>>
      %dma_start3A_145 = arith.constant 0 : i32
      %dma_start3A_146 = arith.constant 0 : i32
      %dma_start3A_147 = tpu.memref_slice %arg11[%dma_start3A_145, %dma_start3A_146] : memref<800x16xf32, #tpu.memory_space<vmem>> -> memref<656x16xf32, #tpu.memory_space<vmem>>
      %dma_start3A_148 = arith.constant 0 : i32
      %dma_start3A_149 = tpu.memref_slice %arg13[%add3A_134, %dma_start3A_148] : memref<100096x16xf32, #tpu.memory_space<vmem_shared>> -> memref<656x16xf32, #tpu.memory_space<vmem_shared>>
      tpu.enqueue_dma source(%dma_start3A_149 : memref<656x16xf32, #tpu.memory_space<vmem_shared>>) target(%dma_start3A_147 : memref<656x16xf32, #tpu.memory_space<vmem>>) target_semaphore(%run_scoped3A : memref<!tpu.dma_semaphore, #tpu.memory_space<semaphore_mem>>)
      %dma_wait3A_150 = arith.constant 0 : i32
      %dma_wait3A_151 = arith.constant 0 : i32
      %dma_wait3A_152 = tpu.memref_slice %arg11[%dma_wait3A_150, %dma_wait3A_151] : memref<800x16xf32, #tpu.memory_space<vmem>> -> memref<656x16xf32, #tpu.memory_space<vmem>>
      %dma_wait3A_153 = arith.constant 0 : i32
      %dma_wait3A_154 = tpu.memref_slice %arg13[%add3A_134, %dma_wait3A_153] : memref<100096x16xf32, #tpu.memory_space<vmem_shared>> -> memref<656x16xf32, #tpu.memory_space<vmem_shared>>
      %dma_wait3A_155 = arith.constant 0 : i32
      %dma_wait3A_156 = arith.constant 0 : i32
      %dma_wait3A_157 = tpu.memref_slice %arg11[%dma_wait3A_155, %dma_wait3A_156] : memref<800x16xf32, #tpu.memory_space<vmem>> -> memref<656x16xf32, #tpu.memory_space<vmem>>
      %dma_wait3A_158 = arith.constant 0 : i32
      %dma_wait3A_159 = tpu.memref_slice %arg13[%add3A_134, %dma_wait3A_158] : memref<100096x16xf32, #tpu.memory_space<vmem_shared>> -> memref<656x16xf32, #tpu.memory_space<vmem_shared>>
      tpu.wait_dma2 semaphore(%run_scoped3A : memref<!tpu.dma_semaphore, #tpu.memory_space<semaphore_mem>>) src(%dma_wait3A_159 : memref<656x16xf32, #tpu.memory_space<vmem_shared>>) dst(%dma_wait3A_157 : memref<656x16xf32, #tpu.memory_space<vmem>>)
      tpu.yield
    }) : () -> ()
    %mul3A_135 = arith.constant 100096 : i32
    %mul3A_136 = arith.muli %arg0, %mul3A_135 : i32
    %add3A_137 = arith.addi %mul3A_136, %mul3A_0 : i32
    %add3A_138 = arith.constant 5600 : i32
    %add3A_139 = arith.addi %add3A_137, %add3A_138 : i32
    "tpu.region"() ({
      %run_scoped3A = tpu.sem_alloc : memref<!tpu.dma_semaphore, #tpu.memory_space<semaphore_mem>>
      %dma_start3A_140 = arith.constant 0 : i32
      %dma_start3A_141 = arith.constant 0 : i32
      %dma_start3A_142 = tpu.memref_slice %arg11[%dma_start3A_140, %dma_start3A_141] : memref<800x16xf32, #tpu.memory_space<vmem>> -> memref<656x16xf32, #tpu.memory_space<vmem>>
      %dma_start3A_143 = arith.constant 0 : i32
      %dma_start3A_144 = tpu.memref_slice %arg6[%add3A_139, %dma_start3A_143] : memref<200192x16xf32, #tpu.memory_space<hbm>> -> memref<656x16xf32, #tpu.memory_space<hbm>>
      %dma_start3A_145 = arith.constant 0 : i32
      %dma_start3A_146 = tpu.memref_slice %arg6[%add3A_139, %dma_start3A_145] : memref<200192x16xf32, #tpu.memory_space<hbm>> -> memref<656x16xf32, #tpu.memory_space<hbm>>
      %dma_start3A_147 = arith.constant 0 : i32
      %dma_start3A_148 = arith.constant 0 : i32
      %dma_start3A_149 = tpu.memref_slice %arg11[%dma_start3A_147, %dma_start3A_148] : memref<800x16xf32, #tpu.memory_space<vmem>> -> memref<656x16xf32, #tpu.memory_space<vmem>>
      tpu.enqueue_dma source(%dma_start3A_149 : memref<656x16xf32, #tpu.memory_space<vmem>>) target(%dma_start3A_146 : memref<656x16xf32, #tpu.memory_space<hbm>>) target_semaphore(%run_scoped3A : memref<!tpu.dma_semaphore, #tpu.memory_space<semaphore_mem>>)
      %dma_wait3A_150 = arith.constant 0 : i32
      %dma_wait3A_151 = arith.constant 0 : i32
      %dma_wait3A_152 = tpu.memref_slice %arg11[%dma_wait3A_150, %dma_wait3A_151] : memref<800x16xf32, #tpu.memory_space<vmem>> -> memref<656x16xf32, #tpu.memory_space<vmem>>
      %dma_wait3A_153 = arith.constant 0 : i32
      %dma_wait3A_154 = tpu.memref_slice %arg6[%add3A_139, %dma_wait3A_153] : memref<200192x16xf32, #tpu.memory_space<hbm>> -> memref<656x16xf32, #tpu.memory_space<hbm>>
      %dma_wait3A_155 = arith.constant 0 : i32
      %dma_wait3A_156 = tpu.memref_slice %arg6[%add3A_139, %dma_wait3A_155] : memref<200192x16xf32, #tpu.memory_space<hbm>> -> memref<656x16xf32, #tpu.memory_space<hbm>>
      %dma_wait3A_157 = arith.constant 0 : i32
      %dma_wait3A_158 = arith.constant 0 : i32
      %dma_wait3A_159 = tpu.memref_slice %arg11[%dma_wait3A_157, %dma_wait3A_158] : memref<800x16xf32, #tpu.memory_space<vmem>> -> memref<656x16xf32, #tpu.memory_space<vmem>>
      tpu.wait_dma2 semaphore(%run_scoped3A : memref<!tpu.dma_semaphore, #tpu.memory_space<semaphore_mem>>) src(%dma_wait3A_159 : memref<656x16xf32, #tpu.memory_space<vmem>>) dst(%dma_wait3A_156 : memref<656x16xf32, #tpu.memory_space<hbm>>)
      tpu.yield
    }) : () -> ()
    return
  }
}

module attributes {stable_mosaic.version = 14 : i64} {
  func.func @_xs_body(%arg0: i32, %arg1: memref<4000x10xf32, #tpu.memory_space<vmem>>, %arg2: memref<2x4000x1xf32, #tpu.memory_space<vmem>>, %arg3: memref<4000x16xf32, #tpu.memory_space<vmem>>) attributes {dimension_semantics = [#tpu.dimension_semantics<arbitrary>], iteration_bounds = array<i64: 25>, scalar_prefetch = 0 : i64, scratch_operands = 0 : i64, tpu.core_type = #tpu.core_type<tc>, window_params = [{transform_indices = @transform_0, window_bounds = array<i64: 4000, 10>}, {transform_indices = @transform_1, window_bounds = array<i64: 2, 4000, 1>}, {transform_indices = @transform_2, window_bounds = array<i64: 4000, 16>}]} {
    %get3A = arith.constant 0 : index
    %get3A_0 = arith.constant 0 : index
    %get3A_1 = arith.constant 0 : index
    %get3A_2 = vector.load %arg2[%get3A, %get3A_0, %get3A_1] : memref<2x4000x1xf32, #tpu.memory_space<vmem>>, vector<2x4000x1xf32>
    %slice3A = vector.extract_strided_slice %get3A_2 {offsets = [0, 0, 0], sizes = [1, 4000, 1], strides = [1, 1, 1]} : vector<2x4000x1xf32> to vector<1x4000x1xf32>
    %squeeze3A = vector.shape_cast %slice3A : vector<1x4000x1xf32> to vector<4000xf32>
    %slice3A_3 = vector.extract_strided_slice %get3A_2 {offsets = [1, 0, 0], sizes = [1, 4000, 1], strides = [1, 1, 1]} : vector<2x4000x1xf32> to vector<1x4000x1xf32>
    %squeeze3A_4 = vector.shape_cast %slice3A_3 : vector<1x4000x1xf32> to vector<4000xf32>
    %add3A = arith.addf %squeeze3A, %squeeze3A_4 : vector<4000xf32>
    %add3A_5 = arith.constant 1.000000e+00 : f32
    %add3A_6 = vector.broadcast %add3A_5 : f32 to vector<4000xf32>
    %add3A_7 = arith.addf %add3A, %add3A_6 : vector<4000xf32>
    %rsqrt3A = math.rsqrt %add3A_7 : vector<4000xf32>
    %get3A_8 = arith.constant 0 : index
    %get3A_9 = arith.constant 0 : index
    %get3A_10 = vector.load %arg1[%get3A_8, %get3A_9] : memref<4000x10xf32, #tpu.memory_space<vmem>>, vector<4000x10xf32>
    %broadcast_in_dim3A = vector.shape_cast %rsqrt3A : vector<4000xf32> to vector<4000x1xf32>
    %mul3A = vector.broadcast %broadcast_in_dim3A : vector<4000x1xf32> to vector<4000x10xf32>
    %mul3A_11 = arith.mulf %get3A_10, %mul3A : vector<4000x10xf32>
    %broadcast_in_dim3A_12 = arith.constant 0.000000e+00 : f32
    %broadcast_in_dim3A_13 = vector.broadcast %broadcast_in_dim3A_12 : f32 to vector<4000x6xf32>
    %concatenate3A = tpu.concatenate %mul3A_11, %broadcast_in_dim3A_13 in 1 : vector<4000x10xf32>, vector<4000x6xf32> -> vector<4000x16xf32>
    %swap3A = arith.constant 0 : index
    %swap3A_14 = arith.constant 0 : index
    %swap3A_15 = vector.load %arg3[%swap3A, %swap3A_14] : memref<4000x16xf32, #tpu.memory_space<vmem>>, vector<4000x16xf32>
    tpu.vector_store %arg3[%swap3A, %swap3A_14], %concatenate3A {strides = array<i32>} : memref<4000x16xf32, #tpu.memory_space<vmem>>, vector<4000x16xf32>,
    return
  }
  func.func @transform_0(%arg0: i32) -> (i32, i32) {
    %c0_i32 = arith.constant 0 : i32
    %c0_i32_0 = arith.constant 0 : i32
    return %arg0, %c0_i32 : i32, i32
  }
  func.func @transform_1(%arg0: i32) -> (i32, i32, i32) {
    %c0_i32 = arith.constant 0 : i32
    %c0_i32_0 = arith.constant 0 : i32
    %c0_i32_1 = arith.constant 0 : i32
    return %c0_i32, %arg0, %c0_i32_0 : i32, i32, i32
  }
  func.func @transform_2(%arg0: i32) -> (i32, i32) {
    %c0_i32 = arith.constant 0 : i32
    %c0_i32_0 = arith.constant 0 : i32
    return %arg0, %c0_i32 : i32, i32
  }
}

module attributes {stable_mosaic.version = 14 : i64} {
  func.func @_mid_body(%arg0: i32, %arg1: memref<2x4000x16xf32, #tpu.memory_space<vmem>>, %arg2: memref<4000x16xf32, #tpu.memory_space<vmem>>, %arg3: memref<2x4000x1xf32, #tpu.memory_space<vmem>>, %arg4: memref<16x32xf32, #tpu.memory_space<vmem>>, %arg5: memref<1x32xf32, #tpu.memory_space<vmem>>, %arg6: memref<32x16xf32, #tpu.memory_space<vmem>>, %arg7: memref<4000x16xf32, #tpu.memory_space<vmem>>) attributes {dimension_semantics = [#tpu.dimension_semantics<arbitrary>], iteration_bounds = array<i64: 25>, scalar_prefetch = 0 : i64, scratch_operands = 0 : i64, tpu.core_type = #tpu.core_type<tc>, window_params = [{transform_indices = @transform_0, window_bounds = array<i64: 2, 4000, 16>}, {transform_indices = @transform_1, window_bounds = array<i64: 4000, 16>}, {transform_indices = @transform_2, window_bounds = array<i64: 2, 4000, 1>}, {pipeline_mode = #tpu.pipeline_mode<synchronous>, transform_indices = @transform_3, window_bounds = array<i64: 16, 32>}, {pipeline_mode = #tpu.pipeline_mode<synchronous>, transform_indices = @transform_4, window_bounds = array<i64: 1, 32>}, {pipeline_mode = #tpu.pipeline_mode<synchronous>, transform_indices = @transform_5, window_bounds = array<i64: 32, 16>}, {transform_indices = @transform_6, window_bounds = array<i64: 4000, 16>}]} {
    %get3A = arith.constant 0 : index
    %get3A_0 = arith.constant 0 : index
    %get3A_1 = arith.constant 0 : index
    %get3A_2 = vector.load %arg3[%get3A, %get3A_0, %get3A_1] : memref<2x4000x1xf32, #tpu.memory_space<vmem>>, vector<2x4000x1xf32>
    %slice3A = vector.extract_strided_slice %get3A_2 {offsets = [0, 0, 0], sizes = [1, 4000, 1], strides = [1, 1, 1]} : vector<2x4000x1xf32> to vector<1x4000x1xf32>
    %squeeze3A = vector.shape_cast %slice3A : vector<1x4000x1xf32> to vector<4000xf32>
    %slice3A_3 = vector.extract_strided_slice %get3A_2 {offsets = [1, 0, 0], sizes = [1, 4000, 1], strides = [1, 1, 1]} : vector<2x4000x1xf32> to vector<1x4000x1xf32>
    %squeeze3A_4 = vector.shape_cast %slice3A_3 : vector<1x4000x1xf32> to vector<4000xf32>
    %add3A = arith.addf %squeeze3A, %squeeze3A_4 : vector<4000xf32>
    %add3A_5 = arith.constant 1.000000e+00 : f32
    %add3A_6 = vector.broadcast %add3A_5 : f32 to vector<4000xf32>
    %add3A_7 = arith.addf %add3A, %add3A_6 : vector<4000xf32>
    %rsqrt3A = math.rsqrt %add3A_7 : vector<4000xf32>
    %get3A_8 = arith.constant 0 : index
    %get3A_9 = arith.constant 0 : index
    %get3A_10 = arith.constant 0 : index
    %get3A_11 = vector.load %arg1[%get3A_8, %get3A_9, %get3A_10] : memref<2x4000x16xf32, #tpu.memory_space<vmem>>, vector<1x4000x16xf32>
    %get3A_12 = vector.shape_cast %get3A_11 : vector<1x4000x16xf32> to vector<4000x16xf32>
    %get3A_13 = arith.constant 1 : index
    %get3A_14 = arith.constant 0 : index
    %get3A_15 = arith.constant 0 : index
    %get3A_16 = vector.load %arg1[%get3A_13, %get3A_14, %get3A_15] : memref<2x4000x16xf32, #tpu.memory_space<vmem>>, vector<1x4000x16xf32>
    %get3A_17 = vector.shape_cast %get3A_16 : vector<1x4000x16xf32> to vector<4000x16xf32>
    %add3A_18 = arith.addf %get3A_12, %get3A_17 : vector<4000x16xf32>
    %get3A_19 = arith.constant 0 : index
    %get3A_20 = arith.constant 0 : index
    %get3A_21 = vector.load %arg2[%get3A_19, %get3A_20] : memref<4000x16xf32, #tpu.memory_space<vmem>>, vector<4000x16xf32>
    %add3A_22 = arith.addf %add3A_18, %get3A_21 : vector<4000x16xf32>
    %broadcast_in_dim3A = vector.shape_cast %rsqrt3A : vector<4000xf32> to vector<4000x1xf32>
    %mul3A = vector.broadcast %broadcast_in_dim3A : vector<4000x1xf32> to vector<4000x16xf32>
    %mul3A_23 = arith.mulf %add3A_22, %mul3A : vector<4000x16xf32>
    %get3A_24 = arith.constant 0 : index
    %get3A_25 = arith.constant 0 : index
    %get3A_26 = vector.load %arg4[%get3A_24, %get3A_25] : memref<16x32xf32, #tpu.memory_space<vmem>>, vector<16x32xf32>
    %dot_general3A = arith.constant dense<0.000000e+00> : vector<4000x32xf32>
    %dot_general3A_27 = tpu.matmul %mul3A_23, %get3A_26, %dot_general3A {dimension_numbers = #tpu.dot_dimension_numbers<[1], [0], [0], [1], [0, 0, 1, 1], [], []>, transpose_lhs_hint = false} : vector<4000x16xf32>, vector<16x32xf32>, vector<4000x32xf32> -> vector<4000x32xf32>
    %get3A_28 = arith.constant 0 : index
    %get3A_29 = arith.constant 0 : index
    %get3A_30 = vector.load %arg5[%get3A_28, %get3A_29] : memref<1x32xf32, #tpu.memory_space<vmem>>, vector<1x32xf32>
    %get3A_31 = vector.shape_cast %get3A_30 : vector<1x32xf32> to vector<32xf32>
    %broadcast_in_dim3A_32 = vector.shape_cast %get3A_31 : vector<32xf32> to vector<1x32xf32>
    %add3A_33 = vector.broadcast %broadcast_in_dim3A_32 : vector<1x32xf32> to vector<4000x32xf32>
    %add3A_34 = arith.addf %dot_general3A_27, %add3A_33 : vector<4000x32xf32>
    %max3A = arith.constant 0.000000e+00 : f32
    %max3A_35 = vector.broadcast %max3A : f32 to vector<4000x32xf32>
    %max3A_36 = arith.maximumf %add3A_34, %max3A_35 : vector<4000x32xf32>
    %get3A_37 = arith.constant 0 : index
    %get3A_38 = arith.constant 0 : index
    %get3A_39 = vector.load %arg6[%get3A_37, %get3A_38] : memref<32x16xf32, #tpu.memory_space<vmem>>, vector<32x16xf32>
    %dot_general3A_40 = arith.constant dense<0.000000e+00> : vector<4000x16xf32>
    %dot_general3A_41 = tpu.matmul %max3A_36, %get3A_39, %dot_general3A_40 {dimension_numbers = #tpu.dot_dimension_numbers<[1], [0], [0], [1], [0, 0, 1, 1], [], []>, transpose_lhs_hint = false} : vector<4000x32xf32>, vector<32x16xf32>, vector<4000x16xf32> -> vector<4000x16xf32>
    %broadcast_in_dim3A_42 = vector.shape_cast %rsqrt3A : vector<4000xf32> to vector<4000x1xf32>
    %mul3A_43 = vector.broadcast %broadcast_in_dim3A_42 : vector<4000x1xf32> to vector<4000x16xf32>
    %mul3A_44 = arith.mulf %dot_general3A_41, %mul3A_43 : vector<4000x16xf32>
    %swap3A = arith.constant 0 : index
    %swap3A_45 = arith.constant 0 : index
    %swap3A_46 = vector.load %arg7[%swap3A, %swap3A_45] : memref<4000x16xf32, #tpu.memory_space<vmem>>, vector<4000x16xf32>
    tpu.vector_store %arg7[%swap3A, %swap3A_45], %mul3A_44 {strides = array<i32>} : memref<4000x16xf32, #tpu.memory_space<vmem>>, vector<4000x16xf32>,
    return
  }
  func.func @transform_0(%arg0: i32) -> (i32, i32, i32) {
    %c0_i32 = arith.constant 0 : i32
    %c0_i32_0 = arith.constant 0 : i32
    %c0_i32_1 = arith.constant 0 : i32
    return %c0_i32, %arg0, %c0_i32_0 : i32, i32, i32
  }
  func.func @transform_1(%arg0: i32) -> (i32, i32) {
    %c0_i32 = arith.constant 0 : i32
    %c0_i32_0 = arith.constant 0 : i32
    return %arg0, %c0_i32 : i32, i32
  }
  func.func @transform_2(%arg0: i32) -> (i32, i32, i32) {
    %c0_i32 = arith.constant 0 : i32
    %c0_i32_0 = arith.constant 0 : i32
    %c0_i32_1 = arith.constant 0 : i32
    return %c0_i32, %arg0, %c0_i32_0 : i32, i32, i32
  }
  func.func @transform_3(%arg0: i32) -> (i32, i32) {
    %c0_i32 = arith.constant 0 : i32
    %c0_i32_0 = arith.constant 0 : i32
    %c0_i32_1 = arith.constant 0 : i32
    return %c0_i32, %c0_i32_0 : i32, i32
  }
  func.func @transform_4(%arg0: i32) -> (i32, i32) {
    %c0_i32 = arith.constant 0 : i32
    %c0_i32_0 = arith.constant 0 : i32
    %c0_i32_1 = arith.constant 0 : i32
    return %c0_i32, %c0_i32_0 : i32, i32
  }
  func.func @transform_5(%arg0: i32) -> (i32, i32) {
    %c0_i32 = arith.constant 0 : i32
    %c0_i32_0 = arith.constant 0 : i32
    %c0_i32_1 = arith.constant 0 : i32
    return %c0_i32, %c0_i32_0 : i32, i32
  }
  func.func @transform_6(%arg0: i32) -> (i32, i32) {
    %c0_i32 = arith.constant 0 : i32
    %c0_i32_0 = arith.constant 0 : i32
    return %arg0, %c0_i32 : i32, i32
  }
}

module attributes {stable_mosaic.version = 14 : i64} {
  func.func @_out_body(%arg0: i32, %arg1: memref<2x4000x16xf32, #tpu.memory_space<vmem>>, %arg2: memref<4000x16xf32, #tpu.memory_space<vmem>>, %arg3: memref<2x4000x1xf32, #tpu.memory_space<vmem>>, %arg4: memref<1x16xf32, #tpu.memory_space<vmem>>, %arg5: memref<4000x16xf32, #tpu.memory_space<vmem>>) attributes {dimension_semantics = [#tpu.dimension_semantics<arbitrary>], iteration_bounds = array<i64: 25>, scalar_prefetch = 0 : i64, scratch_operands = 0 : i64, tpu.core_type = #tpu.core_type<tc>, window_params = [{transform_indices = @transform_0, window_bounds = array<i64: 2, 4000, 16>}, {transform_indices = @transform_1, window_bounds = array<i64: 4000, 16>}, {transform_indices = @transform_2, window_bounds = array<i64: 2, 4000, 1>}, {pipeline_mode = #tpu.pipeline_mode<synchronous>, transform_indices = @transform_3, window_bounds = array<i64: 1, 16>}, {transform_indices = @transform_4, window_bounds = array<i64: 4000, 16>}]} {
    %get3A = arith.constant 0 : index
    %get3A_0 = arith.constant 0 : index
    %get3A_1 = arith.constant 0 : index
    %get3A_2 = vector.load %arg3[%get3A, %get3A_0, %get3A_1] : memref<2x4000x1xf32, #tpu.memory_space<vmem>>, vector<2x4000x1xf32>
    %slice3A = vector.extract_strided_slice %get3A_2 {offsets = [0, 0, 0], sizes = [1, 4000, 1], strides = [1, 1, 1]} : vector<2x4000x1xf32> to vector<1x4000x1xf32>
    %squeeze3A = vector.shape_cast %slice3A : vector<1x4000x1xf32> to vector<4000xf32>
    %slice3A_3 = vector.extract_strided_slice %get3A_2 {offsets = [1, 0, 0], sizes = [1, 4000, 1], strides = [1, 1, 1]} : vector<2x4000x1xf32> to vector<1x4000x1xf32>
    %squeeze3A_4 = vector.shape_cast %slice3A_3 : vector<1x4000x1xf32> to vector<4000xf32>
    %add3A = arith.addf %squeeze3A, %squeeze3A_4 : vector<4000xf32>
    %add3A_5 = arith.constant 1.000000e+00 : f32
    %add3A_6 = vector.broadcast %add3A_5 : f32 to vector<4000xf32>
    %add3A_7 = arith.addf %add3A, %add3A_6 : vector<4000xf32>
    %rsqrt3A = math.rsqrt %add3A_7 : vector<4000xf32>
    %get3A_8 = arith.constant 0 : index
    %get3A_9 = arith.constant 0 : index
    %get3A_10 = arith.constant 0 : index
    %get3A_11 = vector.load %arg1[%get3A_8, %get3A_9, %get3A_10] : memref<2x4000x16xf32, #tpu.memory_space<vmem>>, vector<1x4000x16xf32>
    %get3A_12 = vector.shape_cast %get3A_11 : vector<1x4000x16xf32> to vector<4000x16xf32>
    %get3A_13 = arith.constant 1 : index
    %get3A_14 = arith.constant 0 : index
    %get3A_15 = arith.constant 0 : index
    %get3A_16 = vector.load %arg1[%get3A_13, %get3A_14, %get3A_15] : memref<2x4000x16xf32, #tpu.memory_space<vmem>>, vector<1x4000x16xf32>
    %get3A_17 = vector.shape_cast %get3A_16 : vector<1x4000x16xf32> to vector<4000x16xf32>
    %add3A_18 = arith.addf %get3A_12, %get3A_17 : vector<4000x16xf32>
    %get3A_19 = arith.constant 0 : index
    %get3A_20 = arith.constant 0 : index
    %get3A_21 = vector.load %arg2[%get3A_19, %get3A_20] : memref<4000x16xf32, #tpu.memory_space<vmem>>, vector<4000x16xf32>
    %add3A_22 = arith.addf %add3A_18, %get3A_21 : vector<4000x16xf32>
    %broadcast_in_dim3A = vector.shape_cast %rsqrt3A : vector<4000xf32> to vector<4000x1xf32>
    %mul3A = vector.broadcast %broadcast_in_dim3A : vector<4000x1xf32> to vector<4000x16xf32>
    %mul3A_23 = arith.mulf %add3A_22, %mul3A : vector<4000x16xf32>
    %get3A_24 = arith.constant 0 : index
    %get3A_25 = arith.constant 0 : index
    %get3A_26 = vector.load %arg4[%get3A_24, %get3A_25] : memref<1x16xf32, #tpu.memory_space<vmem>>, vector<1x16xf32>
    %get3A_27 = vector.shape_cast %get3A_26 : vector<1x16xf32> to vector<16xf32>
    %broadcast_in_dim3A_28 = vector.shape_cast %get3A_27 : vector<16xf32> to vector<1x16xf32>
    %add3A_29 = vector.broadcast %broadcast_in_dim3A_28 : vector<1x16xf32> to vector<4000x16xf32>
    %add3A_30 = arith.addf %mul3A_23, %add3A_29 : vector<4000x16xf32>
    %swap3A = arith.constant 0 : index
    %swap3A_31 = arith.constant 0 : index
    %swap3A_32 = vector.load %arg5[%swap3A, %swap3A_31] : memref<4000x16xf32, #tpu.memory_space<vmem>>, vector<4000x16xf32>
    tpu.vector_store %arg5[%swap3A, %swap3A_31], %add3A_30 {strides = array<i32>} : memref<4000x16xf32, #tpu.memory_space<vmem>>, vector<4000x16xf32>,
    return
  }
  func.func @transform_0(%arg0: i32) -> (i32, i32, i32) {
    %c0_i32 = arith.constant 0 : i32
    %c0_i32_0 = arith.constant 0 : i32
    %c0_i32_1 = arith.constant 0 : i32
    return %c0_i32, %arg0, %c0_i32_0 : i32, i32, i32
  }
  func.func @transform_1(%arg0: i32) -> (i32, i32) {
    %c0_i32 = arith.constant 0 : i32
    %c0_i32_0 = arith.constant 0 : i32
    return %arg0, %c0_i32 : i32, i32
  }
  func.func @transform_2(%arg0: i32) -> (i32, i32, i32) {
    %c0_i32 = arith.constant 0 : i32
    %c0_i32_0 = arith.constant 0 : i32
    %c0_i32_1 = arith.constant 0 : i32
    return %c0_i32, %arg0, %c0_i32_0 : i32, i32, i32
  }
  func.func @transform_3(%arg0: i32) -> (i32, i32) {
    %c0_i32 = arith.constant 0 : i32
    %c0_i32_0 = arith.constant 0 : i32
    %c0_i32_1 = arith.constant 0 : i32
    return %c0_i32, %c0_i32_0 : i32, i32
  }
  func.func @transform_4(%arg0: i32) -> (i32, i32) {
    %c0_i32 = arith.constant 0 : i32
    %c0_i32_0 = arith.constant 0 : i32
    return %arg0, %c0_i32 : i32, i32
  }
}

</mosaic_0001>

<sc_bundles>
// kernel: kernel.11.cloned.1.call-start
scs
__scs_entry_jumppad:
0x0: {  	(pc) =	sbr.rel $0x88, $3  }
0x1: {  	(tag) =	ssettag $0x0;
	lr =	simm.s32 $0x1  }
0x2: {  	[smem:$0x3F9B] =	sst lr;
	_ =	strace $0xD0000000  }
0x3: {  	_ = 	snop  }
0x4: {  	_ = 	snop  }
0x5: {  	_ = 	snop  }
0x6: {  	_ = 	snop  }
0x7: {  	_ = 	snop  }
__scs_overlays_trampoline_lowered:
0x8: {  	[smem:$0x3FAA] =	sst s0  }
0x9: {  	[smem:$0x3FAB] =	sst s1  }
0xa: {  	[smem:$0x3FAC] =	sst s2  }
0xb: {  	[smem:$0x3FAD] =	sst s3  }
0xc: {  	[smem:$0x3FAE] =	sst s4  }
0xd: {  	[smem:$0x3FAF] =	sst s5  }
0xe: {  	[smem:$0x3FB0] =	sst s6  }
0xf: {  	[smem:$0x3FB1] =	sst s7  }
0x10: {  	[smem:$0x3FB2] =	sst s8  }
0x11: {  	[smem:$0x3FB3] =	sst s9;
	s0 =	simm.s32 @!p0 $0x0  }
0x12: {  	s1 =	sld [smem:$0x3F99];
	s0 =	simm.s32 @p0 $0x1  }
0x13: {  	[smem:$0x3FB4] =	sst s0;
	s0 =	simm.s32 @!p1 $0x0  }
0x14: {  	s2 =	sld [smem:$0x3F98];
	s0 =	simm.s32 @p1 $0x1  }
0x15: {  	[smem:$0x3FB5] =	sst s0;
	s0 =	simm.s32 @!p2 $0x0  }
0x16: {  	s3 =	sld [smem:$0x3FDB];
	s0 =	simm.s32 @p2 $0x1  }
0x17: {  	s4 =	simm.s32 $0x1BF5;
	[smem:$0x3FB7] =	sst s0  }
0x18: {  	s0 =	sld [smem:$0x3F9A];
	_ =	swait.ge [sflag:s4], $0x0  }
0x19: {  	s7 =	sld [smem:$0x3F9B]  }
0x1a: {  	s8 =	sadd.s32 $0xFFFFE003, lr  }
0x1b: {  	s9 =	sadd.s32 $0xFFFFFEF7, lr;
	s5 =	simm.s32 $0xFFFFFFFF;
	p2 =	slt.u32 s8, $0xFFFFF086  }
0x1c: {  	p1 =	slt.u32 s9, $0xF7A;
	s5 =	simm.s32 @!p2 $0x0  }
0x1d: {  	s5 =	simm.s32 @p1 $0x1;
	p0 =	seq.s32 s7, s2  }
0x1e: {  	s7 =	smul.u32 @!p0 $0xF7A, s2;
	p2 =	seq.s32 @!p0 s5, $0x0  }
0x1f: {  	s9 =	smul.u32 $0xF7A, s1;
	s8 =	simm.s32 @!p0 $0x1BF5;
	p2 =	por !p2, p0  }
0x20: {  	[sflag:s8] =	ssyncset.s32 @!p0 $0xFFFFF086;
	s6 =	sadd.s32 @!p0 s3, s7;
	s7 =	simm.s32 @!p0 $0x108  }
0x21: {  	s3 =	sadd.s32 s3, s9;
	s6 =	sadd.s32 @!p0 $0x88, s6;
	s7 =	simm.s32 @p2 $0x1082  }
0x22: {  	[simem:s7], [sflag:s8] =	dma.local @!p0 [hbm:s6], $0xF7A  }
0x23: {  	s9 =	sor.u32 $0xD0000000, s2;
	s6 =	simm.s32 $0x108;
	_ =	swait.ge @!p0 [sflag:s8], $0x0  }
0x24: {  	s3 =	sadd.s32 $0x88, s3;
	s6 =	simm.s32 @!p1 $0x1082;
	[sflag:s4] =	ssyncset.s32 $0xFFFFF086  }
0x25: {  	[simem:s6], [sflag:s4] =	dma.local [hbm:s3], $0xF7A  }
0x26: {  	[smem:$0x3F9B] =	sst s1;
	(tag) =	ssettag s2;
	_ =	strace s9  }
0x27: {  	s1 =	sld [smem:$0x3FAB]  }
0x28: {  	s2 =	sld [smem:$0x3FAC]  }
0x29: {  	s4 =	sld [smem:$0x3FAE]  }
0x2a: {  	p0 =	seq.s32 s5, $0x0;
	s5 =	sld [smem:$0x3FAF]  }
0x2b: {  	s6 =	sld [smem:$0x3FB0]  }
0x2c: {  	s7 =	sld [smem:$0x3FB1]  }
0x2d: {  	s3 =	simm.s32 $0x108;
	s8 =	sld [smem:$0x3FB2]  }
0x2e: {  	s3 =	simm.s32 @!p0 $0x1082;
	s9 =	sld [smem:$0x3FB3]  }
0x2f: {  	lr =	sadd.s32 s0, s3;
	s0 =	sld [smem:$0x3FAA]  }
0x30: {  	s3 =	sld [smem:$0x3FAD]  }
0x31: {  	[smem:$0x3FB6] =	sst s10  }
0x32: {  	s10 =	sld [smem:$0x3FB4];
	_ =	sdelay $0x3  }
0x33: {  	p0 =	seq.s32 s10, $0x1;
	s10 =	sld [smem:$0x3FB6];
	_ =	sdelay $0x3  }
0x34: {  	[smem:$0x3FB6] =	sst s10  }
0x35: {  	s10 =	sld [smem:$0x3FB5];
	_ =	sdelay $0x3  }
0x36: {  	p1 =	seq.s32 s10, $0x1;
	s10 =	sld [smem:$0x3FB6];
	_ =	sdelay $0x3  }
0x37: {  	[smem:$0x3FB6] =	sst s10  }
0x38: {  	s10 =	sld [smem:$0x3FB7]  }
0x39: {  	_ = 	snop;
	(pc) =	sbr.ind lr, $3  }
0x3a: {  	_ = 	snop  }
0x3b: {  	_ = 	snop  }
0x3c: {  	p2 =	seq.s32 s10, $0x1;
	s10 =	sld [smem:$0x3FB6]  }
0x3d: {  	_ =	shalt  }
0x3e: {  	_ =	shalt  }
0x3f: {  	_ =	shalt  }
0x40: {  	_ =	shalt  }
0x41: {  	_ =	shalt  }
0x42: {  	_ =	shalt  }
0x43: {  	_ =	shalt  }
0x44: {  	_ =	shalt  }
0x45: {  	_ =	shalt  }
0x46: {  	_ =	shalt  }
0x47: {  	_ =	shalt  }
0x48: {  	_ =	shalt  }
0x49: {  	_ =	shalt  }
0x4a: {  	_ =	shalt  }
0x4b: {  	_ =	shalt  }
0x4c: {  	_ =	shalt  }
0x4d: {  	_ =	shalt  }
0x4e: {  	_ =	shalt  }
0x4f: {  	_ =	shalt  }
0x50: {  	_ =	shalt  }
0x51: {  	_ =	shalt  }
0x52: {  	_ =	shalt  }
0x53: {  	_ =	shalt  }
0x54: {  	_ =	shalt  }
0x55: {  	_ =	shalt  }
0x56: {  	_ =	shalt  }
0x57: {  	_ =	shalt  }
0x58: {  	_ =	shalt  }
0x59: {  	_ =	shalt  }
0x5a: {  	_ =	shalt  }
0x5b: {  	_ =	shalt  }
0x5c: {  	_ =	shalt  }
0x5d: {  	_ =	shalt  }
0x5e: {  	_ =	shalt  }
0x5f: {  	_ =	shalt  }
0x60: {  	_ =	shalt  }
0x61: {  	_ =	shalt  }
0x62: {  	_ =	shalt  }
0x63: {  	_ =	shalt  }
0x64: {  	_ =	shalt  }
0x65: {  	_ =	shalt  }
0x66: {  	_ =	shalt  }
0x67: {  	_ =	shalt  }
0x68: {  	_ =	shalt  }
0x69: {  	_ =	shalt  }
0x6a: {  	_ =	shalt  }
0x6b: {  	_ =	shalt  }
0x6c: {  	_ =	shalt  }
0x6d: {  	_ =	shalt  }
0x6e: {  	_ =	shalt  }
0x6f: {  	_ =	shalt  }
0x70: {  	_ =	shalt  }
0x71: {  	_ =	shalt  }
0x72: {  	_ =	shalt  }
0x73: {  	_ =	shalt  }
0x74: {  	_ =	shalt  }
0x75: {  	_ =	shalt  }
0x76: {  	_ =	shalt  }
0x77: {  	_ =	shalt  }
0x78: {  	_ =	shalt  }
0x79: {  	_ =	shalt  }
0x7a: {  	_ =	shalt  }
0x7b: {  	_ =	shalt  }
0x7c: {  	_ =	shalt  }
0x7d: {  	_ =	shalt  }
0x7e: {  	_ =	shalt  }
0x7f: {  	_ =	shalt  }
0x80: {  	_ =	shalt  }
0x81: {  	_ =	shalt  }
0x82: {  	_ =	shalt  }
0x83: {  	_ =	shalt  }
0x84: {  	_ =	shalt  }
0x85: {  	_ =	shalt  }
0x86: {  	_ =	shalt  }
0x87: {  	_ =	shalt  }
.Lfunc_end0:
.L_simem_size_0:
called_computation.1_lowered:
.L_overlay_start_0:
0x88: {  	s2 =	sld [smem:$0x3FD9]  }
0x89: {  	s3 =	sld [smem:$0x3FFE];
	_ =	sdelay $0x1  }
0x8a: {  	s1 =	srdreg.scid  }
0x8b: {  	s0 =	sand.u32 $0x1, s1  }
0x8c: {  	s17 =	sshll.u32 s0, $0xA;
	s2 =	sadd.s32 s3, s2  }
0x8d: {  	s2 =	sadd.s32 s2, s17  }
0x8e: {  	[smem:$0x3FC2] =	sst s2  }
0x8f: {  	_ = 	snop  }
0x90: {  	s2 =	sld [smem:$0x3FD0];
	(tm) =	ssettm $0x1  }
0x91: {  	s18 =	sld [smem:$0x3FFB];
	_ =	sdelay $0x3  }
0x92: {  	_ =	strace s18  }
0x93: {  	s3 =	sld [smem:$0x3FFC];
	_ =	sdelay $0x3  }
0x94: {  	_ =	strace s3  }
0x95: {  	s3 =	sld [smem:$0x3FFD];
	_ =	sdelay $0x3  }
0x96: {  	_ =	strace s3  }
0x97: {  	_ =	strace $0x8FFFFFFF  }
0x98: {  	s19 =	sld [smem:$0x3FDB];
	_ =	sdelay $0x1  }
0x99: {  	s4 =	simm.s32 $_scs_section_size  }
0x9a: {  	s5 =	simm.s32 $_size__tile_overlayer_lowered;
	s6 =	simm.s32 $_tile_overlayer_lowered  }
0x9b: {  	s22 =	simm.s32 $0x1BFF;
	s21 =	sshll.u32 s6, $0x1;
	s3 =	sadd.s32 s4, s19  }
0x9c: {  	s7 =	simm.s32 $0x0;
	s20 =	sshll.u32 s5, $0x1;
	s5 =	sadd.s32 s21, s3  }
0x9d: {  	[timem:s7], [sflag:s22] =	dma.local [hbm:s5], s20  }
0x9e: {  	_ =	swait.ge [sflag:s22], s20  }
0x9f: {  	s4 =	ssub.s32 $0x0, s20;
	[sflag:s22] =	ssyncset.done $0x0  }
0xa0: {  	[sflag:s22] =	ssyncadd.s32 s4;
	_ =	sdelay $0x1  }
0xa1: {  	s23 =	simm.s32 $0x1B8B  }
0xa2: {  	_ =	swait.ge [sflag:s23], $0x1  }
0xa3: {  	[sflag:s23] =	ssyncset.done $0x0  }
0xa4: {  	s25 =	simm.s32 $0x1B8E;
	s24 =	sld [smem:$0x3FFE];
	[sflag:s23] =	ssyncadd.s32 $0xFFFFFFFF  }
0xa5: {  	s26 =	simm.s32 $execute0_lowered;
	[smem:$0x3FD2] =	sst s25  }
0xa6: {  	s5 =	sshll.u32 s26, $0x1;
	_ =	strace $0x80000049;
	[dreg:$0x1] =	wrdreg $0xFFFFFFFF  }
0xa7: {  	s28 =	simm.s32 $_size_execute0_lowered;
	s3 =	sadd.s32 s3, s5;
	[dreg:$0x0] =	wrdreg $0x0  }
0xa8: {  	s5 =	sshll.u32 s28, $0x1;
	[dreg:$0x2] =	wrdreg s3  }
0xa9: {  	[dreg:$0x3] =	wrdreg s5  }
0xaa: {  	[dreg:$0x4] =	wrdreg $0xC0  }
0xab: {  	_ =	task [dreg:s7], $0x5FFFF  }
0xac: {  	[dreg:$0x1] =	wrdreg $0xFFFFFFFF  }
0xad: {  	[dreg:$0x0] =	wrdreg $0x60  }
0xae: {  	[dreg:$0x2] =	wrdreg s2  }
0xaf: {  	[dreg:$0x3] =	wrdreg s24  }
0xb0: {  	[dreg:$0x4] =	wrdreg $0x70800  }
0xb1: {  	[dreg:$0x5] =	wrdreg $0x9  }
0xb2: {  	_ =	task.clear_ibuf [dreg:s7], $0x6FFFF;
	_ =	strace $0x90000049  }
0xb3: {  	s29 =	simm.s32 $0x9;
	_ =	strace $0x8000004B  }
0xb4: {  	_ =	swait.ge [sflag:s29], $0x1  }
0xb5: {  	[sflag:s29] =	ssyncadd.s32 $0xFFFFFFFF  }
0xb6: {  	_ =	strace $0x9000004B  }
0xb7: {  	_ =	sfence  }
0xb8: {  	s30 =	sld [smem:$0x0];
	_ =	sdelay $0x2  }
0xb9: {  	s31 =	sshll.u32 s1, $0xD;
	s1 =	sshrl.u32 s1, $0x2  }
0xba: {  	s3 =	sand.u32 $0x4000, s31;
	s1 =	sadd.s32 s1, s30  }
0xbb: {  	s0 =	sor.u32 s3, s0;
	s1 =	sshll.u32 s1, $0x11  }
0xbc: {  	s0 =	sor.u32 s1, s0  }
0xbd: {  	s0 =	sadd.s32 $0x8F2B, s0  }
0xbe: {  	[sflag:s0] =	ssyncadd.remote.s32 $0x1  }
0xbf: {  	_ =	sfence.sel $0xFFFF  }
0xc0: {  	[dreg:$0x0] =	wrdreg $0xFFFFFFFF;
	(pc) =	sbr.abs _section_cstart, $3  }
0xc1: {  	[dreg:$0x1] =	wrdreg $0xFFFFFFFF  }
0xc2: {  	_ =	task.clear_ibuf [dreg:s7], $0x2FFFF;
	_ =	strace $0x9FFFFFFF  }
0xc3: {  	(tm) =	ssettm $0x7FFFFFFF  }
tec
execute0_lowered:
.L_overlay_start_1:
0x0: {  	(tag) =	ssettag $0x1  }
0x1: {  	s1 =	rddreg [dreg:$0x0]  }
0x2: {  	s0 =	rddreg [dreg:$0x1];
	s10 =	stileid.u32  }
0x3: {  	s3 =	rddreg [dreg:$0x2];
	s6 =	smul.u32 $0x1870, s10  }
0x4: {  	s2 =	srdreg.scid;
	s8 =	smul.u32 $0x61C00, s10  }
0x5: {  	s4 =	simm.s32 $0x0;
	s2 =	sand.u32 $0x1, s2;
	s10 =	smul.u32 $0x186A0, s10  }
0x6: {  	[smem:$0x7FF] =	sst s4;
	s5 =	sadd.s32 $0x1800, s0;
	s7 =	smul.u32 $0x18700, s2  }
0x7: {  	s11 =	sadd.s32 $0xC5000, s0;
	s9 =	smul.u32 $0x186A00, s2;
	s2 =	ssub.s32 $0x2, s2  }
0x8: {  	_ =	strace $0x8000004A;
	[dreg:$0x4] =	wrdreg s11;
	s11 =	sshrl.u32 s2, $0x1  }
0x9: {  	s8 =	sshrl.u32 s8, $0x2;
	s7 =	sadd.s32 s6, s7;
	s2 =	ssub.s32 s2, s11  }
0xa: {  	s6 =	sadd.s32 $0x63400, s0;
	s9 =	sadd.s32 s10, s9;
	s2 =	smax.u32 s2, $0x1  }
0xb: {  	s30 =	sadd.s32 s8, s3;
	s31 =	sadd.s32 $0x640, s9;
	[dreg:$0x13] =	wrdreg s2  }
0xc: {  	s12 =	sshrl.u32 s9, $0x3;
	s8 =	sadd.s32 $0x12C00, s30;
	[dreg:$0x14] =	wrdreg s31  }
0xd: {  	s7 =	sshll.u32 s7, $0x1;
	s13 =	sadd.s32 s5, s12;
	[dreg:$0x15] =	wrdreg s8  }
0xe: {  	s14 =	sadd.s32 s6, s12;
	s15 =	sadd.s32 $0x64, s12;
	[dreg:$0x5] =	wrdreg s13  }
0xf: {  	s0 =	sadd.s32 s7, s0;
	[dreg:$0x6] =	wrdreg s14;
	s16 =	sadd.s32 s5, s15  }
0x10: {  	s7 =	sadd.s32 $0x3070, s12;
	s10 =	sadd.s32 s6, s15;
	[dreg:$0x7] =	wrdreg s16  }
0x11: {  	s11 =	simm.s32 $0x320;
	s17 =	sadd.s32 s5, s7;
	[dreg:$0x8] =	wrdreg s10  }
0x12: {  	s24 =	sadd.s32 $0x960, s9;
	s7 =	sadd.s32 s6, s7;
	[dreg:$0x9] =	wrdreg s17  }
0x13: {  	s28 =	sadd.s32 $0x9600, s30;
	s18 =	sadd.s32 $0xC5800, s0;
	[dreg:$0xa] =	wrdreg s7  }
0x14: {  	s29 =	sadd.s32 $0xC800, s30;
	s19 =	sadd.s32 $0xC5E40, s0;
	[dreg:$0xb] =	wrdreg s18  }
0x15: {  	s9 =	simm.s32 $0xC80;
	s20 =	sadd.s32 $0xC6480, s0;
	[dreg:$0xc] =	wrdreg s19  }
0x16: {  	s26 =	sshrl.u32 s24, $0x3;
	s21 =	sadd.s32 $0xC6AC0, s0;
	[dreg:$0xd] =	wrdreg s20  }
0x17: {  	s12 =	simm.s32 $0x640;
	s22 =	sadd.s32 $0xC7100, s0;
	[dreg:$0xe] =	wrdreg s21  }
0x18: {  	s23 =	sadd.s32 $0xC7740, s0;
	s25 =	sadd.s32 $0xC7D80, s0;
	[dreg:$0xf] =	wrdreg s22  }
0x19: {  	s0 =	sadd.s32 $0xC83C0, s0;
	s24 =	sadd.s32 s26, s6;
	[dreg:$0x10] =	wrdreg s23  }
0x1a: {  	s13 =	simm.s32 $0x3E80;
	s14 =	simm.s32 $0x960;
	[dreg:$0x11] =	wrdreg s25  }
0x1b: {  	s15 =	simm.s32 $0x1;
	[dreg:$0x12] =	wrdreg s0;
	s25 =	sadd.s32 s26, s5  }
0x1c: {  	s23 =	sadd.s32 $0x3200, s30;
	s26 =	sadd.s32 $0x6400, s30;
	s7 =	sadd.s32 $0xFA00, s30  }
0x1d: {  	s0 =	sadd.s32 $0x15E00, s30;
	s10 =	simm.s32 $0x7;
	s16 =	simm.s32 $0x5  }
0x1e: {  	s17 =	simm.s32 $0x2;
	s18 =	simm.s32 $0x6;
	s19 =	simm.s32 $0x3  }
0x1f: {  	s20 =	simm.s32 $0x4;
	s21 =	simm.s32 $0x0;
	[dreg:$0x16] =	wrdreg s0  }
.LBB2_1:
0x20: {  	s22 =	rddreg [dreg:$0x4]  }
0x21: {  	[tilespmem:s9], [sflag:$0x7] =	stream.linear.gather [hbm4b:s22+s4], $0x3200, $0x38;
	[tilespmem:$0x1F780] =	vst v63  }
0x22: {  	_ =	swait.ge [sflag:s10], $0x3200  }
0x23: {  	[sflag:s10] =	ssyncset.done $0x0  }
0x24: {  	[sflag:s10] =	ssyncadd.s32 $0xFFFFCE00  }
0x25: {  	[spmem:s30] =	stream.linear.scatter [tilespmem:s9], [sflag:$0x7], $0x3200, $0x38;
	[tilespmem:$0x1F780] =	vst v63  }
0x26: {  	_ =	swait.ge [sflag:s10], $0x3200  }
0x27: {  	[sflag:s10] =	ssyncset.done $0x0  }
0x28: {  	[sflag:s10] =	ssyncadd.s32 $0xFFFFCE00  }
0x29: {  	[spmem:s23] =	stream.linear.scatter [tilespmem:s9], [sflag:$0x7], $0x3200, $0x38;
	[tilespmem:$0x1F780] =	vst v63  }
0x2a: {  	_ =	swait.ge [sflag:s10], $0x3200  }
0x2b: {  	[sflag:s10] =	ssyncset.done $0x0  }
0x2c: {  	[sflag:s10] =	ssyncadd.s32 $0xFFFFCE00  }
0x2d: {  	[spmem:s26] =	stream.linear.scatter [tilespmem:s9], [sflag:$0x7], $0x3200, $0x38;
	[tilespmem:$0x1F780] =	vst v63  }
0x2e: {  	_ =	swait.ge [sflag:s10], $0x3200  }
0x2f: {  	[sflag:s10] =	ssyncset.done $0x0  }
0x30: {  	[sflag:s10] =	ssyncadd.s32 $0xFFFFCE00  }
0x31: {  	[spmem:s28] =	stream.linear.scatter [tilespmem:s9], [sflag:$0x7], $0x3200, $0x38;
	[tilespmem:$0x1F780] =	vst v63  }
0x32: {  	_ =	swait.ge [sflag:s10], $0x3200  }
0x33: {  	[sflag:s10] =	ssyncset.done $0x0  }
0x34: {  	[sflag:s10] =	ssyncadd.s32 $0xFFFFCE00  }
0x35: {  	[spmem:s29] =	stream.linear.scatter [tilespmem:s9], [sflag:$0x7], $0x3200, $0x38;
	[tilespmem:$0x1F780] =	vst v63  }
0x36: {  	_ =	swait.ge [sflag:s10], $0x3200  }
0x37: {  	[sflag:s10] =	ssyncset.done $0x0  }
0x38: {  	[sflag:s10] =	ssyncadd.s32 $0xFFFFCE00  }
0x39: {  	[spmem:s7] =	stream.linear.scatter [tilespmem:s9], [sflag:$0x7], $0x3200, $0x38;
	[tilespmem:$0x1F780] =	vst v63  }
0x3a: {  	_ =	swait.ge [sflag:s10], $0x3200  }
0x3b: {  	[sflag:s10] =	ssyncset.done $0x0  }
0x3c: {  	s31 =	smov.u32 s26;
	s26 =	smov.u32 s8;
	[sflag:s10] =	ssyncadd.s32 $0xFFFFCE00  }
0x3d: {  	[spmem:s26] =	stream.linear.scatter [tilespmem:s9], [sflag:$0x7], $0x3200, $0x38;
	[tilespmem:$0x1F780] =	vst v63  }
0x3e: {  	_ =	swait.ge [sflag:s10], $0x3200  }
0x3f: {  	[sflag:s10] =	ssyncset.done $0x0  }
0x40: {  	s22 =	smov.u32 s0;
	[sflag:s10] =	ssyncadd.s32 $0xFFFFCE00  }
0x41: {  	[spmem:s22] =	stream.linear.scatter [tilespmem:s9], [sflag:$0x7], $0x2900, $0x38;
	[tilespmem:$0x1F780] =	vst v63  }
0x42: {  	_ =	swait.ge [sflag:s10], $0x2900  }
0x43: {  	[sflag:s10] =	ssyncset.done $0x0  }
0x44: {  	[sflag:s10] =	ssyncadd.s32 $0xFFFFD700  }
0x45: {  	[bflag:$0x0] =	sbarrier.arrive $0xFFFF  }
0x46: {  	s26 =	rddreg [dreg:$0x5]  }
0x47: {  	[tilespmem:s4], [sflag:$0x7] =	stream.linear.gather [hbm4b:s26+s4], $0x320, $0x38;
	[tilespmem:$0x1F780] =	vst v63  }
0x48: {  	_ =	swait.ge [sflag:s10], $0x320  }
0x49: {  	[sflag:s10] =	ssyncset.done $0x0  }
0x4a: {  	s8 =	smov.u32 s29;
	s29 =	rddreg [dreg:$0x6];
	[sflag:s10] =	ssyncadd.s32 $0xFFFFFCE0  }
0x4b: {  	[tilespmem:s11], [sflag:$0x5] =	stream.linear.gather [hbm4b:s29+s4], $0x320, $0x38;
	[tilespmem:$0x1F780] =	vst v63  }
0x4c: {  	_ = 	snop  }
0x4d: {  	[tilespmem:s9], [sflag:$0x1] =	stream.indirect.gather [hbm4b:s1+s11], $0x10, s4, s11, $0xb8;
	[tilespmem:$0x1F780] =	vst v63  }
0x4e: {  	s2 =	smov.u32 s30;
	s30 =	smov.u32 s23;
	s23 =	rddreg [dreg:$0x7]  }
0x4f: {  	[tilespmem:s12], [sflag:$0x7] =	stream.linear.gather [hbm4b:s23+s4], $0x320, $0x38;
	[tilespmem:$0x1F780] =	vst v63  }
0x50: {  	_ =	swait.ge [sflag:s10], $0x320  }
0x51: {  	[sflag:s10] =	ssyncset.done $0x0  }
0x52: {  	[sflag:s10] =	ssyncadd.s32 $0xFFFFFCE0  }
0x53: {  	[tilespmem:s13], [sflag:$0x2] =	stream.indirect.gather [hbm4b:s1+s11], $0x10, s12, s11, $0xb8;
	[tilespmem:$0x1F780] =	vst v63  }
0x54: {  	s26 =	rddreg [dreg:$0x8]  }
0x55: {  	[tilespmem:s14], [sflag:$0x6] =	stream.linear.gather [hbm4b:s26+s4], $0x320, $0x38;
	[tilespmem:$0x1F780] =	vst v63  }
0x56: {  	_ =	swait.ge [sflag:s15], $0x3200  }
0x57: {  	[sflag:s15] =	ssyncset.done $0x0  }
0x58: {  	[sflag:s15] =	ssyncadd.s32 $0xFFFFCE00  }
0x59: {  	_ =	swait.ge [sflag:s16], $0x320  }
0x5a: {  	[sflag:s16] =	ssyncset.done $0x0  }
0x5b: {  	[sflag:s16] =	ssyncadd.s32 $0xFFFFFCE0  }
0x5c: {  	[spmem:s3] =	stream.indirect.scatter.add.f32 [tilespmem:s9], [sflag:$0x3], $0x10, s11, s11, $0xb8;
	[tilespmem:$0x1F780] =	vst v63  }
0x5d: {  	_ =	swait.ge [sflag:s17], $0x3200  }
0x5e: {  	[sflag:s17] =	ssyncset.done $0x0  }
0x5f: {  	[sflag:s17] =	ssyncadd.s32 $0xFFFFCE00  }
0x60: {  	_ =	swait.ge [sflag:s18], $0x320  }
0x61: {  	[sflag:s18] =	ssyncset.done $0x0  }
0x62: {  	[sflag:s18] =	ssyncadd.s32 $0xFFFFFCE0  }
0x63: {  	[spmem:s3] =	stream.indirect.scatter.add.f32 [tilespmem:s13], [sflag:$0x4], $0x10, s14, s11, $0xb8;
	[tilespmem:$0x1F780] =	vst v63  }
0x64: {  	_ =	swait.ge [sflag:s19], $0x3200  }
0x65: {  	s26 =	rddreg [dreg:$0x14]  }
0x66: {  	[sflag:s19] =	ssyncset.done $0x0;
	s22 =	sshrl.u32 s26, $0x3  }
0x67: {  	[sflag:s19] =	ssyncadd.s32 $0xFFFFCE00;
	s29 =	sadd.s32 s5, s22  }
0x68: {  	[tilespmem:s4], [sflag:$0x7] =	stream.linear.gather [hbm4b:s29+s4], $0x320, $0x38;
	[tilespmem:$0x1F780] =	vst v63  }
0x69: {  	_ =	swait.ge [sflag:s10], $0x320  }
0x6a: {  	[sflag:s10] =	ssyncset.done $0x0  }
0x6b: {  	s22 =	sadd.s32 s6, s22;
	[sflag:s10] =	ssyncadd.s32 $0xFFFFFCE0  }
0x6c: {  	[tilespmem:s11], [sflag:$0x5] =	stream.linear.gather [hbm4b:s22+s4], $0x320, $0x38;
	[tilespmem:$0x1F780] =	vst v63  }
0x6d: {  	_ = 	snop  }
0x6e: {  	[tilespmem:s9], [sflag:$0x1] =	stream.indirect.gather [hbm4b:s1+s11], $0x10, s4, s11, $0xb8;
	[tilespmem:$0x1F780] =	vst v63  }
0x6f: {  	s23 =	sadd.s32 $0x0, s25  }
0x70: {  	[tilespmem:s12], [sflag:$0x7] =	stream.linear.gather [hbm4b:s23+s4], $0x320, $0x38;
	[tilespmem:$0x1F780] =	vst v63  }
0x71: {  	_ =	swait.ge [sflag:s10], $0x320  }
0x72: {  	[sflag:s10] =	ssyncset.done $0x0  }
0x73: {  	[sflag:s10] =	ssyncadd.s32 $0xFFFFFCE0  }
0x74: {  	_ =	swait.ge [sflag:s20], $0x3200  }
0x75: {  	[sflag:s20] =	ssyncset.done $0x0  }
0x76: {  	[sflag:s20] =	ssyncadd.s32 $0xFFFFCE00  }
0x77: {  	[tilespmem:s13], [sflag:$0x2] =	stream.indirect.gather [hbm4b:s1+s11], $0x10, s12, s11, $0xb8;
	[tilespmem:$0x1F780] =	vst v63  }
0x78: {  	s29 =	sadd.s32 $0x0, s24  }
0x79: {  	[tilespmem:s14], [sflag:$0x6] =	stream.linear.gather [hbm4b:s29+s4], $0x320, $0x38;
	[tilespmem:$0x1F780] =	vst v63  }
0x7a: {  	_ =	swait.ge [sflag:s15], $0x3200  }
0x7b: {  	[sflag:s15] =	ssyncset.done $0x0  }
0x7c: {  	[sflag:s15] =	ssyncadd.s32 $0xFFFFCE00  }
0x7d: {  	_ =	swait.ge [sflag:s16], $0x320  }
0x7e: {  	[sflag:s16] =	ssyncset.done $0x0  }
0x7f: {  	[sflag:s16] =	ssyncadd.s32 $0xFFFFFCE0  }
0x80: {  	[spmem:s3] =	stream.indirect.scatter.add.f32 [tilespmem:s9], [sflag:$0x3], $0x10, s11, s11, $0xb8;
	[tilespmem:$0x1F780] =	vst v63  }
0x81: {  	_ =	swait.ge [sflag:s17], $0x3200  }
0x82: {  	[sflag:s17] =	ssyncset.done $0x0  }
0x83: {  	[sflag:s17] =	ssyncadd.s32 $0xFFFFCE00  }
0x84: {  	_ =	swait.ge [sflag:s18], $0x320  }
0x85: {  	[sflag:s18] =	ssyncset.done $0x0  }
0x86: {  	s0 =	smov.u32 s28;
	[sflag:s18] =	ssyncadd.s32 $0xFFFFFCE0  }
0x87: {  	[spmem:s3] =	stream.indirect.scatter.add.f32 [tilespmem:s13], [sflag:$0x4], $0x10, s14, s11, $0xb8;
	[tilespmem:$0x1F780] =	vst v63  }
0x88: {  	s22 =	simm.s32 $0xC8;
	s23 =	sadd.s32 $0x640, s26;
	_ =	swait.ge [sflag:s19], $0x3200  }
0x89: {  	s26 =	simm.s32 $0x190;
	s28 =	sshrl.u32 s23, $0x3;
	[sflag:s19] =	ssyncset.done $0x0  }
.LBB2_2:
0x8a: {  	p0 =	sne.s32 s26, $0x2EE0;
	s29 =	sadd.s32 s5, s28;
	[sflag:s19] =	ssyncadd.s32 $0xFFFFCE00  }
0x8b: {  	[tilespmem:s4], [sflag:$0x7] =	stream.linear.gather [hbm4b:s29+s4], $0x320, $0x38;
	[tilespmem:$0x1F780] =	vst v63  }
0x8c: {  	s29 =	smov.u32 s26;
	s26 =	sadd.s32 $0xC8, s26;
	_ =	swait.ge [sflag:s10], $0x320  }
0x8d: {  	[sflag:s10] =	ssyncset.done $0x0  }
0x8e: {  	s28 =	sadd.s32 s6, s28;
	[sflag:s10] =	ssyncadd.s32 $0xFFFFFCE0  }
0x8f: {  	[tilespmem:s11], [sflag:$0x5] =	stream.linear.gather [hbm4b:s28+s4], $0x320, $0x38;
	[tilespmem:$0x1F780] =	vst v63  }
0x90: {  	_ = 	snop  }
0x91: {  	[tilespmem:s9], [sflag:$0x1] =	stream.indirect.gather [hbm4b:s1+s11], $0x10, s4, s11, $0xb8;
	[tilespmem:$0x1F780] =	vst v63  }
0x92: {  	s28 =	sadd.s32 s22, s25  }
0x93: {  	[tilespmem:s12], [sflag:$0x7] =	stream.linear.gather [hbm4b:s28+s4], $0x320, $0x38;
	[tilespmem:$0x1F780] =	vst v63  }
0x94: {  	_ =	swait.ge [sflag:s10], $0x320  }
0x95: {  	[sflag:s10] =	ssyncset.done $0x0  }
0x96: {  	[sflag:s10] =	ssyncadd.s32 $0xFFFFFCE0  }
0x97: {  	_ =	swait.ge [sflag:s20], $0x3200  }
0x98: {  	[sflag:s20] =	ssyncset.done $0x0  }
0x99: {  	[sflag:s20] =	ssyncadd.s32 $0xFFFFCE00  }
0x9a: {  	[tilespmem:s13], [sflag:$0x2] =	stream.indirect.gather [hbm4b:s1+s11], $0x10, s12, s11, $0xb8;
	[tilespmem:$0x1F780] =	vst v63  }
0x9b: {  	s28 =	sadd.s32 s22, s24;
	s22 =	smov.u32 s29  }
0x9c: {  	[tilespmem:s14], [sflag:$0x6] =	stream.linear.gather [hbm4b:s28+s4], $0x320, $0x38;
	[tilespmem:$0x1F780] =	vst v63  }
0x9d: {  	_ =	swait.ge [sflag:s15], $0x3200  }
0x9e: {  	[sflag:s15] =	ssyncset.done $0x0  }
0x9f: {  	[sflag:s15] =	ssyncadd.s32 $0xFFFFCE00  }
0xa0: {  	_ =	swait.ge [sflag:s16], $0x320  }
0xa1: {  	[sflag:s16] =	ssyncset.done $0x0  }
0xa2: {  	[sflag:s16] =	ssyncadd.s32 $0xFFFFFCE0  }
0xa3: {  	[spmem:s3] =	stream.indirect.scatter.add.f32 [tilespmem:s9], [sflag:$0x3], $0x10, s11, s11, $0xb8;
	[tilespmem:$0x1F780] =	vst v63  }
0xa4: {  	_ =	swait.ge [sflag:s17], $0x3200  }
0xa5: {  	[sflag:s17] =	ssyncset.done $0x0  }
0xa6: {  	[sflag:s17] =	ssyncadd.s32 $0xFFFFCE00  }
0xa7: {  	_ =	swait.ge [sflag:s18], $0x320  }
.Ltmp0:
0xa8: {  	[sflag:s18] =	ssyncset.done $0x0;
	(pc) =	sbr.rel @p0 .LBB2_2-.Ltmp0, $4  }
0xa9: {  	[sflag:s18] =	ssyncadd.s32 $0xFFFFFCE0  }
0xaa: {  	[spmem:s3] =	stream.indirect.scatter.add.f32 [tilespmem:s13], [sflag:$0x4], $0x10, s14, s11, $0xb8;
	[tilespmem:$0x1F780] =	vst v63  }
0xab: {  	s23 =	sadd.s32 $0x640, s23;
	_ =	swait.ge [sflag:s19], $0x3200  }
0xac: {  	s28 =	sshrl.u32 s23, $0x3;
	[sflag:s19] =	ssyncset.done $0x0  }
0xad: {  	s23 =	sadd.s32 s5, s28;
	[sflag:s19] =	ssyncadd.s32 $0xFFFFCE00  }
0xae: {  	[tilespmem:s4], [sflag:$0x7] =	stream.linear.gather [hbm4b:s23+s4], $0x320, $0x38;
	[tilespmem:$0x1F780] =	vst v63  }
0xaf: {  	_ =	swait.ge [sflag:s10], $0x320  }
0xb0: {  	[sflag:s10] =	ssyncset.done $0x0  }
0xb1: {  	s26 =	sadd.s32 s6, s28;
	[sflag:s10] =	ssyncadd.s32 $0xFFFFFCE0  }
0xb2: {  	[tilespmem:s11], [sflag:$0x5] =	stream.linear.gather [hbm4b:s26+s4], $0x320, $0x38;
	[tilespmem:$0x1F780] =	vst v63  }
0xb3: {  	_ = 	snop  }
0xb4: {  	[tilespmem:s9], [sflag:$0x1] =	stream.indirect.gather [hbm4b:s1+s11], $0x10, s4, s11, $0xb8;
	[tilespmem:$0x1F780] =	vst v63  }
0xb5: {  	s26 =	sadd.s32 s22, s25  }
0xb6: {  	[tilespmem:s12], [sflag:$0x7] =	stream.linear.gather [hbm4b:s26+s4], $0x320, $0x38;
	[tilespmem:$0x1F780] =	vst v63  }
0xb7: {  	_ =	swait.ge [sflag:s10], $0x320  }
0xb8: {  	[sflag:s10] =	ssyncset.done $0x0  }
0xb9: {  	[sflag:s10] =	ssyncadd.s32 $0xFFFFFCE0  }
0xba: {  	_ =	swait.ge [sflag:s20], $0x3200  }
0xbb: {  	[sflag:s20] =	ssyncset.done $0x0  }
0xbc: {  	[sflag:s20] =	ssyncadd.s32 $0xFFFFCE00  }
0xbd: {  	[tilespmem:s13], [sflag:$0x2] =	stream.indirect.gather [hbm4b:s1+s11], $0x10, s12, s11, $0xb8;
	[tilespmem:$0x1F780] =	vst v63  }
0xbe: {  	s26 =	sadd.s32 s22, s24  }
0xbf: {  	[tilespmem:s14], [sflag:$0x6] =	stream.linear.gather [hbm4b:s26+s4], $0x320, $0x38;
	[tilespmem:$0x1F780] =	vst v63  }
0xc0: {  	_ =	swait.ge [sflag:s15], $0x3200  }
0xc1: {  	[sflag:s15] =	ssyncset.done $0x0  }
0xc2: {  	[sflag:s15] =	ssyncadd.s32 $0xFFFFCE00  }
0xc3: {  	_ =	swait.ge [sflag:s16], $0x320  }
0xc4: {  	[sflag:s16] =	ssyncset.done $0x0  }
0xc5: {  	[sflag:s16] =	ssyncadd.s32 $0xFFFFFCE0  }
0xc6: {  	[spmem:s3] =	stream.indirect.scatter.add.f32 [tilespmem:s9], [sflag:$0x3], $0x10, s11, s11, $0xb8;
	[tilespmem:$0x1F780] =	vst v63  }
0xc7: {  	_ =	swait.ge [sflag:s17], $0x3200  }
0xc8: {  	[sflag:s17] =	ssyncset.done $0x0  }
0xc9: {  	[sflag:s17] =	ssyncadd.s32 $0xFFFFCE00  }
0xca: {  	_ =	swait.ge [sflag:s18], $0x320  }
0xcb: {  	[sflag:s18] =	ssyncset.done $0x0  }
0xcc: {  	[sflag:s18] =	ssyncadd.s32 $0xFFFFFCE0  }
0xcd: {  	[spmem:s3] =	stream.indirect.scatter.add.f32 [tilespmem:s13], [sflag:$0x4], $0x10, s14, s11, $0xb8;
	[tilespmem:$0x1F780] =	vst v63  }
0xce: {  	_ =	swait.ge [sflag:s19], $0x3200  }
0xcf: {  	[sflag:s19] =	ssyncset.done $0x0  }
0xd0: {  	[sflag:s19] =	ssyncadd.s32 $0xFFFFCE00  }
0xd1: {  	_ =	swait.ge [sflag:s20], $0x3200  }
0xd2: {  	[sflag:s20] =	ssyncset.done $0x0  }
0xd3: {  	s23 =	rddreg [dreg:$0x9];
	[sflag:s20] =	ssyncadd.s32 $0xFFFFCE00  }
0xd4: {  	[tilespmem:s4], [sflag:$0x7] =	stream.linear.gather [hbm4b:s23+s4], $0x320, $0x38;
	[tilespmem:$0x1F780] =	vst v63  }
0xd5: {  	_ =	swait.ge [sflag:s10], $0x320  }
0xd6: {  	[sflag:s10] =	ssyncset.done $0x0  }
0xd7: {  	s26 =	rddreg [dreg:$0xa];
	[sflag:s10] =	ssyncadd.s32 $0xFFFFFCE0  }
0xd8: {  	[tilespmem:s11], [sflag:$0x5] =	stream.linear.gather [hbm4b:s26+s4], $0x320, $0x38;
	[tilespmem:$0x1F780] =	vst v63  }
0xd9: {  	_ =	swait.ge [sflag:s16], $0x320  }
0xda: {  	[sflag:s16] =	ssyncset.done $0x0  }
0xdb: {  	[sflag:s16] =	ssyncadd.s32 $0xFFFFFCE0  }
0xdc: {  	[tilespmem:s9], [sflag:$0x7] =	stream.indirect.gather [hbm4b:s1+s11], $0x10, s4, s11, $0xb8;
	[tilespmem:$0x1F780] =	vst v63  }
0xdd: {  	_ =	swait.ge [sflag:s10], $0x3200  }
0xde: {  	[sflag:s10] =	ssyncset.done $0x0  }
0xdf: {  	[sflag:s10] =	ssyncadd.s32 $0xFFFFCE00  }
0xe0: {  	[spmem:s3] =	stream.indirect.scatter.add.f32 [tilespmem:s9], [sflag:$0x7], $0x10, s11, s11, $0xb8;
	[tilespmem:$0x1F780] =	vst v63  }
0xe1: {  	_ =	swait.ge [sflag:s10], $0x3200  }
0xe2: {  	[sflag:s10] =	ssyncset.done $0x0  }
0xe3: {  	[sflag:s10] =	ssyncadd.s32 $0xFFFFCE00  }
0xe4: {  	[bflag:$0x0] =	sbarrier.arrive $0xFFFF  }
0xe5: {  	[tilespmem:s9], [sflag:$0x7] =	stream.linear.gather [spmem:s2], $0x3200, $0x38;
	[tilespmem:$0x1F780] =	vst v63  }
0xe6: {  	_ =	swait.ge [sflag:s10], $0x3200  }
0xe7: {  	[sflag:s10] =	ssyncset.done $0x0  }
0xe8: {  	s23 =	rddreg [dreg:$0xb];
	[sflag:s10] =	ssyncadd.s32 $0xFFFFCE00  }
0xe9: {  	[hbm4b:s23+s4] =	stream.linear.scatter [tilespmem:s9], [sflag:$0x7], $0x3200, $0x38;
	[tilespmem:$0x1F780] =	vst v63  }
0xea: {  	_ =	swait.ge [sflag:s10], $0x3200  }
0xeb: {  	[sflag:s10] =	ssyncset.done $0x0  }
0xec: {  	s23 =	smov.u32 s30;
	[sflag:s10] =	ssyncadd.s32 $0xFFFFCE00  }
0xed: {  	[tilespmem:s9], [sflag:$0x7] =	stream.linear.gather [spmem:s23], $0x3200, $0x38;
	[tilespmem:$0x1F780] =	vst v63  }
0xee: {  	_ =	swait.ge [sflag:s10], $0x3200  }
0xef: {  	[sflag:s10] =	ssyncset.done $0x0  }
0xf0: {  	s26 =	rddreg [dreg:$0xc];
	[sflag:s10] =	ssyncadd.s32 $0xFFFFCE00  }
0xf1: {  	[hbm4b:s26+s4] =	stream.linear.scatter [tilespmem:s9], [sflag:$0x7], $0x3200, $0x38;
	[tilespmem:$0x1F780] =	vst v63  }
0xf2: {  	_ =	swait.ge [sflag:s10], $0x3200  }
0xf3: {  	[sflag:s10] =	ssyncset.done $0x0  }
0xf4: {  	[sflag:s10] =	ssyncadd.s32 $0xFFFFCE00  }
0xf5: {  	[tilespmem:s9], [sflag:$0x7] =	stream.linear.gather [spmem:s31], $0x3200, $0x38;
	[tilespmem:$0x1F780] =	vst v63  }
0xf6: {  	_ =	swait.ge [sflag:s10], $0x3200  }
0xf7: {  	[sflag:s10] =	ssyncset.done $0x0  }
0xf8: {  	s26 =	smov.u32 s31;
	s31 =	rddreg [dreg:$0xd];
	[sflag:s10] =	ssyncadd.s32 $0xFFFFCE00  }
0xf9: {  	[hbm4b:s31+s4] =	stream.linear.scatter [tilespmem:s9], [sflag:$0x7], $0x3200, $0x38;
	[tilespmem:$0x1F780] =	vst v63  }
0xfa: {  	_ =	swait.ge [sflag:s10], $0x3200  }
0xfb: {  	[sflag:s10] =	ssyncset.done $0x0  }
0xfc: {  	[sflag:s10] =	ssyncadd.s32 $0xFFFFCE00  }
0xfd: {  	[tilespmem:s9], [sflag:$0x7] =	stream.linear.gather [spmem:s0], $0x3200, $0x38;
	[tilespmem:$0x1F780] =	vst v63  }
0xfe: {  	_ =	swait.ge [sflag:s10], $0x3200  }
0xff: {  	[sflag:s10] =	ssyncset.done $0x0  }
0x100: {  	s30 =	smov.u32 s2;
	s2 =	rddreg [dreg:$0xe];
	[sflag:s10] =	ssyncadd.s32 $0xFFFFCE00  }
0x101: {  	[hbm4b:s2+s4] =	stream.linear.scatter [tilespmem:s9], [sflag:$0x7], $0x3200, $0x38;
	[tilespmem:$0x1F780] =	vst v63  }
0x102: {  	_ =	swait.ge [sflag:s10], $0x3200  }
0x103: {  	[sflag:s10] =	ssyncset.done $0x0  }
0x104: {  	[sflag:s10] =	ssyncadd.s32 $0xFFFFCE00  }
0x105: {  	[tilespmem:s9], [sflag:$0x7] =	stream.linear.gather [spmem:s8], $0x3200, $0x38;
	[tilespmem:$0x1F780] =	vst v63  }
0x106: {  	_ =	swait.ge [sflag:s10], $0x3200  }
0x107: {  	[sflag:s10] =	ssyncset.done $0x0  }
0x108: {  	s29 =	smov.u32 s8;
	s8 =	rddreg [dreg:$0xf];
	[sflag:s10] =	ssyncadd.s32 $0xFFFFCE00  }
0x109: {  	[hbm4b:s8+s4] =	stream.linear.scatter [tilespmem:s9], [sflag:$0x7], $0x3200, $0x38;
	[tilespmem:$0x1F780] =	vst v63  }
0x10a: {  	_ =	swait.ge [sflag:s10], $0x3200  }
0x10b: {  	[sflag:s10] =	ssyncset.done $0x0  }
0x10c: {  	[sflag:s10] =	ssyncadd.s32 $0xFFFFCE00  }
0x10d: {  	[tilespmem:s9], [sflag:$0x7] =	stream.linear.gather [spmem:s7], $0x3200, $0x38;
	[tilespmem:$0x1F780] =	vst v63  }
0x10e: {  	_ =	swait.ge [sflag:s10], $0x3200  }
0x10f: {  	[sflag:s10] =	ssyncset.done $0x0  }
0x110: {  	s31 =	rddreg [dreg:$0x10];
	[sflag:s10] =	ssyncadd.s32 $0xFFFFCE00  }
0x111: {  	[hbm4b:s31+s4] =	stream.linear.scatter [tilespmem:s9], [sflag:$0x7], $0x3200, $0x38;
	[tilespmem:$0x1F780] =	vst v63  }
0x112: {  	_ =	swait.ge [sflag:s10], $0x3200  }
0x113: {  	[sflag:s10] =	ssyncset.done $0x0  }
0x114: {  	s8 =	rddreg [dreg:$0x15];
	[sflag:s10] =	ssyncadd.s32 $0xFFFFCE00  }
0x115: {  	[tilespmem:s9], [sflag:$0x7] =	stream.linear.gather [spmem:s8], $0x3200, $0x38;
	[tilespmem:$0x1F780] =	vst v63  }
0x116: {  	_ =	swait.ge [sflag:s10], $0x3200  }
0x117: {  	[sflag:s10] =	ssyncset.done $0x0  }
0x118: {  	s28 =	smov.u32 s0;
	s0 =	rddreg [dreg:$0x11];
	[sflag:s10] =	ssyncadd.s32 $0xFFFFCE00  }
0x119: {  	[hbm4b:s0+s4] =	stream.linear.scatter [tilespmem:s9], [sflag:$0x7], $0x3200, $0x38;
	[tilespmem:$0x1F780] =	vst v63  }
0x11a: {  	_ =	swait.ge [sflag:s10], $0x3200  }
0x11b: {  	[sflag:s10] =	ssyncset.done $0x0  }
0x11c: {  	s0 =	rddreg [dreg:$0x16];
	[sflag:s10] =	ssyncadd.s32 $0xFFFFCE00  }
0x11d: {  	[tilespmem:s9], [sflag:$0x7] =	stream.linear.gather [spmem:s0], $0x2900, $0x38;
	[tilespmem:$0x1F780] =	vst v63  }
0x11e: {  	_ =	swait.ge [sflag:s10], $0x2900  }
0x11f: {  	[sflag:s10] =	ssyncset.done $0x0  }
0x120: {  	s2 =	rddreg [dreg:$0x12];
	[sflag:s10] =	ssyncadd.s32 $0xFFFFD700  }
0x121: {  	[hbm4b:s2+s4] =	stream.linear.scatter [tilespmem:s9], [sflag:$0x7], $0x2900, $0x38;
	[tilespmem:$0x1F780] =	vst v63  }
0x122: {  	_ =	swait.ge [sflag:s10], $0x2900  }
0x123: {  	s21 =	sadd.s32 $0x1, s21;
	s31 =	rddreg [dreg:$0x13]  }
0x124: {  	p0 =	sne.s32 s21, s31  }
.Ltmp1:
0x125: {  	_ = 	snop;
	(pc) =	sbr.rel @p0 .LBB2_1-.Ltmp1, $3  }
0x126: {  	_ =	sdelay $0x1  }
0x127: {  	[sflag:s10] =	ssyncset.done $0x0  }
0x128: {  	[sflag:s10] =	ssyncadd.s32 $0xFFFFD700  }
0x129: {  	_ =	sfence.sel $0x180000  }
0x12a: {  	[bflag:$0x0] =	sbarrier.arrive $0xFFFF  }
0x12b: {  	_ =	strace $0x9000004A  }
0x12c: {  	s0 =	stileid.u32;
	[bflag:$0x2] =	sbarrier.arrive $0xFFFF  }
0x12d: {  	p0 =	sne.s32 s0, $0x0;
	s0 =	rddreg [dreg:$0x3]  }
0x12e: {  	s0 =	sadd.s32 @!p0 $0x100000, s0  }
0x12f: {  	[sflag:s0] =	ssyncadd.tile.s32 @!p0 $0x1;
	_ =	shalt  }
.Lfunc_end2:
_tile_overlayer_lowered:
.L_overlay_start_2:
0x130: {  	(tag) =	ssettag $0x2  }
0x131: {  	s0 =	rddreg [dreg:$0x0];
	s2 =	stileid.u32  }
0x132: {  	s1 =	rddreg [dreg:$0x1];
	p0 =	sne.s32 s2, $0x0  }
0x133: {  	s3 =	rddreg [dreg:$0x2];
	[bflag:$0x3] =	sbarrier.arrive $0xFFFF;
	s2 =	simm.s32 @!p0 $0x1C07  }
0x134: {  	[timem:s3], [sflag:s2] =	dma.local @!p0 [hbm:s0], s1  }
0x135: {  	s0 =	simm.s32 @!p0 $0x7  }
0x136: {  	_ =	swait.ge @!p0 [sflag:s0], s1  }
0x137: {  	s1 =	ssub.s32 @!p0 $0x0, s1;
	[sflag:s0] =	ssyncset.done @!p0 $0x0  }
0x138: {  	[sflag:s0] =	ssyncadd.s32 @!p0 s1  }
0x139: {  	[bflag:$0x3] =	sbarrier.arrive $0xFFFF  }
0x13a: {  	_ =	shalt  }

// kernel: kernel.14.cloned.1.call-start
scs
__scs_entry_jumppad:
0x0: {  	(pc) =	sbr.rel $0x88, $3  }
0x1: {  	(tag) =	ssettag $0x0;
	lr =	simm.s32 $0x1  }
0x2: {  	[smem:$0x3F9B] =	sst lr;
	_ =	strace $0xD0000000  }
0x3: {  	_ = 	snop  }
0x4: {  	_ = 	snop  }
0x5: {  	_ = 	snop  }
0x6: {  	_ = 	snop  }
0x7: {  	_ = 	snop  }
__scs_overlays_trampoline_lowered:
0x8: {  	[smem:$0x3FAA] =	sst s0  }
0x9: {  	[smem:$0x3FAB] =	sst s1  }
0xa: {  	[smem:$0x3FAC] =	sst s2  }
0xb: {  	[smem:$0x3FAD] =	sst s3  }
0xc: {  	[smem:$0x3FAE] =	sst s4  }
0xd: {  	[smem:$0x3FAF] =	sst s5  }
0xe: {  	[smem:$0x3FB0] =	sst s6  }
0xf: {  	[smem:$0x3FB1] =	sst s7  }
0x10: {  	[smem:$0x3FB2] =	sst s8  }
0x11: {  	[smem:$0x3FB3] =	sst s9;
	s0 =	simm.s32 @!p0 $0x0  }
0x12: {  	s1 =	sld [smem:$0x3F99];
	s0 =	simm.s32 @p0 $0x1  }
0x13: {  	[smem:$0x3FB4] =	sst s0;
	s0 =	simm.s32 @!p1 $0x0  }
0x14: {  	s2 =	sld [smem:$0x3F98];
	s0 =	simm.s32 @p1 $0x1  }
0x15: {  	[smem:$0x3FB5] =	sst s0;
	s0 =	simm.s32 @!p2 $0x0  }
0x16: {  	s3 =	sld [smem:$0x3FDB];
	s0 =	simm.s32 @p2 $0x1  }
0x17: {  	s4 =	simm.s32 $0x1BF5;
	[smem:$0x3FB7] =	sst s0  }
0x18: {  	s0 =	sld [smem:$0x3F9A];
	_ =	swait.ge [sflag:s4], $0x0  }
0x19: {  	s7 =	sld [smem:$0x3F9B]  }
0x1a: {  	s8 =	sadd.s32 $0xFFFFE003, lr  }
0x1b: {  	s9 =	sadd.s32 $0xFFFFFEF7, lr;
	s5 =	simm.s32 $0xFFFFFFFF;
	p2 =	slt.u32 s8, $0xFFFFF086  }
0x1c: {  	p1 =	slt.u32 s9, $0xF7A;
	s5 =	simm.s32 @!p2 $0x0  }
0x1d: {  	s5 =	simm.s32 @p1 $0x1;
	p0 =	seq.s32 s7, s2  }
0x1e: {  	s7 =	smul.u32 @!p0 $0xF7A, s2;
	p2 =	seq.s32 @!p0 s5, $0x0  }
0x1f: {  	s9 =	smul.u32 $0xF7A, s1;
	s8 =	simm.s32 @!p0 $0x1BF5;
	p2 =	por !p2, p0  }
0x20: {  	[sflag:s8] =	ssyncset.s32 @!p0 $0xFFFFF086;
	s6 =	sadd.s32 @!p0 s3, s7;
	s7 =	simm.s32 @!p0 $0x108  }
0x21: {  	s3 =	sadd.s32 s3, s9;
	s6 =	sadd.s32 @!p0 $0x88, s6;
	s7 =	simm.s32 @p2 $0x1082  }
0x22: {  	[simem:s7], [sflag:s8] =	dma.local @!p0 [hbm:s6], $0xF7A  }
0x23: {  	s9 =	sor.u32 $0xD0000000, s2;
	s6 =	simm.s32 $0x108;
	_ =	swait.ge @!p0 [sflag:s8], $0x0  }
0x24: {  	s3 =	sadd.s32 $0x88, s3;
	s6 =	simm.s32 @!p1 $0x1082;
	[sflag:s4] =	ssyncset.s32 $0xFFFFF086  }
0x25: {  	[simem:s6], [sflag:s4] =	dma.local [hbm:s3], $0xF7A  }
0x26: {  	[smem:$0x3F9B] =	sst s1;
	(tag) =	ssettag s2;
	_ =	strace s9  }
0x27: {  	s1 =	sld [smem:$0x3FAB]  }
0x28: {  	s2 =	sld [smem:$0x3FAC]  }
0x29: {  	s4 =	sld [smem:$0x3FAE]  }
0x2a: {  	p0 =	seq.s32 s5, $0x0;
	s5 =	sld [smem:$0x3FAF]  }
0x2b: {  	s6 =	sld [smem:$0x3FB0]  }
0x2c: {  	s7 =	sld [smem:$0x3FB1]  }
0x2d: {  	s3 =	simm.s32 $0x108;
	s8 =	sld [smem:$0x3FB2]  }
0x2e: {  	s3 =	simm.s32 @!p0 $0x1082;
	s9 =	sld [smem:$0x3FB3]  }
0x2f: {  	lr =	sadd.s32 s0, s3;
	s0 =	sld [smem:$0x3FAA]  }
0x30: {  	s3 =	sld [smem:$0x3FAD]  }
0x31: {  	[smem:$0x3FB6] =	sst s10  }
0x32: {  	s10 =	sld [smem:$0x3FB4];
	_ =	sdelay $0x3  }
0x33: {  	p0 =	seq.s32 s10, $0x1;
	s10 =	sld [smem:$0x3FB6];
	_ =	sdelay $0x3  }
0x34: {  	[smem:$0x3FB6] =	sst s10  }
0x35: {  	s10 =	sld [smem:$0x3FB5];
	_ =	sdelay $0x3  }
0x36: {  	p1 =	seq.s32 s10, $0x1;
	s10 =	sld [smem:$0x3FB6];
	_ =	sdelay $0x3  }
0x37: {  	[smem:$0x3FB6] =	sst s10  }
0x38: {  	s10 =	sld [smem:$0x3FB7]  }
0x39: {  	_ = 	snop;
	(pc) =	sbr.ind lr, $3  }
0x3a: {  	_ = 	snop  }
0x3b: {  	_ = 	snop  }
0x3c: {  	p2 =	seq.s32 s10, $0x1;
	s10 =	sld [smem:$0x3FB6]  }
0x3d: {  	_ =	shalt  }
0x3e: {  	_ =	shalt  }
0x3f: {  	_ =	shalt  }
0x40: {  	_ =	shalt  }
0x41: {  	_ =	shalt  }
0x42: {  	_ =	shalt  }
0x43: {  	_ =	shalt  }
0x44: {  	_ =	shalt  }
0x45: {  	_ =	shalt  }
0x46: {  	_ =	shalt  }
0x47: {  	_ =	shalt  }
0x48: {  	_ =	shalt  }
0x49: {  	_ =	shalt  }
0x4a: {  	_ =	shalt  }
0x4b: {  	_ =	shalt  }
0x4c: {  	_ =	shalt  }
0x4d: {  	_ =	shalt  }
0x4e: {  	_ =	shalt  }
0x4f: {  	_ =	shalt  }
0x50: {  	_ =	shalt  }
0x51: {  	_ =	shalt  }
0x52: {  	_ =	shalt  }
0x53: {  	_ =	shalt  }
0x54: {  	_ =	shalt  }
0x55: {  	_ =	shalt  }
0x56: {  	_ =	shalt  }
0x57: {  	_ =	shalt  }
0x58: {  	_ =	shalt  }
0x59: {  	_ =	shalt  }
0x5a: {  	_ =	shalt  }
0x5b: {  	_ =	shalt  }
0x5c: {  	_ =	shalt  }
0x5d: {  	_ =	shalt  }
0x5e: {  	_ =	shalt  }
0x5f: {  	_ =	shalt  }
0x60: {  	_ =	shalt  }
0x61: {  	_ =	shalt  }
0x62: {  	_ =	shalt  }
0x63: {  	_ =	shalt  }
0x64: {  	_ =	shalt  }
0x65: {  	_ =	shalt  }
0x66: {  	_ =	shalt  }
0x67: {  	_ =	shalt  }
0x68: {  	_ =	shalt  }
0x69: {  	_ =	shalt  }
0x6a: {  	_ =	shalt  }
0x6b: {  	_ =	shalt  }
0x6c: {  	_ =	shalt  }
0x6d: {  	_ =	shalt  }
0x6e: {  	_ =	shalt  }
0x6f: {  	_ =	shalt  }
0x70: {  	_ =	shalt  }
0x71: {  	_ =	shalt  }
0x72: {  	_ =	shalt  }
0x73: {  	_ =	shalt  }
0x74: {  	_ =	shalt  }
0x75: {  	_ =	shalt  }
0x76: {  	_ =	shalt  }
0x77: {  	_ =	shalt  }
0x78: {  	_ =	shalt  }
0x79: {  	_ =	shalt  }
0x7a: {  	_ =	shalt  }
0x7b: {  	_ =	shalt  }
0x7c: {  	_ =	shalt  }
0x7d: {  	_ =	shalt  }
0x7e: {  	_ =	shalt  }
0x7f: {  	_ =	shalt  }
0x80: {  	_ =	shalt  }
0x81: {  	_ =	shalt  }
0x82: {  	_ =	shalt  }
0x83: {  	_ =	shalt  }
0x84: {  	_ =	shalt  }
0x85: {  	_ =	shalt  }
0x86: {  	_ =	shalt  }
0x87: {  	_ =	shalt  }
.Lfunc_end0:
.L_simem_size_0:
called_computation.2_lowered:
.L_overlay_start_0:
0x88: {  	s2 =	sld [smem:$0x3FD9]  }
0x89: {  	s3 =	sld [smem:$0x3FFE];
	_ =	sdelay $0x1  }
0x8a: {  	s1 =	srdreg.scid  }
0x8b: {  	s0 =	sand.u32 $0x1, s1  }
0x8c: {  	s17 =	sshll.u32 s0, $0xA;
	s2 =	sadd.s32 s3, s2  }
0x8d: {  	s2 =	sadd.s32 s2, s17  }
0x8e: {  	[smem:$0x3FC2] =	sst s2  }
0x8f: {  	_ = 	snop  }
0x90: {  	s2 =	sld [smem:$0x3FD0];
	(tm) =	ssettm $0x1  }
0x91: {  	s18 =	sld [smem:$0x3FFB];
	_ =	sdelay $0x3  }
0x92: {  	_ =	strace s18  }
0x93: {  	s3 =	sld [smem:$0x3FFC];
	_ =	sdelay $0x3  }
0x94: {  	_ =	strace s3  }
0x95: {  	s3 =	sld [smem:$0x3FFD];
	_ =	sdelay $0x3  }
0x96: {  	_ =	strace s3  }
0x97: {  	_ =	strace $0x8FFFFFFF  }
0x98: {  	s19 =	sld [smem:$0x3FDB];
	_ =	sdelay $0x1  }
0x99: {  	s4 =	simm.s32 $_scs_section_size  }
0x9a: {  	s5 =	simm.s32 $_size__tile_overlayer_lowered;
	s6 =	simm.s32 $_tile_overlayer_lowered  }
0x9b: {  	s22 =	simm.s32 $0x1BFF;
	s21 =	sshll.u32 s6, $0x1;
	s3 =	sadd.s32 s4, s19  }
0x9c: {  	s7 =	simm.s32 $0x0;
	s20 =	sshll.u32 s5, $0x1;
	s5 =	sadd.s32 s21, s3  }
0x9d: {  	[timem:s7], [sflag:s22] =	dma.local [hbm:s5], s20  }
0x9e: {  	_ =	swait.ge [sflag:s22], s20  }
0x9f: {  	s4 =	ssub.s32 $0x0, s20;
	[sflag:s22] =	ssyncset.done $0x0  }
0xa0: {  	[sflag:s22] =	ssyncadd.s32 s4;
	_ =	sdelay $0x1  }
0xa1: {  	s23 =	simm.s32 $0x1B8B  }
0xa2: {  	_ =	swait.ge [sflag:s23], $0x1  }
0xa3: {  	[sflag:s23] =	ssyncset.done $0x0  }
0xa4: {  	s25 =	simm.s32 $0x1B8E;
	s24 =	sld [smem:$0x3FFE];
	[sflag:s23] =	ssyncadd.s32 $0xFFFFFFFF  }
0xa5: {  	s26 =	simm.s32 $execute0_lowered;
	[smem:$0x3FD2] =	sst s25  }
0xa6: {  	s5 =	sshll.u32 s26, $0x1;
	_ =	strace $0x8000004C;
	[dreg:$0x1] =	wrdreg $0xFFFFFFFF  }
0xa7: {  	s28 =	simm.s32 $_size_execute0_lowered;
	s3 =	sadd.s32 s3, s5;
	[dreg:$0x0] =	wrdreg $0x0  }
0xa8: {  	s5 =	sshll.u32 s28, $0x1;
	[dreg:$0x2] =	wrdreg s3  }
0xa9: {  	[dreg:$0x3] =	wrdreg s5  }
0xaa: {  	[dreg:$0x4] =	wrdreg $0xC0  }
0xab: {  	_ =	task [dreg:s7], $0x5FFFF  }
0xac: {  	[dreg:$0x1] =	wrdreg $0xFFFFFFFF  }
0xad: {  	[dreg:$0x0] =	wrdreg $0x60  }
0xae: {  	[dreg:$0x2] =	wrdreg s2  }
0xaf: {  	[dreg:$0x3] =	wrdreg s24  }
0xb0: {  	[dreg:$0x4] =	wrdreg $0x70800  }
0xb1: {  	[dreg:$0x5] =	wrdreg $0x9  }
0xb2: {  	_ =	task.clear_ibuf [dreg:s7], $0x6FFFF;
	_ =	strace $0x9000004C  }
0xb3: {  	s29 =	simm.s32 $0x9;
	_ =	strace $0x8000004E  }
0xb4: {  	_ =	swait.ge [sflag:s29], $0x1  }
0xb5: {  	[sflag:s29] =	ssyncadd.s32 $0xFFFFFFFF  }
0xb6: {  	_ =	strace $0x9000004E  }
0xb7: {  	_ =	sfence  }
0xb8: {  	s30 =	sld [smem:$0x0];
	_ =	sdelay $0x2  }
0xb9: {  	s31 =	sshll.u32 s1, $0xD;
	s1 =	sshrl.u32 s1, $0x2  }
0xba: {  	s3 =	sand.u32 $0x4000, s31;
	s1 =	sadd.s32 s1, s30  }
0xbb: {  	s0 =	sor.u32 s3, s0;
	s1 =	sshll.u32 s1, $0x11  }
0xbc: {  	s0 =	sor.u32 s1, s0  }
0xbd: {  	s0 =	sadd.s32 $0x8F2B, s0  }
0xbe: {  	[sflag:s0] =	ssyncadd.remote.s32 $0x1  }
0xbf: {  	_ =	sfence.sel $0xFFFF  }
0xc0: {  	[dreg:$0x0] =	wrdreg $0xFFFFFFFF;
	(pc) =	sbr.abs _section_cstart, $3  }
0xc1: {  	[dreg:$0x1] =	wrdreg $0xFFFFFFFF  }
0xc2: {  	_ =	task.clear_ibuf [dreg:s7], $0x2FFFF;
	_ =	strace $0x9FFFFFFF  }
0xc3: {  	(tm) =	ssettm $0x7FFFFFFF  }
tec
execute0_lowered:
.L_overlay_start_1:
0x0: {  	(tag) =	ssettag $0x1  }
0x1: {  	s1 =	rddreg [dreg:$0x0]  }
0x2: {  	s0 =	rddreg [dreg:$0x1];
	s10 =	stileid.u32  }
0x3: {  	s3 =	rddreg [dreg:$0x2];
	s6 =	smul.u32 $0x1870, s10  }
0x4: {  	s2 =	srdreg.scid;
	s8 =	smul.u32 $0x61C00, s10  }
0x5: {  	s4 =	simm.s32 $0x0;
	s2 =	sand.u32 $0x1, s2;
	s10 =	smul.u32 $0x186A0, s10  }
0x6: {  	[smem:$0x7FF] =	sst s4;
	s5 =	sadd.s32 $0x1800, s0;
	s7 =	smul.u32 $0x18700, s2  }
0x7: {  	s11 =	sadd.s32 $0xC5000, s0;
	s9 =	smul.u32 $0x186A00, s2;
	s2 =	ssub.s32 $0x2, s2  }
0x8: {  	_ =	strace $0x8000004D;
	[dreg:$0x4] =	wrdreg s11;
	s11 =	sshrl.u32 s2, $0x1  }
0x9: {  	s8 =	sshrl.u32 s8, $0x2;
	s7 =	sadd.s32 s6, s7;
	s2 =	ssub.s32 s2, s11  }
0xa: {  	s6 =	sadd.s32 $0x63400, s0;
	s9 =	sadd.s32 s10, s9;
	s2 =	smax.u32 s2, $0x1  }
0xb: {  	s30 =	sadd.s32 s8, s3;
	s31 =	sadd.s32 $0x640, s9;
	[dreg:$0x13] =	wrdreg s2  }
0xc: {  	s12 =	sshrl.u32 s9, $0x3;
	s8 =	sadd.s32 $0x12C00, s30;
	[dreg:$0x14] =	wrdreg s31  }
0xd: {  	s7 =	sshll.u32 s7, $0x1;
	s13 =	sadd.s32 s5, s12;
	[dreg:$0x15] =	wrdreg s8  }
0xe: {  	s14 =	sadd.s32 s6, s12;
	s15 =	sadd.s32 $0x64, s12;
	[dreg:$0x5] =	wrdreg s13  }
0xf: {  	s0 =	sadd.s32 s7, s0;
	[dreg:$0x6] =	wrdreg s14;
	s16 =	sadd.s32 s5, s15  }
0x10: {  	s7 =	sadd.s32 $0x3070, s12;
	s10 =	sadd.s32 s6, s15;
	[dreg:$0x7] =	wrdreg s16  }
0x11: {  	s11 =	simm.s32 $0x320;
	s17 =	sadd.s32 s5, s7;
	[dreg:$0x8] =	wrdreg s10  }
0x12: {  	s24 =	sadd.s32 $0x960, s9;
	s7 =	sadd.s32 s6, s7;
	[dreg:$0x9] =	wrdreg s17  }
0x13: {  	s28 =	sadd.s32 $0x9600, s30;
	s18 =	sadd.s32 $0xC5800, s0;
	[dreg:$0xa] =	wrdreg s7  }
0x14: {  	s29 =	sadd.s32 $0xC800, s30;
	s19 =	sadd.s32 $0xC5E40, s0;
	[dreg:$0xb] =	wrdreg s18  }
0x15: {  	s9 =	simm.s32 $0xC80;
	s20 =	sadd.s32 $0xC6480, s0;
	[dreg:$0xc] =	wrdreg s19  }
0x16: {  	s26 =	sshrl.u32 s24, $0x3;
	s21 =	sadd.s32 $0xC6AC0, s0;
	[dreg:$0xd] =	wrdreg s20  }
0x17: {  	s12 =	simm.s32 $0x640;
	s22 =	sadd.s32 $0xC7100, s0;
	[dreg:$0xe] =	wrdreg s21  }
0x18: {  	s23 =	sadd.s32 $0xC7740, s0;
	s25 =	sadd.s32 $0xC7D80, s0;
	[dreg:$0xf] =	wrdreg s22  }
0x19: {  	s0 =	sadd.s32 $0xC83C0, s0;
	s24 =	sadd.s32 s26, s6;
	[dreg:$0x10] =	wrdreg s23  }
0x1a: {  	s13 =	simm.s32 $0x3E80;
	s14 =	simm.s32 $0x960;
	[dreg:$0x11] =	wrdreg s25  }
0x1b: {  	s15 =	simm.s32 $0x1;
	[dreg:$0x12] =	wrdreg s0;
	s25 =	sadd.s32 s26, s5  }
0x1c: {  	s23 =	sadd.s32 $0x3200, s30;
	s26 =	sadd.s32 $0x6400, s30;
	s7 =	sadd.s32 $0xFA00, s30  }
0x1d: {  	s0 =	sadd.s32 $0x15E00, s30;
	s10 =	simm.s32 $0x7;
	s16 =	simm.s32 $0x5  }
0x1e: {  	s17 =	simm.s32 $0x2;
	s18 =	simm.s32 $0x6;
	s19 =	simm.s32 $0x3  }
0x1f: {  	s20 =	simm.s32 $0x4;
	s21 =	simm.s32 $0x0;
	[dreg:$0x16] =	wrdreg s0  }
.LBB2_1:
0x20: {  	s22 =	rddreg [dreg:$0x4]  }
0x21: {  	[tilespmem:s9], [sflag:$0x7] =	stream.linear.gather [hbm4b:s22+s4], $0x3200, $0x38;
	[tilespmem:$0x1F780] =	vst v63  }
0x22: {  	_ =	swait.ge [sflag:s10], $0x3200  }
0x23: {  	[sflag:s10] =	ssyncset.done $0x0  }
0x24: {  	[sflag:s10] =	ssyncadd.s32 $0xFFFFCE00  }
0x25: {  	[spmem:s30] =	stream.linear.scatter [tilespmem:s9], [sflag:$0x7], $0x3200, $0x38;
	[tilespmem:$0x1F780] =	vst v63  }
0x26: {  	_ =	swait.ge [sflag:s10], $0x3200  }
0x27: {  	[sflag:s10] =	ssyncset.done $0x0  }
0x28: {  	[sflag:s10] =	ssyncadd.s32 $0xFFFFCE00  }
0x29: {  	[spmem:s23] =	stream.linear.scatter [tilespmem:s9], [sflag:$0x7], $0x3200, $0x38;
	[tilespmem:$0x1F780] =	vst v63  }
0x2a: {  	_ =	swait.ge [sflag:s10], $0x3200  }
0x2b: {  	[sflag:s10] =	ssyncset.done $0x0  }
0x2c: {  	[sflag:s10] =	ssyncadd.s32 $0xFFFFCE00  }
0x2d: {  	[spmem:s26] =	stream.linear.scatter [tilespmem:s9], [sflag:$0x7], $0x3200, $0x38;
	[tilespmem:$0x1F780] =	vst v63  }
0x2e: {  	_ =	swait.ge [sflag:s10], $0x3200  }
0x2f: {  	[sflag:s10] =	ssyncset.done $0x0  }
0x30: {  	[sflag:s10] =	ssyncadd.s32 $0xFFFFCE00  }
0x31: {  	[spmem:s28] =	stream.linear.scatter [tilespmem:s9], [sflag:$0x7], $0x3200, $0x38;
	[tilespmem:$0x1F780] =	vst v63  }
0x32: {  	_ =	swait.ge [sflag:s10], $0x3200  }
0x33: {  	[sflag:s10] =	ssyncset.done $0x0  }
0x34: {  	[sflag:s10] =	ssyncadd.s32 $0xFFFFCE00  }
0x35: {  	[spmem:s29] =	stream.linear.scatter [tilespmem:s9], [sflag:$0x7], $0x3200, $0x38;
	[tilespmem:$0x1F780] =	vst v63  }
0x36: {  	_ =	swait.ge [sflag:s10], $0x3200  }
0x37: {  	[sflag:s10] =	ssyncset.done $0x0  }
0x38: {  	[sflag:s10] =	ssyncadd.s32 $0xFFFFCE00  }
0x39: {  	[spmem:s7] =	stream.linear.scatter [tilespmem:s9], [sflag:$0x7], $0x3200, $0x38;
	[tilespmem:$0x1F780] =	vst v63  }
0x3a: {  	_ =	swait.ge [sflag:s10], $0x3200  }
0x3b: {  	[sflag:s10] =	ssyncset.done $0x0  }
0x3c: {  	s31 =	smov.u32 s26;
	s26 =	smov.u32 s8;
	[sflag:s10] =	ssyncadd.s32 $0xFFFFCE00  }
0x3d: {  	[spmem:s26] =	stream.linear.scatter [tilespmem:s9], [sflag:$0x7], $0x3200, $0x38;
	[tilespmem:$0x1F780] =	vst v63  }
0x3e: {  	_ =	swait.ge [sflag:s10], $0x3200  }
0x3f: {  	[sflag:s10] =	ssyncset.done $0x0  }
0x40: {  	s22 =	smov.u32 s0;
	[sflag:s10] =	ssyncadd.s32 $0xFFFFCE00  }
0x41: {  	[spmem:s22] =	stream.linear.scatter [tilespmem:s9], [sflag:$0x7], $0x2900, $0x38;
	[tilespmem:$0x1F780] =	vst v63  }
0x42: {  	_ =	swait.ge [sflag:s10], $0x2900  }
0x43: {  	[sflag:s10] =	ssyncset.done $0x0  }
0x44: {  	[sflag:s10] =	ssyncadd.s32 $0xFFFFD700  }
0x45: {  	[bflag:$0x0] =	sbarrier.arrive $0xFFFF  }
0x46: {  	s26 =	rddreg [dreg:$0x5]  }
0x47: {  	[tilespmem:s4], [sflag:$0x7] =	stream.linear.gather [hbm4b:s26+s4], $0x320, $0x38;
	[tilespmem:$0x1F780] =	vst v63  }
0x48: {  	_ =	swait.ge [sflag:s10], $0x320  }
0x49: {  	[sflag:s10] =	ssyncset.done $0x0  }
0x4a: {  	s8 =	smov.u32 s29;
	s29 =	rddreg [dreg:$0x6];
	[sflag:s10] =	ssyncadd.s32 $0xFFFFFCE0  }
0x4b: {  	[tilespmem:s11], [sflag:$0x5] =	stream.linear.gather [hbm4b:s29+s4], $0x320, $0x38;
	[tilespmem:$0x1F780] =	vst v63  }
0x4c: {  	_ = 	snop  }
0x4d: {  	[tilespmem:s9], [sflag:$0x1] =	stream.indirect.gather [hbm4b:s1+s11], $0x10, s4, s11, $0xb8;
	[tilespmem:$0x1F780] =	vst v63  }
0x4e: {  	s2 =	smov.u32 s30;
	s30 =	smov.u32 s23;
	s23 =	rddreg [dreg:$0x7]  }
0x4f: {  	[tilespmem:s12], [sflag:$0x7] =	stream.linear.gather [hbm4b:s23+s4], $0x320, $0x38;
	[tilespmem:$0x1F780] =	vst v63  }
0x50: {  	_ =	swait.ge [sflag:s10], $0x320  }
0x51: {  	[sflag:s10] =	ssyncset.done $0x0  }
0x52: {  	[sflag:s10] =	ssyncadd.s32 $0xFFFFFCE0  }
0x53: {  	[tilespmem:s13], [sflag:$0x2] =	stream.indirect.gather [hbm4b:s1+s11], $0x10, s12, s11, $0xb8;
	[tilespmem:$0x1F780] =	vst v63  }
0x54: {  	s26 =	rddreg [dreg:$0x8]  }
0x55: {  	[tilespmem:s14], [sflag:$0x6] =	stream.linear.gather [hbm4b:s26+s4], $0x320, $0x38;
	[tilespmem:$0x1F780] =	vst v63  }
0x56: {  	_ =	swait.ge [sflag:s15], $0x3200  }
0x57: {  	[sflag:s15] =	ssyncset.done $0x0  }
0x58: {  	[sflag:s15] =	ssyncadd.s32 $0xFFFFCE00  }
0x59: {  	_ =	swait.ge [sflag:s16], $0x320  }
0x5a: {  	[sflag:s16] =	ssyncset.done $0x0  }
0x5b: {  	[sflag:s16] =	ssyncadd.s32 $0xFFFFFCE0  }
0x5c: {  	[spmem:s3] =	stream.indirect.scatter.add.f32 [tilespmem:s9], [sflag:$0x3], $0x10, s11, s11, $0xb8;
	[tilespmem:$0x1F780] =	vst v63  }
0x5d: {  	_ =	swait.ge [sflag:s17], $0x3200  }
0x5e: {  	[sflag:s17] =	ssyncset.done $0x0  }
0x5f: {  	[sflag:s17] =	ssyncadd.s32 $0xFFFFCE00  }
0x60: {  	_ =	swait.ge [sflag:s18], $0x320  }
0x61: {  	[sflag:s18] =	ssyncset.done $0x0  }
0x62: {  	[sflag:s18] =	ssyncadd.s32 $0xFFFFFCE0  }
0x63: {  	[spmem:s3] =	stream.indirect.scatter.add.f32 [tilespmem:s13], [sflag:$0x4], $0x10, s14, s11, $0xb8;
	[tilespmem:$0x1F780] =	vst v63  }
0x64: {  	_ =	swait.ge [sflag:s19], $0x3200  }
0x65: {  	s26 =	rddreg [dreg:$0x14]  }
0x66: {  	[sflag:s19] =	ssyncset.done $0x0;
	s22 =	sshrl.u32 s26, $0x3  }
0x67: {  	[sflag:s19] =	ssyncadd.s32 $0xFFFFCE00;
	s29 =	sadd.s32 s5, s22  }
0x68: {  	[tilespmem:s4], [sflag:$0x7] =	stream.linear.gather [hbm4b:s29+s4], $0x320, $0x38;
	[tilespmem:$0x1F780] =	vst v63  }
0x69: {  	_ =	swait.ge [sflag:s10], $0x320  }
0x6a: {  	[sflag:s10] =	ssyncset.done $0x0  }
0x6b: {  	s22 =	sadd.s32 s6, s22;
	[sflag:s10] =	ssyncadd.s32 $0xFFFFFCE0  }
0x6c: {  	[tilespmem:s11], [sflag:$0x5] =	stream.linear.gather [hbm4b:s22+s4], $0x320, $0x38;
	[tilespmem:$0x1F780] =	vst v63  }
0x6d: {  	_ = 	snop  }
0x6e: {  	[tilespmem:s9], [sflag:$0x1] =	stream.indirect.gather [hbm4b:s1+s11], $0x10, s4, s11, $0xb8;
	[tilespmem:$0x1F780] =	vst v63  }
0x6f: {  	s23 =	sadd.s32 $0x0, s25  }
0x70: {  	[tilespmem:s12], [sflag:$0x7] =	stream.linear.gather [hbm4b:s23+s4], $0x320, $0x38;
	[tilespmem:$0x1F780] =	vst v63  }
0x71: {  	_ =	swait.ge [sflag:s10], $0x320  }
0x72: {  	[sflag:s10] =	ssyncset.done $0x0  }
0x73: {  	[sflag:s10] =	ssyncadd.s32 $0xFFFFFCE0  }
0x74: {  	_ =	swait.ge [sflag:s20], $0x3200  }
0x75: {  	[sflag:s20] =	ssyncset.done $0x0  }
0x76: {  	[sflag:s20] =	ssyncadd.s32 $0xFFFFCE00  }
0x77: {  	[tilespmem:s13], [sflag:$0x2] =	stream.indirect.gather [hbm4b:s1+s11], $0x10, s12, s11, $0xb8;
	[tilespmem:$0x1F780] =	vst v63  }
0x78: {  	s29 =	sadd.s32 $0x0, s24  }
0x79: {  	[tilespmem:s14], [sflag:$0x6] =	stream.linear.gather [hbm4b:s29+s4], $0x320, $0x38;
	[tilespmem:$0x1F780] =	vst v63  }
0x7a: {  	_ =	swait.ge [sflag:s15], $0x3200  }
0x7b: {  	[sflag:s15] =	ssyncset.done $0x0  }
0x7c: {  	[sflag:s15] =	ssyncadd.s32 $0xFFFFCE00  }
0x7d: {  	_ =	swait.ge [sflag:s16], $0x320  }
0x7e: {  	[sflag:s16] =	ssyncset.done $0x0  }
0x7f: {  	[sflag:s16] =	ssyncadd.s32 $0xFFFFFCE0  }
0x80: {  	[spmem:s3] =	stream.indirect.scatter.add.f32 [tilespmem:s9], [sflag:$0x3], $0x10, s11, s11, $0xb8;
	[tilespmem:$0x1F780] =	vst v63  }
0x81: {  	_ =	swait.ge [sflag:s17], $0x3200  }
0x82: {  	[sflag:s17] =	ssyncset.done $0x0  }
0x83: {  	[sflag:s17] =	ssyncadd.s32 $0xFFFFCE00  }
0x84: {  	_ =	swait.ge [sflag:s18], $0x320  }
0x85: {  	[sflag:s18] =	ssyncset.done $0x0  }
0x86: {  	s0 =	smov.u32 s28;
	[sflag:s18] =	ssyncadd.s32 $0xFFFFFCE0  }
0x87: {  	[spmem:s3] =	stream.indirect.scatter.add.f32 [tilespmem:s13], [sflag:$0x4], $0x10, s14, s11, $0xb8;
	[tilespmem:$0x1F780] =	vst v63  }
0x88: {  	s22 =	simm.s32 $0xC8;
	s23 =	sadd.s32 $0x640, s26;
	_ =	swait.ge [sflag:s19], $0x3200  }
0x89: {  	s26 =	simm.s32 $0x190;
	s28 =	sshrl.u32 s23, $0x3;
	[sflag:s19] =	ssyncset.done $0x0  }
.LBB2_2:
0x8a: {  	p0 =	sne.s32 s26, $0x2EE0;
	s29 =	sadd.s32 s5, s28;
	[sflag:s19] =	ssyncadd.s32 $0xFFFFCE00  }
0x8b: {  	[tilespmem:s4], [sflag:$0x7] =	stream.linear.gather [hbm4b:s29+s4], $0x320, $0x38;
	[tilespmem:$0x1F780] =	vst v63  }
0x8c: {  	s29 =	smov.u32 s26;
	s26 =	sadd.s32 $0xC8, s26;
	_ =	swait.ge [sflag:s10], $0x320  }
0x8d: {  	[sflag:s10] =	ssyncset.done $0x0  }
0x8e: {  	s28 =	sadd.s32 s6, s28;
	[sflag:s10] =	ssyncadd.s32 $0xFFFFFCE0  }
0x8f: {  	[tilespmem:s11], [sflag:$0x5] =	stream.linear.gather [hbm4b:s28+s4], $0x320, $0x38;
	[tilespmem:$0x1F780] =	vst v63  }
0x90: {  	_ = 	snop  }
0x91: {  	[tilespmem:s9], [sflag:$0x1] =	stream.indirect.gather [hbm4b:s1+s11], $0x10, s4, s11, $0xb8;
	[tilespmem:$0x1F780] =	vst v63  }
0x92: {  	s28 =	sadd.s32 s22, s25  }
0x93: {  	[tilespmem:s12], [sflag:$0x7] =	stream.linear.gather [hbm4b:s28+s4], $0x320, $0x38;
	[tilespmem:$0x1F780] =	vst v63  }
0x94: {  	_ =	swait.ge [sflag:s10], $0x320  }
0x95: {  	[sflag:s10] =	ssyncset.done $0x0  }
0x96: {  	[sflag:s10] =	ssyncadd.s32 $0xFFFFFCE0  }
0x97: {  	_ =	swait.ge [sflag:s20], $0x3200  }
0x98: {  	[sflag:s20] =	ssyncset.done $0x0  }
0x99: {  	[sflag:s20] =	ssyncadd.s32 $0xFFFFCE00  }
0x9a: {  	[tilespmem:s13], [sflag:$0x2] =	stream.indirect.gather [hbm4b:s1+s11], $0x10, s12, s11, $0xb8;
	[tilespmem:$0x1F780] =	vst v63  }
0x9b: {  	s28 =	sadd.s32 s22, s24;
	s22 =	smov.u32 s29  }
0x9c: {  	[tilespmem:s14], [sflag:$0x6] =	stream.linear.gather [hbm4b:s28+s4], $0x320, $0x38;
	[tilespmem:$0x1F780] =	vst v63  }
0x9d: {  	_ =	swait.ge [sflag:s15], $0x3200  }
0x9e: {  	[sflag:s15] =	ssyncset.done $0x0  }
0x9f: {  	[sflag:s15] =	ssyncadd.s32 $0xFFFFCE00  }
0xa0: {  	_ =	swait.ge [sflag:s16], $0x320  }
0xa1: {  	[sflag:s16] =	ssyncset.done $0x0  }
0xa2: {  	[sflag:s16] =	ssyncadd.s32 $0xFFFFFCE0  }
0xa3: {  	[spmem:s3] =	stream.indirect.scatter.add.f32 [tilespmem:s9], [sflag:$0x3], $0x10, s11, s11, $0xb8;
	[tilespmem:$0x1F780] =	vst v63  }
0xa4: {  	_ =	swait.ge [sflag:s17], $0x3200  }
0xa5: {  	[sflag:s17] =	ssyncset.done $0x0  }
0xa6: {  	[sflag:s17] =	ssyncadd.s32 $0xFFFFCE00  }
0xa7: {  	_ =	swait.ge [sflag:s18], $0x320  }
.Ltmp0:
0xa8: {  	[sflag:s18] =	ssyncset.done $0x0;
	(pc) =	sbr.rel @p0 .LBB2_2-.Ltmp0, $4  }
0xa9: {  	[sflag:s18] =	ssyncadd.s32 $0xFFFFFCE0  }
0xaa: {  	[spmem:s3] =	stream.indirect.scatter.add.f32 [tilespmem:s13], [sflag:$0x4], $0x10, s14, s11, $0xb8;
	[tilespmem:$0x1F780] =	vst v63  }
0xab: {  	s23 =	sadd.s32 $0x640, s23;
	_ =	swait.ge [sflag:s19], $0x3200  }
0xac: {  	s28 =	sshrl.u32 s23, $0x3;
	[sflag:s19] =	ssyncset.done $0x0  }
0xad: {  	s23 =	sadd.s32 s5, s28;
	[sflag:s19] =	ssyncadd.s32 $0xFFFFCE00  }
0xae: {  	[tilespmem:s4], [sflag:$0x7] =	stream.linear.gather [hbm4b:s23+s4], $0x320, $0x38;
	[tilespmem:$0x1F780] =	vst v63  }
0xaf: {  	_ =	swait.ge [sflag:s10], $0x320  }
0xb0: {  	[sflag:s10] =	ssyncset.done $0x0  }
0xb1: {  	s26 =	sadd.s32 s6, s28;
	[sflag:s10] =	ssyncadd.s32 $0xFFFFFCE0  }
0xb2: {  	[tilespmem:s11], [sflag:$0x5] =	stream.linear.gather [hbm4b:s26+s4], $0x320, $0x38;
	[tilespmem:$0x1F780] =	vst v63  }
0xb3: {  	_ = 	snop  }
0xb4: {  	[tilespmem:s9], [sflag:$0x1] =	stream.indirect.gather [hbm4b:s1+s11], $0x10, s4, s11, $0xb8;
	[tilespmem:$0x1F780] =	vst v63  }
0xb5: {  	s26 =	sadd.s32 s22, s25  }
0xb6: {  	[tilespmem:s12], [sflag:$0x7] =	stream.linear.gather [hbm4b:s26+s4], $0x320, $0x38;
	[tilespmem:$0x1F780] =	vst v63  }
0xb7: {  	_ =	swait.ge [sflag:s10], $0x320  }
0xb8: {  	[sflag:s10] =	ssyncset.done $0x0  }
0xb9: {  	[sflag:s10] =	ssyncadd.s32 $0xFFFFFCE0  }
0xba: {  	_ =	swait.ge [sflag:s20], $0x3200  }
0xbb: {  	[sflag:s20] =	ssyncset.done $0x0  }
0xbc: {  	[sflag:s20] =	ssyncadd.s32 $0xFFFFCE00  }
0xbd: {  	[tilespmem:s13], [sflag:$0x2] =	stream.indirect.gather [hbm4b:s1+s11], $0x10, s12, s11, $0xb8;
	[tilespmem:$0x1F780] =	vst v63  }
0xbe: {  	s26 =	sadd.s32 s22, s24  }
0xbf: {  	[tilespmem:s14], [sflag:$0x6] =	stream.linear.gather [hbm4b:s26+s4], $0x320, $0x38;
	[tilespmem:$0x1F780] =	vst v63  }
0xc0: {  	_ =	swait.ge [sflag:s15], $0x3200  }
0xc1: {  	[sflag:s15] =	ssyncset.done $0x0  }
0xc2: {  	[sflag:s15] =	ssyncadd.s32 $0xFFFFCE00  }
0xc3: {  	_ =	swait.ge [sflag:s16], $0x320  }
0xc4: {  	[sflag:s16] =	ssyncset.done $0x0  }
0xc5: {  	[sflag:s16] =	ssyncadd.s32 $0xFFFFFCE0  }
0xc6: {  	[spmem:s3] =	stream.indirect.scatter.add.f32 [tilespmem:s9], [sflag:$0x3], $0x10, s11, s11, $0xb8;
	[tilespmem:$0x1F780] =	vst v63  }
0xc7: {  	_ =	swait.ge [sflag:s17], $0x3200  }
0xc8: {  	[sflag:s17] =	ssyncset.done $0x0  }
0xc9: {  	[sflag:s17] =	ssyncadd.s32 $0xFFFFCE00  }
0xca: {  	_ =	swait.ge [sflag:s18], $0x320  }
0xcb: {  	[sflag:s18] =	ssyncset.done $0x0  }
0xcc: {  	[sflag:s18] =	ssyncadd.s32 $0xFFFFFCE0  }
0xcd: {  	[spmem:s3] =	stream.indirect.scatter.add.f32 [tilespmem:s13], [sflag:$0x4], $0x10, s14, s11, $0xb8;
	[tilespmem:$0x1F780] =	vst v63  }
0xce: {  	_ =	swait.ge [sflag:s19], $0x3200  }
0xcf: {  	[sflag:s19] =	ssyncset.done $0x0  }
0xd0: {  	[sflag:s19] =	ssyncadd.s32 $0xFFFFCE00  }
0xd1: {  	_ =	swait.ge [sflag:s20], $0x3200  }
0xd2: {  	[sflag:s20] =	ssyncset.done $0x0  }
0xd3: {  	s23 =	rddreg [dreg:$0x9];
	[sflag:s20] =	ssyncadd.s32 $0xFFFFCE00  }
0xd4: {  	[tilespmem:s4], [sflag:$0x7] =	stream.linear.gather [hbm4b:s23+s4], $0x320, $0x38;
	[tilespmem:$0x1F780] =	vst v63  }
0xd5: {  	_ =	swait.ge [sflag:s10], $0x320  }
0xd6: {  	[sflag:s10] =	ssyncset.done $0x0  }
0xd7: {  	s26 =	rddreg [dreg:$0xa];
	[sflag:s10] =	ssyncadd.s32 $0xFFFFFCE0  }
0xd8: {  	[tilespmem:s11], [sflag:$0x5] =	stream.linear.gather [hbm4b:s26+s4], $0x320, $0x38;
	[tilespmem:$0x1F780] =	vst v63  }
0xd9: {  	_ =	swait.ge [sflag:s16], $0x320  }
0xda: {  	[sflag:s16] =	ssyncset.done $0x0  }
0xdb: {  	[sflag:s16] =	ssyncadd.s32 $0xFFFFFCE0  }
0xdc: {  	[tilespmem:s9], [sflag:$0x7] =	stream.indirect.gather [hbm4b:s1+s11], $0x10, s4, s11, $0xb8;
	[tilespmem:$0x1F780] =	vst v63  }
0xdd: {  	_ =	swait.ge [sflag:s10], $0x3200  }
0xde: {  	[sflag:s10] =	ssyncset.done $0x0  }
0xdf: {  	[sflag:s10] =	ssyncadd.s32 $0xFFFFCE00  }
0xe0: {  	[spmem:s3] =	stream.indirect.scatter.add.f32 [tilespmem:s9], [sflag:$0x7], $0x10, s11, s11, $0xb8;
	[tilespmem:$0x1F780] =	vst v63  }
0xe1: {  	_ =	swait.ge [sflag:s10], $0x3200  }
0xe2: {  	[sflag:s10] =	ssyncset.done $0x0  }
0xe3: {  	[sflag:s10] =	ssyncadd.s32 $0xFFFFCE00  }
0xe4: {  	[bflag:$0x0] =	sbarrier.arrive $0xFFFF  }
0xe5: {  	[tilespmem:s9], [sflag:$0x7] =	stream.linear.gather [spmem:s2], $0x3200, $0x38;
	[tilespmem:$0x1F780] =	vst v63  }
0xe6: {  	_ =	swait.ge [sflag:s10], $0x3200  }
0xe7: {  	[sflag:s10] =	ssyncset.done $0x0  }
0xe8: {  	s23 =	rddreg [dreg:$0xb];
	[sflag:s10] =	ssyncadd.s32 $0xFFFFCE00  }
0xe9: {  	[hbm4b:s23+s4] =	stream.linear.scatter [tilespmem:s9], [sflag:$0x7], $0x3200, $0x38;
	[tilespmem:$0x1F780] =	vst v63  }
0xea: {  	_ =	swait.ge [sflag:s10], $0x3200  }
0xeb: {  	[sflag:s10] =	ssyncset.done $0x0  }
0xec: {  	s23 =	smov.u32 s30;
	[sflag:s10] =	ssyncadd.s32 $0xFFFFCE00  }
0xed: {  	[tilespmem:s9], [sflag:$0x7] =	stream.linear.gather [spmem:s23], $0x3200, $0x38;
	[tilespmem:$0x1F780] =	vst v63  }
0xee: {  	_ =	swait.ge [sflag:s10], $0x3200  }
0xef: {  	[sflag:s10] =	ssyncset.done $0x0  }
0xf0: {  	s26 =	rddreg [dreg:$0xc];
	[sflag:s10] =	ssyncadd.s32 $0xFFFFCE00  }
0xf1: {  	[hbm4b:s26+s4] =	stream.linear.scatter [tilespmem:s9], [sflag:$0x7], $0x3200, $0x38;
	[tilespmem:$0x1F780] =	vst v63  }
0xf2: {  	_ =	swait.ge [sflag:s10], $0x3200  }
0xf3: {  	[sflag:s10] =	ssyncset.done $0x0  }
0xf4: {  	[sflag:s10] =	ssyncadd.s32 $0xFFFFCE00  }
0xf5: {  	[tilespmem:s9], [sflag:$0x7] =	stream.linear.gather [spmem:s31], $0x3200, $0x38;
	[tilespmem:$0x1F780] =	vst v63  }
0xf6: {  	_ =	swait.ge [sflag:s10], $0x3200  }
0xf7: {  	[sflag:s10] =	ssyncset.done $0x0  }
0xf8: {  	s26 =	smov.u32 s31;
	s31 =	rddreg [dreg:$0xd];
	[sflag:s10] =	ssyncadd.s32 $0xFFFFCE00  }
0xf9: {  	[hbm4b:s31+s4] =	stream.linear.scatter [tilespmem:s9], [sflag:$0x7], $0x3200, $0x38;
	[tilespmem:$0x1F780] =	vst v63  }
0xfa: {  	_ =	swait.ge [sflag:s10], $0x3200  }
0xfb: {  	[sflag:s10] =	ssyncset.done $0x0  }
0xfc: {  	[sflag:s10] =	ssyncadd.s32 $0xFFFFCE00  }
0xfd: {  	[tilespmem:s9], [sflag:$0x7] =	stream.linear.gather [spmem:s0], $0x3200, $0x38;
	[tilespmem:$0x1F780] =	vst v63  }
0xfe: {  	_ =	swait.ge [sflag:s10], $0x3200  }
0xff: {  	[sflag:s10] =	ssyncset.done $0x0  }
0x100: {  	s30 =	smov.u32 s2;
	s2 =	rddreg [dreg:$0xe];
	[sflag:s10] =	ssyncadd.s32 $0xFFFFCE00  }
0x101: {  	[hbm4b:s2+s4] =	stream.linear.scatter [tilespmem:s9], [sflag:$0x7], $0x3200, $0x38;
	[tilespmem:$0x1F780] =	vst v63  }
0x102: {  	_ =	swait.ge [sflag:s10], $0x3200  }
0x103: {  	[sflag:s10] =	ssyncset.done $0x0  }
0x104: {  	[sflag:s10] =	ssyncadd.s32 $0xFFFFCE00  }
0x105: {  	[tilespmem:s9], [sflag:$0x7] =	stream.linear.gather [spmem:s8], $0x3200, $0x38;
	[tilespmem:$0x1F780] =	vst v63  }
0x106: {  	_ =	swait.ge [sflag:s10], $0x3200  }
0x107: {  	[sflag:s10] =	ssyncset.done $0x0  }
0x108: {  	s29 =	smov.u32 s8;
	s8 =	rddreg [dreg:$0xf];
	[sflag:s10] =	ssyncadd.s32 $0xFFFFCE00  }
0x109: {  	[hbm4b:s8+s4] =	stream.linear.scatter [tilespmem:s9], [sflag:$0x7], $0x3200, $0x38;
	[tilespmem:$0x1F780] =	vst v63  }
0x10a: {  	_ =	swait.ge [sflag:s10], $0x3200  }
0x10b: {  	[sflag:s10] =	ssyncset.done $0x0  }
0x10c: {  	[sflag:s10] =	ssyncadd.s32 $0xFFFFCE00  }
0x10d: {  	[tilespmem:s9], [sflag:$0x7] =	stream.linear.gather [spmem:s7], $0x3200, $0x38;
	[tilespmem:$0x1F780] =	vst v63  }
0x10e: {  	_ =	swait.ge [sflag:s10], $0x3200  }
0x10f: {  	[sflag:s10] =	ssyncset.done $0x0  }
0x110: {  	s31 =	rddreg [dreg:$0x10];
	[sflag:s10] =	ssyncadd.s32 $0xFFFFCE00  }
0x111: {  	[hbm4b:s31+s4] =	stream.linear.scatter [tilespmem:s9], [sflag:$0x7], $0x3200, $0x38;
	[tilespmem:$0x1F780] =	vst v63  }
0x112: {  	_ =	swait.ge [sflag:s10], $0x3200  }
0x113: {  	[sflag:s10] =	ssyncset.done $0x0  }
0x114: {  	s8 =	rddreg [dreg:$0x15];
	[sflag:s10] =	ssyncadd.s32 $0xFFFFCE00  }
0x115: {  	[tilespmem:s9], [sflag:$0x7] =	stream.linear.gather [spmem:s8], $0x3200, $0x38;
	[tilespmem:$0x1F780] =	vst v63  }
0x116: {  	_ =	swait.ge [sflag:s10], $0x3200  }
0x117: {  	[sflag:s10] =	ssyncset.done $0x0  }
0x118: {  	s28 =	smov.u32 s0;
	s0 =	rddreg [dreg:$0x11];
	[sflag:s10] =	ssyncadd.s32 $0xFFFFCE00  }
0x119: {  	[hbm4b:s0+s4] =	stream.linear.scatter [tilespmem:s9], [sflag:$0x7], $0x3200, $0x38;
	[tilespmem:$0x1F780] =	vst v63  }
0x11a: {  	_ =	swait.ge [sflag:s10], $0x3200  }
0x11b: {  	[sflag:s10] =	ssyncset.done $0x0  }
0x11c: {  	s0 =	rddreg [dreg:$0x16];
	[sflag:s10] =	ssyncadd.s32 $0xFFFFCE00  }
0x11d: {  	[tilespmem:s9], [sflag:$0x7] =	stream.linear.gather [spmem:s0], $0x2900, $0x38;
	[tilespmem:$0x1F780] =	vst v63  }
0x11e: {  	_ =	swait.ge [sflag:s10], $0x2900  }
0x11f: {  	[sflag:s10] =	ssyncset.done $0x0  }
0x120: {  	s2 =	rddreg [dreg:$0x12];
	[sflag:s10] =	ssyncadd.s32 $0xFFFFD700  }
0x121: {  	[hbm4b:s2+s4] =	stream.linear.scatter [tilespmem:s9], [sflag:$0x7], $0x2900, $0x38;
	[tilespmem:$0x1F780] =	vst v63  }
0x122: {  	_ =	swait.ge [sflag:s10], $0x2900  }
0x123: {  	s21 =	sadd.s32 $0x1, s21;
	s31 =	rddreg [dreg:$0x13]  }
0x124: {  	p0 =	sne.s32 s21, s31  }
.Ltmp1:
0x125: {  	_ = 	snop;
	(pc) =	sbr.rel @p0 .LBB2_1-.Ltmp1, $3  }
0x126: {  	_ =	sdelay $0x1  }
0x127: {  	[sflag:s10] =	ssyncset.done $0x0  }
0x128: {  	[sflag:s10] =	ssyncadd.s32 $0xFFFFD700  }
0x129: {  	_ =	sfence.sel $0x180000  }
0x12a: {  	[bflag:$0x0] =	sbarrier.arrive $0xFFFF  }
0x12b: {  	_ =	strace $0x9000004D  }
0x12c: {  	s0 =	stileid.u32;
	[bflag:$0x2] =	sbarrier.arrive $0xFFFF  }
0x12d: {  	p0 =	sne.s32 s0, $0x0;
	s0 =	rddreg [dreg:$0x3]  }
0x12e: {  	s0 =	sadd.s32 @!p0 $0x100000, s0  }
0x12f: {  	[sflag:s0] =	ssyncadd.tile.s32 @!p0 $0x1;
	_ =	shalt  }
.Lfunc_end2:
_tile_overlayer_lowered:
.L_overlay_start_2:
0x130: {  	(tag) =	ssettag $0x2  }
0x131: {  	s0 =	rddreg [dreg:$0x0];
	s2 =	stileid.u32  }
0x132: {  	s1 =	rddreg [dreg:$0x1];
	p0 =	sne.s32 s2, $0x0  }
0x133: {  	s3 =	rddreg [dreg:$0x2];
	[bflag:$0x3] =	sbarrier.arrive $0xFFFF;
	s2 =	simm.s32 @!p0 $0x1C07  }
0x134: {  	[timem:s3], [sflag:s2] =	dma.local @!p0 [hbm:s0], s1  }
0x135: {  	s0 =	simm.s32 @!p0 $0x7  }
0x136: {  	_ =	swait.ge @!p0 [sflag:s0], s1  }
0x137: {  	s1 =	ssub.s32 @!p0 $0x0, s1;
	[sflag:s0] =	ssyncset.done @!p0 $0x0  }
0x138: {  	[sflag:s0] =	ssyncadd.s32 @!p0 s1  }
0x139: {  	[bflag:$0x3] =	sbarrier.arrive $0xFFFF  }
0x13a: {  	_ =	shalt  }

// kernel: kernel.8.cloned.1.call-start
scs
__scs_entry_jumppad:
0x0: {  	(pc) =	sbr.rel $0x88, $3  }
0x1: {  	(tag) =	ssettag $0x0;
	lr =	simm.s32 $0x1  }
0x2: {  	[smem:$0x3F9B] =	sst lr;
	_ =	strace $0xD0000000  }
0x3: {  	_ = 	snop  }
0x4: {  	_ = 	snop  }
0x5: {  	_ = 	snop  }
0x6: {  	_ = 	snop  }
0x7: {  	_ = 	snop  }
__scs_overlays_trampoline_lowered:
0x8: {  	[smem:$0x3FAA] =	sst s0  }
0x9: {  	[smem:$0x3FAB] =	sst s1  }
0xa: {  	[smem:$0x3FAC] =	sst s2  }
0xb: {  	[smem:$0x3FAD] =	sst s3  }
0xc: {  	[smem:$0x3FAE] =	sst s4  }
0xd: {  	[smem:$0x3FAF] =	sst s5  }
0xe: {  	[smem:$0x3FB0] =	sst s6  }
0xf: {  	[smem:$0x3FB1] =	sst s7  }
0x10: {  	[smem:$0x3FB2] =	sst s8  }
0x11: {  	[smem:$0x3FB3] =	sst s9;
	s0 =	simm.s32 @!p0 $0x0  }
0x12: {  	s1 =	sld [smem:$0x3F99];
	s0 =	simm.s32 @p0 $0x1  }
0x13: {  	[smem:$0x3FB4] =	sst s0;
	s0 =	simm.s32 @!p1 $0x0  }
0x14: {  	s2 =	sld [smem:$0x3F98];
	s0 =	simm.s32 @p1 $0x1  }
0x15: {  	[smem:$0x3FB5] =	sst s0;
	s0 =	simm.s32 @!p2 $0x0  }
0x16: {  	s3 =	sld [smem:$0x3FDB];
	s0 =	simm.s32 @p2 $0x1  }
0x17: {  	s4 =	simm.s32 $0x1BF5;
	[smem:$0x3FB7] =	sst s0  }
0x18: {  	s0 =	sld [smem:$0x3F9A];
	_ =	swait.ge [sflag:s4], $0x0  }
0x19: {  	s7 =	sld [smem:$0x3F9B]  }
0x1a: {  	s8 =	sadd.s32 $0xFFFFE003, lr  }
0x1b: {  	s9 =	sadd.s32 $0xFFFFFEF7, lr;
	s5 =	simm.s32 $0xFFFFFFFF;
	p2 =	slt.u32 s8, $0xFFFFF086  }
0x1c: {  	p1 =	slt.u32 s9, $0xF7A;
	s5 =	simm.s32 @!p2 $0x0  }
0x1d: {  	s5 =	simm.s32 @p1 $0x1;
	p0 =	seq.s32 s7, s2  }
0x1e: {  	s7 =	smul.u32 @!p0 $0xF7A, s2;
	p2 =	seq.s32 @!p0 s5, $0x0  }
0x1f: {  	s9 =	smul.u32 $0xF7A, s1;
	s8 =	simm.s32 @!p0 $0x1BF5;
	p2 =	por !p2, p0  }
0x20: {  	[sflag:s8] =	ssyncset.s32 @!p0 $0xFFFFF086;
	s6 =	sadd.s32 @!p0 s3, s7;
	s7 =	simm.s32 @!p0 $0x108  }
0x21: {  	s3 =	sadd.s32 s3, s9;
	s6 =	sadd.s32 @!p0 $0x88, s6;
	s7 =	simm.s32 @p2 $0x1082  }
0x22: {  	[simem:s7], [sflag:s8] =	dma.local @!p0 [hbm:s6], $0xF7A  }
0x23: {  	s9 =	sor.u32 $0xD0000000, s2;
	s6 =	simm.s32 $0x108;
	_ =	swait.ge @!p0 [sflag:s8], $0x0  }
0x24: {  	s3 =	sadd.s32 $0x88, s3;
	s6 =	simm.s32 @!p1 $0x1082;
	[sflag:s4] =	ssyncset.s32 $0xFFFFF086  }
0x25: {  	[simem:s6], [sflag:s4] =	dma.local [hbm:s3], $0xF7A  }
0x26: {  	[smem:$0x3F9B] =	sst s1;
	(tag) =	ssettag s2;
	_ =	strace s9  }
0x27: {  	s1 =	sld [smem:$0x3FAB]  }
0x28: {  	s2 =	sld [smem:$0x3FAC]  }
0x29: {  	s4 =	sld [smem:$0x3FAE]  }
0x2a: {  	p0 =	seq.s32 s5, $0x0;
	s5 =	sld [smem:$0x3FAF]  }
0x2b: {  	s6 =	sld [smem:$0x3FB0]  }
0x2c: {  	s7 =	sld [smem:$0x3FB1]  }
0x2d: {  	s3 =	simm.s32 $0x108;
	s8 =	sld [smem:$0x3FB2]  }
0x2e: {  	s3 =	simm.s32 @!p0 $0x1082;
	s9 =	sld [smem:$0x3FB3]  }
0x2f: {  	lr =	sadd.s32 s0, s3;
	s0 =	sld [smem:$0x3FAA]  }
0x30: {  	s3 =	sld [smem:$0x3FAD]  }
0x31: {  	[smem:$0x3FB6] =	sst s10  }
0x32: {  	s10 =	sld [smem:$0x3FB4];
	_ =	sdelay $0x3  }
0x33: {  	p0 =	seq.s32 s10, $0x1;
	s10 =	sld [smem:$0x3FB6];
	_ =	sdelay $0x3  }
0x34: {  	[smem:$0x3FB6] =	sst s10  }
0x35: {  	s10 =	sld [smem:$0x3FB5];
	_ =	sdelay $0x3  }
0x36: {  	p1 =	seq.s32 s10, $0x1;
	s10 =	sld [smem:$0x3FB6];
	_ =	sdelay $0x3  }
0x37: {  	[smem:$0x3FB6] =	sst s10  }
0x38: {  	s10 =	sld [smem:$0x3FB7]  }
0x39: {  	_ = 	snop;
	(pc) =	sbr.ind lr, $3  }
0x3a: {  	_ = 	snop  }
0x3b: {  	_ = 	snop  }
0x3c: {  	p2 =	seq.s32 s10, $0x1;
	s10 =	sld [smem:$0x3FB6]  }
0x3d: {  	_ =	shalt  }
0x3e: {  	_ =	shalt  }
0x3f: {  	_ =	shalt  }
0x40: {  	_ =	shalt  }
0x41: {  	_ =	shalt  }
0x42: {  	_ =	shalt  }
0x43: {  	_ =	shalt  }
0x44: {  	_ =	shalt  }
0x45: {  	_ =	shalt  }
0x46: {  	_ =	shalt  }
0x47: {  	_ =	shalt  }
0x48: {  	_ =	shalt  }
0x49: {  	_ =	shalt  }
0x4a: {  	_ =	shalt  }
0x4b: {  	_ =	shalt  }
0x4c: {  	_ =	shalt  }
0x4d: {  	_ =	shalt  }
0x4e: {  	_ =	shalt  }
0x4f: {  	_ =	shalt  }
0x50: {  	_ =	shalt  }
0x51: {  	_ =	shalt  }
0x52: {  	_ =	shalt  }
0x53: {  	_ =	shalt  }
0x54: {  	_ =	shalt  }
0x55: {  	_ =	shalt  }
0x56: {  	_ =	shalt  }
0x57: {  	_ =	shalt  }
0x58: {  	_ =	shalt  }
0x59: {  	_ =	shalt  }
0x5a: {  	_ =	shalt  }
0x5b: {  	_ =	shalt  }
0x5c: {  	_ =	shalt  }
0x5d: {  	_ =	shalt  }
0x5e: {  	_ =	shalt  }
0x5f: {  	_ =	shalt  }
0x60: {  	_ =	shalt  }
0x61: {  	_ =	shalt  }
0x62: {  	_ =	shalt  }
0x63: {  	_ =	shalt  }
0x64: {  	_ =	shalt  }
0x65: {  	_ =	shalt  }
0x66: {  	_ =	shalt  }
0x67: {  	_ =	shalt  }
0x68: {  	_ =	shalt  }
0x69: {  	_ =	shalt  }
0x6a: {  	_ =	shalt  }
0x6b: {  	_ =	shalt  }
0x6c: {  	_ =	shalt  }
0x6d: {  	_ =	shalt  }
0x6e: {  	_ =	shalt  }
0x6f: {  	_ =	shalt  }
0x70: {  	_ =	shalt  }
0x71: {  	_ =	shalt  }
0x72: {  	_ =	shalt  }
0x73: {  	_ =	shalt  }
0x74: {  	_ =	shalt  }
0x75: {  	_ =	shalt  }
0x76: {  	_ =	shalt  }
0x77: {  	_ =	shalt  }
0x78: {  	_ =	shalt  }
0x79: {  	_ =	shalt  }
0x7a: {  	_ =	shalt  }
0x7b: {  	_ =	shalt  }
0x7c: {  	_ =	shalt  }
0x7d: {  	_ =	shalt  }
0x7e: {  	_ =	shalt  }
0x7f: {  	_ =	shalt  }
0x80: {  	_ =	shalt  }
0x81: {  	_ =	shalt  }
0x82: {  	_ =	shalt  }
0x83: {  	_ =	shalt  }
0x84: {  	_ =	shalt  }
0x85: {  	_ =	shalt  }
0x86: {  	_ =	shalt  }
0x87: {  	_ =	shalt  }
.Lfunc_end0:
.L_simem_size_0:
called_computation_lowered:
.L_overlay_start_0:
0x88: {  	s2 =	sld [smem:$0x3FD9]  }
0x89: {  	s3 =	sld [smem:$0x3FFE];
	_ =	sdelay $0x1  }
0x8a: {  	s1 =	srdreg.scid  }
0x8b: {  	s0 =	sand.u32 $0x1, s1  }
0x8c: {  	s17 =	sshll.u32 s0, $0xA;
	s2 =	sadd.s32 s3, s2  }
0x8d: {  	s2 =	sadd.s32 s2, s17  }
0x8e: {  	[smem:$0x3FC2] =	sst s2  }
0x8f: {  	_ = 	snop  }
0x90: {  	s2 =	sld [smem:$0x3FD0];
	(tm) =	ssettm $0x1  }
0x91: {  	s18 =	sld [smem:$0x3FFB];
	_ =	sdelay $0x3  }
0x92: {  	_ =	strace s18  }
0x93: {  	s3 =	sld [smem:$0x3FFC];
	_ =	sdelay $0x3  }
0x94: {  	_ =	strace s3  }
0x95: {  	s3 =	sld [smem:$0x3FFD];
	_ =	sdelay $0x3  }
0x96: {  	_ =	strace s3  }
0x97: {  	_ =	strace $0x8FFFFFFF  }
0x98: {  	s19 =	sld [smem:$0x3FDB];
	_ =	sdelay $0x1  }
0x99: {  	s4 =	simm.s32 $_scs_section_size  }
0x9a: {  	s5 =	simm.s32 $_size__tile_overlayer_lowered;
	s6 =	simm.s32 $_tile_overlayer_lowered  }
0x9b: {  	s22 =	simm.s32 $0x1BFF;
	s21 =	sshll.u32 s6, $0x1;
	s3 =	sadd.s32 s4, s19  }
0x9c: {  	s7 =	simm.s32 $0x0;
	s20 =	sshll.u32 s5, $0x1;
	s5 =	sadd.s32 s21, s3  }
0x9d: {  	[timem:s7], [sflag:s22] =	dma.local [hbm:s5], s20  }
0x9e: {  	_ =	swait.ge [sflag:s22], s20  }
0x9f: {  	s4 =	ssub.s32 $0x0, s20;
	[sflag:s22] =	ssyncset.done $0x0  }
0xa0: {  	[sflag:s22] =	ssyncadd.s32 s4;
	_ =	sdelay $0x1  }
0xa1: {  	s23 =	simm.s32 $0x1B8B  }
0xa2: {  	_ =	swait.ge [sflag:s23], $0x1  }
0xa3: {  	[sflag:s23] =	ssyncset.done $0x0  }
0xa4: {  	s25 =	simm.s32 $0x1B8E;
	s24 =	sld [smem:$0x3FFE];
	[sflag:s23] =	ssyncadd.s32 $0xFFFFFFFF  }
0xa5: {  	s26 =	simm.s32 $execute0_lowered;
	[smem:$0x3FD2] =	sst s25  }
0xa6: {  	s5 =	sshll.u32 s26, $0x1;
	_ =	strace $0x80000046;
	[dreg:$0x1] =	wrdreg $0xFFFFFFFF  }
0xa7: {  	s28 =	simm.s32 $_size_execute0_lowered;
	s3 =	sadd.s32 s3, s5;
	[dreg:$0x0] =	wrdreg $0x0  }
0xa8: {  	s5 =	sshll.u32 s28, $0x1;
	[dreg:$0x2] =	wrdreg s3  }
0xa9: {  	[dreg:$0x3] =	wrdreg s5  }
0xaa: {  	[dreg:$0x4] =	wrdreg $0xC0  }
0xab: {  	_ =	task [dreg:s7], $0x5FFFF  }
0xac: {  	[dreg:$0x1] =	wrdreg $0xFFFFFFFF  }
0xad: {  	[dreg:$0x0] =	wrdreg $0x60  }
0xae: {  	[dreg:$0x2] =	wrdreg s24  }
0xaf: {  	[dreg:$0x3] =	wrdreg s2  }
0xb0: {  	[dreg:$0x4] =	wrdreg $0x47600  }
0xb1: {  	[dreg:$0x5] =	wrdreg $0x9  }
0xb2: {  	_ =	task.clear_ibuf [dreg:s7], $0x6FFFF;
	_ =	strace $0x90000046  }
0xb3: {  	s29 =	simm.s32 $0x9;
	_ =	strace $0x80000048  }
0xb4: {  	_ =	swait.ge [sflag:s29], $0x1  }
0xb5: {  	[sflag:s29] =	ssyncadd.s32 $0xFFFFFFFF  }
0xb6: {  	_ =	strace $0x90000048  }
0xb7: {  	_ =	sfence  }
0xb8: {  	s30 =	sld [smem:$0x0];
	_ =	sdelay $0x2  }
0xb9: {  	s31 =	sshll.u32 s1, $0xD;
	s1 =	sshrl.u32 s1, $0x2  }
0xba: {  	s3 =	sand.u32 $0x4000, s31;
	s1 =	sadd.s32 s1, s30  }
0xbb: {  	s0 =	sor.u32 s3, s0;
	s1 =	sshll.u32 s1, $0x11  }
0xbc: {  	s0 =	sor.u32 s1, s0  }
0xbd: {  	s0 =	sadd.s32 $0x8F2B, s0  }
0xbe: {  	[sflag:s0] =	ssyncadd.remote.s32 $0x1  }
0xbf: {  	_ =	sfence.sel $0xFFFF  }
0xc0: {  	[dreg:$0x0] =	wrdreg $0xFFFFFFFF;
	(pc) =	sbr.abs _section_cstart, $3  }
0xc1: {  	[dreg:$0x1] =	wrdreg $0xFFFFFFFF  }
0xc2: {  	_ =	task.clear_ibuf [dreg:s7], $0x2FFFF;
	_ =	strace $0x9FFFFFFF  }
0xc3: {  	(tm) =	ssettm $0x7FFFFFFF  }
tec
execute0_lowered:
.L_overlay_start_1:
0x0: {  	(tag) =	ssettag $0x1  }
0x1: {  	s6 =	rddreg [dreg:$0x0]  }
0x2: {  	s11 =	rddreg [dreg:$0x1]  }
0x3: {  	s1 =	rddreg [dreg:$0x2]  }
0x4: {  	s2 =	srdreg.scid;
	s0 =	rddreg [dreg:$0x3]  }
0x5: {  	s3 =	simm.s32 $0x0;
	s16 =	simm.s32 $0x3;
	s17 =	simm.s32 $0xFA0  }
0x6: {  	s18 =	simm.s32 $0x1F40;
	s19 =	simm.s32 $0x1;
	s7 =	sand.u32 $0x1, s2  }
0x7: {  	s20 =	simm.s32 $0x2;
	s2 =	stileid.u32;
	s8 =	smul.u32 $0x186A00, s7  }
0x8: {  	s21 =	simm.s32 $0x0;
	[smem:$0x7FF] =	sst s3;
	s9 =	smul.u32 $0x186A0, s2  }
0x9: {  	s4 =	sadd.s32 $0x63400, s6;
	s5 =	sadd.s32 $0xC5000, s6;
	s12 =	smul.u32 $0x1880, s2  }
0xa: {  	s6 =	sadd.s32 $0xC5200, s6;
	s10 =	ssub.s32 $0x2, s7;
	s13 =	smul.u32 $0x18800, s7  }
0xb: {  	_ =	strace $0x80000047;
	s30 =	sshrl.u32 s10, $0x1;
	s14 =	sadd.s32 s9, s8  }
0xc: {  	s15 =	ssub.s32 s10, s30;
	s8 =	sadd.s32 s12, s1;
	s12 =	sadd.s32 s12, s13  }
0xd: {  	s9 =	sshrl.u32 s14, $0x3;
	s12 =	sshrl.u32 s12, $0x3;
	s31 =	sadd.s32 $0x2EE0, s14  }
0xe: {  	s14 =	sadd.s32 $0x1F40, s14;
	s7 =	sadd.s32 s4, s9;
	s11 =	sadd.s32 s11, s12  }
0xf: {  	s12 =	smax.u32 s15, $0x1;
	s13 =	sshrl.u32 s31, $0x3;
	s15 =	simm.s32 $0x2EE0  }
0x10: {  	s9 =	sadd.s32 $0x1F4, s7;
	s10 =	sadd.s32 $0x2EE0, s7;
	s13 =	sadd.s32 s13, s4  }
.LBB2_1:
0x11: {  	[tilespmem:s15], [sflag:$0x3] =	stream.linear.gather [hbm4b:s6+s3], $0x1880, $0x38;
	[tilespmem:$0x5FE0] =	vst v63  }
0x12: {  	_ =	swait.ge [sflag:s16], $0x1880  }
0x13: {  	[sflag:s16] =	ssyncset.done $0x0  }
0x14: {  	[sflag:s16] =	ssyncadd.s32 $0xFFFFE780  }
0x15: {  	[spmem:s8] =	stream.linear.scatter [tilespmem:s15], [sflag:$0x3], $0x1880, $0x38;
	[tilespmem:$0x5FE0] =	vst v63  }
0x16: {  	_ =	swait.ge [sflag:s16], $0x1880  }
0x17: {  	[sflag:s16] =	ssyncset.done $0x0  }
0x18: {  	[sflag:s16] =	ssyncadd.s32 $0xFFFFE780  }
0x19: {  	[tilespmem:s3], [sflag:$0x3] =	stream.linear.gather [hbm4b:s5+s3], $0xFA0, $0x38;
	[tilespmem:$0x5FE0] =	vst v63  }
0x1a: {  	_ =	swait.ge [sflag:s16], $0xFA0  }
0x1b: {  	[sflag:s16] =	ssyncset.done $0x0  }
0x1c: {  	[sflag:s16] =	ssyncadd.s32 $0xFFFFF060  }
0x1d: {  	[bflag:$0x0] =	sbarrier.arrive $0xFFFF  }
0x1e: {  	[tilespmem:s17], [sflag:$0x3] =	stream.linear.gather [hbm4b:s7+s3], $0xFA0, $0x38;
	[tilespmem:$0x5FE0] =	vst v63  }
0x1f: {  	_ =	swait.ge [sflag:s16], $0xFA0  }
0x20: {  	[sflag:s16] =	ssyncset.done $0x0  }
0x21: {  	[sflag:s16] =	ssyncadd.s32 $0xFFFFF060  }
0x22: {  	[spmem:s1] =	stream.indirect.scatter.add.f32 [tilespmem:s3], [sflag:$0x1], $0x1, s17, s17, $0xb8;
	[tilespmem:$0x5FE0] =	vst v63  }
0x23: {  	_ = 	snop  }
0x24: {  	[tilespmem:s18], [sflag:$0x3] =	stream.linear.gather [hbm4b:s9+s3], $0xFA0, $0x38;
	[tilespmem:$0x5FE0] =	vst v63  }
0x25: {  	_ =	swait.ge [sflag:s16], $0xFA0  }
0x26: {  	[sflag:s16] =	ssyncset.done $0x0  }
0x27: {  	[sflag:s16] =	ssyncadd.s32 $0xFFFFF060  }
0x28: {  	[spmem:s1] =	stream.indirect.scatter.add.f32 [tilespmem:s3], [sflag:$0x2], $0x1, s18, s17, $0xb8;
	[tilespmem:$0x5FE0] =	vst v63  }
0x29: {  	_ =	swait.ge [sflag:s19], $0xFA0  }
0x2a: {  	s22 =	sshrl.u32 s14, $0x3;
	[sflag:s19] =	ssyncset.done $0x0  }
0x2b: {  	s22 =	sadd.s32 s4, s22;
	[sflag:s19] =	ssyncadd.s32 $0xFFFFF060  }
0x2c: {  	[tilespmem:s17], [sflag:$0x3] =	stream.linear.gather [hbm4b:s22+s3], $0xFA0, $0x38;
	[tilespmem:$0x5FE0] =	vst v63  }
0x2d: {  	_ =	swait.ge [sflag:s16], $0xFA0  }
0x2e: {  	[sflag:s16] =	ssyncset.done $0x0  }
0x2f: {  	[sflag:s16] =	ssyncadd.s32 $0xFFFFF060  }
0x30: {  	[spmem:s1] =	stream.indirect.scatter.add.f32 [tilespmem:s3], [sflag:$0x1], $0x1, s17, s17, $0xb8;
	[tilespmem:$0x5FE0] =	vst v63  }
0x31: {  	_ =	swait.ge [sflag:s20], $0xFA0  }
0x32: {  	[sflag:s20] =	ssyncset.done $0x0  }
0x33: {  	s31 =	sadd.s32 $0x0, s13;
	[sflag:s20] =	ssyncadd.s32 $0xFFFFF060  }
0x34: {  	[tilespmem:s18], [sflag:$0x3] =	stream.linear.gather [hbm4b:s31+s3], $0xFA0, $0x38;
	[tilespmem:$0x5FE0] =	vst v63  }
0x35: {  	_ =	swait.ge [sflag:s16], $0xFA0  }
0x36: {  	[sflag:s16] =	ssyncset.done $0x0  }
0x37: {  	s23 =	sadd.s32 $0x1F40, s14;
	s22 =	simm.s32 $0x3E8;
	[sflag:s16] =	ssyncadd.s32 $0xFFFFF060  }
.LBB2_2:
0x38: {  	[spmem:s1] =	stream.indirect.scatter.add.f32 [tilespmem:s3], [sflag:$0x2], $0x1, s18, s17, $0xb8;
	[tilespmem:$0x5FE0] =	vst v63  }
0x39: {  	s24 =	smov.u32 s22  }
0x3a: {  	p0 =	sne.s32 s22, $0x2710;
	s22 =	sadd.s32 $0x3E8, s22;
	_ =	swait.ge [sflag:s19], $0xFA0  }
0x3b: {  	s25 =	sshrl.u32 s23, $0x3;
	[sflag:s19] =	ssyncset.done $0x0  }
0x3c: {  	s25 =	sadd.s32 s4, s25;
	[sflag:s19] =	ssyncadd.s32 $0xFFFFF060  }
0x3d: {  	[tilespmem:s17], [sflag:$0x3] =	stream.linear.gather [hbm4b:s25+s3], $0xFA0, $0x38;
	[tilespmem:$0x5FE0] =	vst v63  }
0x3e: {  	_ =	swait.ge [sflag:s16], $0xFA0  }
0x3f: {  	[sflag:s16] =	ssyncset.done $0x0  }
0x40: {  	[sflag:s16] =	ssyncadd.s32 $0xFFFFF060  }
0x41: {  	[spmem:s1] =	stream.indirect.scatter.add.f32 [tilespmem:s3], [sflag:$0x1], $0x1, s17, s17, $0xb8;
	[tilespmem:$0x5FE0] =	vst v63  }
0x42: {  	_ =	swait.ge [sflag:s20], $0xFA0  }
0x43: {  	[sflag:s20] =	ssyncset.done $0x0  }
.Ltmp0:
0x44: {  	s24 =	sadd.s32 s24, s13;
	[sflag:s20] =	ssyncadd.s32 $0xFFFFF060;
	(pc) =	sbr.rel @p0 .LBB2_2-.Ltmp0, $4  }
0x45: {  	[tilespmem:s18], [sflag:$0x3] =	stream.linear.gather [hbm4b:s24+s3], $0xFA0, $0x38;
	[tilespmem:$0x5FE0] =	vst v63  }
0x46: {  	_ =	swait.ge [sflag:s16], $0xFA0  }
0x47: {  	[sflag:s16] =	ssyncset.done $0x0  }
0x48: {  	s23 =	sadd.s32 $0x1F40, s23;
	[sflag:s16] =	ssyncadd.s32 $0xFFFFF060  }
0x49: {  	[spmem:s1] =	stream.indirect.scatter.add.f32 [tilespmem:s3], [sflag:$0x2], $0x1, s18, s17, $0xb8;
	[tilespmem:$0x5FE0] =	vst v63  }
0x4a: {  	_ =	swait.ge [sflag:s19], $0xFA0  }
0x4b: {  	[sflag:s19] =	ssyncset.done $0x0  }
0x4c: {  	[sflag:s19] =	ssyncadd.s32 $0xFFFFF060  }
0x4d: {  	_ =	swait.ge [sflag:s20], $0xFA0  }
0x4e: {  	[sflag:s20] =	ssyncset.done $0x0  }
0x4f: {  	[sflag:s20] =	ssyncadd.s32 $0xFFFFF060  }
0x50: {  	[tilespmem:s17], [sflag:$0x3] =	stream.linear.gather [hbm4b:s10+s3], $0xFA0, $0x38;
	[tilespmem:$0x5FE0] =	vst v63  }
0x51: {  	_ =	swait.ge [sflag:s16], $0xFA0  }
0x52: {  	[sflag:s16] =	ssyncset.done $0x0  }
0x53: {  	[sflag:s16] =	ssyncadd.s32 $0xFFFFF060  }
0x54: {  	[spmem:s1] =	stream.indirect.scatter.add.f32 [tilespmem:s3], [sflag:$0x3], $0x1, s17, s17, $0xb8;
	[tilespmem:$0x5FE0] =	vst v63  }
0x55: {  	_ =	swait.ge [sflag:s16], $0xFA0  }
0x56: {  	[sflag:s16] =	ssyncset.done $0x0  }
0x57: {  	[sflag:s16] =	ssyncadd.s32 $0xFFFFF060  }
0x58: {  	[bflag:$0x0] =	sbarrier.arrive $0xFFFF  }
0x59: {  	[tilespmem:s15], [sflag:$0x3] =	stream.linear.gather [spmem:s8], $0x1880, $0x38;
	[tilespmem:$0x5FE0] =	vst v63  }
0x5a: {  	s21 =	sadd.s32 $0x1, s21;
	_ =	swait.ge [sflag:s16], $0x1880  }
0x5b: {  	p0 =	sne.s32 s21, s12;
	[sflag:s16] =	ssyncset.done $0x0  }
.Ltmp1:
0x5c: {  	[sflag:s16] =	ssyncadd.s32 $0xFFFFE780;
	(pc) =	sbr.rel @p0 .LBB2_1-.Ltmp1, $4  }
0x5d: {  	[hbm4b:s11+s3] =	stream.linear.scatter [tilespmem:s15], [sflag:$0x3], $0x1880, $0x38;
	[tilespmem:$0x5FE0] =	vst v63  }
0x5e: {  	_ =	swait.ge [sflag:s16], $0x1880  }
0x5f: {  	[sflag:s16] =	ssyncset.done $0x0  }
0x60: {  	[sflag:s16] =	ssyncadd.s32 $0xFFFFE780  }
0x61: {  	_ =	sfence.sel $0x180000  }
0x62: {  	[bflag:$0x0] =	sbarrier.arrive $0xFFFF  }
0x63: {  	p0 =	sne.s32 s2, $0x0;
	_ =	strace $0x90000047  }
0x64: {  	s0 =	sadd.s32 @!p0 $0x100000, s0;
	[bflag:$0x2] =	sbarrier.arrive $0xFFFF  }
0x65: {  	[sflag:s0] =	ssyncadd.tile.s32 @!p0 $0x1;
	_ =	shalt  }
.Lfunc_end2:
_tile_overlayer_lowered:
.L_overlay_start_2:
0x66: {  	(tag) =	ssettag $0x2  }
0x67: {  	s0 =	rddreg [dreg:$0x0];
	s2 =	stileid.u32  }
0x68: {  	s1 =	rddreg [dreg:$0x1];
	p0 =	sne.s32 s2, $0x0  }
0x69: {  	s3 =	rddreg [dreg:$0x2];
	[bflag:$0x3] =	sbarrier.arrive $0xFFFF;
	s2 =	simm.s32 @!p0 $0x1C03  }
0x6a: {  	[timem:s3], [sflag:s2] =	dma.local @!p0 [hbm:s0], s1  }
0x6b: {  	s0 =	simm.s32 @!p0 $0x3  }
0x6c: {  	_ =	swait.ge @!p0 [sflag:s0], s1  }
0x6d: {  	s1 =	ssub.s32 @!p0 $0x0, s1;
	[sflag:s0] =	ssyncset.done @!p0 $0x0  }
0x6e: {  	[sflag:s0] =	ssyncadd.s32 @!p0 s1  }
0x6f: {  	[bflag:$0x3] =	sbarrier.arrive $0xFFFF  }
0x70: {  	_ =	shalt  }

</sc_bundles>
